<compile_context>
chip_gen: v7x
topology: tpu7x:2x2x1
jax: 0.10.2.dev20260603
libtpu: 0.0.44.dev20260713+nightly
codegen_flags: <defaults>
</compile_context>

<pallas_src>
import functools

import jax
import jax.numpy as jnp
from jax import lax
from jax.experimental import pallas as pl
from jax.experimental.pallas import tpu as pltpu
from jax.experimental.pallas import tpu_sc as plsc

N = 10000
E = 160000
D_IN = 256
D_HID = 512
G = 64
P_KEEP = 0.7

NC = 2
NS = 16
BLK = 128
E_PAD = 163840
EPT = E_PAD // NS
BPT = EPT // BLK
NACC = 10112
ZR = NACC // NS
DR = NACC // NS

R = 1000
NB = N // R

NBUF = 2
HB = 40


def _sc_mesh():
    return plsc.VectorSubcoreMesh(
        core_axis_name="c", subcore_axis_name="s", num_cores=NC, num_subcores=NS
    )


def _make_pass(z_h, acc, idx2_v, didx2_v, bufs_v, sem_g, r0, d0):

    def do_pass(tab_h, out_h, src2_h, dst2_h, blk_base, nblk):
        pltpu.sync_copy(z_h.at[pl.ds(r0, ZR)], acc.at[pl.ds(r0, ZR)])

        def start_g(b, j):
            pltpu.async_copy(tab_h.at[idx2_v.at[b]], bufs_v.at[j], sem_g)

        def wait_g(b, j):
            pltpu.make_async_copy(tab_h.at[idx2_v.at[b]], bufs_v.at[j],
                                  sem_g).wait()

        for ph in range(nblk // HB):
            base = blk_base + ph * HB
            pltpu.sync_copy(src2_h.at[pl.ds(base, HB)], idx2_v)
            pltpu.sync_copy(dst2_h.at[pl.ds(base, HB)], didx2_v)
            if ph == 0:
                plsc.subcore_barrier()
            for k in range(NBUF):
                start_g(k, k)

            def outer(g, carry):
                for j in range(NBUF):
                    b = g * NBUF + j
                    wait_g(b, j)
                    pltpu.sync_copy(bufs_v.at[j], acc.at[didx2_v.at[b]], add=True)

                    @pl.when(b + NBUF < HB)
                    def _():
                        start_g(b + NBUF, j)

                return carry

            lax.fori_loop(0, HB // NBUF, outer, 0)
        plsc.subcore_barrier()
        pltpu.sync_copy(acc.at[pl.ds(d0, DR)], out_h.at[pl.ds(d0, DR)])
        plsc.subcore_barrier()

    return do_pass


_SC_SCRATCH = [
    pltpu.VMEM((HB, BLK), jnp.int32),
    pltpu.VMEM((HB, BLK), jnp.int32),
    pltpu.VMEM((NBUF, BLK, 128), jnp.float32),
    pltpu.VMEM_SHARED((NACC, 128), jnp.float32),
    pltpu.SemaphoreType.DMA,
]


def _sc_aggregate_l1(xp0, xp1, mt128, src2, dst2, z128):

    @functools.partial(
        pl.kernel,
        out_type=[jax.ShapeDtypeStruct((NACC, 128), jnp.float32)] * 4,
        mesh=_sc_mesh(),
        scratch_types=_SC_SCRATCH,
    )
    def k(xp0_h, xp1_h, mt_h, src2_h, dst2_h, z128_h,
          sx0_h, sx1_h, dega_h, degb_h,
          idx2_v, didx2_v, bufs_v, acc, sem_g):
        c = lax.axis_index("c")
        s = lax.axis_index("s")
        do_pass = _make_pass(z128_h, acc, idx2_v, didx2_v, bufs_v, sem_g,
                             s * ZR, s * DR)
        halfb = (E_PAD // 2) // BLK

        @pl.when(c == 0)
        def _():
            do_pass(xp0_h, sx0_h, src2_h, dst2_h, s * BPT, BPT)
            do_pass(mt_h, dega_h, src2_h, dst2_h, s * (BPT // 2), BPT // 2)

        @pl.when(c == 1)
        def _():
            do_pass(xp1_h, sx1_h, src2_h, dst2_h, s * BPT, BPT)
            do_pass(mt_h, degb_h, src2_h, dst2_h, halfb + s * (BPT // 2), BPT // 2)

    return k(xp0, xp1, mt128, src2, dst2, z128)


def _sc_aggregate_l2(hp0, hp1, hp2, hp3, src2, dst2, z128):

    @functools.partial(
        pl.kernel,
        out_type=[jax.ShapeDtypeStruct((NACC, 128), jnp.float32)] * 4,
        mesh=_sc_mesh(),
        scratch_types=_SC_SCRATCH,
    )
    def k(hp0_h, hp1_h, hp2_h, hp3_h, src2_h, dst2_h, z128_h,
          sh0_h, sh1_h, sh2_h, sh3_h,
          idx2_v, didx2_v, bufs_v, acc, sem_g):
        c = lax.axis_index("c")
        s = lax.axis_index("s")
        do_pass = _make_pass(z128_h, acc, idx2_v, didx2_v, bufs_v, sem_g,
                             s * ZR, s * DR)

        @pl.when(c == 0)
        def _():
            do_pass(hp0_h, sh0_h, src2_h, dst2_h, s * BPT, BPT)
            do_pass(hp1_h, sh1_h, src2_h, dst2_h, s * BPT, BPT)

        @pl.when(c == 1)
        def _():
            do_pass(hp2_h, sh2_h, src2_h, dst2_h, s * BPT, BPT)
            do_pass(hp3_h, sh3_h, src2_h, dst2_h, s * BPT, BPT)

    return k(hp0, hp1, hp2, hp3, src2, dst2, z128)


def _prep(x, m2):

    def body(x_ref, m_ref, xp0_ref, xp1_ref, mt_ref):
        mcol = m_ref[...]
        xp = x_ref[...] * mcol
        xp0_ref[...] = xp[:, :128]
        xp1_ref[...] = xp[:, 128:]
        mt_ref[...] = jnp.broadcast_to(mcol, (R, 128))

    return pl.pallas_call(
        body,
        grid=(NB,),
        in_specs=[
            pl.BlockSpec((R, D_IN), lambda i: (i, 0)),
            pl.BlockSpec((R, 1), lambda i: (i, 0)),
        ],
        out_specs=[
            pl.BlockSpec((R, 128), lambda i: (i, 0)),
            pl.BlockSpec((R, 128), lambda i: (i, 0)),
            pl.BlockSpec((R, 128), lambda i: (i, 0)),
        ],
        out_shape=[
            jax.ShapeDtypeStruct((N, 128), jnp.float32),
            jax.ShapeDtypeStruct((N, 128), jnp.float32),
            jax.ShapeDtypeStruct((N, 128), jnp.float32),
        ],
    )(x, m2)


def _dense_l1(sx0, sx1, dcol, m2, W1a, W1b, b1r):

    def body(sx0_ref, sx1_ref, d_ref, m_ref, wa_ref, wb_ref, b_ref,
             h_ref, hp0_ref, hp1_ref, hp2_ref, hp3_ref):
        mcol = m_ref[...]
        den = jnp.maximum(mcol * d_ref[...], 1.0)
        sc = mcol / den
        a0 = sx0_ref[...] * sc
        a1 = sx1_ref[...] * sc
        hh = (
            jnp.dot(a0, wa_ref[...], precision=lax.Precision.HIGHEST,
                    preferred_element_type=jnp.float32)
            + jnp.dot(a1, wb_ref[...], precision=lax.Precision.HIGHEST,
                      preferred_element_type=jnp.float32)
            + b_ref[...]
        )
        hh = jnp.maximum(hh, 0.0)
        h_ref[...] = hh
        hp = hh * mcol
        hp0_ref[...] = hp[:, 0:128]
        hp1_ref[...] = hp[:, 128:256]
        hp2_ref[...] = hp[:, 256:384]
        hp3_ref[...] = hp[:, 384:512]

    return pl.pallas_call(
        body,
        grid=(NB,),
        in_specs=[
            pl.BlockSpec((R, 128), lambda i: (i, 0)),
            pl.BlockSpec((R, 128), lambda i: (i, 0)),
            pl.BlockSpec((R, 1), lambda i: (i, 0)),
            pl.BlockSpec((R, 1), lambda i: (i, 0)),
            pl.BlockSpec((128, D_HID), lambda i: (0, 0)),
            pl.BlockSpec((128, D_HID), lambda i: (0, 0)),
            pl.BlockSpec((1, D_HID), lambda i: (0, 0)),
        ],
        out_specs=[
            pl.BlockSpec((R, D_HID), lambda i: (i, 0)),
            pl.BlockSpec((R, 128), lambda i: (i, 0)),
            pl.BlockSpec((R, 128), lambda i: (i, 0)),
            pl.BlockSpec((R, 128), lambda i: (i, 0)),
            pl.BlockSpec((R, 128), lambda i: (i, 0)),
        ],
        out_shape=[
            jax.ShapeDtypeStruct((N, D_HID), jnp.float32),
            jax.ShapeDtypeStruct((N, 128), jnp.float32),
            jax.ShapeDtypeStruct((N, 128), jnp.float32),
            jax.ShapeDtypeStruct((N, 128), jnp.float32),
            jax.ShapeDtypeStruct((N, 128), jnp.float32),
        ],
    )(sx0, sx1, dcol, m2, W1a, W1b, b1r)


def _dense_l2_pool(sh, dcol, m2, pt, W2c, b2r):

    def body(sh0_ref, sh1_ref, sh2_ref, sh3_ref, d_ref, m_ref,
             pt_ref, w0_ref, w1_ref, w2_ref, w3_ref, b_ref, pooled_ref, cnt_ref):
        i = pl.program_id(0)

        @pl.when(i == 0)
        def _():
            pooled_ref[...] = jnp.zeros_like(pooled_ref)
            cnt_ref[...] = jnp.zeros_like(cnt_ref)

        mcol = m_ref[...]
        den = jnp.maximum(mcol * d_ref[...], 1.0)
        sc = mcol / den
        v = b_ref[...] + sum(
            jnp.dot(sref[...] * sc, wref[...],
                    precision=lax.Precision.HIGHEST,
                    preferred_element_type=jnp.float32)
            for sref, wref in ((sh0_ref, w0_ref), (sh1_ref, w1_ref),
                               (sh2_ref, w2_ref), (sh3_ref, w3_ref))
        )
        v = jnp.maximum(v, 0.0)
        ptv = pt_ref[...]
        pooled_ref[...] += lax.dot_general(
            ptv, v, (((0,), (0,)), ((), ())),
            precision=lax.Precision.HIGHEST, preferred_element_type=jnp.float32)
        cnt_ref[...] += lax.dot_general(
            ptv, jnp.ones((R, 128), jnp.float32), (((0,), (0,)), ((), ())),
            precision=lax.Precision.HIGHEST, preferred_element_type=jnp.float32)

        @pl.when(i == NB - 1)
        def _():
            pooled_ref[...] = pooled_ref[...] / jnp.maximum(cnt_ref[:, 0:1], 1.0)

    return pl.pallas_call(
        body,
        grid=(NB,),
        in_specs=[
            pl.BlockSpec((R, 128), lambda i: (i, 0)),
            pl.BlockSpec((R, 128), lambda i: (i, 0)),
            pl.BlockSpec((R, 128), lambda i: (i, 0)),
            pl.BlockSpec((R, 128), lambda i: (i, 0)),
            pl.BlockSpec((R, 1), lambda i: (i, 0)),
            pl.BlockSpec((R, 1), lambda i: (i, 0)),
            pl.BlockSpec((R, G), lambda i: (i, 0)),
            pl.BlockSpec((128, D_HID), lambda i: (0, 0)),
            pl.BlockSpec((128, D_HID), lambda i: (0, 0)),
            pl.BlockSpec((128, D_HID), lambda i: (0, 0)),
            pl.BlockSpec((128, D_HID), lambda i: (0, 0)),
            pl.BlockSpec((1, D_HID), lambda i: (0, 0)),
        ],
        out_specs=[
            pl.BlockSpec((G, D_HID), lambda i: (0, 0)),
            pl.BlockSpec((G, 128), lambda i: (0, 0)),
        ],
        out_shape=[
            jax.ShapeDtypeStruct((G, D_HID), jnp.float32),
            jax.ShapeDtypeStruct((G, 128), jnp.float32),
        ],
    )(sh[0], sh[1], sh[2], sh[3], dcol, m2, pt,
      W2c[0], W2c[1], W2c[2], W2c[3], b2r)


def kernel(x, edge_index, batch, W1, b1, W2, b2):
    m = jax.random.bernoulli(jax.random.key(42), P_KEEP, (N,)).astype(jnp.float32)
    m2 = m[:, None]

    src = edge_index[0]
    dst = edge_index[1]
    pad = E_PAD - E
    src2 = jnp.concatenate([src, jnp.zeros((pad,), jnp.int32)]).reshape(-1, BLK)
    dst2 = jnp.concatenate([dst, jnp.full((pad,), N, jnp.int32)]).reshape(-1, BLK)

    z128 = jnp.zeros((NACC, 128), jnp.float32)
    pt = (batch[:, None] == jnp.arange(G, dtype=jnp.int32)[None, :]).astype(jnp.float32)

    xp0, xp1, mt128 = _prep(x, m2)
    sx0, sx1, dega, degb = _sc_aggregate_l1(xp0, xp1, mt128, src2, dst2, z128)
    dcol = (dega[:N, 0] + degb[:N, 0])[:, None]
    h, hp0, hp1, hp2, hp3 = _dense_l1(
        sx0, sx1, dcol, m2, W1[:128], W1[128:], b1[None, :])
    sh = _sc_aggregate_l2(hp0, hp1, hp2, hp3, src2, dst2, z128)
    W2c = [W2[128 * i : 128 * (i + 1)] for i in range(4)]
    pooled, _cnt = _dense_l2_pool(sh, dcol, m2, pt, W2c, b2[None, :])
    e_u = jnp.broadcast_to(pooled[None], (4, G, D_HID))
    return (e_u, h)

# --- scband reference (transcript-rebuilt; emitter-appended) ---
"""Pipeline reference for scband-embedding-model-41721312313714 (READ-ONLY COPY).

The authoritative reference and input builder live on the scoring server;
editing this copy changes nothing except your own understanding.
"""

import jax, jax.numpy as jnp
import numpy as np

N = 10000
E = 160000
D_IN = 256
D_HID = 512
NUM_GRAPHS = 64
NUM_TARGETS = 4
P_DROP = 0.3


def setup_inputs(seed: int = 0) -> dict:
    key = jax.random.key(seed)
    ks = jax.random.split(key, 8)
    x = jax.random.normal(ks[0], (N, D_IN), dtype=jnp.float32)
    edge_index = jax.random.randint(ks[1], (2, E), 0, N, dtype=jnp.int32)
    batch = jnp.sort(jax.random.randint(ks[2], (N,), 0, NUM_GRAPHS, dtype=jnp.int32))
    # ContextEncoder params: GCN-style layer in_features -> 512
    W1 = jax.random.normal(ks[3], (D_IN, D_HID), dtype=jnp.float32) * (1.0 / np.sqrt(D_IN))
    b1 = jnp.zeros((D_HID,), dtype=jnp.float32)
    # ContextTargetPredictor params: GCN-style layer 512 -> 512
    W2 = jax.random.normal(ks[4], (D_HID, D_HID), dtype=jnp.float32) * (1.0 / np.sqrt(D_HID))
    b2 = jnp.zeros((D_HID,), dtype=jnp.float32)
    return {"x": x, "edge_index": edge_index, "batch": batch, "W1": W1, "b1": b1, "W2": W2, "b2": b2}


def _gcn_layer(h, W, b, src, dst, edge_mask, n_nodes):
    msg = jnp.take(h, src, axis=0) * edge_mask[:, None]
    agg = jax.ops.segment_sum(msg, dst, num_segments=n_nodes)
    deg = jax.ops.segment_sum(edge_mask, dst, num_segments=n_nodes)
    agg = agg / jnp.clip(deg, 1.0)[:, None]
    return jax.nn.relu(agg @ W + b)


def reference(x, edge_index, batch, W1, b1, W2, b2):
    src = edge_index[0]
    dst = edge_index[1]
    # dropout_node(p=0.3): drop nodes with prob p, remove incident edges (deterministic key)
    node_mask = jax.random.bernoulli(jax.random.key(42), 1.0 - P_DROP, (x.shape[0],))
    edge_mask = (node_mask[src] & node_mask[dst]).astype(x.dtype)
    # context encoder
    h = _gcn_layer(x, W1, b1, src, dst, edge_mask, x.shape[0])
    e_u = []
    ones = jnp.ones((x.shape[0],), dtype=x.dtype)
    cnt = jax.ops.segment_sum(ones, batch, num_segments=NUM_GRAPHS)
    for _ in range(NUM_TARGETS):
        v = _gcn_layer(h, W2, b2, src, dst, edge_mask, x.shape[0])
        s = jax.ops.segment_sum(v, batch, num_segments=NUM_GRAPHS)
        v_graph = s / jnp.clip(cnt, 1.0)[:, None]
        e_u.append(v_graph)
    return (jnp.stack(e_u, axis=0), h)

if __name__ == "__main__":
    import jax
    _d = setup_inputs()
    print(jax.jit(kernel)(*tuple(_d.values())))

</pallas_src>

<mosaic_0001>
#map = affine_map<(d0, d1) -> (0, 0)>
module attributes {stable_mosaic.version = 14 : i64} {
  func.func @k(%arg0: i32, %arg1: i32, %arg2: memref<10000x128xf32, #tpu.memory_space<hbm>>, %arg3: memref<10000x128xf32, #tpu.memory_space<hbm>>, %arg4: memref<10000x128xf32, #tpu.memory_space<hbm>>, %arg5: memref<10000x128xf32, #tpu.memory_space<hbm>>, %arg6: memref<1280x128xi32, #tpu.memory_space<hbm>>, %arg7: memref<1280x128xi32, #tpu.memory_space<hbm>>, %arg8: memref<10112x128xf32, #tpu.memory_space<hbm>>, %arg9: memref<10112x128xf32, #tpu.memory_space<hbm>>, %arg10: memref<10112x128xf32, #tpu.memory_space<hbm>>, %arg11: memref<10112x128xf32, #tpu.memory_space<hbm>>, %arg12: memref<10112x128xf32, #tpu.memory_space<hbm>>, %arg13: memref<40x128xi32, #tpu.memory_space<vmem>>, %arg14: memref<40x128xi32, #tpu.memory_space<vmem>>, %arg15: memref<2x128x128xf32, #tpu.memory_space<vmem>>, %arg16: memref<10112x128xf32, #tpu.memory_space<vmem_shared>>, %arg17: memref<!tpu.dma_semaphore, #tpu.memory_space<semaphore_mem>>) attributes {dimension_semantics = [#tpu.dimension_semantics<core_parallel>, #tpu.dimension_semantics<subcore_parallel>], iteration_bounds = array<i64: 2, 16>, scalar_prefetch = 0 : i64, scratch_operands = 5 : i64, tpu.core_type = #tpu.core_type<sc_vector_subcore>, window_params = [{transform_indices = #map}, {transform_indices = #map}, {transform_indices = #map}, {transform_indices = #map}, {transform_indices = #map}, {transform_indices = #map}, {transform_indices = #map}, {transform_indices = #map}, {transform_indices = #map}, {transform_indices = #map}, {transform_indices = #map}]} {
    %mul3A = arith.constant 632 : i32
    %mul3A_0 = arith.muli %arg1, %mul3A : i32
    %mul3A_1 = arith.constant 632 : i32
    %mul3A_2 = arith.muli %arg1, %mul3A_1 : i32
    %eq3A = arith.constant 0 : i32
    %eq3A_3 = arith.cmpi eq, %arg0, %eq3A : i32
    %convert_element_type3A = arith.extui %eq3A_3 : i1 to i32
    %cond3A = arith.constant 0 : i32
    %cond3A_4 = arith.cmpi ne, %convert_element_type3A, %cond3A : i32
    scf.if %cond3A_4 {
      %mul3A_10 = arith.constant 80 : i32
      %mul3A_11 = arith.muli %arg1, %mul3A_10 : i32
      "tpu.region"() ({
        %run_scoped3A = tpu.sem_alloc : memref<!tpu.dma_semaphore, #tpu.memory_space<semaphore_mem>>
        %dma_start3A_144 = arith.constant 0 : i32
        %dma_start3A_145 = tpu.memref_slice %arg16[%mul3A_0, %dma_start3A_144] : memref<10112x128xf32, #tpu.memory_space<vmem_shared>> -> memref<632x128xf32, #tpu.memory_space<vmem_shared>>
        %dma_start3A_146 = arith.constant 0 : i32
        %dma_start3A_147 = tpu.memref_slice %arg8[%mul3A_0, %dma_start3A_146] : memref<10112x128xf32, #tpu.memory_space<hbm>> -> memref<632x128xf32, #tpu.memory_space<hbm>>
        tpu.enqueue_dma source(%dma_start3A_147 : memref<632x128xf32, #tpu.memory_space<hbm>>) target(%dma_start3A_145 : memref<632x128xf32, #tpu.memory_space<vmem_shared>>) target_semaphore(%run_scoped3A : memref<!tpu.dma_semaphore, #tpu.memory_space<semaphore_mem>>)
        %dma_wait3A = arith.constant 0 : i32
        %dma_wait3A_148 = tpu.memref_slice %arg16[%mul3A_0, %dma_wait3A] : memref<10112x128xf32, #tpu.memory_space<vmem_shared>> -> memref<632x128xf32, #tpu.memory_space<vmem_shared>>
        %dma_wait3A_149 = arith.constant 0 : i32
        %dma_wait3A_150 = tpu.memref_slice %arg8[%mul3A_0, %dma_wait3A_149] : memref<10112x128xf32, #tpu.memory_space<hbm>> -> memref<632x128xf32, #tpu.memory_space<hbm>>
        tpu.wait_dma2 semaphore(%run_scoped3A : memref<!tpu.dma_semaphore, #tpu.memory_space<semaphore_mem>>) src(%dma_wait3A_150 : memref<632x128xf32, #tpu.memory_space<hbm>>) dst(%dma_wait3A_148 : memref<632x128xf32, #tpu.memory_space<vmem_shared>>)
        tpu.yield
      }) : () -> ()
      %add3A = arith.constant 0 : i32
      %add3A_12 = arith.addi %mul3A_11, %add3A : i32
      "tpu.region"() ({
        %run_scoped3A = tpu.sem_alloc : memref<!tpu.dma_semaphore, #tpu.memory_space<semaphore_mem>>
        %dma_start3A_144 = arith.constant 0 : i32
        %dma_start3A_145 = tpu.memref_slice %arg6[%add3A_12, %dma_start3A_144] : memref<1280x128xi32, #tpu.memory_space<hbm>> -> memref<40x128xi32, #tpu.memory_space<hbm>>
        %dma_start3A_146 = arith.constant 0 : i32
        %dma_start3A_147 = tpu.memref_slice %arg6[%add3A_12, %dma_start3A_146] : memref<1280x128xi32, #tpu.memory_space<hbm>> -> memref<40x128xi32, #tpu.memory_space<hbm>>
        tpu.enqueue_dma source(%dma_start3A_147 : memref<40x128xi32, #tpu.memory_space<hbm>>) target(%arg13 : memref<40x128xi32, #tpu.memory_space<vmem>>) target_semaphore(%run_scoped3A : memref<!tpu.dma_semaphore, #tpu.memory_space<semaphore_mem>>)
        %dma_wait3A = arith.constant 0 : i32
        %dma_wait3A_148 = tpu.memref_slice %arg6[%add3A_12, %dma_wait3A] : memref<1280x128xi32, #tpu.memory_space<hbm>> -> memref<40x128xi32, #tpu.memory_space<hbm>>
        %dma_wait3A_149 = arith.constant 0 : i32
        %dma_wait3A_150 = tpu.memref_slice %arg6[%add3A_12, %dma_wait3A_149] : memref<1280x128xi32, #tpu.memory_space<hbm>> -> memref<40x128xi32, #tpu.memory_space<hbm>>
        tpu.wait_dma2 semaphore(%run_scoped3A : memref<!tpu.dma_semaphore, #tpu.memory_space<semaphore_mem>>) src(%dma_wait3A_150 : memref<40x128xi32, #tpu.memory_space<hbm>>) dst(%arg13 : memref<40x128xi32, #tpu.memory_space<vmem>>)
        tpu.yield
      }) : () -> ()
      "tpu.region"() ({
        %run_scoped3A = tpu.sem_alloc : memref<!tpu.dma_semaphore, #tpu.memory_space<semaphore_mem>>
        %dma_start3A_144 = arith.constant 0 : i32
        %dma_start3A_145 = tpu.memref_slice %arg7[%add3A_12, %dma_start3A_144] : memref<1280x128xi32, #tpu.memory_space<hbm>> -> memref<40x128xi32, #tpu.memory_space<hbm>>
        %dma_start3A_146 = arith.constant 0 : i32
        %dma_start3A_147 = tpu.memref_slice %arg7[%add3A_12, %dma_start3A_146] : memref<1280x128xi32, #tpu.memory_space<hbm>> -> memref<40x128xi32, #tpu.memory_space<hbm>>
        tpu.enqueue_dma source(%dma_start3A_147 : memref<40x128xi32, #tpu.memory_space<hbm>>) target(%arg14 : memref<40x128xi32, #tpu.memory_space<vmem>>) target_semaphore(%run_scoped3A : memref<!tpu.dma_semaphore, #tpu.memory_space<semaphore_mem>>)
        %dma_wait3A = arith.constant 0 : i32
        %dma_wait3A_148 = tpu.memref_slice %arg7[%add3A_12, %dma_wait3A] : memref<1280x128xi32, #tpu.memory_space<hbm>> -> memref<40x128xi32, #tpu.memory_space<hbm>>
        %dma_wait3A_149 = arith.constant 0 : i32
        %dma_wait3A_150 = tpu.memref_slice %arg7[%add3A_12, %dma_wait3A_149] : memref<1280x128xi32, #tpu.memory_space<hbm>> -> memref<40x128xi32, #tpu.memory_space<hbm>>
        tpu.wait_dma2 semaphore(%run_scoped3A : memref<!tpu.dma_semaphore, #tpu.memory_space<semaphore_mem>>) src(%dma_wait3A_150 : memref<40x128xi32, #tpu.memory_space<hbm>>) dst(%arg14 : memref<40x128xi32, #tpu.memory_space<vmem>>)
        tpu.yield
      }) : () -> ()
      %barrier3A = arith.constant 0 : index
      tpu.barrier barrier_id(%barrier3A)
      %dma_start3A = arith.constant 0 : i32
      %dma_start3A_13 = arith.constant 0 : i32
      %dma_start3A_14 = arith.constant 0 : i32
      %dma_start3A_15 = arith.constant 0 : i32
      %dma_start3A_16 = tpu.memref_slice %arg15[%dma_start3A_13, %dma_start3A_14, %dma_start3A_15] : memref<2x128x128xf32, #tpu.memory_space<vmem>> -> memref<1x128x128xf32, #tpu.memory_space<vmem>>
      %dma_start3A_17 = tpu.memref_squeeze %dma_start3A_16 : memref<1x128x128xf32, #tpu.memory_space<vmem>> -> memref<128x128xf32, #tpu.memory_space<vmem>>
      %dma_start3A_18 = arith.constant 0 : i32
      %dma_start3A_19 = tpu.memref_slice %arg13[%dma_start3A, %dma_start3A_18] : memref<40x128xi32, #tpu.memory_space<vmem>> -> memref<1x128xi32, #tpu.memory_space<vmem>>
      %dma_start3A_20 = tpu.memref_squeeze %dma_start3A_19 : memref<1x128xi32, #tpu.memory_space<vmem>> -> memref<128xi32, #tpu.memory_space<vmem>>
      %dma_start3A_21 = arith.constant 0 : i32
      %dma_start3A_22 = arith.constant 0 : i32
      %dma_start3A_23 = tpu.memref_slice %arg2[%dma_start3A_21, %dma_start3A_22] : memref<10000x128xf32, #tpu.memory_space<hbm>> -> memref<10000x128xf32, #tpu.memory_space<hbm>>
      tpu.enqueue_indirect_dma source(%dma_start3A_23 : memref<10000x128xf32, #tpu.memory_space<hbm>>) target(%dma_start3A_17 : memref<128x128xf32, #tpu.memory_space<vmem>>) offsets(%dma_start3A_20 : memref<128xi32, #tpu.memory_space<vmem>>) semaphore(%arg17 : memref<!tpu.dma_semaphore, #tpu.memory_space<semaphore_mem>>)
      %dma_start3A_24 = arith.constant 1 : i32
      %dma_start3A_25 = arith.constant 1 : i32
      %dma_start3A_26 = arith.constant 0 : i32
      %dma_start3A_27 = arith.constant 0 : i32
      %dma_start3A_28 = tpu.memref_slice %arg15[%dma_start3A_25, %dma_start3A_26, %dma_start3A_27] : memref<2x128x128xf32, #tpu.memory_space<vmem>> -> memref<1x128x128xf32, #tpu.memory_space<vmem>>
      %dma_start3A_29 = tpu.memref_squeeze %dma_start3A_28 : memref<1x128x128xf32, #tpu.memory_space<vmem>> -> memref<128x128xf32, #tpu.memory_space<vmem>>
      %dma_start3A_30 = arith.constant 0 : i32
      %dma_start3A_31 = tpu.memref_slice %arg13[%dma_start3A_24, %dma_start3A_30] : memref<40x128xi32, #tpu.memory_space<vmem>> -> memref<1x128xi32, #tpu.memory_space<vmem>>
      %dma_start3A_32 = tpu.memref_squeeze %dma_start3A_31 : memref<1x128xi32, #tpu.memory_space<vmem>> -> memref<128xi32, #tpu.memory_space<vmem>>
      %dma_start3A_33 = arith.constant 0 : i32
      %dma_start3A_34 = arith.constant 0 : i32
      %dma_start3A_35 = tpu.memref_slice %arg2[%dma_start3A_33, %dma_start3A_34] : memref<10000x128xf32, #tpu.memory_space<hbm>> -> memref<10000x128xf32, #tpu.memory_space<hbm>>
      tpu.enqueue_indirect_dma source(%dma_start3A_35 : memref<10000x128xf32, #tpu.memory_space<hbm>>) target(%dma_start3A_29 : memref<128x128xf32, #tpu.memory_space<vmem>>) offsets(%dma_start3A_32 : memref<128xi32, #tpu.memory_space<vmem>>) semaphore(%arg17 : memref<!tpu.dma_semaphore, #tpu.memory_space<semaphore_mem>>)
      %scan3A = arith.constant 0 : i32
      %scan3A_36 = arith.constant 0 : i32
      %scan3A_37 = arith.constant 20 : i32
      %scan3A_38 = arith.addi %scan3A_36, %scan3A_37 : i32
      %scan3A_39 = arith.constant 1 : i32
      scf.for %scan3A_144 = %scan3A_36 to %scan3A_38 step %scan3A_39  : i32 {
        %mul3A_145 = arith.constant 2 : i32
        %mul3A_146 = arith.muli %scan3A_144, %mul3A_145 : i32
        %add3A_147 = arith.constant 0 : i32
        %add3A_148 = arith.addi %mul3A_146, %add3A_147 : i32
        %dma_wait3A = arith.constant 0 : i32
        %dma_wait3A_149 = arith.constant 0 : i32
        %dma_wait3A_150 = arith.constant 0 : i32
        %dma_wait3A_151 = tpu.memref_slice %arg15[%dma_wait3A, %dma_wait3A_149, %dma_wait3A_150] : memref<2x128x128xf32, #tpu.memory_space<vmem>> -> memref<1x128x128xf32, #tpu.memory_space<vmem>>
        %dma_wait3A_152 = tpu.memref_squeeze %dma_wait3A_151 : memref<1x128x128xf32, #tpu.memory_space<vmem>> -> memref<128x128xf32, #tpu.memory_space<vmem>>
        %dma_wait3A_153 = arith.constant 0 : i32
        %dma_wait3A_154 = tpu.memref_slice %arg13[%add3A_148, %dma_wait3A_153] : memref<40x128xi32, #tpu.memory_space<vmem>> -> memref<1x128xi32, #tpu.memory_space<vmem>>
        %dma_wait3A_155 = tpu.memref_squeeze %dma_wait3A_154 : memref<1x128xi32, #tpu.memory_space<vmem>> -> memref<128xi32, #tpu.memory_space<vmem>>
        %dma_wait3A_156 = arith.constant 0 : i32
        %dma_wait3A_157 = arith.constant 0 : i32
        %dma_wait3A_158 = tpu.memref_slice %arg2[%dma_wait3A_156, %dma_wait3A_157] : memref<10000x128xf32, #tpu.memory_space<hbm>> -> memref<10000x128xf32, #tpu.memory_space<hbm>>
        tpu.wait_indirect_dma semaphore(%arg17 : memref<!tpu.dma_semaphore, #tpu.memory_space<semaphore_mem>>) src(%dma_wait3A_158 : memref<10000x128xf32, #tpu.memory_space<hbm>>) dst(%dma_wait3A_152 : memref<128x128xf32, #tpu.memory_space<vmem>>)
        %run_scoped3A = arith.constant 0 : i32
        "tpu.region"() ({
          %run_scoped3A_188 = tpu.sem_alloc : memref<!tpu.dma_semaphore, #tpu.memory_space<semaphore_mem>>
          %dma_start3A_189 = arith.constant 0 : i32
          %dma_start3A_190 = arith.constant 0 : i32
          %dma_start3A_191 = tpu.memref_slice %arg15[%run_scoped3A, %dma_start3A_189, %dma_start3A_190] : memref<2x128x128xf32, #tpu.memory_space<vmem>> -> memref<1x128x128xf32, #tpu.memory_space<vmem>>
          %dma_start3A_192 = tpu.memref_squeeze %dma_start3A_191 : memref<1x128x128xf32, #tpu.memory_space<vmem>> -> memref<128x128xf32, #tpu.memory_space<vmem>>
          %dma_start3A_193 = arith.constant 0 : i32
          %dma_start3A_194 = tpu.memref_slice %arg14[%add3A_148, %dma_start3A_193] : memref<40x128xi32, #tpu.memory_space<vmem>> -> memref<1x128xi32, #tpu.memory_space<vmem>>
          %dma_start3A_195 = tpu.memref_squeeze %dma_start3A_194 : memref<1x128xi32, #tpu.memory_space<vmem>> -> memref<128xi32, #tpu.memory_space<vmem>>
          %dma_start3A_196 = arith.constant 0 : i32
          %dma_start3A_197 = arith.constant 0 : i32
          %dma_start3A_198 = tpu.memref_slice %arg16[%dma_start3A_196, %dma_start3A_197] : memref<10112x128xf32, #tpu.memory_space<vmem_shared>> -> memref<10112x128xf32, #tpu.memory_space<vmem_shared>>
          tpu.enqueue_indirect_dma source(%dma_start3A_192 : memref<128x128xf32, #tpu.memory_space<vmem>>) target(%dma_start3A_198 : memref<10112x128xf32, #tpu.memory_space<vmem_shared>>) offsets(%dma_start3A_195 : memref<128xi32, #tpu.memory_space<vmem>>) semaphore(%run_scoped3A_188 : memref<!tpu.dma_semaphore, #tpu.memory_space<semaphore_mem>>) {add = true}
          %dma_wait3A_199 = arith.constant 0 : i32
          %dma_wait3A_200 = arith.constant 0 : i32
          %dma_wait3A_201 = tpu.memref_slice %arg15[%run_scoped3A, %dma_wait3A_199, %dma_wait3A_200] : memref<2x128x128xf32, #tpu.memory_space<vmem>> -> memref<1x128x128xf32, #tpu.memory_space<vmem>>
          %dma_wait3A_202 = tpu.memref_squeeze %dma_wait3A_201 : memref<1x128x128xf32, #tpu.memory_space<vmem>> -> memref<128x128xf32, #tpu.memory_space<vmem>>
          %dma_wait3A_203 = arith.constant 0 : i32
          %dma_wait3A_204 = tpu.memref_slice %arg14[%add3A_148, %dma_wait3A_203] : memref<40x128xi32, #tpu.memory_space<vmem>> -> memref<1x128xi32, #tpu.memory_space<vmem>>
          %dma_wait3A_205 = tpu.memref_squeeze %dma_wait3A_204 : memref<1x128xi32, #tpu.memory_space<vmem>> -> memref<128xi32, #tpu.memory_space<vmem>>
          %dma_wait3A_206 = arith.constant 0 : i32
          %dma_wait3A_207 = arith.constant 0 : i32
          %dma_wait3A_208 = tpu.memref_slice %arg16[%dma_wait3A_206, %dma_wait3A_207] : memref<10112x128xf32, #tpu.memory_space<vmem_shared>> -> memref<10112x128xf32, #tpu.memory_space<vmem_shared>>
          tpu.wait_indirect_dma semaphore(%run_scoped3A_188 : memref<!tpu.dma_semaphore, #tpu.memory_space<semaphore_mem>>) src(%dma_wait3A_202 : memref<128x128xf32, #tpu.memory_space<vmem>>) dst(%dma_wait3A_208 : memref<10112x128xf32, #tpu.memory_space<vmem_shared>>)
          tpu.yield
        }) : () -> ()
        %add3A_159 = arith.constant 2 : i32
        %add3A_160 = arith.addi %add3A_148, %add3A_159 : i32
        %lt3A = arith.constant 40 : i32
        %lt3A_161 = arith.cmpi slt, %add3A_160, %lt3A : i32
        %convert_element_type3A_162 = arith.extui %lt3A_161 : i1 to i32
        %cond3A_163 = arith.constant 0 : i32
        %cond3A_164 = arith.cmpi ne, %convert_element_type3A_162, %cond3A_163 : i32
        scf.if %cond3A_164 {
          %add3A_188 = arith.constant 2 : i32
          %add3A_189 = arith.addi %add3A_148, %add3A_188 : i32
          %dma_start3A_190 = arith.constant 0 : i32
          %dma_start3A_191 = arith.constant 0 : i32
          %dma_start3A_192 = arith.constant 0 : i32
          %dma_start3A_193 = tpu.memref_slice %arg15[%dma_start3A_190, %dma_start3A_191, %dma_start3A_192] : memref<2x128x128xf32, #tpu.memory_space<vmem>> -> memref<1x128x128xf32, #tpu.memory_space<vmem>>
          %dma_start3A_194 = tpu.memref_squeeze %dma_start3A_193 : memref<1x128x128xf32, #tpu.memory_space<vmem>> -> memref<128x128xf32, #tpu.memory_space<vmem>>
          %dma_start3A_195 = arith.constant 0 : i32
          %dma_start3A_196 = tpu.memref_slice %arg13[%add3A_189, %dma_start3A_195] : memref<40x128xi32, #tpu.memory_space<vmem>> -> memref<1x128xi32, #tpu.memory_space<vmem>>
          %dma_start3A_197 = tpu.memref_squeeze %dma_start3A_196 : memref<1x128xi32, #tpu.memory_space<vmem>> -> memref<128xi32, #tpu.memory_space<vmem>>
          %dma_start3A_198 = arith.constant 0 : i32
          %dma_start3A_199 = arith.constant 0 : i32
          %dma_start3A_200 = tpu.memref_slice %arg2[%dma_start3A_198, %dma_start3A_199] : memref<10000x128xf32, #tpu.memory_space<hbm>> -> memref<10000x128xf32, #tpu.memory_space<hbm>>
          tpu.enqueue_indirect_dma source(%dma_start3A_200 : memref<10000x128xf32, #tpu.memory_space<hbm>>) target(%dma_start3A_194 : memref<128x128xf32, #tpu.memory_space<vmem>>) offsets(%dma_start3A_197 : memref<128xi32, #tpu.memory_space<vmem>>) semaphore(%arg17 : memref<!tpu.dma_semaphore, #tpu.memory_space<semaphore_mem>>)
        } else {
        }
        %mul3A_165 = arith.constant 2 : i32
        %mul3A_166 = arith.muli %scan3A_144, %mul3A_165 : i32
        %add3A_167 = arith.constant 1 : i32
        %add3A_168 = arith.addi %mul3A_166, %add3A_167 : i32
        %dma_wait3A_169 = arith.constant 1 : i32
        %dma_wait3A_170 = arith.constant 0 : i32
        %dma_wait3A_171 = arith.constant 0 : i32
        %dma_wait3A_172 = tpu.memref_slice %arg15[%dma_wait3A_169, %dma_wait3A_170, %dma_wait3A_171] : memref<2x128x128xf32, #tpu.memory_space<vmem>> -> memref<1x128x128xf32, #tpu.memory_space<vmem>>
        %dma_wait3A_173 = tpu.memref_squeeze %dma_wait3A_172 : memref<1x128x128xf32, #tpu.memory_space<vmem>> -> memref<128x128xf32, #tpu.memory_space<vmem>>
        %dma_wait3A_174 = arith.constant 0 : i32
        %dma_wait3A_175 = tpu.memref_slice %arg13[%add3A_168, %dma_wait3A_174] : memref<40x128xi32, #tpu.memory_space<vmem>> -> memref<1x128xi32, #tpu.memory_space<vmem>>
        %dma_wait3A_176 = tpu.memref_squeeze %dma_wait3A_175 : memref<1x128xi32, #tpu.memory_space<vmem>> -> memref<128xi32, #tpu.memory_space<vmem>>
        %dma_wait3A_177 = arith.constant 0 : i32
        %dma_wait3A_178 = arith.constant 0 : i32
        %dma_wait3A_179 = tpu.memref_slice %arg2[%dma_wait3A_177, %dma_wait3A_178] : memref<10000x128xf32, #tpu.memory_space<hbm>> -> memref<10000x128xf32, #tpu.memory_space<hbm>>
        tpu.wait_indirect_dma semaphore(%arg17 : memref<!tpu.dma_semaphore, #tpu.memory_space<semaphore_mem>>) src(%dma_wait3A_179 : memref<10000x128xf32, #tpu.memory_space<hbm>>) dst(%dma_wait3A_173 : memref<128x128xf32, #tpu.memory_space<vmem>>)
        %run_scoped3A_180 = arith.constant 1 : i32
        "tpu.region"() ({
          %run_scoped3A_188 = tpu.sem_alloc : memref<!tpu.dma_semaphore, #tpu.memory_space<semaphore_mem>>
          %dma_start3A_189 = arith.constant 0 : i32
          %dma_start3A_190 = arith.constant 0 : i32
          %dma_start3A_191 = tpu.memref_slice %arg15[%run_scoped3A_180, %dma_start3A_189, %dma_start3A_190] : memref<2x128x128xf32, #tpu.memory_space<vmem>> -> memref<1x128x128xf32, #tpu.memory_space<vmem>>
          %dma_start3A_192 = tpu.memref_squeeze %dma_start3A_191 : memref<1x128x128xf32, #tpu.memory_space<vmem>> -> memref<128x128xf32, #tpu.memory_space<vmem>>
          %dma_start3A_193 = arith.constant 0 : i32
          %dma_start3A_194 = tpu.memref_slice %arg14[%add3A_168, %dma_start3A_193] : memref<40x128xi32, #tpu.memory_space<vmem>> -> memref<1x128xi32, #tpu.memory_space<vmem>>
          %dma_start3A_195 = tpu.memref_squeeze %dma_start3A_194 : memref<1x128xi32, #tpu.memory_space<vmem>> -> memref<128xi32, #tpu.memory_space<vmem>>
          %dma_start3A_196 = arith.constant 0 : i32
          %dma_start3A_197 = arith.constant 0 : i32
          %dma_start3A_198 = tpu.memref_slice %arg16[%dma_start3A_196, %dma_start3A_197] : memref<10112x128xf32, #tpu.memory_space<vmem_shared>> -> memref<10112x128xf32, #tpu.memory_space<vmem_shared>>
          tpu.enqueue_indirect_dma source(%dma_start3A_192 : memref<128x128xf32, #tpu.memory_space<vmem>>) target(%dma_start3A_198 : memref<10112x128xf32, #tpu.memory_space<vmem_shared>>) offsets(%dma_start3A_195 : memref<128xi32, #tpu.memory_space<vmem>>) semaphore(%run_scoped3A_188 : memref<!tpu.dma_semaphore, #tpu.memory_space<semaphore_mem>>) {add = true}
          %dma_wait3A_199 = arith.constant 0 : i32
          %dma_wait3A_200 = arith.constant 0 : i32
          %dma_wait3A_201 = tpu.memref_slice %arg15[%run_scoped3A_180, %dma_wait3A_199, %dma_wait3A_200] : memref<2x128x128xf32, #tpu.memory_space<vmem>> -> memref<1x128x128xf32, #tpu.memory_space<vmem>>
          %dma_wait3A_202 = tpu.memref_squeeze %dma_wait3A_201 : memref<1x128x128xf32, #tpu.memory_space<vmem>> -> memref<128x128xf32, #tpu.memory_space<vmem>>
          %dma_wait3A_203 = arith.constant 0 : i32
          %dma_wait3A_204 = tpu.memref_slice %arg14[%add3A_168, %dma_wait3A_203] : memref<40x128xi32, #tpu.memory_space<vmem>> -> memref<1x128xi32, #tpu.memory_space<vmem>>
          %dma_wait3A_205 = tpu.memref_squeeze %dma_wait3A_204 : memref<1x128xi32, #tpu.memory_space<vmem>> -> memref<128xi32, #tpu.memory_space<vmem>>
          %dma_wait3A_206 = arith.constant 0 : i32
          %dma_wait3A_207 = arith.constant 0 : i32
          %dma_wait3A_208 = tpu.memref_slice %arg16[%dma_wait3A_206, %dma_wait3A_207] : memref<10112x128xf32, #tpu.memory_space<vmem_shared>> -> memref<10112x128xf32, #tpu.memory_space<vmem_shared>>
          tpu.wait_indirect_dma semaphore(%run_scoped3A_188 : memref<!tpu.dma_semaphore, #tpu.memory_space<semaphore_mem>>) src(%dma_wait3A_202 : memref<128x128xf32, #tpu.memory_space<vmem>>) dst(%dma_wait3A_208 : memref<10112x128xf32, #tpu.memory_space<vmem_shared>>)
          tpu.yield
        }) : () -> ()
        %add3A_181 = arith.constant 2 : i32
        %add3A_182 = arith.addi %add3A_168, %add3A_181 : i32
        %lt3A_183 = arith.constant 40 : i32
        %lt3A_184 = arith.cmpi slt, %add3A_182, %lt3A_183 : i32
        %convert_element_type3A_185 = arith.extui %lt3A_184 : i1 to i32
        %cond3A_186 = arith.constant 0 : i32
        %cond3A_187 = arith.cmpi ne, %convert_element_type3A_185, %cond3A_186 : i32
        scf.if %cond3A_187 {
          %add3A_188 = arith.constant 2 : i32
          %add3A_189 = arith.addi %add3A_168, %add3A_188 : i32
          %dma_start3A_190 = arith.constant 1 : i32
          %dma_start3A_191 = arith.constant 0 : i32
          %dma_start3A_192 = arith.constant 0 : i32
          %dma_start3A_193 = tpu.memref_slice %arg15[%dma_start3A_190, %dma_start3A_191, %dma_start3A_192] : memref<2x128x128xf32, #tpu.memory_space<vmem>> -> memref<1x128x128xf32, #tpu.memory_space<vmem>>
          %dma_start3A_194 = tpu.memref_squeeze %dma_start3A_193 : memref<1x128x128xf32, #tpu.memory_space<vmem>> -> memref<128x128xf32, #tpu.memory_space<vmem>>
          %dma_start3A_195 = arith.constant 0 : i32
          %dma_start3A_196 = tpu.memref_slice %arg13[%add3A_189, %dma_start3A_195] : memref<40x128xi32, #tpu.memory_space<vmem>> -> memref<1x128xi32, #tpu.memory_space<vmem>>
          %dma_start3A_197 = tpu.memref_squeeze %dma_start3A_196 : memref<1x128xi32, #tpu.memory_space<vmem>> -> memref<128xi32, #tpu.memory_space<vmem>>
          %dma_start3A_198 = arith.constant 0 : i32
          %dma_start3A_199 = arith.constant 0 : i32
          %dma_start3A_200 = tpu.memref_slice %arg2[%dma_start3A_198, %dma_start3A_199] : memref<10000x128xf32, #tpu.memory_space<hbm>> -> memref<10000x128xf32, #tpu.memory_space<hbm>>
          tpu.enqueue_indirect_dma source(%dma_start3A_200 : memref<10000x128xf32, #tpu.memory_space<hbm>>) target(%dma_start3A_194 : memref<128x128xf32, #tpu.memory_space<vmem>>) offsets(%dma_start3A_197 : memref<128xi32, #tpu.memory_space<vmem>>) semaphore(%arg17 : memref<!tpu.dma_semaphore, #tpu.memory_space<semaphore_mem>>)
        } else {
        }
      }
      %scan3A_40 = arith.constant 20 : i32
      %add3A_41 = arith.constant 40 : i32
      %add3A_42 = arith.addi %mul3A_11, %add3A_41 : i32
      "tpu.region"() ({
        %run_scoped3A = tpu.sem_alloc : memref<!tpu.dma_semaphore, #tpu.memory_space<semaphore_mem>>
        %dma_start3A_144 = arith.constant 0 : i32
        %dma_start3A_145 = tpu.memref_slice %arg6[%add3A_42, %dma_start3A_144] : memref<1280x128xi32, #tpu.memory_space<hbm>> -> memref<40x128xi32, #tpu.memory_space<hbm>>
        %dma_start3A_146 = arith.constant 0 : i32
        %dma_start3A_147 = tpu.memref_slice %arg6[%add3A_42, %dma_start3A_146] : memref<1280x128xi32, #tpu.memory_space<hbm>> -> memref<40x128xi32, #tpu.memory_space<hbm>>
        tpu.enqueue_dma source(%dma_start3A_147 : memref<40x128xi32, #tpu.memory_space<hbm>>) target(%arg13 : memref<40x128xi32, #tpu.memory_space<vmem>>) target_semaphore(%run_scoped3A : memref<!tpu.dma_semaphore, #tpu.memory_space<semaphore_mem>>)
        %dma_wait3A = arith.constant 0 : i32
        %dma_wait3A_148 = tpu.memref_slice %arg6[%add3A_42, %dma_wait3A] : memref<1280x128xi32, #tpu.memory_space<hbm>> -> memref<40x128xi32, #tpu.memory_space<hbm>>
        %dma_wait3A_149 = arith.constant 0 : i32
        %dma_wait3A_150 = tpu.memref_slice %arg6[%add3A_42, %dma_wait3A_149] : memref<1280x128xi32, #tpu.memory_space<hbm>> -> memref<40x128xi32, #tpu.memory_space<hbm>>
        tpu.wait_dma2 semaphore(%run_scoped3A : memref<!tpu.dma_semaphore, #tpu.memory_space<semaphore_mem>>) src(%dma_wait3A_150 : memref<40x128xi32, #tpu.memory_space<hbm>>) dst(%arg13 : memref<40x128xi32, #tpu.memory_space<vmem>>)
        tpu.yield
      }) : () -> ()
      "tpu.region"() ({
        %run_scoped3A = tpu.sem_alloc : memref<!tpu.dma_semaphore, #tpu.memory_space<semaphore_mem>>
        %dma_start3A_144 = arith.constant 0 : i32
        %dma_start3A_145 = tpu.memref_slice %arg7[%add3A_42, %dma_start3A_144] : memref<1280x128xi32, #tpu.memory_space<hbm>> -> memref<40x128xi32, #tpu.memory_space<hbm>>
        %dma_start3A_146 = arith.constant 0 : i32
        %dma_start3A_147 = tpu.memref_slice %arg7[%add3A_42, %dma_start3A_146] : memref<1280x128xi32, #tpu.memory_space<hbm>> -> memref<40x128xi32, #tpu.memory_space<hbm>>
        tpu.enqueue_dma source(%dma_start3A_147 : memref<40x128xi32, #tpu.memory_space<hbm>>) target(%arg14 : memref<40x128xi32, #tpu.memory_space<vmem>>) target_semaphore(%run_scoped3A : memref<!tpu.dma_semaphore, #tpu.memory_space<semaphore_mem>>)
        %dma_wait3A = arith.constant 0 : i32
        %dma_wait3A_148 = tpu.memref_slice %arg7[%add3A_42, %dma_wait3A] : memref<1280x128xi32, #tpu.memory_space<hbm>> -> memref<40x128xi32, #tpu.memory_space<hbm>>
        %dma_wait3A_149 = arith.constant 0 : i32
        %dma_wait3A_150 = tpu.memref_slice %arg7[%add3A_42, %dma_wait3A_149] : memref<1280x128xi32, #tpu.memory_space<hbm>> -> memref<40x128xi32, #tpu.memory_space<hbm>>
        tpu.wait_dma2 semaphore(%run_scoped3A : memref<!tpu.dma_semaphore, #tpu.memory_space<semaphore_mem>>) src(%dma_wait3A_150 : memref<40x128xi32, #tpu.memory_space<hbm>>) dst(%arg14 : memref<40x128xi32, #tpu.memory_space<vmem>>)
        tpu.yield
      }) : () -> ()
      %dma_start3A_43 = arith.constant 0 : i32
      %dma_start3A_44 = arith.constant 0 : i32
      %dma_start3A_45 = arith.constant 0 : i32
      %dma_start3A_46 = arith.constant 0 : i32
      %dma_start3A_47 = tpu.memref_slice %arg15[%dma_start3A_44, %dma_start3A_45, %dma_start3A_46] : memref<2x128x128xf32, #tpu.memory_space<vmem>> -> memref<1x128x128xf32, #tpu.memory_space<vmem>>
      %dma_start3A_48 = tpu.memref_squeeze %dma_start3A_47 : memref<1x128x128xf32, #tpu.memory_space<vmem>> -> memref<128x128xf32, #tpu.memory_space<vmem>>
      %dma_start3A_49 = arith.constant 0 : i32
      %dma_start3A_50 = tpu.memref_slice %arg13[%dma_start3A_43, %dma_start3A_49] : memref<40x128xi32, #tpu.memory_space<vmem>> -> memref<1x128xi32, #tpu.memory_space<vmem>>
      %dma_start3A_51 = tpu.memref_squeeze %dma_start3A_50 : memref<1x128xi32, #tpu.memory_space<vmem>> -> memref<128xi32, #tpu.memory_space<vmem>>
      %dma_start3A_52 = arith.constant 0 : i32
      %dma_start3A_53 = arith.constant 0 : i32
      %dma_start3A_54 = tpu.memref_slice %arg2[%dma_start3A_52, %dma_start3A_53] : memref<10000x128xf32, #tpu.memory_space<hbm>> -> memref<10000x128xf32, #tpu.memory_space<hbm>>
      tpu.enqueue_indirect_dma source(%dma_start3A_54 : memref<10000x128xf32, #tpu.memory_space<hbm>>) target(%dma_start3A_48 : memref<128x128xf32, #tpu.memory_space<vmem>>) offsets(%dma_start3A_51 : memref<128xi32, #tpu.memory_space<vmem>>) semaphore(%arg17 : memref<!tpu.dma_semaphore, #tpu.memory_space<semaphore_mem>>)
      %dma_start3A_55 = arith.constant 1 : i32
      %dma_start3A_56 = arith.constant 1 : i32
      %dma_start3A_57 = arith.constant 0 : i32
      %dma_start3A_58 = arith.constant 0 : i32
      %dma_start3A_59 = tpu.memref_slice %arg15[%dma_start3A_56, %dma_start3A_57, %dma_start3A_58] : memref<2x128x128xf32, #tpu.memory_space<vmem>> -> memref<1x128x128xf32, #tpu.memory_space<vmem>>
      %dma_start3A_60 = tpu.memref_squeeze %dma_start3A_59 : memref<1x128x128xf32, #tpu.memory_space<vmem>> -> memref<128x128xf32, #tpu.memory_space<vmem>>
      %dma_start3A_61 = arith.constant 0 : i32
      %dma_start3A_62 = tpu.memref_slice %arg13[%dma_start3A_55, %dma_start3A_61] : memref<40x128xi32, #tpu.memory_space<vmem>> -> memref<1x128xi32, #tpu.memory_space<vmem>>
      %dma_start3A_63 = tpu.memref_squeeze %dma_start3A_62 : memref<1x128xi32, #tpu.memory_space<vmem>> -> memref<128xi32, #tpu.memory_space<vmem>>
      %dma_start3A_64 = arith.constant 0 : i32
      %dma_start3A_65 = arith.constant 0 : i32
      %dma_start3A_66 = tpu.memref_slice %arg2[%dma_start3A_64, %dma_start3A_65] : memref<10000x128xf32, #tpu.memory_space<hbm>> -> memref<10000x128xf32, #tpu.memory_space<hbm>>
      tpu.enqueue_indirect_dma source(%dma_start3A_66 : memref<10000x128xf32, #tpu.memory_space<hbm>>) target(%dma_start3A_60 : memref<128x128xf32, #tpu.memory_space<vmem>>) offsets(%dma_start3A_63 : memref<128xi32, #tpu.memory_space<vmem>>) semaphore(%arg17 : memref<!tpu.dma_semaphore, #tpu.memory_space<semaphore_mem>>)
      %scan3A_67 = arith.constant 0 : i32
      %scan3A_68 = arith.constant 0 : i32
      %scan3A_69 = arith.constant 20 : i32
      %scan3A_70 = arith.addi %scan3A_68, %scan3A_69 : i32
      %scan3A_71 = arith.constant 1 : i32
      scf.for %scan3A_144 = %scan3A_68 to %scan3A_70 step %scan3A_71  : i32 {
        %mul3A_145 = arith.constant 2 : i32
        %mul3A_146 = arith.muli %scan3A_144, %mul3A_145 : i32
        %add3A_147 = arith.constant 0 : i32
        %add3A_148 = arith.addi %mul3A_146, %add3A_147 : i32
        %dma_wait3A = arith.constant 0 : i32
        %dma_wait3A_149 = arith.constant 0 : i32
        %dma_wait3A_150 = arith.constant 0 : i32
        %dma_wait3A_151 = tpu.memref_slice %arg15[%dma_wait3A, %dma_wait3A_149, %dma_wait3A_150] : memref<2x128x128xf32, #tpu.memory_space<vmem>> -> memref<1x128x128xf32, #tpu.memory_space<vmem>>
        %dma_wait3A_152 = tpu.memref_squeeze %dma_wait3A_151 : memref<1x128x128xf32, #tpu.memory_space<vmem>> -> memref<128x128xf32, #tpu.memory_space<vmem>>
        %dma_wait3A_153 = arith.constant 0 : i32
        %dma_wait3A_154 = tpu.memref_slice %arg13[%add3A_148, %dma_wait3A_153] : memref<40x128xi32, #tpu.memory_space<vmem>> -> memref<1x128xi32, #tpu.memory_space<vmem>>
        %dma_wait3A_155 = tpu.memref_squeeze %dma_wait3A_154 : memref<1x128xi32, #tpu.memory_space<vmem>> -> memref<128xi32, #tpu.memory_space<vmem>>
        %dma_wait3A_156 = arith.constant 0 : i32
        %dma_wait3A_157 = arith.constant 0 : i32
        %dma_wait3A_158 = tpu.memref_slice %arg2[%dma_wait3A_156, %dma_wait3A_157] : memref<10000x128xf32, #tpu.memory_space<hbm>> -> memref<10000x128xf32, #tpu.memory_space<hbm>>
        tpu.wait_indirect_dma semaphore(%arg17 : memref<!tpu.dma_semaphore, #tpu.memory_space<semaphore_mem>>) src(%dma_wait3A_158 : memref<10000x128xf32, #tpu.memory_space<hbm>>) dst(%dma_wait3A_152 : memref<128x128xf32, #tpu.memory_space<vmem>>)
        %run_scoped3A = arith.constant 0 : i32
        "tpu.region"() ({
          %run_scoped3A_188 = tpu.sem_alloc : memref<!tpu.dma_semaphore, #tpu.memory_space<semaphore_mem>>
          %dma_start3A_189 = arith.constant 0 : i32
          %dma_start3A_190 = arith.constant 0 : i32
          %dma_start3A_191 = tpu.memref_slice %arg15[%run_scoped3A, %dma_start3A_189, %dma_start3A_190] : memref<2x128x128xf32, #tpu.memory_space<vmem>> -> memref<1x128x128xf32, #tpu.memory_space<vmem>>
          %dma_start3A_192 = tpu.memref_squeeze %dma_start3A_191 : memref<1x128x128xf32, #tpu.memory_space<vmem>> -> memref<128x128xf32, #tpu.memory_space<vmem>>
          %dma_start3A_193 = arith.constant 0 : i32
          %dma_start3A_194 = tpu.memref_slice %arg14[%add3A_148, %dma_start3A_193] : memref<40x128xi32, #tpu.memory_space<vmem>> -> memref<1x128xi32, #tpu.memory_space<vmem>>
          %dma_start3A_195 = tpu.memref_squeeze %dma_start3A_194 : memref<1x128xi32, #tpu.memory_space<vmem>> -> memref<128xi32, #tpu.memory_space<vmem>>
          %dma_start3A_196 = arith.constant 0 : i32
          %dma_start3A_197 = arith.constant 0 : i32
          %dma_start3A_198 = tpu.memref_slice %arg16[%dma_start3A_196, %dma_start3A_197] : memref<10112x128xf32, #tpu.memory_space<vmem_shared>> -> memref<10112x128xf32, #tpu.memory_space<vmem_shared>>
          tpu.enqueue_indirect_dma source(%dma_start3A_192 : memref<128x128xf32, #tpu.memory_space<vmem>>) target(%dma_start3A_198 : memref<10112x128xf32, #tpu.memory_space<vmem_shared>>) offsets(%dma_start3A_195 : memref<128xi32, #tpu.memory_space<vmem>>) semaphore(%run_scoped3A_188 : memref<!tpu.dma_semaphore, #tpu.memory_space<semaphore_mem>>) {add = true}
          %dma_wait3A_199 = arith.constant 0 : i32
          %dma_wait3A_200 = arith.constant 0 : i32
          %dma_wait3A_201 = tpu.memref_slice %arg15[%run_scoped3A, %dma_wait3A_199, %dma_wait3A_200] : memref<2x128x128xf32, #tpu.memory_space<vmem>> -> memref<1x128x128xf32, #tpu.memory_space<vmem>>
          %dma_wait3A_202 = tpu.memref_squeeze %dma_wait3A_201 : memref<1x128x128xf32, #tpu.memory_space<vmem>> -> memref<128x128xf32, #tpu.memory_space<vmem>>
          %dma_wait3A_203 = arith.constant 0 : i32
          %dma_wait3A_204 = tpu.memref_slice %arg14[%add3A_148, %dma_wait3A_203] : memref<40x128xi32, #tpu.memory_space<vmem>> -> memref<1x128xi32, #tpu.memory_space<vmem>>
          %dma_wait3A_205 = tpu.memref_squeeze %dma_wait3A_204 : memref<1x128xi32, #tpu.memory_space<vmem>> -> memref<128xi32, #tpu.memory_space<vmem>>
          %dma_wait3A_206 = arith.constant 0 : i32
          %dma_wait3A_207 = arith.constant 0 : i32
          %dma_wait3A_208 = tpu.memref_slice %arg16[%dma_wait3A_206, %dma_wait3A_207] : memref<10112x128xf32, #tpu.memory_space<vmem_shared>> -> memref<10112x128xf32, #tpu.memory_space<vmem_shared>>
          tpu.wait_indirect_dma semaphore(%run_scoped3A_188 : memref<!tpu.dma_semaphore, #tpu.memory_space<semaphore_mem>>) src(%dma_wait3A_202 : memref<128x128xf32, #tpu.memory_space<vmem>>) dst(%dma_wait3A_208 : memref<10112x128xf32, #tpu.memory_space<vmem_shared>>)
          tpu.yield
        }) : () -> ()
        %add3A_159 = arith.constant 2 : i32
        %add3A_160 = arith.addi %add3A_148, %add3A_159 : i32
        %lt3A = arith.constant 40 : i32
        %lt3A_161 = arith.cmpi slt, %add3A_160, %lt3A : i32
        %convert_element_type3A_162 = arith.extui %lt3A_161 : i1 to i32
        %cond3A_163 = arith.constant 0 : i32
        %cond3A_164 = arith.cmpi ne, %convert_element_type3A_162, %cond3A_163 : i32
        scf.if %cond3A_164 {
          %add3A_188 = arith.constant 2 : i32
          %add3A_189 = arith.addi %add3A_148, %add3A_188 : i32
          %dma_start3A_190 = arith.constant 0 : i32
          %dma_start3A_191 = arith.constant 0 : i32
          %dma_start3A_192 = arith.constant 0 : i32
          %dma_start3A_193 = tpu.memref_slice %arg15[%dma_start3A_190, %dma_start3A_191, %dma_start3A_192] : memref<2x128x128xf32, #tpu.memory_space<vmem>> -> memref<1x128x128xf32, #tpu.memory_space<vmem>>
          %dma_start3A_194 = tpu.memref_squeeze %dma_start3A_193 : memref<1x128x128xf32, #tpu.memory_space<vmem>> -> memref<128x128xf32, #tpu.memory_space<vmem>>
          %dma_start3A_195 = arith.constant 0 : i32
          %dma_start3A_196 = tpu.memref_slice %arg13[%add3A_189, %dma_start3A_195] : memref<40x128xi32, #tpu.memory_space<vmem>> -> memref<1x128xi32, #tpu.memory_space<vmem>>
          %dma_start3A_197 = tpu.memref_squeeze %dma_start3A_196 : memref<1x128xi32, #tpu.memory_space<vmem>> -> memref<128xi32, #tpu.memory_space<vmem>>
          %dma_start3A_198 = arith.constant 0 : i32
          %dma_start3A_199 = arith.constant 0 : i32
          %dma_start3A_200 = tpu.memref_slice %arg2[%dma_start3A_198, %dma_start3A_199] : memref<10000x128xf32, #tpu.memory_space<hbm>> -> memref<10000x128xf32, #tpu.memory_space<hbm>>
          tpu.enqueue_indirect_dma source(%dma_start3A_200 : memref<10000x128xf32, #tpu.memory_space<hbm>>) target(%dma_start3A_194 : memref<128x128xf32, #tpu.memory_space<vmem>>) offsets(%dma_start3A_197 : memref<128xi32, #tpu.memory_space<vmem>>) semaphore(%arg17 : memref<!tpu.dma_semaphore, #tpu.memory_space<semaphore_mem>>)
        } else {
        }
        %mul3A_165 = arith.constant 2 : i32
        %mul3A_166 = arith.muli %scan3A_144, %mul3A_165 : i32
        %add3A_167 = arith.constant 1 : i32
        %add3A_168 = arith.addi %mul3A_166, %add3A_167 : i32
        %dma_wait3A_169 = arith.constant 1 : i32
        %dma_wait3A_170 = arith.constant 0 : i32
        %dma_wait3A_171 = arith.constant 0 : i32
        %dma_wait3A_172 = tpu.memref_slice %arg15[%dma_wait3A_169, %dma_wait3A_170, %dma_wait3A_171] : memref<2x128x128xf32, #tpu.memory_space<vmem>> -> memref<1x128x128xf32, #tpu.memory_space<vmem>>
        %dma_wait3A_173 = tpu.memref_squeeze %dma_wait3A_172 : memref<1x128x128xf32, #tpu.memory_space<vmem>> -> memref<128x128xf32, #tpu.memory_space<vmem>>
        %dma_wait3A_174 = arith.constant 0 : i32
        %dma_wait3A_175 = tpu.memref_slice %arg13[%add3A_168, %dma_wait3A_174] : memref<40x128xi32, #tpu.memory_space<vmem>> -> memref<1x128xi32, #tpu.memory_space<vmem>>
        %dma_wait3A_176 = tpu.memref_squeeze %dma_wait3A_175 : memref<1x128xi32, #tpu.memory_space<vmem>> -> memref<128xi32, #tpu.memory_space<vmem>>
        %dma_wait3A_177 = arith.constant 0 : i32
        %dma_wait3A_178 = arith.constant 0 : i32
        %dma_wait3A_179 = tpu.memref_slice %arg2[%dma_wait3A_177, %dma_wait3A_178] : memref<10000x128xf32, #tpu.memory_space<hbm>> -> memref<10000x128xf32, #tpu.memory_space<hbm>>
        tpu.wait_indirect_dma semaphore(%arg17 : memref<!tpu.dma_semaphore, #tpu.memory_space<semaphore_mem>>) src(%dma_wait3A_179 : memref<10000x128xf32, #tpu.memory_space<hbm>>) dst(%dma_wait3A_173 : memref<128x128xf32, #tpu.memory_space<vmem>>)
        %run_scoped3A_180 = arith.constant 1 : i32
        "tpu.region"() ({
          %run_scoped3A_188 = tpu.sem_alloc : memref<!tpu.dma_semaphore, #tpu.memory_space<semaphore_mem>>
          %dma_start3A_189 = arith.constant 0 : i32
          %dma_start3A_190 = arith.constant 0 : i32
          %dma_start3A_191 = tpu.memref_slice %arg15[%run_scoped3A_180, %dma_start3A_189, %dma_start3A_190] : memref<2x128x128xf32, #tpu.memory_space<vmem>> -> memref<1x128x128xf32, #tpu.memory_space<vmem>>
          %dma_start3A_192 = tpu.memref_squeeze %dma_start3A_191 : memref<1x128x128xf32, #tpu.memory_space<vmem>> -> memref<128x128xf32, #tpu.memory_space<vmem>>
          %dma_start3A_193 = arith.constant 0 : i32
          %dma_start3A_194 = tpu.memref_slice %arg14[%add3A_168, %dma_start3A_193] : memref<40x128xi32, #tpu.memory_space<vmem>> -> memref<1x128xi32, #tpu.memory_space<vmem>>
          %dma_start3A_195 = tpu.memref_squeeze %dma_start3A_194 : memref<1x128xi32, #tpu.memory_space<vmem>> -> memref<128xi32, #tpu.memory_space<vmem>>
          %dma_start3A_196 = arith.constant 0 : i32
          %dma_start3A_197 = arith.constant 0 : i32
          %dma_start3A_198 = tpu.memref_slice %arg16[%dma_start3A_196, %dma_start3A_197] : memref<10112x128xf32, #tpu.memory_space<vmem_shared>> -> memref<10112x128xf32, #tpu.memory_space<vmem_shared>>
          tpu.enqueue_indirect_dma source(%dma_start3A_192 : memref<128x128xf32, #tpu.memory_space<vmem>>) target(%dma_start3A_198 : memref<10112x128xf32, #tpu.memory_space<vmem_shared>>) offsets(%dma_start3A_195 : memref<128xi32, #tpu.memory_space<vmem>>) semaphore(%run_scoped3A_188 : memref<!tpu.dma_semaphore, #tpu.memory_space<semaphore_mem>>) {add = true}
          %dma_wait3A_199 = arith.constant 0 : i32
          %dma_wait3A_200 = arith.constant 0 : i32
          %dma_wait3A_201 = tpu.memref_slice %arg15[%run_scoped3A_180, %dma_wait3A_199, %dma_wait3A_200] : memref<2x128x128xf32, #tpu.memory_space<vmem>> -> memref<1x128x128xf32, #tpu.memory_space<vmem>>
          %dma_wait3A_202 = tpu.memref_squeeze %dma_wait3A_201 : memref<1x128x128xf32, #tpu.memory_space<vmem>> -> memref<128x128xf32, #tpu.memory_space<vmem>>
          %dma_wait3A_203 = arith.constant 0 : i32
          %dma_wait3A_204 = tpu.memref_slice %arg14[%add3A_168, %dma_wait3A_203] : memref<40x128xi32, #tpu.memory_space<vmem>> -> memref<1x128xi32, #tpu.memory_space<vmem>>
          %dma_wait3A_205 = tpu.memref_squeeze %dma_wait3A_204 : memref<1x128xi32, #tpu.memory_space<vmem>> -> memref<128xi32, #tpu.memory_space<vmem>>
          %dma_wait3A_206 = arith.constant 0 : i32
          %dma_wait3A_207 = arith.constant 0 : i32
          %dma_wait3A_208 = tpu.memref_slice %arg16[%dma_wait3A_206, %dma_wait3A_207] : memref<10112x128xf32, #tpu.memory_space<vmem_shared>> -> memref<10112x128xf32, #tpu.memory_space<vmem_shared>>
          tpu.wait_indirect_dma semaphore(%run_scoped3A_188 : memref<!tpu.dma_semaphore, #tpu.memory_space<semaphore_mem>>) src(%dma_wait3A_202 : memref<128x128xf32, #tpu.memory_space<vmem>>) dst(%dma_wait3A_208 : memref<10112x128xf32, #tpu.memory_space<vmem_shared>>)
          tpu.yield
        }) : () -> ()
        %add3A_181 = arith.constant 2 : i32
        %add3A_182 = arith.addi %add3A_168, %add3A_181 : i32
        %lt3A_183 = arith.constant 40 : i32
        %lt3A_184 = arith.cmpi slt, %add3A_182, %lt3A_183 : i32
        %convert_element_type3A_185 = arith.extui %lt3A_184 : i1 to i32
        %cond3A_186 = arith.constant 0 : i32
        %cond3A_187 = arith.cmpi ne, %convert_element_type3A_185, %cond3A_186 : i32
        scf.if %cond3A_187 {
          %add3A_188 = arith.constant 2 : i32
          %add3A_189 = arith.addi %add3A_168, %add3A_188 : i32
          %dma_start3A_190 = arith.constant 1 : i32
          %dma_start3A_191 = arith.constant 0 : i32
          %dma_start3A_192 = arith.constant 0 : i32
          %dma_start3A_193 = tpu.memref_slice %arg15[%dma_start3A_190, %dma_start3A_191, %dma_start3A_192] : memref<2x128x128xf32, #tpu.memory_space<vmem>> -> memref<1x128x128xf32, #tpu.memory_space<vmem>>
          %dma_start3A_194 = tpu.memref_squeeze %dma_start3A_193 : memref<1x128x128xf32, #tpu.memory_space<vmem>> -> memref<128x128xf32, #tpu.memory_space<vmem>>
          %dma_start3A_195 = arith.constant 0 : i32
          %dma_start3A_196 = tpu.memref_slice %arg13[%add3A_189, %dma_start3A_195] : memref<40x128xi32, #tpu.memory_space<vmem>> -> memref<1x128xi32, #tpu.memory_space<vmem>>
          %dma_start3A_197 = tpu.memref_squeeze %dma_start3A_196 : memref<1x128xi32, #tpu.memory_space<vmem>> -> memref<128xi32, #tpu.memory_space<vmem>>
          %dma_start3A_198 = arith.constant 0 : i32
          %dma_start3A_199 = arith.constant 0 : i32
          %dma_start3A_200 = tpu.memref_slice %arg2[%dma_start3A_198, %dma_start3A_199] : memref<10000x128xf32, #tpu.memory_space<hbm>> -> memref<10000x128xf32, #tpu.memory_space<hbm>>
          tpu.enqueue_indirect_dma source(%dma_start3A_200 : memref<10000x128xf32, #tpu.memory_space<hbm>>) target(%dma_start3A_194 : memref<128x128xf32, #tpu.memory_space<vmem>>) offsets(%dma_start3A_197 : memref<128xi32, #tpu.memory_space<vmem>>) semaphore(%arg17 : memref<!tpu.dma_semaphore, #tpu.memory_space<semaphore_mem>>)
        } else {
        }
      }
      %scan3A_72 = arith.constant 20 : i32
      %barrier3A_73 = arith.constant 0 : index
      tpu.barrier barrier_id(%barrier3A_73)
      "tpu.region"() ({
        %run_scoped3A = tpu.sem_alloc : memref<!tpu.dma_semaphore, #tpu.memory_space<semaphore_mem>>
        %dma_start3A_144 = arith.constant 0 : i32
        %dma_start3A_145 = tpu.memref_slice %arg9[%mul3A_2, %dma_start3A_144] : memref<10112x128xf32, #tpu.memory_space<hbm>> -> memref<632x128xf32, #tpu.memory_space<hbm>>
        %dma_start3A_146 = arith.constant 0 : i32
        %dma_start3A_147 = tpu.memref_slice %arg16[%mul3A_2, %dma_start3A_146] : memref<10112x128xf32, #tpu.memory_space<vmem_shared>> -> memref<632x128xf32, #tpu.memory_space<vmem_shared>>
        tpu.enqueue_dma source(%dma_start3A_147 : memref<632x128xf32, #tpu.memory_space<vmem_shared>>) target(%dma_start3A_145 : memref<632x128xf32, #tpu.memory_space<hbm>>) target_semaphore(%run_scoped3A : memref<!tpu.dma_semaphore, #tpu.memory_space<semaphore_mem>>)
        %dma_wait3A = arith.constant 0 : i32
        %dma_wait3A_148 = tpu.memref_slice %arg9[%mul3A_2, %dma_wait3A] : memref<10112x128xf32, #tpu.memory_space<hbm>> -> memref<632x128xf32, #tpu.memory_space<hbm>>
        %dma_wait3A_149 = arith.constant 0 : i32
        %dma_wait3A_150 = tpu.memref_slice %arg16[%mul3A_2, %dma_wait3A_149] : memref<10112x128xf32, #tpu.memory_space<vmem_shared>> -> memref<632x128xf32, #tpu.memory_space<vmem_shared>>
        tpu.wait_dma2 semaphore(%run_scoped3A : memref<!tpu.dma_semaphore, #tpu.memory_space<semaphore_mem>>) src(%dma_wait3A_150 : memref<632x128xf32, #tpu.memory_space<vmem_shared>>) dst(%dma_wait3A_148 : memref<632x128xf32, #tpu.memory_space<hbm>>)
        tpu.yield
      }) : () -> ()
      %barrier3A_74 = arith.constant 0 : index
      tpu.barrier barrier_id(%barrier3A_74)
      %mul3A_75 = arith.constant 80 : i32
      %mul3A_76 = arith.muli %arg1, %mul3A_75 : i32
      "tpu.region"() ({
        %run_scoped3A = tpu.sem_alloc : memref<!tpu.dma_semaphore, #tpu.memory_space<semaphore_mem>>
        %dma_start3A_144 = arith.constant 0 : i32
        %dma_start3A_145 = tpu.memref_slice %arg16[%mul3A_0, %dma_start3A_144] : memref<10112x128xf32, #tpu.memory_space<vmem_shared>> -> memref<632x128xf32, #tpu.memory_space<vmem_shared>>
        %dma_start3A_146 = arith.constant 0 : i32
        %dma_start3A_147 = tpu.memref_slice %arg8[%mul3A_0, %dma_start3A_146] : memref<10112x128xf32, #tpu.memory_space<hbm>> -> memref<632x128xf32, #tpu.memory_space<hbm>>
        tpu.enqueue_dma source(%dma_start3A_147 : memref<632x128xf32, #tpu.memory_space<hbm>>) target(%dma_start3A_145 : memref<632x128xf32, #tpu.memory_space<vmem_shared>>) target_semaphore(%run_scoped3A : memref<!tpu.dma_semaphore, #tpu.memory_space<semaphore_mem>>)
        %dma_wait3A = arith.constant 0 : i32
        %dma_wait3A_148 = tpu.memref_slice %arg16[%mul3A_0, %dma_wait3A] : memref<10112x128xf32, #tpu.memory_space<vmem_shared>> -> memref<632x128xf32, #tpu.memory_space<vmem_shared>>
        %dma_wait3A_149 = arith.constant 0 : i32
        %dma_wait3A_150 = tpu.memref_slice %arg8[%mul3A_0, %dma_wait3A_149] : memref<10112x128xf32, #tpu.memory_space<hbm>> -> memref<632x128xf32, #tpu.memory_space<hbm>>
        tpu.wait_dma2 semaphore(%run_scoped3A : memref<!tpu.dma_semaphore, #tpu.memory_space<semaphore_mem>>) src(%dma_wait3A_150 : memref<632x128xf32, #tpu.memory_space<hbm>>) dst(%dma_wait3A_148 : memref<632x128xf32, #tpu.memory_space<vmem_shared>>)
        tpu.yield
      }) : () -> ()
      %add3A_77 = arith.constant 0 : i32
      %add3A_78 = arith.addi %mul3A_76, %add3A_77 : i32
      "tpu.region"() ({
        %run_scoped3A = tpu.sem_alloc : memref<!tpu.dma_semaphore, #tpu.memory_space<semaphore_mem>>
        %dma_start3A_144 = arith.constant 0 : i32
        %dma_start3A_145 = tpu.memref_slice %arg6[%add3A_78, %dma_start3A_144] : memref<1280x128xi32, #tpu.memory_space<hbm>> -> memref<40x128xi32, #tpu.memory_space<hbm>>
        %dma_start3A_146 = arith.constant 0 : i32
        %dma_start3A_147 = tpu.memref_slice %arg6[%add3A_78, %dma_start3A_146] : memref<1280x128xi32, #tpu.memory_space<hbm>> -> memref<40x128xi32, #tpu.memory_space<hbm>>
        tpu.enqueue_dma source(%dma_start3A_147 : memref<40x128xi32, #tpu.memory_space<hbm>>) target(%arg13 : memref<40x128xi32, #tpu.memory_space<vmem>>) target_semaphore(%run_scoped3A : memref<!tpu.dma_semaphore, #tpu.memory_space<semaphore_mem>>)
        %dma_wait3A = arith.constant 0 : i32
        %dma_wait3A_148 = tpu.memref_slice %arg6[%add3A_78, %dma_wait3A] : memref<1280x128xi32, #tpu.memory_space<hbm>> -> memref<40x128xi32, #tpu.memory_space<hbm>>
        %dma_wait3A_149 = arith.constant 0 : i32
        %dma_wait3A_150 = tpu.memref_slice %arg6[%add3A_78, %dma_wait3A_149] : memref<1280x128xi32, #tpu.memory_space<hbm>> -> memref<40x128xi32, #tpu.memory_space<hbm>>
        tpu.wait_dma2 semaphore(%run_scoped3A : memref<!tpu.dma_semaphore, #tpu.memory_space<semaphore_mem>>) src(%dma_wait3A_150 : memref<40x128xi32, #tpu.memory_space<hbm>>) dst(%arg13 : memref<40x128xi32, #tpu.memory_space<vmem>>)
        tpu.yield
      }) : () -> ()
      "tpu.region"() ({
        %run_scoped3A = tpu.sem_alloc : memref<!tpu.dma_semaphore, #tpu.memory_space<semaphore_mem>>
        %dma_start3A_144 = arith.constant 0 : i32
        %dma_start3A_145 = tpu.memref_slice %arg7[%add3A_78, %dma_start3A_144] : memref<1280x128xi32, #tpu.memory_space<hbm>> -> memref<40x128xi32, #tpu.memory_space<hbm>>
        %dma_start3A_146 = arith.constant 0 : i32
        %dma_start3A_147 = tpu.memref_slice %arg7[%add3A_78, %dma_start3A_146] : memref<1280x128xi32, #tpu.memory_space<hbm>> -> memref<40x128xi32, #tpu.memory_space<hbm>>
        tpu.enqueue_dma source(%dma_start3A_147 : memref<40x128xi32, #tpu.memory_space<hbm>>) target(%arg14 : memref<40x128xi32, #tpu.memory_space<vmem>>) target_semaphore(%run_scoped3A : memref<!tpu.dma_semaphore, #tpu.memory_space<semaphore_mem>>)
        %dma_wait3A = arith.constant 0 : i32
        %dma_wait3A_148 = tpu.memref_slice %arg7[%add3A_78, %dma_wait3A] : memref<1280x128xi32, #tpu.memory_space<hbm>> -> memref<40x128xi32, #tpu.memory_space<hbm>>
        %dma_wait3A_149 = arith.constant 0 : i32
        %dma_wait3A_150 = tpu.memref_slice %arg7[%add3A_78, %dma_wait3A_149] : memref<1280x128xi32, #tpu.memory_space<hbm>> -> memref<40x128xi32, #tpu.memory_space<hbm>>
        tpu.wait_dma2 semaphore(%run_scoped3A : memref<!tpu.dma_semaphore, #tpu.memory_space<semaphore_mem>>) src(%dma_wait3A_150 : memref<40x128xi32, #tpu.memory_space<hbm>>) dst(%arg14 : memref<40x128xi32, #tpu.memory_space<vmem>>)
        tpu.yield
      }) : () -> ()
      %barrier3A_79 = arith.constant 0 : index
      tpu.barrier barrier_id(%barrier3A_79)
      %dma_start3A_80 = arith.constant 0 : i32
      %dma_start3A_81 = arith.constant 0 : i32
      %dma_start3A_82 = arith.constant 0 : i32
      %dma_start3A_83 = arith.constant 0 : i32
      %dma_start3A_84 = tpu.memref_slice %arg15[%dma_start3A_81, %dma_start3A_82, %dma_start3A_83] : memref<2x128x128xf32, #tpu.memory_space<vmem>> -> memref<1x128x128xf32, #tpu.memory_space<vmem>>
      %dma_start3A_85 = tpu.memref_squeeze %dma_start3A_84 : memref<1x128x128xf32, #tpu.memory_space<vmem>> -> memref<128x128xf32, #tpu.memory_space<vmem>>
      %dma_start3A_86 = arith.constant 0 : i32
      %dma_start3A_87 = tpu.memref_slice %arg13[%dma_start3A_80, %dma_start3A_86] : memref<40x128xi32, #tpu.memory_space<vmem>> -> memref<1x128xi32, #tpu.memory_space<vmem>>
      %dma_start3A_88 = tpu.memref_squeeze %dma_start3A_87 : memref<1x128xi32, #tpu.memory_space<vmem>> -> memref<128xi32, #tpu.memory_space<vmem>>
      %dma_start3A_89 = arith.constant 0 : i32
      %dma_start3A_90 = arith.constant 0 : i32
      %dma_start3A_91 = tpu.memref_slice %arg3[%dma_start3A_89, %dma_start3A_90] : memref<10000x128xf32, #tpu.memory_space<hbm>> -> memref<10000x128xf32, #tpu.memory_space<hbm>>
      tpu.enqueue_indirect_dma source(%dma_start3A_91 : memref<10000x128xf32, #tpu.memory_space<hbm>>) target(%dma_start3A_85 : memref<128x128xf32, #tpu.memory_space<vmem>>) offsets(%dma_start3A_88 : memref<128xi32, #tpu.memory_space<vmem>>) semaphore(%arg17 : memref<!tpu.dma_semaphore, #tpu.memory_space<semaphore_mem>>)
      %dma_start3A_92 = arith.constant 1 : i32
      %dma_start3A_93 = arith.constant 1 : i32
      %dma_start3A_94 = arith.constant 0 : i32
      %dma_start3A_95 = arith.constant 0 : i32
      %dma_start3A_96 = tpu.memref_slice %arg15[%dma_start3A_93, %dma_start3A_94, %dma_start3A_95] : memref<2x128x128xf32, #tpu.memory_space<vmem>> -> memref<1x128x128xf32, #tpu.memory_space<vmem>>
      %dma_start3A_97 = tpu.memref_squeeze %dma_start3A_96 : memref<1x128x128xf32, #tpu.memory_space<vmem>> -> memref<128x128xf32, #tpu.memory_space<vmem>>
      %dma_start3A_98 = arith.constant 0 : i32
      %dma_start3A_99 = tpu.memref_slice %arg13[%dma_start3A_92, %dma_start3A_98] : memref<40x128xi32, #tpu.memory_space<vmem>> -> memref<1x128xi32, #tpu.memory_space<vmem>>
      %dma_start3A_100 = tpu.memref_squeeze %dma_start3A_99 : memref<1x128xi32, #tpu.memory_space<vmem>> -> memref<128xi32, #tpu.memory_space<vmem>>
      %dma_start3A_101 = arith.constant 0 : i32
      %dma_start3A_102 = arith.constant 0 : i32
      %dma_start3A_103 = tpu.memref_slice %arg3[%dma_start3A_101, %dma_start3A_102] : memref<10000x128xf32, #tpu.memory_space<hbm>> -> memref<10000x128xf32, #tpu.memory_space<hbm>>
      tpu.enqueue_indirect_dma source(%dma_start3A_103 : memref<10000x128xf32, #tpu.memory_space<hbm>>) target(%dma_start3A_97 : memref<128x128xf32, #tpu.memory_space<vmem>>) offsets(%dma_start3A_100 : memref<128xi32, #tpu.memory_space<vmem>>) semaphore(%arg17 : memref<!tpu.dma_semaphore, #tpu.memory_space<semaphore_mem>>)
      %scan3A_104 = arith.constant 0 : i32
      %scan3A_105 = arith.constant 0 : i32
      %scan3A_106 = arith.constant 20 : i32
      %scan3A_107 = arith.addi %scan3A_105, %scan3A_106 : i32
      %scan3A_108 = arith.constant 1 : i32
      scf.for %scan3A_144 = %scan3A_105 to %scan3A_107 step %scan3A_108  : i32 {
        %mul3A_145 = arith.constant 2 : i32
        %mul3A_146 = arith.muli %scan3A_144, %mul3A_145 : i32
        %add3A_147 = arith.constant 0 : i32
        %add3A_148 = arith.addi %mul3A_146, %add3A_147 : i32
        %dma_wait3A = arith.constant 0 : i32
        %dma_wait3A_149 = arith.constant 0 : i32
        %dma_wait3A_150 = arith.constant 0 : i32
        %dma_wait3A_151 = tpu.memref_slice %arg15[%dma_wait3A, %dma_wait3A_149, %dma_wait3A_150] : memref<2x128x128xf32, #tpu.memory_space<vmem>> -> memref<1x128x128xf32, #tpu.memory_space<vmem>>
        %dma_wait3A_152 = tpu.memref_squeeze %dma_wait3A_151 : memref<1x128x128xf32, #tpu.memory_space<vmem>> -> memref<128x128xf32, #tpu.memory_space<vmem>>
        %dma_wait3A_153 = arith.constant 0 : i32
        %dma_wait3A_154 = tpu.memref_slice %arg13[%add3A_148, %dma_wait3A_153] : memref<40x128xi32, #tpu.memory_space<vmem>> -> memref<1x128xi32, #tpu.memory_space<vmem>>
        %dma_wait3A_155 = tpu.memref_squeeze %dma_wait3A_154 : memref<1x128xi32, #tpu.memory_space<vmem>> -> memref<128xi32, #tpu.memory_space<vmem>>
        %dma_wait3A_156 = arith.constant 0 : i32
        %dma_wait3A_157 = arith.constant 0 : i32
        %dma_wait3A_158 = tpu.memref_slice %arg3[%dma_wait3A_156, %dma_wait3A_157] : memref<10000x128xf32, #tpu.memory_space<hbm>> -> memref<10000x128xf32, #tpu.memory_space<hbm>>
        tpu.wait_indirect_dma semaphore(%arg17 : memref<!tpu.dma_semaphore, #tpu.memory_space<semaphore_mem>>) src(%dma_wait3A_158 : memref<10000x128xf32, #tpu.memory_space<hbm>>) dst(%dma_wait3A_152 : memref<128x128xf32, #tpu.memory_space<vmem>>)
        %run_scoped3A = arith.constant 0 : i32
        "tpu.region"() ({
          %run_scoped3A_188 = tpu.sem_alloc : memref<!tpu.dma_semaphore, #tpu.memory_space<semaphore_mem>>
          %dma_start3A_189 = arith.constant 0 : i32
          %dma_start3A_190 = arith.constant 0 : i32
          %dma_start3A_191 = tpu.memref_slice %arg15[%run_scoped3A, %dma_start3A_189, %dma_start3A_190] : memref<2x128x128xf32, #tpu.memory_space<vmem>> -> memref<1x128x128xf32, #tpu.memory_space<vmem>>
          %dma_start3A_192 = tpu.memref_squeeze %dma_start3A_191 : memref<1x128x128xf32, #tpu.memory_space<vmem>> -> memref<128x128xf32, #tpu.memory_space<vmem>>
          %dma_start3A_193 = arith.constant 0 : i32
          %dma_start3A_194 = tpu.memref_slice %arg14[%add3A_148, %dma_start3A_193] : memref<40x128xi32, #tpu.memory_space<vmem>> -> memref<1x128xi32, #tpu.memory_space<vmem>>
          %dma_start3A_195 = tpu.memref_squeeze %dma_start3A_194 : memref<1x128xi32, #tpu.memory_space<vmem>> -> memref<128xi32, #tpu.memory_space<vmem>>
          %dma_start3A_196 = arith.constant 0 : i32
          %dma_start3A_197 = arith.constant 0 : i32
          %dma_start3A_198 = tpu.memref_slice %arg16[%dma_start3A_196, %dma_start3A_197] : memref<10112x128xf32, #tpu.memory_space<vmem_shared>> -> memref<10112x128xf32, #tpu.memory_space<vmem_shared>>
          tpu.enqueue_indirect_dma source(%dma_start3A_192 : memref<128x128xf32, #tpu.memory_space<vmem>>) target(%dma_start3A_198 : memref<10112x128xf32, #tpu.memory_space<vmem_shared>>) offsets(%dma_start3A_195 : memref<128xi32, #tpu.memory_space<vmem>>) semaphore(%run_scoped3A_188 : memref<!tpu.dma_semaphore, #tpu.memory_space<semaphore_mem>>) {add = true}
          %dma_wait3A_199 = arith.constant 0 : i32
          %dma_wait3A_200 = arith.constant 0 : i32
          %dma_wait3A_201 = tpu.memref_slice %arg15[%run_scoped3A, %dma_wait3A_199, %dma_wait3A_200] : memref<2x128x128xf32, #tpu.memory_space<vmem>> -> memref<1x128x128xf32, #tpu.memory_space<vmem>>
          %dma_wait3A_202 = tpu.memref_squeeze %dma_wait3A_201 : memref<1x128x128xf32, #tpu.memory_space<vmem>> -> memref<128x128xf32, #tpu.memory_space<vmem>>
          %dma_wait3A_203 = arith.constant 0 : i32
          %dma_wait3A_204 = tpu.memref_slice %arg14[%add3A_148, %dma_wait3A_203] : memref<40x128xi32, #tpu.memory_space<vmem>> -> memref<1x128xi32, #tpu.memory_space<vmem>>
          %dma_wait3A_205 = tpu.memref_squeeze %dma_wait3A_204 : memref<1x128xi32, #tpu.memory_space<vmem>> -> memref<128xi32, #tpu.memory_space<vmem>>
          %dma_wait3A_206 = arith.constant 0 : i32
          %dma_wait3A_207 = arith.constant 0 : i32
          %dma_wait3A_208 = tpu.memref_slice %arg16[%dma_wait3A_206, %dma_wait3A_207] : memref<10112x128xf32, #tpu.memory_space<vmem_shared>> -> memref<10112x128xf32, #tpu.memory_space<vmem_shared>>
          tpu.wait_indirect_dma semaphore(%run_scoped3A_188 : memref<!tpu.dma_semaphore, #tpu.memory_space<semaphore_mem>>) src(%dma_wait3A_202 : memref<128x128xf32, #tpu.memory_space<vmem>>) dst(%dma_wait3A_208 : memref<10112x128xf32, #tpu.memory_space<vmem_shared>>)
          tpu.yield
        }) : () -> ()
        %add3A_159 = arith.constant 2 : i32
        %add3A_160 = arith.addi %add3A_148, %add3A_159 : i32
        %lt3A = arith.constant 40 : i32
        %lt3A_161 = arith.cmpi slt, %add3A_160, %lt3A : i32
        %convert_element_type3A_162 = arith.extui %lt3A_161 : i1 to i32
        %cond3A_163 = arith.constant 0 : i32
        %cond3A_164 = arith.cmpi ne, %convert_element_type3A_162, %cond3A_163 : i32
        scf.if %cond3A_164 {
          %add3A_188 = arith.constant 2 : i32
          %add3A_189 = arith.addi %add3A_148, %add3A_188 : i32
          %dma_start3A_190 = arith.constant 0 : i32
          %dma_start3A_191 = arith.constant 0 : i32
          %dma_start3A_192 = arith.constant 0 : i32
          %dma_start3A_193 = tpu.memref_slice %arg15[%dma_start3A_190, %dma_start3A_191, %dma_start3A_192] : memref<2x128x128xf32, #tpu.memory_space<vmem>> -> memref<1x128x128xf32, #tpu.memory_space<vmem>>
          %dma_start3A_194 = tpu.memref_squeeze %dma_start3A_193 : memref<1x128x128xf32, #tpu.memory_space<vmem>> -> memref<128x128xf32, #tpu.memory_space<vmem>>
          %dma_start3A_195 = arith.constant 0 : i32
          %dma_start3A_196 = tpu.memref_slice %arg13[%add3A_189, %dma_start3A_195] : memref<40x128xi32, #tpu.memory_space<vmem>> -> memref<1x128xi32, #tpu.memory_space<vmem>>
          %dma_start3A_197 = tpu.memref_squeeze %dma_start3A_196 : memref<1x128xi32, #tpu.memory_space<vmem>> -> memref<128xi32, #tpu.memory_space<vmem>>
          %dma_start3A_198 = arith.constant 0 : i32
          %dma_start3A_199 = arith.constant 0 : i32
          %dma_start3A_200 = tpu.memref_slice %arg3[%dma_start3A_198, %dma_start3A_199] : memref<10000x128xf32, #tpu.memory_space<hbm>> -> memref<10000x128xf32, #tpu.memory_space<hbm>>
          tpu.enqueue_indirect_dma source(%dma_start3A_200 : memref<10000x128xf32, #tpu.memory_space<hbm>>) target(%dma_start3A_194 : memref<128x128xf32, #tpu.memory_space<vmem>>) offsets(%dma_start3A_197 : memref<128xi32, #tpu.memory_space<vmem>>) semaphore(%arg17 : memref<!tpu.dma_semaphore, #tpu.memory_space<semaphore_mem>>)
        } else {
        }
        %mul3A_165 = arith.constant 2 : i32
        %mul3A_166 = arith.muli %scan3A_144, %mul3A_165 : i32
        %add3A_167 = arith.constant 1 : i32
        %add3A_168 = arith.addi %mul3A_166, %add3A_167 : i32
        %dma_wait3A_169 = arith.constant 1 : i32
        %dma_wait3A_170 = arith.constant 0 : i32
        %dma_wait3A_171 = arith.constant 0 : i32
        %dma_wait3A_172 = tpu.memref_slice %arg15[%dma_wait3A_169, %dma_wait3A_170, %dma_wait3A_171] : memref<2x128x128xf32, #tpu.memory_space<vmem>> -> memref<1x128x128xf32, #tpu.memory_space<vmem>>
        %dma_wait3A_173 = tpu.memref_squeeze %dma_wait3A_172 : memref<1x128x128xf32, #tpu.memory_space<vmem>> -> memref<128x128xf32, #tpu.memory_space<vmem>>
        %dma_wait3A_174 = arith.constant 0 : i32
        %dma_wait3A_175 = tpu.memref_slice %arg13[%add3A_168, %dma_wait3A_174] : memref<40x128xi32, #tpu.memory_space<vmem>> -> memref<1x128xi32, #tpu.memory_space<vmem>>
        %dma_wait3A_176 = tpu.memref_squeeze %dma_wait3A_175 : memref<1x128xi32, #tpu.memory_space<vmem>> -> memref<128xi32, #tpu.memory_space<vmem>>
        %dma_wait3A_177 = arith.constant 0 : i32
        %dma_wait3A_178 = arith.constant 0 : i32
        %dma_wait3A_179 = tpu.memref_slice %arg3[%dma_wait3A_177, %dma_wait3A_178] : memref<10000x128xf32, #tpu.memory_space<hbm>> -> memref<10000x128xf32, #tpu.memory_space<hbm>>
        tpu.wait_indirect_dma semaphore(%arg17 : memref<!tpu.dma_semaphore, #tpu.memory_space<semaphore_mem>>) src(%dma_wait3A_179 : memref<10000x128xf32, #tpu.memory_space<hbm>>) dst(%dma_wait3A_173 : memref<128x128xf32, #tpu.memory_space<vmem>>)
        %run_scoped3A_180 = arith.constant 1 : i32
        "tpu.region"() ({
          %run_scoped3A_188 = tpu.sem_alloc : memref<!tpu.dma_semaphore, #tpu.memory_space<semaphore_mem>>
          %dma_start3A_189 = arith.constant 0 : i32
          %dma_start3A_190 = arith.constant 0 : i32
          %dma_start3A_191 = tpu.memref_slice %arg15[%run_scoped3A_180, %dma_start3A_189, %dma_start3A_190] : memref<2x128x128xf32, #tpu.memory_space<vmem>> -> memref<1x128x128xf32, #tpu.memory_space<vmem>>
          %dma_start3A_192 = tpu.memref_squeeze %dma_start3A_191 : memref<1x128x128xf32, #tpu.memory_space<vmem>> -> memref<128x128xf32, #tpu.memory_space<vmem>>
          %dma_start3A_193 = arith.constant 0 : i32
          %dma_start3A_194 = tpu.memref_slice %arg14[%add3A_168, %dma_start3A_193] : memref<40x128xi32, #tpu.memory_space<vmem>> -> memref<1x128xi32, #tpu.memory_space<vmem>>
          %dma_start3A_195 = tpu.memref_squeeze %dma_start3A_194 : memref<1x128xi32, #tpu.memory_space<vmem>> -> memref<128xi32, #tpu.memory_space<vmem>>
          %dma_start3A_196 = arith.constant 0 : i32
          %dma_start3A_197 = arith.constant 0 : i32
          %dma_start3A_198 = tpu.memref_slice %arg16[%dma_start3A_196, %dma_start3A_197] : memref<10112x128xf32, #tpu.memory_space<vmem_shared>> -> memref<10112x128xf32, #tpu.memory_space<vmem_shared>>
          tpu.enqueue_indirect_dma source(%dma_start3A_192 : memref<128x128xf32, #tpu.memory_space<vmem>>) target(%dma_start3A_198 : memref<10112x128xf32, #tpu.memory_space<vmem_shared>>) offsets(%dma_start3A_195 : memref<128xi32, #tpu.memory_space<vmem>>) semaphore(%run_scoped3A_188 : memref<!tpu.dma_semaphore, #tpu.memory_space<semaphore_mem>>) {add = true}
          %dma_wait3A_199 = arith.constant 0 : i32
          %dma_wait3A_200 = arith.constant 0 : i32
          %dma_wait3A_201 = tpu.memref_slice %arg15[%run_scoped3A_180, %dma_wait3A_199, %dma_wait3A_200] : memref<2x128x128xf32, #tpu.memory_space<vmem>> -> memref<1x128x128xf32, #tpu.memory_space<vmem>>
          %dma_wait3A_202 = tpu.memref_squeeze %dma_wait3A_201 : memref<1x128x128xf32, #tpu.memory_space<vmem>> -> memref<128x128xf32, #tpu.memory_space<vmem>>
          %dma_wait3A_203 = arith.constant 0 : i32
          %dma_wait3A_204 = tpu.memref_slice %arg14[%add3A_168, %dma_wait3A_203] : memref<40x128xi32, #tpu.memory_space<vmem>> -> memref<1x128xi32, #tpu.memory_space<vmem>>
          %dma_wait3A_205 = tpu.memref_squeeze %dma_wait3A_204 : memref<1x128xi32, #tpu.memory_space<vmem>> -> memref<128xi32, #tpu.memory_space<vmem>>
          %dma_wait3A_206 = arith.constant 0 : i32
          %dma_wait3A_207 = arith.constant 0 : i32
          %dma_wait3A_208 = tpu.memref_slice %arg16[%dma_wait3A_206, %dma_wait3A_207] : memref<10112x128xf32, #tpu.memory_space<vmem_shared>> -> memref<10112x128xf32, #tpu.memory_space<vmem_shared>>
          tpu.wait_indirect_dma semaphore(%run_scoped3A_188 : memref<!tpu.dma_semaphore, #tpu.memory_space<semaphore_mem>>) src(%dma_wait3A_202 : memref<128x128xf32, #tpu.memory_space<vmem>>) dst(%dma_wait3A_208 : memref<10112x128xf32, #tpu.memory_space<vmem_shared>>)
          tpu.yield
        }) : () -> ()
        %add3A_181 = arith.constant 2 : i32
        %add3A_182 = arith.addi %add3A_168, %add3A_181 : i32
        %lt3A_183 = arith.constant 40 : i32
        %lt3A_184 = arith.cmpi slt, %add3A_182, %lt3A_183 : i32
        %convert_element_type3A_185 = arith.extui %lt3A_184 : i1 to i32
        %cond3A_186 = arith.constant 0 : i32
        %cond3A_187 = arith.cmpi ne, %convert_element_type3A_185, %cond3A_186 : i32
        scf.if %cond3A_187 {
          %add3A_188 = arith.constant 2 : i32
          %add3A_189 = arith.addi %add3A_168, %add3A_188 : i32
          %dma_start3A_190 = arith.constant 1 : i32
          %dma_start3A_191 = arith.constant 0 : i32
          %dma_start3A_192 = arith.constant 0 : i32
          %dma_start3A_193 = tpu.memref_slice %arg15[%dma_start3A_190, %dma_start3A_191, %dma_start3A_192] : memref<2x128x128xf32, #tpu.memory_space<vmem>> -> memref<1x128x128xf32, #tpu.memory_space<vmem>>
          %dma_start3A_194 = tpu.memref_squeeze %dma_start3A_193 : memref<1x128x128xf32, #tpu.memory_space<vmem>> -> memref<128x128xf32, #tpu.memory_space<vmem>>
          %dma_start3A_195 = arith.constant 0 : i32
          %dma_start3A_196 = tpu.memref_slice %arg13[%add3A_189, %dma_start3A_195] : memref<40x128xi32, #tpu.memory_space<vmem>> -> memref<1x128xi32, #tpu.memory_space<vmem>>
          %dma_start3A_197 = tpu.memref_squeeze %dma_start3A_196 : memref<1x128xi32, #tpu.memory_space<vmem>> -> memref<128xi32, #tpu.memory_space<vmem>>
          %dma_start3A_198 = arith.constant 0 : i32
          %dma_start3A_199 = arith.constant 0 : i32
          %dma_start3A_200 = tpu.memref_slice %arg3[%dma_start3A_198, %dma_start3A_199] : memref<10000x128xf32, #tpu.memory_space<hbm>> -> memref<10000x128xf32, #tpu.memory_space<hbm>>
          tpu.enqueue_indirect_dma source(%dma_start3A_200 : memref<10000x128xf32, #tpu.memory_space<hbm>>) target(%dma_start3A_194 : memref<128x128xf32, #tpu.memory_space<vmem>>) offsets(%dma_start3A_197 : memref<128xi32, #tpu.memory_space<vmem>>) semaphore(%arg17 : memref<!tpu.dma_semaphore, #tpu.memory_space<semaphore_mem>>)
        } else {
        }
      }
      %scan3A_109 = arith.constant 20 : i32
      %add3A_110 = arith.constant 40 : i32
      %add3A_111 = arith.addi %mul3A_76, %add3A_110 : i32
      "tpu.region"() ({
        %run_scoped3A = tpu.sem_alloc : memref<!tpu.dma_semaphore, #tpu.memory_space<semaphore_mem>>
        %dma_start3A_144 = arith.constant 0 : i32
        %dma_start3A_145 = tpu.memref_slice %arg6[%add3A_111, %dma_start3A_144] : memref<1280x128xi32, #tpu.memory_space<hbm>> -> memref<40x128xi32, #tpu.memory_space<hbm>>
        %dma_start3A_146 = arith.constant 0 : i32
        %dma_start3A_147 = tpu.memref_slice %arg6[%add3A_111, %dma_start3A_146] : memref<1280x128xi32, #tpu.memory_space<hbm>> -> memref<40x128xi32, #tpu.memory_space<hbm>>
        tpu.enqueue_dma source(%dma_start3A_147 : memref<40x128xi32, #tpu.memory_space<hbm>>) target(%arg13 : memref<40x128xi32, #tpu.memory_space<vmem>>) target_semaphore(%run_scoped3A : memref<!tpu.dma_semaphore, #tpu.memory_space<semaphore_mem>>)
        %dma_wait3A = arith.constant 0 : i32
        %dma_wait3A_148 = tpu.memref_slice %arg6[%add3A_111, %dma_wait3A] : memref<1280x128xi32, #tpu.memory_space<hbm>> -> memref<40x128xi32, #tpu.memory_space<hbm>>
        %dma_wait3A_149 = arith.constant 0 : i32
        %dma_wait3A_150 = tpu.memref_slice %arg6[%add3A_111, %dma_wait3A_149] : memref<1280x128xi32, #tpu.memory_space<hbm>> -> memref<40x128xi32, #tpu.memory_space<hbm>>
        tpu.wait_dma2 semaphore(%run_scoped3A : memref<!tpu.dma_semaphore, #tpu.memory_space<semaphore_mem>>) src(%dma_wait3A_150 : memref<40x128xi32, #tpu.memory_space<hbm>>) dst(%arg13 : memref<40x128xi32, #tpu.memory_space<vmem>>)
        tpu.yield
      }) : () -> ()
      "tpu.region"() ({
        %run_scoped3A = tpu.sem_alloc : memref<!tpu.dma_semaphore, #tpu.memory_space<semaphore_mem>>
        %dma_start3A_144 = arith.constant 0 : i32
        %dma_start3A_145 = tpu.memref_slice %arg7[%add3A_111, %dma_start3A_144] : memref<1280x128xi32, #tpu.memory_space<hbm>> -> memref<40x128xi32, #tpu.memory_space<hbm>>
        %dma_start3A_146 = arith.constant 0 : i32
        %dma_start3A_147 = tpu.memref_slice %arg7[%add3A_111, %dma_start3A_146] : memref<1280x128xi32, #tpu.memory_space<hbm>> -> memref<40x128xi32, #tpu.memory_space<hbm>>
        tpu.enqueue_dma source(%dma_start3A_147 : memref<40x128xi32, #tpu.memory_space<hbm>>) target(%arg14 : memref<40x128xi32, #tpu.memory_space<vmem>>) target_semaphore(%run_scoped3A : memref<!tpu.dma_semaphore, #tpu.memory_space<semaphore_mem>>)
        %dma_wait3A = arith.constant 0 : i32
        %dma_wait3A_148 = tpu.memref_slice %arg7[%add3A_111, %dma_wait3A] : memref<1280x128xi32, #tpu.memory_space<hbm>> -> memref<40x128xi32, #tpu.memory_space<hbm>>
        %dma_wait3A_149 = arith.constant 0 : i32
        %dma_wait3A_150 = tpu.memref_slice %arg7[%add3A_111, %dma_wait3A_149] : memref<1280x128xi32, #tpu.memory_space<hbm>> -> memref<40x128xi32, #tpu.memory_space<hbm>>
        tpu.wait_dma2 semaphore(%run_scoped3A : memref<!tpu.dma_semaphore, #tpu.memory_space<semaphore_mem>>) src(%dma_wait3A_150 : memref<40x128xi32, #tpu.memory_space<hbm>>) dst(%arg14 : memref<40x128xi32, #tpu.memory_space<vmem>>)
        tpu.yield
      }) : () -> ()
      %dma_start3A_112 = arith.constant 0 : i32
      %dma_start3A_113 = arith.constant 0 : i32
      %dma_start3A_114 = arith.constant 0 : i32
      %dma_start3A_115 = arith.constant 0 : i32
      %dma_start3A_116 = tpu.memref_slice %arg15[%dma_start3A_113, %dma_start3A_114, %dma_start3A_115] : memref<2x128x128xf32, #tpu.memory_space<vmem>> -> memref<1x128x128xf32, #tpu.memory_space<vmem>>
      %dma_start3A_117 = tpu.memref_squeeze %dma_start3A_116 : memref<1x128x128xf32, #tpu.memory_space<vmem>> -> memref<128x128xf32, #tpu.memory_space<vmem>>
      %dma_start3A_118 = arith.constant 0 : i32
      %dma_start3A_119 = tpu.memref_slice %arg13[%dma_start3A_112, %dma_start3A_118] : memref<40x128xi32, #tpu.memory_space<vmem>> -> memref<1x128xi32, #tpu.memory_space<vmem>>
      %dma_start3A_120 = tpu.memref_squeeze %dma_start3A_119 : memref<1x128xi32, #tpu.memory_space<vmem>> -> memref<128xi32, #tpu.memory_space<vmem>>
      %dma_start3A_121 = arith.constant 0 : i32
      %dma_start3A_122 = arith.constant 0 : i32
      %dma_start3A_123 = tpu.memref_slice %arg3[%dma_start3A_121, %dma_start3A_122] : memref<10000x128xf32, #tpu.memory_space<hbm>> -> memref<10000x128xf32, #tpu.memory_space<hbm>>
      tpu.enqueue_indirect_dma source(%dma_start3A_123 : memref<10000x128xf32, #tpu.memory_space<hbm>>) target(%dma_start3A_117 : memref<128x128xf32, #tpu.memory_space<vmem>>) offsets(%dma_start3A_120 : memref<128xi32, #tpu.memory_space<vmem>>) semaphore(%arg17 : memref<!tpu.dma_semaphore, #tpu.memory_space<semaphore_mem>>)
      %dma_start3A_124 = arith.constant 1 : i32
      %dma_start3A_125 = arith.constant 1 : i32
      %dma_start3A_126 = arith.constant 0 : i32
      %dma_start3A_127 = arith.constant 0 : i32
      %dma_start3A_128 = tpu.memref_slice %arg15[%dma_start3A_125, %dma_start3A_126, %dma_start3A_127] : memref<2x128x128xf32, #tpu.memory_space<vmem>> -> memref<1x128x128xf32, #tpu.memory_space<vmem>>
      %dma_start3A_129 = tpu.memref_squeeze %dma_start3A_128 : memref<1x128x128xf32, #tpu.memory_space<vmem>> -> memref<128x128xf32, #tpu.memory_space<vmem>>
      %dma_start3A_130 = arith.constant 0 : i32
      %dma_start3A_131 = tpu.memref_slice %arg13[%dma_start3A_124, %dma_start3A_130] : memref<40x128xi32, #tpu.memory_space<vmem>> -> memref<1x128xi32, #tpu.memory_space<vmem>>
      %dma_start3A_132 = tpu.memref_squeeze %dma_start3A_131 : memref<1x128xi32, #tpu.memory_space<vmem>> -> memref<128xi32, #tpu.memory_space<vmem>>
      %dma_start3A_133 = arith.constant 0 : i32
      %dma_start3A_134 = arith.constant 0 : i32
      %dma_start3A_135 = tpu.memref_slice %arg3[%dma_start3A_133, %dma_start3A_134] : memref<10000x128xf32, #tpu.memory_space<hbm>> -> memref<10000x128xf32, #tpu.memory_space<hbm>>
      tpu.enqueue_indirect_dma source(%dma_start3A_135 : memref<10000x128xf32, #tpu.memory_space<hbm>>) target(%dma_start3A_129 : memref<128x128xf32, #tpu.memory_space<vmem>>) offsets(%dma_start3A_132 : memref<128xi32, #tpu.memory_space<vmem>>) semaphore(%arg17 : memref<!tpu.dma_semaphore, #tpu.memory_space<semaphore_mem>>)
      %scan3A_136 = arith.constant 0 : i32
      %scan3A_137 = arith.constant 0 : i32
      %scan3A_138 = arith.constant 20 : i32
      %scan3A_139 = arith.addi %scan3A_137, %scan3A_138 : i32
      %scan3A_140 = arith.constant 1 : i32
      scf.for %scan3A_144 = %scan3A_137 to %scan3A_139 step %scan3A_140  : i32 {
        %mul3A_145 = arith.constant 2 : i32
        %mul3A_146 = arith.muli %scan3A_144, %mul3A_145 : i32
        %add3A_147 = arith.constant 0 : i32
        %add3A_148 = arith.addi %mul3A_146, %add3A_147 : i32
        %dma_wait3A = arith.constant 0 : i32
        %dma_wait3A_149 = arith.constant 0 : i32
        %dma_wait3A_150 = arith.constant 0 : i32
        %dma_wait3A_151 = tpu.memref_slice %arg15[%dma_wait3A, %dma_wait3A_149, %dma_wait3A_150] : memref<2x128x128xf32, #tpu.memory_space<vmem>> -> memref<1x128x128xf32, #tpu.memory_space<vmem>>
        %dma_wait3A_152 = tpu.memref_squeeze %dma_wait3A_151 : memref<1x128x128xf32, #tpu.memory_space<vmem>> -> memref<128x128xf32, #tpu.memory_space<vmem>>
        %dma_wait3A_153 = arith.constant 0 : i32
        %dma_wait3A_154 = tpu.memref_slice %arg13[%add3A_148, %dma_wait3A_153] : memref<40x128xi32, #tpu.memory_space<vmem>> -> memref<1x128xi32, #tpu.memory_space<vmem>>
        %dma_wait3A_155 = tpu.memref_squeeze %dma_wait3A_154 : memref<1x128xi32, #tpu.memory_space<vmem>> -> memref<128xi32, #tpu.memory_space<vmem>>
        %dma_wait3A_156 = arith.constant 0 : i32
        %dma_wait3A_157 = arith.constant 0 : i32
        %dma_wait3A_158 = tpu.memref_slice %arg3[%dma_wait3A_156, %dma_wait3A_157] : memref<10000x128xf32, #tpu.memory_space<hbm>> -> memref<10000x128xf32, #tpu.memory_space<hbm>>
        tpu.wait_indirect_dma semaphore(%arg17 : memref<!tpu.dma_semaphore, #tpu.memory_space<semaphore_mem>>) src(%dma_wait3A_158 : memref<10000x128xf32, #tpu.memory_space<hbm>>) dst(%dma_wait3A_152 : memref<128x128xf32, #tpu.memory_space<vmem>>)
        %run_scoped3A = arith.constant 0 : i32
        "tpu.region"() ({
          %run_scoped3A_188 = tpu.sem_alloc : memref<!tpu.dma_semaphore, #tpu.memory_space<semaphore_mem>>
          %dma_start3A_189 = arith.constant 0 : i32
          %dma_start3A_190 = arith.constant 0 : i32
          %dma_start3A_191 = tpu.memref_slice %arg15[%run_scoped3A, %dma_start3A_189, %dma_start3A_190] : memref<2x128x128xf32, #tpu.memory_space<vmem>> -> memref<1x128x128xf32, #tpu.memory_space<vmem>>
          %dma_start3A_192 = tpu.memref_squeeze %dma_start3A_191 : memref<1x128x128xf32, #tpu.memory_space<vmem>> -> memref<128x128xf32, #tpu.memory_space<vmem>>
          %dma_start3A_193 = arith.constant 0 : i32
          %dma_start3A_194 = tpu.memref_slice %arg14[%add3A_148, %dma_start3A_193] : memref<40x128xi32, #tpu.memory_space<vmem>> -> memref<1x128xi32, #tpu.memory_space<vmem>>
          %dma_start3A_195 = tpu.memref_squeeze %dma_start3A_194 : memref<1x128xi32, #tpu.memory_space<vmem>> -> memref<128xi32, #tpu.memory_space<vmem>>
          %dma_start3A_196 = arith.constant 0 : i32
          %dma_start3A_197 = arith.constant 0 : i32
          %dma_start3A_198 = tpu.memref_slice %arg16[%dma_start3A_196, %dma_start3A_197] : memref<10112x128xf32, #tpu.memory_space<vmem_shared>> -> memref<10112x128xf32, #tpu.memory_space<vmem_shared>>
          tpu.enqueue_indirect_dma source(%dma_start3A_192 : memref<128x128xf32, #tpu.memory_space<vmem>>) target(%dma_start3A_198 : memref<10112x128xf32, #tpu.memory_space<vmem_shared>>) offsets(%dma_start3A_195 : memref<128xi32, #tpu.memory_space<vmem>>) semaphore(%run_scoped3A_188 : memref<!tpu.dma_semaphore, #tpu.memory_space<semaphore_mem>>) {add = true}
          %dma_wait3A_199 = arith.constant 0 : i32
          %dma_wait3A_200 = arith.constant 0 : i32
          %dma_wait3A_201 = tpu.memref_slice %arg15[%run_scoped3A, %dma_wait3A_199, %dma_wait3A_200] : memref<2x128x128xf32, #tpu.memory_space<vmem>> -> memref<1x128x128xf32, #tpu.memory_space<vmem>>
          %dma_wait3A_202 = tpu.memref_squeeze %dma_wait3A_201 : memref<1x128x128xf32, #tpu.memory_space<vmem>> -> memref<128x128xf32, #tpu.memory_space<vmem>>
          %dma_wait3A_203 = arith.constant 0 : i32
          %dma_wait3A_204 = tpu.memref_slice %arg14[%add3A_148, %dma_wait3A_203] : memref<40x128xi32, #tpu.memory_space<vmem>> -> memref<1x128xi32, #tpu.memory_space<vmem>>
          %dma_wait3A_205 = tpu.memref_squeeze %dma_wait3A_204 : memref<1x128xi32, #tpu.memory_space<vmem>> -> memref<128xi32, #tpu.memory_space<vmem>>
          %dma_wait3A_206 = arith.constant 0 : i32
          %dma_wait3A_207 = arith.constant 0 : i32
          %dma_wait3A_208 = tpu.memref_slice %arg16[%dma_wait3A_206, %dma_wait3A_207] : memref<10112x128xf32, #tpu.memory_space<vmem_shared>> -> memref<10112x128xf32, #tpu.memory_space<vmem_shared>>
          tpu.wait_indirect_dma semaphore(%run_scoped3A_188 : memref<!tpu.dma_semaphore, #tpu.memory_space<semaphore_mem>>) src(%dma_wait3A_202 : memref<128x128xf32, #tpu.memory_space<vmem>>) dst(%dma_wait3A_208 : memref<10112x128xf32, #tpu.memory_space<vmem_shared>>)
          tpu.yield
        }) : () -> ()
        %add3A_159 = arith.constant 2 : i32
        %add3A_160 = arith.addi %add3A_148, %add3A_159 : i32
        %lt3A = arith.constant 40 : i32
        %lt3A_161 = arith.cmpi slt, %add3A_160, %lt3A : i32
        %convert_element_type3A_162 = arith.extui %lt3A_161 : i1 to i32
        %cond3A_163 = arith.constant 0 : i32
        %cond3A_164 = arith.cmpi ne, %convert_element_type3A_162, %cond3A_163 : i32
        scf.if %cond3A_164 {
          %add3A_188 = arith.constant 2 : i32
          %add3A_189 = arith.addi %add3A_148, %add3A_188 : i32
          %dma_start3A_190 = arith.constant 0 : i32
          %dma_start3A_191 = arith.constant 0 : i32
          %dma_start3A_192 = arith.constant 0 : i32
          %dma_start3A_193 = tpu.memref_slice %arg15[%dma_start3A_190, %dma_start3A_191, %dma_start3A_192] : memref<2x128x128xf32, #tpu.memory_space<vmem>> -> memref<1x128x128xf32, #tpu.memory_space<vmem>>
          %dma_start3A_194 = tpu.memref_squeeze %dma_start3A_193 : memref<1x128x128xf32, #tpu.memory_space<vmem>> -> memref<128x128xf32, #tpu.memory_space<vmem>>
          %dma_start3A_195 = arith.constant 0 : i32
          %dma_start3A_196 = tpu.memref_slice %arg13[%add3A_189, %dma_start3A_195] : memref<40x128xi32, #tpu.memory_space<vmem>> -> memref<1x128xi32, #tpu.memory_space<vmem>>
          %dma_start3A_197 = tpu.memref_squeeze %dma_start3A_196 : memref<1x128xi32, #tpu.memory_space<vmem>> -> memref<128xi32, #tpu.memory_space<vmem>>
          %dma_start3A_198 = arith.constant 0 : i32
          %dma_start3A_199 = arith.constant 0 : i32
          %dma_start3A_200 = tpu.memref_slice %arg3[%dma_start3A_198, %dma_start3A_199] : memref<10000x128xf32, #tpu.memory_space<hbm>> -> memref<10000x128xf32, #tpu.memory_space<hbm>>
          tpu.enqueue_indirect_dma source(%dma_start3A_200 : memref<10000x128xf32, #tpu.memory_space<hbm>>) target(%dma_start3A_194 : memref<128x128xf32, #tpu.memory_space<vmem>>) offsets(%dma_start3A_197 : memref<128xi32, #tpu.memory_space<vmem>>) semaphore(%arg17 : memref<!tpu.dma_semaphore, #tpu.memory_space<semaphore_mem>>)
        } else {
        }
        %mul3A_165 = arith.constant 2 : i32
        %mul3A_166 = arith.muli %scan3A_144, %mul3A_165 : i32
        %add3A_167 = arith.constant 1 : i32
        %add3A_168 = arith.addi %mul3A_166, %add3A_167 : i32
        %dma_wait3A_169 = arith.constant 1 : i32
        %dma_wait3A_170 = arith.constant 0 : i32
        %dma_wait3A_171 = arith.constant 0 : i32
        %dma_wait3A_172 = tpu.memref_slice %arg15[%dma_wait3A_169, %dma_wait3A_170, %dma_wait3A_171] : memref<2x128x128xf32, #tpu.memory_space<vmem>> -> memref<1x128x128xf32, #tpu.memory_space<vmem>>
        %dma_wait3A_173 = tpu.memref_squeeze %dma_wait3A_172 : memref<1x128x128xf32, #tpu.memory_space<vmem>> -> memref<128x128xf32, #tpu.memory_space<vmem>>
        %dma_wait3A_174 = arith.constant 0 : i32
        %dma_wait3A_175 = tpu.memref_slice %arg13[%add3A_168, %dma_wait3A_174] : memref<40x128xi32, #tpu.memory_space<vmem>> -> memref<1x128xi32, #tpu.memory_space<vmem>>
        %dma_wait3A_176 = tpu.memref_squeeze %dma_wait3A_175 : memref<1x128xi32, #tpu.memory_space<vmem>> -> memref<128xi32, #tpu.memory_space<vmem>>
        %dma_wait3A_177 = arith.constant 0 : i32
        %dma_wait3A_178 = arith.constant 0 : i32
        %dma_wait3A_179 = tpu.memref_slice %arg3[%dma_wait3A_177, %dma_wait3A_178] : memref<10000x128xf32, #tpu.memory_space<hbm>> -> memref<10000x128xf32, #tpu.memory_space<hbm>>
        tpu.wait_indirect_dma semaphore(%arg17 : memref<!tpu.dma_semaphore, #tpu.memory_space<semaphore_mem>>) src(%dma_wait3A_179 : memref<10000x128xf32, #tpu.memory_space<hbm>>) dst(%dma_wait3A_173 : memref<128x128xf32, #tpu.memory_space<vmem>>)
        %run_scoped3A_180 = arith.constant 1 : i32
        "tpu.region"() ({
          %run_scoped3A_188 = tpu.sem_alloc : memref<!tpu.dma_semaphore, #tpu.memory_space<semaphore_mem>>
          %dma_start3A_189 = arith.constant 0 : i32
          %dma_start3A_190 = arith.constant 0 : i32
          %dma_start3A_191 = tpu.memref_slice %arg15[%run_scoped3A_180, %dma_start3A_189, %dma_start3A_190] : memref<2x128x128xf32, #tpu.memory_space<vmem>> -> memref<1x128x128xf32, #tpu.memory_space<vmem>>
          %dma_start3A_192 = tpu.memref_squeeze %dma_start3A_191 : memref<1x128x128xf32, #tpu.memory_space<vmem>> -> memref<128x128xf32, #tpu.memory_space<vmem>>
          %dma_start3A_193 = arith.constant 0 : i32
          %dma_start3A_194 = tpu.memref_slice %arg14[%add3A_168, %dma_start3A_193] : memref<40x128xi32, #tpu.memory_space<vmem>> -> memref<1x128xi32, #tpu.memory_space<vmem>>
          %dma_start3A_195 = tpu.memref_squeeze %dma_start3A_194 : memref<1x128xi32, #tpu.memory_space<vmem>> -> memref<128xi32, #tpu.memory_space<vmem>>
          %dma_start3A_196 = arith.constant 0 : i32
          %dma_start3A_197 = arith.constant 0 : i32
          %dma_start3A_198 = tpu.memref_slice %arg16[%dma_start3A_196, %dma_start3A_197] : memref<10112x128xf32, #tpu.memory_space<vmem_shared>> -> memref<10112x128xf32, #tpu.memory_space<vmem_shared>>
          tpu.enqueue_indirect_dma source(%dma_start3A_192 : memref<128x128xf32, #tpu.memory_space<vmem>>) target(%dma_start3A_198 : memref<10112x128xf32, #tpu.memory_space<vmem_shared>>) offsets(%dma_start3A_195 : memref<128xi32, #tpu.memory_space<vmem>>) semaphore(%run_scoped3A_188 : memref<!tpu.dma_semaphore, #tpu.memory_space<semaphore_mem>>) {add = true}
          %dma_wait3A_199 = arith.constant 0 : i32
          %dma_wait3A_200 = arith.constant 0 : i32
          %dma_wait3A_201 = tpu.memref_slice %arg15[%run_scoped3A_180, %dma_wait3A_199, %dma_wait3A_200] : memref<2x128x128xf32, #tpu.memory_space<vmem>> -> memref<1x128x128xf32, #tpu.memory_space<vmem>>
          %dma_wait3A_202 = tpu.memref_squeeze %dma_wait3A_201 : memref<1x128x128xf32, #tpu.memory_space<vmem>> -> memref<128x128xf32, #tpu.memory_space<vmem>>
          %dma_wait3A_203 = arith.constant 0 : i32
          %dma_wait3A_204 = tpu.memref_slice %arg14[%add3A_168, %dma_wait3A_203] : memref<40x128xi32, #tpu.memory_space<vmem>> -> memref<1x128xi32, #tpu.memory_space<vmem>>
          %dma_wait3A_205 = tpu.memref_squeeze %dma_wait3A_204 : memref<1x128xi32, #tpu.memory_space<vmem>> -> memref<128xi32, #tpu.memory_space<vmem>>
          %dma_wait3A_206 = arith.constant 0 : i32
          %dma_wait3A_207 = arith.constant 0 : i32
          %dma_wait3A_208 = tpu.memref_slice %arg16[%dma_wait3A_206, %dma_wait3A_207] : memref<10112x128xf32, #tpu.memory_space<vmem_shared>> -> memref<10112x128xf32, #tpu.memory_space<vmem_shared>>
          tpu.wait_indirect_dma semaphore(%run_scoped3A_188 : memref<!tpu.dma_semaphore, #tpu.memory_space<semaphore_mem>>) src(%dma_wait3A_202 : memref<128x128xf32, #tpu.memory_space<vmem>>) dst(%dma_wait3A_208 : memref<10112x128xf32, #tpu.memory_space<vmem_shared>>)
          tpu.yield
        }) : () -> ()
        %add3A_181 = arith.constant 2 : i32
        %add3A_182 = arith.addi %add3A_168, %add3A_181 : i32
        %lt3A_183 = arith.constant 40 : i32
        %lt3A_184 = arith.cmpi slt, %add3A_182, %lt3A_183 : i32
        %convert_element_type3A_185 = arith.extui %lt3A_184 : i1 to i32
        %cond3A_186 = arith.constant 0 : i32
        %cond3A_187 = arith.cmpi ne, %convert_element_type3A_185, %cond3A_186 : i32
        scf.if %cond3A_187 {
          %add3A_188 = arith.constant 2 : i32
          %add3A_189 = arith.addi %add3A_168, %add3A_188 : i32
          %dma_start3A_190 = arith.constant 1 : i32
          %dma_start3A_191 = arith.constant 0 : i32
          %dma_start3A_192 = arith.constant 0 : i32
          %dma_start3A_193 = tpu.memref_slice %arg15[%dma_start3A_190, %dma_start3A_191, %dma_start3A_192] : memref<2x128x128xf32, #tpu.memory_space<vmem>> -> memref<1x128x128xf32, #tpu.memory_space<vmem>>
          %dma_start3A_194 = tpu.memref_squeeze %dma_start3A_193 : memref<1x128x128xf32, #tpu.memory_space<vmem>> -> memref<128x128xf32, #tpu.memory_space<vmem>>
          %dma_start3A_195 = arith.constant 0 : i32
          %dma_start3A_196 = tpu.memref_slice %arg13[%add3A_189, %dma_start3A_195] : memref<40x128xi32, #tpu.memory_space<vmem>> -> memref<1x128xi32, #tpu.memory_space<vmem>>
          %dma_start3A_197 = tpu.memref_squeeze %dma_start3A_196 : memref<1x128xi32, #tpu.memory_space<vmem>> -> memref<128xi32, #tpu.memory_space<vmem>>
          %dma_start3A_198 = arith.constant 0 : i32
          %dma_start3A_199 = arith.constant 0 : i32
          %dma_start3A_200 = tpu.memref_slice %arg3[%dma_start3A_198, %dma_start3A_199] : memref<10000x128xf32, #tpu.memory_space<hbm>> -> memref<10000x128xf32, #tpu.memory_space<hbm>>
          tpu.enqueue_indirect_dma source(%dma_start3A_200 : memref<10000x128xf32, #tpu.memory_space<hbm>>) target(%dma_start3A_194 : memref<128x128xf32, #tpu.memory_space<vmem>>) offsets(%dma_start3A_197 : memref<128xi32, #tpu.memory_space<vmem>>) semaphore(%arg17 : memref<!tpu.dma_semaphore, #tpu.memory_space<semaphore_mem>>)
        } else {
        }
      }
      %scan3A_141 = arith.constant 20 : i32
      %barrier3A_142 = arith.constant 0 : index
      tpu.barrier barrier_id(%barrier3A_142)
      "tpu.region"() ({
        %run_scoped3A = tpu.sem_alloc : memref<!tpu.dma_semaphore, #tpu.memory_space<semaphore_mem>>
        %dma_start3A_144 = arith.constant 0 : i32
        %dma_start3A_145 = tpu.memref_slice %arg10[%mul3A_2, %dma_start3A_144] : memref<10112x128xf32, #tpu.memory_space<hbm>> -> memref<632x128xf32, #tpu.memory_space<hbm>>
        %dma_start3A_146 = arith.constant 0 : i32
        %dma_start3A_147 = tpu.memref_slice %arg16[%mul3A_2, %dma_start3A_146] : memref<10112x128xf32, #tpu.memory_space<vmem_shared>> -> memref<632x128xf32, #tpu.memory_space<vmem_shared>>
        tpu.enqueue_dma source(%dma_start3A_147 : memref<632x128xf32, #tpu.memory_space<vmem_shared>>) target(%dma_start3A_145 : memref<632x128xf32, #tpu.memory_space<hbm>>) target_semaphore(%run_scoped3A : memref<!tpu.dma_semaphore, #tpu.memory_space<semaphore_mem>>)
        %dma_wait3A = arith.constant 0 : i32
        %dma_wait3A_148 = tpu.memref_slice %arg10[%mul3A_2, %dma_wait3A] : memref<10112x128xf32, #tpu.memory_space<hbm>> -> memref<632x128xf32, #tpu.memory_space<hbm>>
        %dma_wait3A_149 = arith.constant 0 : i32
        %dma_wait3A_150 = tpu.memref_slice %arg16[%mul3A_2, %dma_wait3A_149] : memref<10112x128xf32, #tpu.memory_space<vmem_shared>> -> memref<632x128xf32, #tpu.memory_space<vmem_shared>>
        tpu.wait_dma2 semaphore(%run_scoped3A : memref<!tpu.dma_semaphore, #tpu.memory_space<semaphore_mem>>) src(%dma_wait3A_150 : memref<632x128xf32, #tpu.memory_space<vmem_shared>>) dst(%dma_wait3A_148 : memref<632x128xf32, #tpu.memory_space<hbm>>)
        tpu.yield
      }) : () -> ()
      %barrier3A_143 = arith.constant 0 : index
      tpu.barrier barrier_id(%barrier3A_143)
    } else {
    }
    %eq3A_5 = arith.constant 1 : i32
    %eq3A_6 = arith.cmpi eq, %arg0, %eq3A_5 : i32
    %convert_element_type3A_7 = arith.extui %eq3A_6 : i1 to i32
    %cond3A_8 = arith.constant 0 : i32
    %cond3A_9 = arith.cmpi ne, %convert_element_type3A_7, %cond3A_8 : i32
    scf.if %cond3A_9 {
      %mul3A_10 = arith.constant 80 : i32
      %mul3A_11 = arith.muli %arg1, %mul3A_10 : i32
      "tpu.region"() ({
        %run_scoped3A = tpu.sem_alloc : memref<!tpu.dma_semaphore, #tpu.memory_space<semaphore_mem>>
        %dma_start3A_144 = arith.constant 0 : i32
        %dma_start3A_145 = tpu.memref_slice %arg16[%mul3A_0, %dma_start3A_144] : memref<10112x128xf32, #tpu.memory_space<vmem_shared>> -> memref<632x128xf32, #tpu.memory_space<vmem_shared>>
        %dma_start3A_146 = arith.constant 0 : i32
        %dma_start3A_147 = tpu.memref_slice %arg8[%mul3A_0, %dma_start3A_146] : memref<10112x128xf32, #tpu.memory_space<hbm>> -> memref<632x128xf32, #tpu.memory_space<hbm>>
        tpu.enqueue_dma source(%dma_start3A_147 : memref<632x128xf32, #tpu.memory_space<hbm>>) target(%dma_start3A_145 : memref<632x128xf32, #tpu.memory_space<vmem_shared>>) target_semaphore(%run_scoped3A : memref<!tpu.dma_semaphore, #tpu.memory_space<semaphore_mem>>)
        %dma_wait3A = arith.constant 0 : i32
        %dma_wait3A_148 = tpu.memref_slice %arg16[%mul3A_0, %dma_wait3A] : memref<10112x128xf32, #tpu.memory_space<vmem_shared>> -> memref<632x128xf32, #tpu.memory_space<vmem_shared>>
        %dma_wait3A_149 = arith.constant 0 : i32
        %dma_wait3A_150 = tpu.memref_slice %arg8[%mul3A_0, %dma_wait3A_149] : memref<10112x128xf32, #tpu.memory_space<hbm>> -> memref<632x128xf32, #tpu.memory_space<hbm>>
        tpu.wait_dma2 semaphore(%run_scoped3A : memref<!tpu.dma_semaphore, #tpu.memory_space<semaphore_mem>>) src(%dma_wait3A_150 : memref<632x128xf32, #tpu.memory_space<hbm>>) dst(%dma_wait3A_148 : memref<632x128xf32, #tpu.memory_space<vmem_shared>>)
        tpu.yield
      }) : () -> ()
      %add3A = arith.constant 0 : i32
      %add3A_12 = arith.addi %mul3A_11, %add3A : i32
      "tpu.region"() ({
        %run_scoped3A = tpu.sem_alloc : memref<!tpu.dma_semaphore, #tpu.memory_space<semaphore_mem>>
        %dma_start3A_144 = arith.constant 0 : i32
        %dma_start3A_145 = tpu.memref_slice %arg6[%add3A_12, %dma_start3A_144] : memref<1280x128xi32, #tpu.memory_space<hbm>> -> memref<40x128xi32, #tpu.memory_space<hbm>>
        %dma_start3A_146 = arith.constant 0 : i32
        %dma_start3A_147 = tpu.memref_slice %arg6[%add3A_12, %dma_start3A_146] : memref<1280x128xi32, #tpu.memory_space<hbm>> -> memref<40x128xi32, #tpu.memory_space<hbm>>
        tpu.enqueue_dma source(%dma_start3A_147 : memref<40x128xi32, #tpu.memory_space<hbm>>) target(%arg13 : memref<40x128xi32, #tpu.memory_space<vmem>>) target_semaphore(%run_scoped3A : memref<!tpu.dma_semaphore, #tpu.memory_space<semaphore_mem>>)
        %dma_wait3A = arith.constant 0 : i32
        %dma_wait3A_148 = tpu.memref_slice %arg6[%add3A_12, %dma_wait3A] : memref<1280x128xi32, #tpu.memory_space<hbm>> -> memref<40x128xi32, #tpu.memory_space<hbm>>
        %dma_wait3A_149 = arith.constant 0 : i32
        %dma_wait3A_150 = tpu.memref_slice %arg6[%add3A_12, %dma_wait3A_149] : memref<1280x128xi32, #tpu.memory_space<hbm>> -> memref<40x128xi32, #tpu.memory_space<hbm>>
        tpu.wait_dma2 semaphore(%run_scoped3A : memref<!tpu.dma_semaphore, #tpu.memory_space<semaphore_mem>>) src(%dma_wait3A_150 : memref<40x128xi32, #tpu.memory_space<hbm>>) dst(%arg13 : memref<40x128xi32, #tpu.memory_space<vmem>>)
        tpu.yield
      }) : () -> ()
      "tpu.region"() ({
        %run_scoped3A = tpu.sem_alloc : memref<!tpu.dma_semaphore, #tpu.memory_space<semaphore_mem>>
        %dma_start3A_144 = arith.constant 0 : i32
        %dma_start3A_145 = tpu.memref_slice %arg7[%add3A_12, %dma_start3A_144] : memref<1280x128xi32, #tpu.memory_space<hbm>> -> memref<40x128xi32, #tpu.memory_space<hbm>>
        %dma_start3A_146 = arith.constant 0 : i32
        %dma_start3A_147 = tpu.memref_slice %arg7[%add3A_12, %dma_start3A_146] : memref<1280x128xi32, #tpu.memory_space<hbm>> -> memref<40x128xi32, #tpu.memory_space<hbm>>
        tpu.enqueue_dma source(%dma_start3A_147 : memref<40x128xi32, #tpu.memory_space<hbm>>) target(%arg14 : memref<40x128xi32, #tpu.memory_space<vmem>>) target_semaphore(%run_scoped3A : memref<!tpu.dma_semaphore, #tpu.memory_space<semaphore_mem>>)
        %dma_wait3A = arith.constant 0 : i32
        %dma_wait3A_148 = tpu.memref_slice %arg7[%add3A_12, %dma_wait3A] : memref<1280x128xi32, #tpu.memory_space<hbm>> -> memref<40x128xi32, #tpu.memory_space<hbm>>
        %dma_wait3A_149 = arith.constant 0 : i32
        %dma_wait3A_150 = tpu.memref_slice %arg7[%add3A_12, %dma_wait3A_149] : memref<1280x128xi32, #tpu.memory_space<hbm>> -> memref<40x128xi32, #tpu.memory_space<hbm>>
        tpu.wait_dma2 semaphore(%run_scoped3A : memref<!tpu.dma_semaphore, #tpu.memory_space<semaphore_mem>>) src(%dma_wait3A_150 : memref<40x128xi32, #tpu.memory_space<hbm>>) dst(%arg14 : memref<40x128xi32, #tpu.memory_space<vmem>>)
        tpu.yield
      }) : () -> ()
      %barrier3A = arith.constant 0 : index
      tpu.barrier barrier_id(%barrier3A)
      %dma_start3A = arith.constant 0 : i32
      %dma_start3A_13 = arith.constant 0 : i32
      %dma_start3A_14 = arith.constant 0 : i32
      %dma_start3A_15 = arith.constant 0 : i32
      %dma_start3A_16 = tpu.memref_slice %arg15[%dma_start3A_13, %dma_start3A_14, %dma_start3A_15] : memref<2x128x128xf32, #tpu.memory_space<vmem>> -> memref<1x128x128xf32, #tpu.memory_space<vmem>>
      %dma_start3A_17 = tpu.memref_squeeze %dma_start3A_16 : memref<1x128x128xf32, #tpu.memory_space<vmem>> -> memref<128x128xf32, #tpu.memory_space<vmem>>
      %dma_start3A_18 = arith.constant 0 : i32
      %dma_start3A_19 = tpu.memref_slice %arg13[%dma_start3A, %dma_start3A_18] : memref<40x128xi32, #tpu.memory_space<vmem>> -> memref<1x128xi32, #tpu.memory_space<vmem>>
      %dma_start3A_20 = tpu.memref_squeeze %dma_start3A_19 : memref<1x128xi32, #tpu.memory_space<vmem>> -> memref<128xi32, #tpu.memory_space<vmem>>
      %dma_start3A_21 = arith.constant 0 : i32
      %dma_start3A_22 = arith.constant 0 : i32
      %dma_start3A_23 = tpu.memref_slice %arg4[%dma_start3A_21, %dma_start3A_22] : memref<10000x128xf32, #tpu.memory_space<hbm>> -> memref<10000x128xf32, #tpu.memory_space<hbm>>
      tpu.enqueue_indirect_dma source(%dma_start3A_23 : memref<10000x128xf32, #tpu.memory_space<hbm>>) target(%dma_start3A_17 : memref<128x128xf32, #tpu.memory_space<vmem>>) offsets(%dma_start3A_20 : memref<128xi32, #tpu.memory_space<vmem>>) semaphore(%arg17 : memref<!tpu.dma_semaphore, #tpu.memory_space<semaphore_mem>>)
      %dma_start3A_24 = arith.constant 1 : i32
      %dma_start3A_25 = arith.constant 1 : i32
      %dma_start3A_26 = arith.constant 0 : i32
      %dma_start3A_27 = arith.constant 0 : i32
      %dma_start3A_28 = tpu.memref_slice %arg15[%dma_start3A_25, %dma_start3A_26, %dma_start3A_27] : memref<2x128x128xf32, #tpu.memory_space<vmem>> -> memref<1x128x128xf32, #tpu.memory_space<vmem>>
      %dma_start3A_29 = tpu.memref_squeeze %dma_start3A_28 : memref<1x128x128xf32, #tpu.memory_space<vmem>> -> memref<128x128xf32, #tpu.memory_space<vmem>>
      %dma_start3A_30 = arith.constant 0 : i32
      %dma_start3A_31 = tpu.memref_slice %arg13[%dma_start3A_24, %dma_start3A_30] : memref<40x128xi32, #tpu.memory_space<vmem>> -> memref<1x128xi32, #tpu.memory_space<vmem>>
      %dma_start3A_32 = tpu.memref_squeeze %dma_start3A_31 : memref<1x128xi32, #tpu.memory_space<vmem>> -> memref<128xi32, #tpu.memory_space<vmem>>
      %dma_start3A_33 = arith.constant 0 : i32
      %dma_start3A_34 = arith.constant 0 : i32
      %dma_start3A_35 = tpu.memref_slice %arg4[%dma_start3A_33, %dma_start3A_34] : memref<10000x128xf32, #tpu.memory_space<hbm>> -> memref<10000x128xf32, #tpu.memory_space<hbm>>
      tpu.enqueue_indirect_dma source(%dma_start3A_35 : memref<10000x128xf32, #tpu.memory_space<hbm>>) target(%dma_start3A_29 : memref<128x128xf32, #tpu.memory_space<vmem>>) offsets(%dma_start3A_32 : memref<128xi32, #tpu.memory_space<vmem>>) semaphore(%arg17 : memref<!tpu.dma_semaphore, #tpu.memory_space<semaphore_mem>>)
      %scan3A = arith.constant 0 : i32
      %scan3A_36 = arith.constant 0 : i32
      %scan3A_37 = arith.constant 20 : i32
      %scan3A_38 = arith.addi %scan3A_36, %scan3A_37 : i32
      %scan3A_39 = arith.constant 1 : i32
      scf.for %scan3A_144 = %scan3A_36 to %scan3A_38 step %scan3A_39  : i32 {
        %mul3A_145 = arith.constant 2 : i32
        %mul3A_146 = arith.muli %scan3A_144, %mul3A_145 : i32
        %add3A_147 = arith.constant 0 : i32
        %add3A_148 = arith.addi %mul3A_146, %add3A_147 : i32
        %dma_wait3A = arith.constant 0 : i32
        %dma_wait3A_149 = arith.constant 0 : i32
        %dma_wait3A_150 = arith.constant 0 : i32
        %dma_wait3A_151 = tpu.memref_slice %arg15[%dma_wait3A, %dma_wait3A_149, %dma_wait3A_150] : memref<2x128x128xf32, #tpu.memory_space<vmem>> -> memref<1x128x128xf32, #tpu.memory_space<vmem>>
        %dma_wait3A_152 = tpu.memref_squeeze %dma_wait3A_151 : memref<1x128x128xf32, #tpu.memory_space<vmem>> -> memref<128x128xf32, #tpu.memory_space<vmem>>
        %dma_wait3A_153 = arith.constant 0 : i32
        %dma_wait3A_154 = tpu.memref_slice %arg13[%add3A_148, %dma_wait3A_153] : memref<40x128xi32, #tpu.memory_space<vmem>> -> memref<1x128xi32, #tpu.memory_space<vmem>>
        %dma_wait3A_155 = tpu.memref_squeeze %dma_wait3A_154 : memref<1x128xi32, #tpu.memory_space<vmem>> -> memref<128xi32, #tpu.memory_space<vmem>>
        %dma_wait3A_156 = arith.constant 0 : i32
        %dma_wait3A_157 = arith.constant 0 : i32
        %dma_wait3A_158 = tpu.memref_slice %arg4[%dma_wait3A_156, %dma_wait3A_157] : memref<10000x128xf32, #tpu.memory_space<hbm>> -> memref<10000x128xf32, #tpu.memory_space<hbm>>
        tpu.wait_indirect_dma semaphore(%arg17 : memref<!tpu.dma_semaphore, #tpu.memory_space<semaphore_mem>>) src(%dma_wait3A_158 : memref<10000x128xf32, #tpu.memory_space<hbm>>) dst(%dma_wait3A_152 : memref<128x128xf32, #tpu.memory_space<vmem>>)
        %run_scoped3A = arith.constant 0 : i32
        "tpu.region"() ({
          %run_scoped3A_188 = tpu.sem_alloc : memref<!tpu.dma_semaphore, #tpu.memory_space<semaphore_mem>>
          %dma_start3A_189 = arith.constant 0 : i32
          %dma_start3A_190 = arith.constant 0 : i32
          %dma_start3A_191 = tpu.memref_slice %arg15[%run_scoped3A, %dma_start3A_189, %dma_start3A_190] : memref<2x128x128xf32, #tpu.memory_space<vmem>> -> memref<1x128x128xf32, #tpu.memory_space<vmem>>
          %dma_start3A_192 = tpu.memref_squeeze %dma_start3A_191 : memref<1x128x128xf32, #tpu.memory_space<vmem>> -> memref<128x128xf32, #tpu.memory_space<vmem>>
          %dma_start3A_193 = arith.constant 0 : i32
          %dma_start3A_194 = tpu.memref_slice %arg14[%add3A_148, %dma_start3A_193] : memref<40x128xi32, #tpu.memory_space<vmem>> -> memref<1x128xi32, #tpu.memory_space<vmem>>
          %dma_start3A_195 = tpu.memref_squeeze %dma_start3A_194 : memref<1x128xi32, #tpu.memory_space<vmem>> -> memref<128xi32, #tpu.memory_space<vmem>>
          %dma_start3A_196 = arith.constant 0 : i32
          %dma_start3A_197 = arith.constant 0 : i32
          %dma_start3A_198 = tpu.memref_slice %arg16[%dma_start3A_196, %dma_start3A_197] : memref<10112x128xf32, #tpu.memory_space<vmem_shared>> -> memref<10112x128xf32, #tpu.memory_space<vmem_shared>>
          tpu.enqueue_indirect_dma source(%dma_start3A_192 : memref<128x128xf32, #tpu.memory_space<vmem>>) target(%dma_start3A_198 : memref<10112x128xf32, #tpu.memory_space<vmem_shared>>) offsets(%dma_start3A_195 : memref<128xi32, #tpu.memory_space<vmem>>) semaphore(%run_scoped3A_188 : memref<!tpu.dma_semaphore, #tpu.memory_space<semaphore_mem>>) {add = true}
          %dma_wait3A_199 = arith.constant 0 : i32
          %dma_wait3A_200 = arith.constant 0 : i32
          %dma_wait3A_201 = tpu.memref_slice %arg15[%run_scoped3A, %dma_wait3A_199, %dma_wait3A_200] : memref<2x128x128xf32, #tpu.memory_space<vmem>> -> memref<1x128x128xf32, #tpu.memory_space<vmem>>
          %dma_wait3A_202 = tpu.memref_squeeze %dma_wait3A_201 : memref<1x128x128xf32, #tpu.memory_space<vmem>> -> memref<128x128xf32, #tpu.memory_space<vmem>>
          %dma_wait3A_203 = arith.constant 0 : i32
          %dma_wait3A_204 = tpu.memref_slice %arg14[%add3A_148, %dma_wait3A_203] : memref<40x128xi32, #tpu.memory_space<vmem>> -> memref<1x128xi32, #tpu.memory_space<vmem>>
          %dma_wait3A_205 = tpu.memref_squeeze %dma_wait3A_204 : memref<1x128xi32, #tpu.memory_space<vmem>> -> memref<128xi32, #tpu.memory_space<vmem>>
          %dma_wait3A_206 = arith.constant 0 : i32
          %dma_wait3A_207 = arith.constant 0 : i32
          %dma_wait3A_208 = tpu.memref_slice %arg16[%dma_wait3A_206, %dma_wait3A_207] : memref<10112x128xf32, #tpu.memory_space<vmem_shared>> -> memref<10112x128xf32, #tpu.memory_space<vmem_shared>>
          tpu.wait_indirect_dma semaphore(%run_scoped3A_188 : memref<!tpu.dma_semaphore, #tpu.memory_space<semaphore_mem>>) src(%dma_wait3A_202 : memref<128x128xf32, #tpu.memory_space<vmem>>) dst(%dma_wait3A_208 : memref<10112x128xf32, #tpu.memory_space<vmem_shared>>)
          tpu.yield
        }) : () -> ()
        %add3A_159 = arith.constant 2 : i32
        %add3A_160 = arith.addi %add3A_148, %add3A_159 : i32
        %lt3A = arith.constant 40 : i32
        %lt3A_161 = arith.cmpi slt, %add3A_160, %lt3A : i32
        %convert_element_type3A_162 = arith.extui %lt3A_161 : i1 to i32
        %cond3A_163 = arith.constant 0 : i32
        %cond3A_164 = arith.cmpi ne, %convert_element_type3A_162, %cond3A_163 : i32
        scf.if %cond3A_164 {
          %add3A_188 = arith.constant 2 : i32
          %add3A_189 = arith.addi %add3A_148, %add3A_188 : i32
          %dma_start3A_190 = arith.constant 0 : i32
          %dma_start3A_191 = arith.constant 0 : i32
          %dma_start3A_192 = arith.constant 0 : i32
          %dma_start3A_193 = tpu.memref_slice %arg15[%dma_start3A_190, %dma_start3A_191, %dma_start3A_192] : memref<2x128x128xf32, #tpu.memory_space<vmem>> -> memref<1x128x128xf32, #tpu.memory_space<vmem>>
          %dma_start3A_194 = tpu.memref_squeeze %dma_start3A_193 : memref<1x128x128xf32, #tpu.memory_space<vmem>> -> memref<128x128xf32, #tpu.memory_space<vmem>>
          %dma_start3A_195 = arith.constant 0 : i32
          %dma_start3A_196 = tpu.memref_slice %arg13[%add3A_189, %dma_start3A_195] : memref<40x128xi32, #tpu.memory_space<vmem>> -> memref<1x128xi32, #tpu.memory_space<vmem>>
          %dma_start3A_197 = tpu.memref_squeeze %dma_start3A_196 : memref<1x128xi32, #tpu.memory_space<vmem>> -> memref<128xi32, #tpu.memory_space<vmem>>
          %dma_start3A_198 = arith.constant 0 : i32
          %dma_start3A_199 = arith.constant 0 : i32
          %dma_start3A_200 = tpu.memref_slice %arg4[%dma_start3A_198, %dma_start3A_199] : memref<10000x128xf32, #tpu.memory_space<hbm>> -> memref<10000x128xf32, #tpu.memory_space<hbm>>
          tpu.enqueue_indirect_dma source(%dma_start3A_200 : memref<10000x128xf32, #tpu.memory_space<hbm>>) target(%dma_start3A_194 : memref<128x128xf32, #tpu.memory_space<vmem>>) offsets(%dma_start3A_197 : memref<128xi32, #tpu.memory_space<vmem>>) semaphore(%arg17 : memref<!tpu.dma_semaphore, #tpu.memory_space<semaphore_mem>>)
        } else {
        }
        %mul3A_165 = arith.constant 2 : i32
        %mul3A_166 = arith.muli %scan3A_144, %mul3A_165 : i32
        %add3A_167 = arith.constant 1 : i32
        %add3A_168 = arith.addi %mul3A_166, %add3A_167 : i32
        %dma_wait3A_169 = arith.constant 1 : i32
        %dma_wait3A_170 = arith.constant 0 : i32
        %dma_wait3A_171 = arith.constant 0 : i32
        %dma_wait3A_172 = tpu.memref_slice %arg15[%dma_wait3A_169, %dma_wait3A_170, %dma_wait3A_171] : memref<2x128x128xf32, #tpu.memory_space<vmem>> -> memref<1x128x128xf32, #tpu.memory_space<vmem>>
        %dma_wait3A_173 = tpu.memref_squeeze %dma_wait3A_172 : memref<1x128x128xf32, #tpu.memory_space<vmem>> -> memref<128x128xf32, #tpu.memory_space<vmem>>
        %dma_wait3A_174 = arith.constant 0 : i32
        %dma_wait3A_175 = tpu.memref_slice %arg13[%add3A_168, %dma_wait3A_174] : memref<40x128xi32, #tpu.memory_space<vmem>> -> memref<1x128xi32, #tpu.memory_space<vmem>>
        %dma_wait3A_176 = tpu.memref_squeeze %dma_wait3A_175 : memref<1x128xi32, #tpu.memory_space<vmem>> -> memref<128xi32, #tpu.memory_space<vmem>>
        %dma_wait3A_177 = arith.constant 0 : i32
        %dma_wait3A_178 = arith.constant 0 : i32
        %dma_wait3A_179 = tpu.memref_slice %arg4[%dma_wait3A_177, %dma_wait3A_178] : memref<10000x128xf32, #tpu.memory_space<hbm>> -> memref<10000x128xf32, #tpu.memory_space<hbm>>
        tpu.wait_indirect_dma semaphore(%arg17 : memref<!tpu.dma_semaphore, #tpu.memory_space<semaphore_mem>>) src(%dma_wait3A_179 : memref<10000x128xf32, #tpu.memory_space<hbm>>) dst(%dma_wait3A_173 : memref<128x128xf32, #tpu.memory_space<vmem>>)
        %run_scoped3A_180 = arith.constant 1 : i32
        "tpu.region"() ({
          %run_scoped3A_188 = tpu.sem_alloc : memref<!tpu.dma_semaphore, #tpu.memory_space<semaphore_mem>>
          %dma_start3A_189 = arith.constant 0 : i32
          %dma_start3A_190 = arith.constant 0 : i32
          %dma_start3A_191 = tpu.memref_slice %arg15[%run_scoped3A_180, %dma_start3A_189, %dma_start3A_190] : memref<2x128x128xf32, #tpu.memory_space<vmem>> -> memref<1x128x128xf32, #tpu.memory_space<vmem>>
          %dma_start3A_192 = tpu.memref_squeeze %dma_start3A_191 : memref<1x128x128xf32, #tpu.memory_space<vmem>> -> memref<128x128xf32, #tpu.memory_space<vmem>>
          %dma_start3A_193 = arith.constant 0 : i32
          %dma_start3A_194 = tpu.memref_slice %arg14[%add3A_168, %dma_start3A_193] : memref<40x128xi32, #tpu.memory_space<vmem>> -> memref<1x128xi32, #tpu.memory_space<vmem>>
          %dma_start3A_195 = tpu.memref_squeeze %dma_start3A_194 : memref<1x128xi32, #tpu.memory_space<vmem>> -> memref<128xi32, #tpu.memory_space<vmem>>
          %dma_start3A_196 = arith.constant 0 : i32
          %dma_start3A_197 = arith.constant 0 : i32
          %dma_start3A_198 = tpu.memref_slice %arg16[%dma_start3A_196, %dma_start3A_197] : memref<10112x128xf32, #tpu.memory_space<vmem_shared>> -> memref<10112x128xf32, #tpu.memory_space<vmem_shared>>
          tpu.enqueue_indirect_dma source(%dma_start3A_192 : memref<128x128xf32, #tpu.memory_space<vmem>>) target(%dma_start3A_198 : memref<10112x128xf32, #tpu.memory_space<vmem_shared>>) offsets(%dma_start3A_195 : memref<128xi32, #tpu.memory_space<vmem>>) semaphore(%run_scoped3A_188 : memref<!tpu.dma_semaphore, #tpu.memory_space<semaphore_mem>>) {add = true}
          %dma_wait3A_199 = arith.constant 0 : i32
          %dma_wait3A_200 = arith.constant 0 : i32
          %dma_wait3A_201 = tpu.memref_slice %arg15[%run_scoped3A_180, %dma_wait3A_199, %dma_wait3A_200] : memref<2x128x128xf32, #tpu.memory_space<vmem>> -> memref<1x128x128xf32, #tpu.memory_space<vmem>>
          %dma_wait3A_202 = tpu.memref_squeeze %dma_wait3A_201 : memref<1x128x128xf32, #tpu.memory_space<vmem>> -> memref<128x128xf32, #tpu.memory_space<vmem>>
          %dma_wait3A_203 = arith.constant 0 : i32
          %dma_wait3A_204 = tpu.memref_slice %arg14[%add3A_168, %dma_wait3A_203] : memref<40x128xi32, #tpu.memory_space<vmem>> -> memref<1x128xi32, #tpu.memory_space<vmem>>
          %dma_wait3A_205 = tpu.memref_squeeze %dma_wait3A_204 : memref<1x128xi32, #tpu.memory_space<vmem>> -> memref<128xi32, #tpu.memory_space<vmem>>
          %dma_wait3A_206 = arith.constant 0 : i32
          %dma_wait3A_207 = arith.constant 0 : i32
          %dma_wait3A_208 = tpu.memref_slice %arg16[%dma_wait3A_206, %dma_wait3A_207] : memref<10112x128xf32, #tpu.memory_space<vmem_shared>> -> memref<10112x128xf32, #tpu.memory_space<vmem_shared>>
          tpu.wait_indirect_dma semaphore(%run_scoped3A_188 : memref<!tpu.dma_semaphore, #tpu.memory_space<semaphore_mem>>) src(%dma_wait3A_202 : memref<128x128xf32, #tpu.memory_space<vmem>>) dst(%dma_wait3A_208 : memref<10112x128xf32, #tpu.memory_space<vmem_shared>>)
          tpu.yield
        }) : () -> ()
        %add3A_181 = arith.constant 2 : i32
        %add3A_182 = arith.addi %add3A_168, %add3A_181 : i32
        %lt3A_183 = arith.constant 40 : i32
        %lt3A_184 = arith.cmpi slt, %add3A_182, %lt3A_183 : i32
        %convert_element_type3A_185 = arith.extui %lt3A_184 : i1 to i32
        %cond3A_186 = arith.constant 0 : i32
        %cond3A_187 = arith.cmpi ne, %convert_element_type3A_185, %cond3A_186 : i32
        scf.if %cond3A_187 {
          %add3A_188 = arith.constant 2 : i32
          %add3A_189 = arith.addi %add3A_168, %add3A_188 : i32
          %dma_start3A_190 = arith.constant 1 : i32
          %dma_start3A_191 = arith.constant 0 : i32
          %dma_start3A_192 = arith.constant 0 : i32
          %dma_start3A_193 = tpu.memref_slice %arg15[%dma_start3A_190, %dma_start3A_191, %dma_start3A_192] : memref<2x128x128xf32, #tpu.memory_space<vmem>> -> memref<1x128x128xf32, #tpu.memory_space<vmem>>
          %dma_start3A_194 = tpu.memref_squeeze %dma_start3A_193 : memref<1x128x128xf32, #tpu.memory_space<vmem>> -> memref<128x128xf32, #tpu.memory_space<vmem>>
          %dma_start3A_195 = arith.constant 0 : i32
          %dma_start3A_196 = tpu.memref_slice %arg13[%add3A_189, %dma_start3A_195] : memref<40x128xi32, #tpu.memory_space<vmem>> -> memref<1x128xi32, #tpu.memory_space<vmem>>
          %dma_start3A_197 = tpu.memref_squeeze %dma_start3A_196 : memref<1x128xi32, #tpu.memory_space<vmem>> -> memref<128xi32, #tpu.memory_space<vmem>>
          %dma_start3A_198 = arith.constant 0 : i32
          %dma_start3A_199 = arith.constant 0 : i32
          %dma_start3A_200 = tpu.memref_slice %arg4[%dma_start3A_198, %dma_start3A_199] : memref<10000x128xf32, #tpu.memory_space<hbm>> -> memref<10000x128xf32, #tpu.memory_space<hbm>>
          tpu.enqueue_indirect_dma source(%dma_start3A_200 : memref<10000x128xf32, #tpu.memory_space<hbm>>) target(%dma_start3A_194 : memref<128x128xf32, #tpu.memory_space<vmem>>) offsets(%dma_start3A_197 : memref<128xi32, #tpu.memory_space<vmem>>) semaphore(%arg17 : memref<!tpu.dma_semaphore, #tpu.memory_space<semaphore_mem>>)
        } else {
        }
      }
      %scan3A_40 = arith.constant 20 : i32
      %add3A_41 = arith.constant 40 : i32
      %add3A_42 = arith.addi %mul3A_11, %add3A_41 : i32
      "tpu.region"() ({
        %run_scoped3A = tpu.sem_alloc : memref<!tpu.dma_semaphore, #tpu.memory_space<semaphore_mem>>
        %dma_start3A_144 = arith.constant 0 : i32
        %dma_start3A_145 = tpu.memref_slice %arg6[%add3A_42, %dma_start3A_144] : memref<1280x128xi32, #tpu.memory_space<hbm>> -> memref<40x128xi32, #tpu.memory_space<hbm>>
        %dma_start3A_146 = arith.constant 0 : i32
        %dma_start3A_147 = tpu.memref_slice %arg6[%add3A_42, %dma_start3A_146] : memref<1280x128xi32, #tpu.memory_space<hbm>> -> memref<40x128xi32, #tpu.memory_space<hbm>>
        tpu.enqueue_dma source(%dma_start3A_147 : memref<40x128xi32, #tpu.memory_space<hbm>>) target(%arg13 : memref<40x128xi32, #tpu.memory_space<vmem>>) target_semaphore(%run_scoped3A : memref<!tpu.dma_semaphore, #tpu.memory_space<semaphore_mem>>)
        %dma_wait3A = arith.constant 0 : i32
        %dma_wait3A_148 = tpu.memref_slice %arg6[%add3A_42, %dma_wait3A] : memref<1280x128xi32, #tpu.memory_space<hbm>> -> memref<40x128xi32, #tpu.memory_space<hbm>>
        %dma_wait3A_149 = arith.constant 0 : i32
        %dma_wait3A_150 = tpu.memref_slice %arg6[%add3A_42, %dma_wait3A_149] : memref<1280x128xi32, #tpu.memory_space<hbm>> -> memref<40x128xi32, #tpu.memory_space<hbm>>
        tpu.wait_dma2 semaphore(%run_scoped3A : memref<!tpu.dma_semaphore, #tpu.memory_space<semaphore_mem>>) src(%dma_wait3A_150 : memref<40x128xi32, #tpu.memory_space<hbm>>) dst(%arg13 : memref<40x128xi32, #tpu.memory_space<vmem>>)
        tpu.yield
      }) : () -> ()
      "tpu.region"() ({
        %run_scoped3A = tpu.sem_alloc : memref<!tpu.dma_semaphore, #tpu.memory_space<semaphore_mem>>
        %dma_start3A_144 = arith.constant 0 : i32
        %dma_start3A_145 = tpu.memref_slice %arg7[%add3A_42, %dma_start3A_144] : memref<1280x128xi32, #tpu.memory_space<hbm>> -> memref<40x128xi32, #tpu.memory_space<hbm>>
        %dma_start3A_146 = arith.constant 0 : i32
        %dma_start3A_147 = tpu.memref_slice %arg7[%add3A_42, %dma_start3A_146] : memref<1280x128xi32, #tpu.memory_space<hbm>> -> memref<40x128xi32, #tpu.memory_space<hbm>>
        tpu.enqueue_dma source(%dma_start3A_147 : memref<40x128xi32, #tpu.memory_space<hbm>>) target(%arg14 : memref<40x128xi32, #tpu.memory_space<vmem>>) target_semaphore(%run_scoped3A : memref<!tpu.dma_semaphore, #tpu.memory_space<semaphore_mem>>)
        %dma_wait3A = arith.constant 0 : i32
        %dma_wait3A_148 = tpu.memref_slice %arg7[%add3A_42, %dma_wait3A] : memref<1280x128xi32, #tpu.memory_space<hbm>> -> memref<40x128xi32, #tpu.memory_space<hbm>>
        %dma_wait3A_149 = arith.constant 0 : i32
        %dma_wait3A_150 = tpu.memref_slice %arg7[%add3A_42, %dma_wait3A_149] : memref<1280x128xi32, #tpu.memory_space<hbm>> -> memref<40x128xi32, #tpu.memory_space<hbm>>
        tpu.wait_dma2 semaphore(%run_scoped3A : memref<!tpu.dma_semaphore, #tpu.memory_space<semaphore_mem>>) src(%dma_wait3A_150 : memref<40x128xi32, #tpu.memory_space<hbm>>) dst(%arg14 : memref<40x128xi32, #tpu.memory_space<vmem>>)
        tpu.yield
      }) : () -> ()
      %dma_start3A_43 = arith.constant 0 : i32
      %dma_start3A_44 = arith.constant 0 : i32
      %dma_start3A_45 = arith.constant 0 : i32
      %dma_start3A_46 = arith.constant 0 : i32
      %dma_start3A_47 = tpu.memref_slice %arg15[%dma_start3A_44, %dma_start3A_45, %dma_start3A_46] : memref<2x128x128xf32, #tpu.memory_space<vmem>> -> memref<1x128x128xf32, #tpu.memory_space<vmem>>
      %dma_start3A_48 = tpu.memref_squeeze %dma_start3A_47 : memref<1x128x128xf32, #tpu.memory_space<vmem>> -> memref<128x128xf32, #tpu.memory_space<vmem>>
      %dma_start3A_49 = arith.constant 0 : i32
      %dma_start3A_50 = tpu.memref_slice %arg13[%dma_start3A_43, %dma_start3A_49] : memref<40x128xi32, #tpu.memory_space<vmem>> -> memref<1x128xi32, #tpu.memory_space<vmem>>
      %dma_start3A_51 = tpu.memref_squeeze %dma_start3A_50 : memref<1x128xi32, #tpu.memory_space<vmem>> -> memref<128xi32, #tpu.memory_space<vmem>>
      %dma_start3A_52 = arith.constant 0 : i32
      %dma_start3A_53 = arith.constant 0 : i32
      %dma_start3A_54 = tpu.memref_slice %arg4[%dma_start3A_52, %dma_start3A_53] : memref<10000x128xf32, #tpu.memory_space<hbm>> -> memref<10000x128xf32, #tpu.memory_space<hbm>>
      tpu.enqueue_indirect_dma source(%dma_start3A_54 : memref<10000x128xf32, #tpu.memory_space<hbm>>) target(%dma_start3A_48 : memref<128x128xf32, #tpu.memory_space<vmem>>) offsets(%dma_start3A_51 : memref<128xi32, #tpu.memory_space<vmem>>) semaphore(%arg17 : memref<!tpu.dma_semaphore, #tpu.memory_space<semaphore_mem>>)
      %dma_start3A_55 = arith.constant 1 : i32
      %dma_start3A_56 = arith.constant 1 : i32
      %dma_start3A_57 = arith.constant 0 : i32
      %dma_start3A_58 = arith.constant 0 : i32
      %dma_start3A_59 = tpu.memref_slice %arg15[%dma_start3A_56, %dma_start3A_57, %dma_start3A_58] : memref<2x128x128xf32, #tpu.memory_space<vmem>> -> memref<1x128x128xf32, #tpu.memory_space<vmem>>
      %dma_start3A_60 = tpu.memref_squeeze %dma_start3A_59 : memref<1x128x128xf32, #tpu.memory_space<vmem>> -> memref<128x128xf32, #tpu.memory_space<vmem>>
      %dma_start3A_61 = arith.constant 0 : i32
      %dma_start3A_62 = tpu.memref_slice %arg13[%dma_start3A_55, %dma_start3A_61] : memref<40x128xi32, #tpu.memory_space<vmem>> -> memref<1x128xi32, #tpu.memory_space<vmem>>
      %dma_start3A_63 = tpu.memref_squeeze %dma_start3A_62 : memref<1x128xi32, #tpu.memory_space<vmem>> -> memref<128xi32, #tpu.memory_space<vmem>>
      %dma_start3A_64 = arith.constant 0 : i32
      %dma_start3A_65 = arith.constant 0 : i32
      %dma_start3A_66 = tpu.memref_slice %arg4[%dma_start3A_64, %dma_start3A_65] : memref<10000x128xf32, #tpu.memory_space<hbm>> -> memref<10000x128xf32, #tpu.memory_space<hbm>>
      tpu.enqueue_indirect_dma source(%dma_start3A_66 : memref<10000x128xf32, #tpu.memory_space<hbm>>) target(%dma_start3A_60 : memref<128x128xf32, #tpu.memory_space<vmem>>) offsets(%dma_start3A_63 : memref<128xi32, #tpu.memory_space<vmem>>) semaphore(%arg17 : memref<!tpu.dma_semaphore, #tpu.memory_space<semaphore_mem>>)
      %scan3A_67 = arith.constant 0 : i32
      %scan3A_68 = arith.constant 0 : i32
      %scan3A_69 = arith.constant 20 : i32
      %scan3A_70 = arith.addi %scan3A_68, %scan3A_69 : i32
      %scan3A_71 = arith.constant 1 : i32
      scf.for %scan3A_144 = %scan3A_68 to %scan3A_70 step %scan3A_71  : i32 {
        %mul3A_145 = arith.constant 2 : i32
        %mul3A_146 = arith.muli %scan3A_144, %mul3A_145 : i32
        %add3A_147 = arith.constant 0 : i32
        %add3A_148 = arith.addi %mul3A_146, %add3A_147 : i32
        %dma_wait3A = arith.constant 0 : i32
        %dma_wait3A_149 = arith.constant 0 : i32
        %dma_wait3A_150 = arith.constant 0 : i32
        %dma_wait3A_151 = tpu.memref_slice %arg15[%dma_wait3A, %dma_wait3A_149, %dma_wait3A_150] : memref<2x128x128xf32, #tpu.memory_space<vmem>> -> memref<1x128x128xf32, #tpu.memory_space<vmem>>
        %dma_wait3A_152 = tpu.memref_squeeze %dma_wait3A_151 : memref<1x128x128xf32, #tpu.memory_space<vmem>> -> memref<128x128xf32, #tpu.memory_space<vmem>>
        %dma_wait3A_153 = arith.constant 0 : i32
        %dma_wait3A_154 = tpu.memref_slice %arg13[%add3A_148, %dma_wait3A_153] : memref<40x128xi32, #tpu.memory_space<vmem>> -> memref<1x128xi32, #tpu.memory_space<vmem>>
        %dma_wait3A_155 = tpu.memref_squeeze %dma_wait3A_154 : memref<1x128xi32, #tpu.memory_space<vmem>> -> memref<128xi32, #tpu.memory_space<vmem>>
        %dma_wait3A_156 = arith.constant 0 : i32
        %dma_wait3A_157 = arith.constant 0 : i32
        %dma_wait3A_158 = tpu.memref_slice %arg4[%dma_wait3A_156, %dma_wait3A_157] : memref<10000x128xf32, #tpu.memory_space<hbm>> -> memref<10000x128xf32, #tpu.memory_space<hbm>>
        tpu.wait_indirect_dma semaphore(%arg17 : memref<!tpu.dma_semaphore, #tpu.memory_space<semaphore_mem>>) src(%dma_wait3A_158 : memref<10000x128xf32, #tpu.memory_space<hbm>>) dst(%dma_wait3A_152 : memref<128x128xf32, #tpu.memory_space<vmem>>)
        %run_scoped3A = arith.constant 0 : i32
        "tpu.region"() ({
          %run_scoped3A_188 = tpu.sem_alloc : memref<!tpu.dma_semaphore, #tpu.memory_space<semaphore_mem>>
          %dma_start3A_189 = arith.constant 0 : i32
          %dma_start3A_190 = arith.constant 0 : i32
          %dma_start3A_191 = tpu.memref_slice %arg15[%run_scoped3A, %dma_start3A_189, %dma_start3A_190] : memref<2x128x128xf32, #tpu.memory_space<vmem>> -> memref<1x128x128xf32, #tpu.memory_space<vmem>>
          %dma_start3A_192 = tpu.memref_squeeze %dma_start3A_191 : memref<1x128x128xf32, #tpu.memory_space<vmem>> -> memref<128x128xf32, #tpu.memory_space<vmem>>
          %dma_start3A_193 = arith.constant 0 : i32
          %dma_start3A_194 = tpu.memref_slice %arg14[%add3A_148, %dma_start3A_193] : memref<40x128xi32, #tpu.memory_space<vmem>> -> memref<1x128xi32, #tpu.memory_space<vmem>>
          %dma_start3A_195 = tpu.memref_squeeze %dma_start3A_194 : memref<1x128xi32, #tpu.memory_space<vmem>> -> memref<128xi32, #tpu.memory_space<vmem>>
          %dma_start3A_196 = arith.constant 0 : i32
          %dma_start3A_197 = arith.constant 0 : i32
          %dma_start3A_198 = tpu.memref_slice %arg16[%dma_start3A_196, %dma_start3A_197] : memref<10112x128xf32, #tpu.memory_space<vmem_shared>> -> memref<10112x128xf32, #tpu.memory_space<vmem_shared>>
          tpu.enqueue_indirect_dma source(%dma_start3A_192 : memref<128x128xf32, #tpu.memory_space<vmem>>) target(%dma_start3A_198 : memref<10112x128xf32, #tpu.memory_space<vmem_shared>>) offsets(%dma_start3A_195 : memref<128xi32, #tpu.memory_space<vmem>>) semaphore(%run_scoped3A_188 : memref<!tpu.dma_semaphore, #tpu.memory_space<semaphore_mem>>) {add = true}
          %dma_wait3A_199 = arith.constant 0 : i32
          %dma_wait3A_200 = arith.constant 0 : i32
          %dma_wait3A_201 = tpu.memref_slice %arg15[%run_scoped3A, %dma_wait3A_199, %dma_wait3A_200] : memref<2x128x128xf32, #tpu.memory_space<vmem>> -> memref<1x128x128xf32, #tpu.memory_space<vmem>>
          %dma_wait3A_202 = tpu.memref_squeeze %dma_wait3A_201 : memref<1x128x128xf32, #tpu.memory_space<vmem>> -> memref<128x128xf32, #tpu.memory_space<vmem>>
          %dma_wait3A_203 = arith.constant 0 : i32
          %dma_wait3A_204 = tpu.memref_slice %arg14[%add3A_148, %dma_wait3A_203] : memref<40x128xi32, #tpu.memory_space<vmem>> -> memref<1x128xi32, #tpu.memory_space<vmem>>
          %dma_wait3A_205 = tpu.memref_squeeze %dma_wait3A_204 : memref<1x128xi32, #tpu.memory_space<vmem>> -> memref<128xi32, #tpu.memory_space<vmem>>
          %dma_wait3A_206 = arith.constant 0 : i32
          %dma_wait3A_207 = arith.constant 0 : i32
          %dma_wait3A_208 = tpu.memref_slice %arg16[%dma_wait3A_206, %dma_wait3A_207] : memref<10112x128xf32, #tpu.memory_space<vmem_shared>> -> memref<10112x128xf32, #tpu.memory_space<vmem_shared>>
          tpu.wait_indirect_dma semaphore(%run_scoped3A_188 : memref<!tpu.dma_semaphore, #tpu.memory_space<semaphore_mem>>) src(%dma_wait3A_202 : memref<128x128xf32, #tpu.memory_space<vmem>>) dst(%dma_wait3A_208 : memref<10112x128xf32, #tpu.memory_space<vmem_shared>>)
          tpu.yield
        }) : () -> ()
        %add3A_159 = arith.constant 2 : i32
        %add3A_160 = arith.addi %add3A_148, %add3A_159 : i32
        %lt3A = arith.constant 40 : i32
        %lt3A_161 = arith.cmpi slt, %add3A_160, %lt3A : i32
        %convert_element_type3A_162 = arith.extui %lt3A_161 : i1 to i32
        %cond3A_163 = arith.constant 0 : i32
        %cond3A_164 = arith.cmpi ne, %convert_element_type3A_162, %cond3A_163 : i32
        scf.if %cond3A_164 {
          %add3A_188 = arith.constant 2 : i32
          %add3A_189 = arith.addi %add3A_148, %add3A_188 : i32
          %dma_start3A_190 = arith.constant 0 : i32
          %dma_start3A_191 = arith.constant 0 : i32
          %dma_start3A_192 = arith.constant 0 : i32
          %dma_start3A_193 = tpu.memref_slice %arg15[%dma_start3A_190, %dma_start3A_191, %dma_start3A_192] : memref<2x128x128xf32, #tpu.memory_space<vmem>> -> memref<1x128x128xf32, #tpu.memory_space<vmem>>
          %dma_start3A_194 = tpu.memref_squeeze %dma_start3A_193 : memref<1x128x128xf32, #tpu.memory_space<vmem>> -> memref<128x128xf32, #tpu.memory_space<vmem>>
          %dma_start3A_195 = arith.constant 0 : i32
          %dma_start3A_196 = tpu.memref_slice %arg13[%add3A_189, %dma_start3A_195] : memref<40x128xi32, #tpu.memory_space<vmem>> -> memref<1x128xi32, #tpu.memory_space<vmem>>
          %dma_start3A_197 = tpu.memref_squeeze %dma_start3A_196 : memref<1x128xi32, #tpu.memory_space<vmem>> -> memref<128xi32, #tpu.memory_space<vmem>>
          %dma_start3A_198 = arith.constant 0 : i32
          %dma_start3A_199 = arith.constant 0 : i32
          %dma_start3A_200 = tpu.memref_slice %arg4[%dma_start3A_198, %dma_start3A_199] : memref<10000x128xf32, #tpu.memory_space<hbm>> -> memref<10000x128xf32, #tpu.memory_space<hbm>>
          tpu.enqueue_indirect_dma source(%dma_start3A_200 : memref<10000x128xf32, #tpu.memory_space<hbm>>) target(%dma_start3A_194 : memref<128x128xf32, #tpu.memory_space<vmem>>) offsets(%dma_start3A_197 : memref<128xi32, #tpu.memory_space<vmem>>) semaphore(%arg17 : memref<!tpu.dma_semaphore, #tpu.memory_space<semaphore_mem>>)
        } else {
        }
        %mul3A_165 = arith.constant 2 : i32
        %mul3A_166 = arith.muli %scan3A_144, %mul3A_165 : i32
        %add3A_167 = arith.constant 1 : i32
        %add3A_168 = arith.addi %mul3A_166, %add3A_167 : i32
        %dma_wait3A_169 = arith.constant 1 : i32
        %dma_wait3A_170 = arith.constant 0 : i32
        %dma_wait3A_171 = arith.constant 0 : i32
        %dma_wait3A_172 = tpu.memref_slice %arg15[%dma_wait3A_169, %dma_wait3A_170, %dma_wait3A_171] : memref<2x128x128xf32, #tpu.memory_space<vmem>> -> memref<1x128x128xf32, #tpu.memory_space<vmem>>
        %dma_wait3A_173 = tpu.memref_squeeze %dma_wait3A_172 : memref<1x128x128xf32, #tpu.memory_space<vmem>> -> memref<128x128xf32, #tpu.memory_space<vmem>>
        %dma_wait3A_174 = arith.constant 0 : i32
        %dma_wait3A_175 = tpu.memref_slice %arg13[%add3A_168, %dma_wait3A_174] : memref<40x128xi32, #tpu.memory_space<vmem>> -> memref<1x128xi32, #tpu.memory_space<vmem>>
        %dma_wait3A_176 = tpu.memref_squeeze %dma_wait3A_175 : memref<1x128xi32, #tpu.memory_space<vmem>> -> memref<128xi32, #tpu.memory_space<vmem>>
        %dma_wait3A_177 = arith.constant 0 : i32
        %dma_wait3A_178 = arith.constant 0 : i32
        %dma_wait3A_179 = tpu.memref_slice %arg4[%dma_wait3A_177, %dma_wait3A_178] : memref<10000x128xf32, #tpu.memory_space<hbm>> -> memref<10000x128xf32, #tpu.memory_space<hbm>>
        tpu.wait_indirect_dma semaphore(%arg17 : memref<!tpu.dma_semaphore, #tpu.memory_space<semaphore_mem>>) src(%dma_wait3A_179 : memref<10000x128xf32, #tpu.memory_space<hbm>>) dst(%dma_wait3A_173 : memref<128x128xf32, #tpu.memory_space<vmem>>)
        %run_scoped3A_180 = arith.constant 1 : i32
        "tpu.region"() ({
          %run_scoped3A_188 = tpu.sem_alloc : memref<!tpu.dma_semaphore, #tpu.memory_space<semaphore_mem>>
          %dma_start3A_189 = arith.constant 0 : i32
          %dma_start3A_190 = arith.constant 0 : i32
          %dma_start3A_191 = tpu.memref_slice %arg15[%run_scoped3A_180, %dma_start3A_189, %dma_start3A_190] : memref<2x128x128xf32, #tpu.memory_space<vmem>> -> memref<1x128x128xf32, #tpu.memory_space<vmem>>
          %dma_start3A_192 = tpu.memref_squeeze %dma_start3A_191 : memref<1x128x128xf32, #tpu.memory_space<vmem>> -> memref<128x128xf32, #tpu.memory_space<vmem>>
          %dma_start3A_193 = arith.constant 0 : i32
          %dma_start3A_194 = tpu.memref_slice %arg14[%add3A_168, %dma_start3A_193] : memref<40x128xi32, #tpu.memory_space<vmem>> -> memref<1x128xi32, #tpu.memory_space<vmem>>
          %dma_start3A_195 = tpu.memref_squeeze %dma_start3A_194 : memref<1x128xi32, #tpu.memory_space<vmem>> -> memref<128xi32, #tpu.memory_space<vmem>>
          %dma_start3A_196 = arith.constant 0 : i32
          %dma_start3A_197 = arith.constant 0 : i32
          %dma_start3A_198 = tpu.memref_slice %arg16[%dma_start3A_196, %dma_start3A_197] : memref<10112x128xf32, #tpu.memory_space<vmem_shared>> -> memref<10112x128xf32, #tpu.memory_space<vmem_shared>>
          tpu.enqueue_indirect_dma source(%dma_start3A_192 : memref<128x128xf32, #tpu.memory_space<vmem>>) target(%dma_start3A_198 : memref<10112x128xf32, #tpu.memory_space<vmem_shared>>) offsets(%dma_start3A_195 : memref<128xi32, #tpu.memory_space<vmem>>) semaphore(%run_scoped3A_188 : memref<!tpu.dma_semaphore, #tpu.memory_space<semaphore_mem>>) {add = true}
          %dma_wait3A_199 = arith.constant 0 : i32
          %dma_wait3A_200 = arith.constant 0 : i32
          %dma_wait3A_201 = tpu.memref_slice %arg15[%run_scoped3A_180, %dma_wait3A_199, %dma_wait3A_200] : memref<2x128x128xf32, #tpu.memory_space<vmem>> -> memref<1x128x128xf32, #tpu.memory_space<vmem>>
          %dma_wait3A_202 = tpu.memref_squeeze %dma_wait3A_201 : memref<1x128x128xf32, #tpu.memory_space<vmem>> -> memref<128x128xf32, #tpu.memory_space<vmem>>
          %dma_wait3A_203 = arith.constant 0 : i32
          %dma_wait3A_204 = tpu.memref_slice %arg14[%add3A_168, %dma_wait3A_203] : memref<40x128xi32, #tpu.memory_space<vmem>> -> memref<1x128xi32, #tpu.memory_space<vmem>>
          %dma_wait3A_205 = tpu.memref_squeeze %dma_wait3A_204 : memref<1x128xi32, #tpu.memory_space<vmem>> -> memref<128xi32, #tpu.memory_space<vmem>>
          %dma_wait3A_206 = arith.constant 0 : i32
          %dma_wait3A_207 = arith.constant 0 : i32
          %dma_wait3A_208 = tpu.memref_slice %arg16[%dma_wait3A_206, %dma_wait3A_207] : memref<10112x128xf32, #tpu.memory_space<vmem_shared>> -> memref<10112x128xf32, #tpu.memory_space<vmem_shared>>
          tpu.wait_indirect_dma semaphore(%run_scoped3A_188 : memref<!tpu.dma_semaphore, #tpu.memory_space<semaphore_mem>>) src(%dma_wait3A_202 : memref<128x128xf32, #tpu.memory_space<vmem>>) dst(%dma_wait3A_208 : memref<10112x128xf32, #tpu.memory_space<vmem_shared>>)
          tpu.yield
        }) : () -> ()
        %add3A_181 = arith.constant 2 : i32
        %add3A_182 = arith.addi %add3A_168, %add3A_181 : i32
        %lt3A_183 = arith.constant 40 : i32
        %lt3A_184 = arith.cmpi slt, %add3A_182, %lt3A_183 : i32
        %convert_element_type3A_185 = arith.extui %lt3A_184 : i1 to i32
        %cond3A_186 = arith.constant 0 : i32
        %cond3A_187 = arith.cmpi ne, %convert_element_type3A_185, %cond3A_186 : i32
        scf.if %cond3A_187 {
          %add3A_188 = arith.constant 2 : i32
          %add3A_189 = arith.addi %add3A_168, %add3A_188 : i32
          %dma_start3A_190 = arith.constant 1 : i32
          %dma_start3A_191 = arith.constant 0 : i32
          %dma_start3A_192 = arith.constant 0 : i32
          %dma_start3A_193 = tpu.memref_slice %arg15[%dma_start3A_190, %dma_start3A_191, %dma_start3A_192] : memref<2x128x128xf32, #tpu.memory_space<vmem>> -> memref<1x128x128xf32, #tpu.memory_space<vmem>>
          %dma_start3A_194 = tpu.memref_squeeze %dma_start3A_193 : memref<1x128x128xf32, #tpu.memory_space<vmem>> -> memref<128x128xf32, #tpu.memory_space<vmem>>
          %dma_start3A_195 = arith.constant 0 : i32
          %dma_start3A_196 = tpu.memref_slice %arg13[%add3A_189, %dma_start3A_195] : memref<40x128xi32, #tpu.memory_space<vmem>> -> memref<1x128xi32, #tpu.memory_space<vmem>>
          %dma_start3A_197 = tpu.memref_squeeze %dma_start3A_196 : memref<1x128xi32, #tpu.memory_space<vmem>> -> memref<128xi32, #tpu.memory_space<vmem>>
          %dma_start3A_198 = arith.constant 0 : i32
          %dma_start3A_199 = arith.constant 0 : i32
          %dma_start3A_200 = tpu.memref_slice %arg4[%dma_start3A_198, %dma_start3A_199] : memref<10000x128xf32, #tpu.memory_space<hbm>> -> memref<10000x128xf32, #tpu.memory_space<hbm>>
          tpu.enqueue_indirect_dma source(%dma_start3A_200 : memref<10000x128xf32, #tpu.memory_space<hbm>>) target(%dma_start3A_194 : memref<128x128xf32, #tpu.memory_space<vmem>>) offsets(%dma_start3A_197 : memref<128xi32, #tpu.memory_space<vmem>>) semaphore(%arg17 : memref<!tpu.dma_semaphore, #tpu.memory_space<semaphore_mem>>)
        } else {
        }
      }
      %scan3A_72 = arith.constant 20 : i32
      %barrier3A_73 = arith.constant 0 : index
      tpu.barrier barrier_id(%barrier3A_73)
      "tpu.region"() ({
        %run_scoped3A = tpu.sem_alloc : memref<!tpu.dma_semaphore, #tpu.memory_space<semaphore_mem>>
        %dma_start3A_144 = arith.constant 0 : i32
        %dma_start3A_145 = tpu.memref_slice %arg11[%mul3A_2, %dma_start3A_144] : memref<10112x128xf32, #tpu.memory_space<hbm>> -> memref<632x128xf32, #tpu.memory_space<hbm>>
        %dma_start3A_146 = arith.constant 0 : i32
        %dma_start3A_147 = tpu.memref_slice %arg16[%mul3A_2, %dma_start3A_146] : memref<10112x128xf32, #tpu.memory_space<vmem_shared>> -> memref<632x128xf32, #tpu.memory_space<vmem_shared>>
        tpu.enqueue_dma source(%dma_start3A_147 : memref<632x128xf32, #tpu.memory_space<vmem_shared>>) target(%dma_start3A_145 : memref<632x128xf32, #tpu.memory_space<hbm>>) target_semaphore(%run_scoped3A : memref<!tpu.dma_semaphore, #tpu.memory_space<semaphore_mem>>)
        %dma_wait3A = arith.constant 0 : i32
        %dma_wait3A_148 = tpu.memref_slice %arg11[%mul3A_2, %dma_wait3A] : memref<10112x128xf32, #tpu.memory_space<hbm>> -> memref<632x128xf32, #tpu.memory_space<hbm>>
        %dma_wait3A_149 = arith.constant 0 : i32
        %dma_wait3A_150 = tpu.memref_slice %arg16[%mul3A_2, %dma_wait3A_149] : memref<10112x128xf32, #tpu.memory_space<vmem_shared>> -> memref<632x128xf32, #tpu.memory_space<vmem_shared>>
        tpu.wait_dma2 semaphore(%run_scoped3A : memref<!tpu.dma_semaphore, #tpu.memory_space<semaphore_mem>>) src(%dma_wait3A_150 : memref<632x128xf32, #tpu.memory_space<vmem_shared>>) dst(%dma_wait3A_148 : memref<632x128xf32, #tpu.memory_space<hbm>>)
        tpu.yield
      }) : () -> ()
      %barrier3A_74 = arith.constant 0 : index
      tpu.barrier barrier_id(%barrier3A_74)
      %mul3A_75 = arith.constant 80 : i32
      %mul3A_76 = arith.muli %arg1, %mul3A_75 : i32
      "tpu.region"() ({
        %run_scoped3A = tpu.sem_alloc : memref<!tpu.dma_semaphore, #tpu.memory_space<semaphore_mem>>
        %dma_start3A_144 = arith.constant 0 : i32
        %dma_start3A_145 = tpu.memref_slice %arg16[%mul3A_0, %dma_start3A_144] : memref<10112x128xf32, #tpu.memory_space<vmem_shared>> -> memref<632x128xf32, #tpu.memory_space<vmem_shared>>
        %dma_start3A_146 = arith.constant 0 : i32
        %dma_start3A_147 = tpu.memref_slice %arg8[%mul3A_0, %dma_start3A_146] : memref<10112x128xf32, #tpu.memory_space<hbm>> -> memref<632x128xf32, #tpu.memory_space<hbm>>
        tpu.enqueue_dma source(%dma_start3A_147 : memref<632x128xf32, #tpu.memory_space<hbm>>) target(%dma_start3A_145 : memref<632x128xf32, #tpu.memory_space<vmem_shared>>) target_semaphore(%run_scoped3A : memref<!tpu.dma_semaphore, #tpu.memory_space<semaphore_mem>>)
        %dma_wait3A = arith.constant 0 : i32
        %dma_wait3A_148 = tpu.memref_slice %arg16[%mul3A_0, %dma_wait3A] : memref<10112x128xf32, #tpu.memory_space<vmem_shared>> -> memref<632x128xf32, #tpu.memory_space<vmem_shared>>
        %dma_wait3A_149 = arith.constant 0 : i32
        %dma_wait3A_150 = tpu.memref_slice %arg8[%mul3A_0, %dma_wait3A_149] : memref<10112x128xf32, #tpu.memory_space<hbm>> -> memref<632x128xf32, #tpu.memory_space<hbm>>
        tpu.wait_dma2 semaphore(%run_scoped3A : memref<!tpu.dma_semaphore, #tpu.memory_space<semaphore_mem>>) src(%dma_wait3A_150 : memref<632x128xf32, #tpu.memory_space<hbm>>) dst(%dma_wait3A_148 : memref<632x128xf32, #tpu.memory_space<vmem_shared>>)
        tpu.yield
      }) : () -> ()
      %add3A_77 = arith.constant 0 : i32
      %add3A_78 = arith.addi %mul3A_76, %add3A_77 : i32
      "tpu.region"() ({
        %run_scoped3A = tpu.sem_alloc : memref<!tpu.dma_semaphore, #tpu.memory_space<semaphore_mem>>
        %dma_start3A_144 = arith.constant 0 : i32
        %dma_start3A_145 = tpu.memref_slice %arg6[%add3A_78, %dma_start3A_144] : memref<1280x128xi32, #tpu.memory_space<hbm>> -> memref<40x128xi32, #tpu.memory_space<hbm>>
        %dma_start3A_146 = arith.constant 0 : i32
        %dma_start3A_147 = tpu.memref_slice %arg6[%add3A_78, %dma_start3A_146] : memref<1280x128xi32, #tpu.memory_space<hbm>> -> memref<40x128xi32, #tpu.memory_space<hbm>>
        tpu.enqueue_dma source(%dma_start3A_147 : memref<40x128xi32, #tpu.memory_space<hbm>>) target(%arg13 : memref<40x128xi32, #tpu.memory_space<vmem>>) target_semaphore(%run_scoped3A : memref<!tpu.dma_semaphore, #tpu.memory_space<semaphore_mem>>)
        %dma_wait3A = arith.constant 0 : i32
        %dma_wait3A_148 = tpu.memref_slice %arg6[%add3A_78, %dma_wait3A] : memref<1280x128xi32, #tpu.memory_space<hbm>> -> memref<40x128xi32, #tpu.memory_space<hbm>>
        %dma_wait3A_149 = arith.constant 0 : i32
        %dma_wait3A_150 = tpu.memref_slice %arg6[%add3A_78, %dma_wait3A_149] : memref<1280x128xi32, #tpu.memory_space<hbm>> -> memref<40x128xi32, #tpu.memory_space<hbm>>
        tpu.wait_dma2 semaphore(%run_scoped3A : memref<!tpu.dma_semaphore, #tpu.memory_space<semaphore_mem>>) src(%dma_wait3A_150 : memref<40x128xi32, #tpu.memory_space<hbm>>) dst(%arg13 : memref<40x128xi32, #tpu.memory_space<vmem>>)
        tpu.yield
      }) : () -> ()
      "tpu.region"() ({
        %run_scoped3A = tpu.sem_alloc : memref<!tpu.dma_semaphore, #tpu.memory_space<semaphore_mem>>
        %dma_start3A_144 = arith.constant 0 : i32
        %dma_start3A_145 = tpu.memref_slice %arg7[%add3A_78, %dma_start3A_144] : memref<1280x128xi32, #tpu.memory_space<hbm>> -> memref<40x128xi32, #tpu.memory_space<hbm>>
        %dma_start3A_146 = arith.constant 0 : i32
        %dma_start3A_147 = tpu.memref_slice %arg7[%add3A_78, %dma_start3A_146] : memref<1280x128xi32, #tpu.memory_space<hbm>> -> memref<40x128xi32, #tpu.memory_space<hbm>>
        tpu.enqueue_dma source(%dma_start3A_147 : memref<40x128xi32, #tpu.memory_space<hbm>>) target(%arg14 : memref<40x128xi32, #tpu.memory_space<vmem>>) target_semaphore(%run_scoped3A : memref<!tpu.dma_semaphore, #tpu.memory_space<semaphore_mem>>)
        %dma_wait3A = arith.constant 0 : i32
        %dma_wait3A_148 = tpu.memref_slice %arg7[%add3A_78, %dma_wait3A] : memref<1280x128xi32, #tpu.memory_space<hbm>> -> memref<40x128xi32, #tpu.memory_space<hbm>>
        %dma_wait3A_149 = arith.constant 0 : i32
        %dma_wait3A_150 = tpu.memref_slice %arg7[%add3A_78, %dma_wait3A_149] : memref<1280x128xi32, #tpu.memory_space<hbm>> -> memref<40x128xi32, #tpu.memory_space<hbm>>
        tpu.wait_dma2 semaphore(%run_scoped3A : memref<!tpu.dma_semaphore, #tpu.memory_space<semaphore_mem>>) src(%dma_wait3A_150 : memref<40x128xi32, #tpu.memory_space<hbm>>) dst(%arg14 : memref<40x128xi32, #tpu.memory_space<vmem>>)
        tpu.yield
      }) : () -> ()
      %barrier3A_79 = arith.constant 0 : index
      tpu.barrier barrier_id(%barrier3A_79)
      %dma_start3A_80 = arith.constant 0 : i32
      %dma_start3A_81 = arith.constant 0 : i32
      %dma_start3A_82 = arith.constant 0 : i32
      %dma_start3A_83 = arith.constant 0 : i32
      %dma_start3A_84 = tpu.memref_slice %arg15[%dma_start3A_81, %dma_start3A_82, %dma_start3A_83] : memref<2x128x128xf32, #tpu.memory_space<vmem>> -> memref<1x128x128xf32, #tpu.memory_space<vmem>>
      %dma_start3A_85 = tpu.memref_squeeze %dma_start3A_84 : memref<1x128x128xf32, #tpu.memory_space<vmem>> -> memref<128x128xf32, #tpu.memory_space<vmem>>
      %dma_start3A_86 = arith.constant 0 : i32
      %dma_start3A_87 = tpu.memref_slice %arg13[%dma_start3A_80, %dma_start3A_86] : memref<40x128xi32, #tpu.memory_space<vmem>> -> memref<1x128xi32, #tpu.memory_space<vmem>>
      %dma_start3A_88 = tpu.memref_squeeze %dma_start3A_87 : memref<1x128xi32, #tpu.memory_space<vmem>> -> memref<128xi32, #tpu.memory_space<vmem>>
      %dma_start3A_89 = arith.constant 0 : i32
      %dma_start3A_90 = arith.constant 0 : i32
      %dma_start3A_91 = tpu.memref_slice %arg5[%dma_start3A_89, %dma_start3A_90] : memref<10000x128xf32, #tpu.memory_space<hbm>> -> memref<10000x128xf32, #tpu.memory_space<hbm>>
      tpu.enqueue_indirect_dma source(%dma_start3A_91 : memref<10000x128xf32, #tpu.memory_space<hbm>>) target(%dma_start3A_85 : memref<128x128xf32, #tpu.memory_space<vmem>>) offsets(%dma_start3A_88 : memref<128xi32, #tpu.memory_space<vmem>>) semaphore(%arg17 : memref<!tpu.dma_semaphore, #tpu.memory_space<semaphore_mem>>)
      %dma_start3A_92 = arith.constant 1 : i32
      %dma_start3A_93 = arith.constant 1 : i32
      %dma_start3A_94 = arith.constant 0 : i32
      %dma_start3A_95 = arith.constant 0 : i32
      %dma_start3A_96 = tpu.memref_slice %arg15[%dma_start3A_93, %dma_start3A_94, %dma_start3A_95] : memref<2x128x128xf32, #tpu.memory_space<vmem>> -> memref<1x128x128xf32, #tpu.memory_space<vmem>>
      %dma_start3A_97 = tpu.memref_squeeze %dma_start3A_96 : memref<1x128x128xf32, #tpu.memory_space<vmem>> -> memref<128x128xf32, #tpu.memory_space<vmem>>
      %dma_start3A_98 = arith.constant 0 : i32
      %dma_start3A_99 = tpu.memref_slice %arg13[%dma_start3A_92, %dma_start3A_98] : memref<40x128xi32, #tpu.memory_space<vmem>> -> memref<1x128xi32, #tpu.memory_space<vmem>>
      %dma_start3A_100 = tpu.memref_squeeze %dma_start3A_99 : memref<1x128xi32, #tpu.memory_space<vmem>> -> memref<128xi32, #tpu.memory_space<vmem>>
      %dma_start3A_101 = arith.constant 0 : i32
      %dma_start3A_102 = arith.constant 0 : i32
      %dma_start3A_103 = tpu.memref_slice %arg5[%dma_start3A_101, %dma_start3A_102] : memref<10000x128xf32, #tpu.memory_space<hbm>> -> memref<10000x128xf32, #tpu.memory_space<hbm>>
      tpu.enqueue_indirect_dma source(%dma_start3A_103 : memref<10000x128xf32, #tpu.memory_space<hbm>>) target(%dma_start3A_97 : memref<128x128xf32, #tpu.memory_space<vmem>>) offsets(%dma_start3A_100 : memref<128xi32, #tpu.memory_space<vmem>>) semaphore(%arg17 : memref<!tpu.dma_semaphore, #tpu.memory_space<semaphore_mem>>)
      %scan3A_104 = arith.constant 0 : i32
      %scan3A_105 = arith.constant 0 : i32
      %scan3A_106 = arith.constant 20 : i32
      %scan3A_107 = arith.addi %scan3A_105, %scan3A_106 : i32
      %scan3A_108 = arith.constant 1 : i32
      scf.for %scan3A_144 = %scan3A_105 to %scan3A_107 step %scan3A_108  : i32 {
        %mul3A_145 = arith.constant 2 : i32
        %mul3A_146 = arith.muli %scan3A_144, %mul3A_145 : i32
        %add3A_147 = arith.constant 0 : i32
        %add3A_148 = arith.addi %mul3A_146, %add3A_147 : i32
        %dma_wait3A = arith.constant 0 : i32
        %dma_wait3A_149 = arith.constant 0 : i32
        %dma_wait3A_150 = arith.constant 0 : i32
        %dma_wait3A_151 = tpu.memref_slice %arg15[%dma_wait3A, %dma_wait3A_149, %dma_wait3A_150] : memref<2x128x128xf32, #tpu.memory_space<vmem>> -> memref<1x128x128xf32, #tpu.memory_space<vmem>>
        %dma_wait3A_152 = tpu.memref_squeeze %dma_wait3A_151 : memref<1x128x128xf32, #tpu.memory_space<vmem>> -> memref<128x128xf32, #tpu.memory_space<vmem>>
        %dma_wait3A_153 = arith.constant 0 : i32
        %dma_wait3A_154 = tpu.memref_slice %arg13[%add3A_148, %dma_wait3A_153] : memref<40x128xi32, #tpu.memory_space<vmem>> -> memref<1x128xi32, #tpu.memory_space<vmem>>
        %dma_wait3A_155 = tpu.memref_squeeze %dma_wait3A_154 : memref<1x128xi32, #tpu.memory_space<vmem>> -> memref<128xi32, #tpu.memory_space<vmem>>
        %dma_wait3A_156 = arith.constant 0 : i32
        %dma_wait3A_157 = arith.constant 0 : i32
        %dma_wait3A_158 = tpu.memref_slice %arg5[%dma_wait3A_156, %dma_wait3A_157] : memref<10000x128xf32, #tpu.memory_space<hbm>> -> memref<10000x128xf32, #tpu.memory_space<hbm>>
        tpu.wait_indirect_dma semaphore(%arg17 : memref<!tpu.dma_semaphore, #tpu.memory_space<semaphore_mem>>) src(%dma_wait3A_158 : memref<10000x128xf32, #tpu.memory_space<hbm>>) dst(%dma_wait3A_152 : memref<128x128xf32, #tpu.memory_space<vmem>>)
        %run_scoped3A = arith.constant 0 : i32
        "tpu.region"() ({
          %run_scoped3A_188 = tpu.sem_alloc : memref<!tpu.dma_semaphore, #tpu.memory_space<semaphore_mem>>
          %dma_start3A_189 = arith.constant 0 : i32
          %dma_start3A_190 = arith.constant 0 : i32
          %dma_start3A_191 = tpu.memref_slice %arg15[%run_scoped3A, %dma_start3A_189, %dma_start3A_190] : memref<2x128x128xf32, #tpu.memory_space<vmem>> -> memref<1x128x128xf32, #tpu.memory_space<vmem>>
          %dma_start3A_192 = tpu.memref_squeeze %dma_start3A_191 : memref<1x128x128xf32, #tpu.memory_space<vmem>> -> memref<128x128xf32, #tpu.memory_space<vmem>>
          %dma_start3A_193 = arith.constant 0 : i32
          %dma_start3A_194 = tpu.memref_slice %arg14[%add3A_148, %dma_start3A_193] : memref<40x128xi32, #tpu.memory_space<vmem>> -> memref<1x128xi32, #tpu.memory_space<vmem>>
          %dma_start3A_195 = tpu.memref_squeeze %dma_start3A_194 : memref<1x128xi32, #tpu.memory_space<vmem>> -> memref<128xi32, #tpu.memory_space<vmem>>
          %dma_start3A_196 = arith.constant 0 : i32
          %dma_start3A_197 = arith.constant 0 : i32
          %dma_start3A_198 = tpu.memref_slice %arg16[%dma_start3A_196, %dma_start3A_197] : memref<10112x128xf32, #tpu.memory_space<vmem_shared>> -> memref<10112x128xf32, #tpu.memory_space<vmem_shared>>
          tpu.enqueue_indirect_dma source(%dma_start3A_192 : memref<128x128xf32, #tpu.memory_space<vmem>>) target(%dma_start3A_198 : memref<10112x128xf32, #tpu.memory_space<vmem_shared>>) offsets(%dma_start3A_195 : memref<128xi32, #tpu.memory_space<vmem>>) semaphore(%run_scoped3A_188 : memref<!tpu.dma_semaphore, #tpu.memory_space<semaphore_mem>>) {add = true}
          %dma_wait3A_199 = arith.constant 0 : i32
          %dma_wait3A_200 = arith.constant 0 : i32
          %dma_wait3A_201 = tpu.memref_slice %arg15[%run_scoped3A, %dma_wait3A_199, %dma_wait3A_200] : memref<2x128x128xf32, #tpu.memory_space<vmem>> -> memref<1x128x128xf32, #tpu.memory_space<vmem>>
          %dma_wait3A_202 = tpu.memref_squeeze %dma_wait3A_201 : memref<1x128x128xf32, #tpu.memory_space<vmem>> -> memref<128x128xf32, #tpu.memory_space<vmem>>
          %dma_wait3A_203 = arith.constant 0 : i32
          %dma_wait3A_204 = tpu.memref_slice %arg14[%add3A_148, %dma_wait3A_203] : memref<40x128xi32, #tpu.memory_space<vmem>> -> memref<1x128xi32, #tpu.memory_space<vmem>>
          %dma_wait3A_205 = tpu.memref_squeeze %dma_wait3A_204 : memref<1x128xi32, #tpu.memory_space<vmem>> -> memref<128xi32, #tpu.memory_space<vmem>>
          %dma_wait3A_206 = arith.constant 0 : i32
          %dma_wait3A_207 = arith.constant 0 : i32
          %dma_wait3A_208 = tpu.memref_slice %arg16[%dma_wait3A_206, %dma_wait3A_207] : memref<10112x128xf32, #tpu.memory_space<vmem_shared>> -> memref<10112x128xf32, #tpu.memory_space<vmem_shared>>
          tpu.wait_indirect_dma semaphore(%run_scoped3A_188 : memref<!tpu.dma_semaphore, #tpu.memory_space<semaphore_mem>>) src(%dma_wait3A_202 : memref<128x128xf32, #tpu.memory_space<vmem>>) dst(%dma_wait3A_208 : memref<10112x128xf32, #tpu.memory_space<vmem_shared>>)
          tpu.yield
        }) : () -> ()
        %add3A_159 = arith.constant 2 : i32
        %add3A_160 = arith.addi %add3A_148, %add3A_159 : i32
        %lt3A = arith.constant 40 : i32
        %lt3A_161 = arith.cmpi slt, %add3A_160, %lt3A : i32
        %convert_element_type3A_162 = arith.extui %lt3A_161 : i1 to i32
        %cond3A_163 = arith.constant 0 : i32
        %cond3A_164 = arith.cmpi ne, %convert_element_type3A_162, %cond3A_163 : i32
        scf.if %cond3A_164 {
          %add3A_188 = arith.constant 2 : i32
          %add3A_189 = arith.addi %add3A_148, %add3A_188 : i32
          %dma_start3A_190 = arith.constant 0 : i32
          %dma_start3A_191 = arith.constant 0 : i32
          %dma_start3A_192 = arith.constant 0 : i32
          %dma_start3A_193 = tpu.memref_slice %arg15[%dma_start3A_190, %dma_start3A_191, %dma_start3A_192] : memref<2x128x128xf32, #tpu.memory_space<vmem>> -> memref<1x128x128xf32, #tpu.memory_space<vmem>>
          %dma_start3A_194 = tpu.memref_squeeze %dma_start3A_193 : memref<1x128x128xf32, #tpu.memory_space<vmem>> -> memref<128x128xf32, #tpu.memory_space<vmem>>
          %dma_start3A_195 = arith.constant 0 : i32
          %dma_start3A_196 = tpu.memref_slice %arg13[%add3A_189, %dma_start3A_195] : memref<40x128xi32, #tpu.memory_space<vmem>> -> memref<1x128xi32, #tpu.memory_space<vmem>>
          %dma_start3A_197 = tpu.memref_squeeze %dma_start3A_196 : memref<1x128xi32, #tpu.memory_space<vmem>> -> memref<128xi32, #tpu.memory_space<vmem>>
          %dma_start3A_198 = arith.constant 0 : i32
          %dma_start3A_199 = arith.constant 0 : i32
          %dma_start3A_200 = tpu.memref_slice %arg5[%dma_start3A_198, %dma_start3A_199] : memref<10000x128xf32, #tpu.memory_space<hbm>> -> memref<10000x128xf32, #tpu.memory_space<hbm>>
          tpu.enqueue_indirect_dma source(%dma_start3A_200 : memref<10000x128xf32, #tpu.memory_space<hbm>>) target(%dma_start3A_194 : memref<128x128xf32, #tpu.memory_space<vmem>>) offsets(%dma_start3A_197 : memref<128xi32, #tpu.memory_space<vmem>>) semaphore(%arg17 : memref<!tpu.dma_semaphore, #tpu.memory_space<semaphore_mem>>)
        } else {
        }
        %mul3A_165 = arith.constant 2 : i32
        %mul3A_166 = arith.muli %scan3A_144, %mul3A_165 : i32
        %add3A_167 = arith.constant 1 : i32
        %add3A_168 = arith.addi %mul3A_166, %add3A_167 : i32
        %dma_wait3A_169 = arith.constant 1 : i32
        %dma_wait3A_170 = arith.constant 0 : i32
        %dma_wait3A_171 = arith.constant 0 : i32
        %dma_wait3A_172 = tpu.memref_slice %arg15[%dma_wait3A_169, %dma_wait3A_170, %dma_wait3A_171] : memref<2x128x128xf32, #tpu.memory_space<vmem>> -> memref<1x128x128xf32, #tpu.memory_space<vmem>>
        %dma_wait3A_173 = tpu.memref_squeeze %dma_wait3A_172 : memref<1x128x128xf32, #tpu.memory_space<vmem>> -> memref<128x128xf32, #tpu.memory_space<vmem>>
        %dma_wait3A_174 = arith.constant 0 : i32
        %dma_wait3A_175 = tpu.memref_slice %arg13[%add3A_168, %dma_wait3A_174] : memref<40x128xi32, #tpu.memory_space<vmem>> -> memref<1x128xi32, #tpu.memory_space<vmem>>
        %dma_wait3A_176 = tpu.memref_squeeze %dma_wait3A_175 : memref<1x128xi32, #tpu.memory_space<vmem>> -> memref<128xi32, #tpu.memory_space<vmem>>
        %dma_wait3A_177 = arith.constant 0 : i32
        %dma_wait3A_178 = arith.constant 0 : i32
        %dma_wait3A_179 = tpu.memref_slice %arg5[%dma_wait3A_177, %dma_wait3A_178] : memref<10000x128xf32, #tpu.memory_space<hbm>> -> memref<10000x128xf32, #tpu.memory_space<hbm>>
        tpu.wait_indirect_dma semaphore(%arg17 : memref<!tpu.dma_semaphore, #tpu.memory_space<semaphore_mem>>) src(%dma_wait3A_179 : memref<10000x128xf32, #tpu.memory_space<hbm>>) dst(%dma_wait3A_173 : memref<128x128xf32, #tpu.memory_space<vmem>>)
        %run_scoped3A_180 = arith.constant 1 : i32
        "tpu.region"() ({
          %run_scoped3A_188 = tpu.sem_alloc : memref<!tpu.dma_semaphore, #tpu.memory_space<semaphore_mem>>
          %dma_start3A_189 = arith.constant 0 : i32
          %dma_start3A_190 = arith.constant 0 : i32
          %dma_start3A_191 = tpu.memref_slice %arg15[%run_scoped3A_180, %dma_start3A_189, %dma_start3A_190] : memref<2x128x128xf32, #tpu.memory_space<vmem>> -> memref<1x128x128xf32, #tpu.memory_space<vmem>>
          %dma_start3A_192 = tpu.memref_squeeze %dma_start3A_191 : memref<1x128x128xf32, #tpu.memory_space<vmem>> -> memref<128x128xf32, #tpu.memory_space<vmem>>
          %dma_start3A_193 = arith.constant 0 : i32
          %dma_start3A_194 = tpu.memref_slice %arg14[%add3A_168, %dma_start3A_193] : memref<40x128xi32, #tpu.memory_space<vmem>> -> memref<1x128xi32, #tpu.memory_space<vmem>>
          %dma_start3A_195 = tpu.memref_squeeze %dma_start3A_194 : memref<1x128xi32, #tpu.memory_space<vmem>> -> memref<128xi32, #tpu.memory_space<vmem>>
          %dma_start3A_196 = arith.constant 0 : i32
          %dma_start3A_197 = arith.constant 0 : i32
          %dma_start3A_198 = tpu.memref_slice %arg16[%dma_start3A_196, %dma_start3A_197] : memref<10112x128xf32, #tpu.memory_space<vmem_shared>> -> memref<10112x128xf32, #tpu.memory_space<vmem_shared>>
          tpu.enqueue_indirect_dma source(%dma_start3A_192 : memref<128x128xf32, #tpu.memory_space<vmem>>) target(%dma_start3A_198 : memref<10112x128xf32, #tpu.memory_space<vmem_shared>>) offsets(%dma_start3A_195 : memref<128xi32, #tpu.memory_space<vmem>>) semaphore(%run_scoped3A_188 : memref<!tpu.dma_semaphore, #tpu.memory_space<semaphore_mem>>) {add = true}
          %dma_wait3A_199 = arith.constant 0 : i32
          %dma_wait3A_200 = arith.constant 0 : i32
          %dma_wait3A_201 = tpu.memref_slice %arg15[%run_scoped3A_180, %dma_wait3A_199, %dma_wait3A_200] : memref<2x128x128xf32, #tpu.memory_space<vmem>> -> memref<1x128x128xf32, #tpu.memory_space<vmem>>
          %dma_wait3A_202 = tpu.memref_squeeze %dma_wait3A_201 : memref<1x128x128xf32, #tpu.memory_space<vmem>> -> memref<128x128xf32, #tpu.memory_space<vmem>>
          %dma_wait3A_203 = arith.constant 0 : i32
          %dma_wait3A_204 = tpu.memref_slice %arg14[%add3A_168, %dma_wait3A_203] : memref<40x128xi32, #tpu.memory_space<vmem>> -> memref<1x128xi32, #tpu.memory_space<vmem>>
          %dma_wait3A_205 = tpu.memref_squeeze %dma_wait3A_204 : memref<1x128xi32, #tpu.memory_space<vmem>> -> memref<128xi32, #tpu.memory_space<vmem>>
          %dma_wait3A_206 = arith.constant 0 : i32
          %dma_wait3A_207 = arith.constant 0 : i32
          %dma_wait3A_208 = tpu.memref_slice %arg16[%dma_wait3A_206, %dma_wait3A_207] : memref<10112x128xf32, #tpu.memory_space<vmem_shared>> -> memref<10112x128xf32, #tpu.memory_space<vmem_shared>>
          tpu.wait_indirect_dma semaphore(%run_scoped3A_188 : memref<!tpu.dma_semaphore, #tpu.memory_space<semaphore_mem>>) src(%dma_wait3A_202 : memref<128x128xf32, #tpu.memory_space<vmem>>) dst(%dma_wait3A_208 : memref<10112x128xf32, #tpu.memory_space<vmem_shared>>)
          tpu.yield
        }) : () -> ()
        %add3A_181 = arith.constant 2 : i32
        %add3A_182 = arith.addi %add3A_168, %add3A_181 : i32
        %lt3A_183 = arith.constant 40 : i32
        %lt3A_184 = arith.cmpi slt, %add3A_182, %lt3A_183 : i32
        %convert_element_type3A_185 = arith.extui %lt3A_184 : i1 to i32
        %cond3A_186 = arith.constant 0 : i32
        %cond3A_187 = arith.cmpi ne, %convert_element_type3A_185, %cond3A_186 : i32
        scf.if %cond3A_187 {
          %add3A_188 = arith.constant 2 : i32
          %add3A_189 = arith.addi %add3A_168, %add3A_188 : i32
          %dma_start3A_190 = arith.constant 1 : i32
          %dma_start3A_191 = arith.constant 0 : i32
          %dma_start3A_192 = arith.constant 0 : i32
          %dma_start3A_193 = tpu.memref_slice %arg15[%dma_start3A_190, %dma_start3A_191, %dma_start3A_192] : memref<2x128x128xf32, #tpu.memory_space<vmem>> -> memref<1x128x128xf32, #tpu.memory_space<vmem>>
          %dma_start3A_194 = tpu.memref_squeeze %dma_start3A_193 : memref<1x128x128xf32, #tpu.memory_space<vmem>> -> memref<128x128xf32, #tpu.memory_space<vmem>>
          %dma_start3A_195 = arith.constant 0 : i32
          %dma_start3A_196 = tpu.memref_slice %arg13[%add3A_189, %dma_start3A_195] : memref<40x128xi32, #tpu.memory_space<vmem>> -> memref<1x128xi32, #tpu.memory_space<vmem>>
          %dma_start3A_197 = tpu.memref_squeeze %dma_start3A_196 : memref<1x128xi32, #tpu.memory_space<vmem>> -> memref<128xi32, #tpu.memory_space<vmem>>
          %dma_start3A_198 = arith.constant 0 : i32
          %dma_start3A_199 = arith.constant 0 : i32
          %dma_start3A_200 = tpu.memref_slice %arg5[%dma_start3A_198, %dma_start3A_199] : memref<10000x128xf32, #tpu.memory_space<hbm>> -> memref<10000x128xf32, #tpu.memory_space<hbm>>
          tpu.enqueue_indirect_dma source(%dma_start3A_200 : memref<10000x128xf32, #tpu.memory_space<hbm>>) target(%dma_start3A_194 : memref<128x128xf32, #tpu.memory_space<vmem>>) offsets(%dma_start3A_197 : memref<128xi32, #tpu.memory_space<vmem>>) semaphore(%arg17 : memref<!tpu.dma_semaphore, #tpu.memory_space<semaphore_mem>>)
        } else {
        }
      }
      %scan3A_109 = arith.constant 20 : i32
      %add3A_110 = arith.constant 40 : i32
      %add3A_111 = arith.addi %mul3A_76, %add3A_110 : i32
      "tpu.region"() ({
        %run_scoped3A = tpu.sem_alloc : memref<!tpu.dma_semaphore, #tpu.memory_space<semaphore_mem>>
        %dma_start3A_144 = arith.constant 0 : i32
        %dma_start3A_145 = tpu.memref_slice %arg6[%add3A_111, %dma_start3A_144] : memref<1280x128xi32, #tpu.memory_space<hbm>> -> memref<40x128xi32, #tpu.memory_space<hbm>>
        %dma_start3A_146 = arith.constant 0 : i32
        %dma_start3A_147 = tpu.memref_slice %arg6[%add3A_111, %dma_start3A_146] : memref<1280x128xi32, #tpu.memory_space<hbm>> -> memref<40x128xi32, #tpu.memory_space<hbm>>
        tpu.enqueue_dma source(%dma_start3A_147 : memref<40x128xi32, #tpu.memory_space<hbm>>) target(%arg13 : memref<40x128xi32, #tpu.memory_space<vmem>>) target_semaphore(%run_scoped3A : memref<!tpu.dma_semaphore, #tpu.memory_space<semaphore_mem>>)
        %dma_wait3A = arith.constant 0 : i32
        %dma_wait3A_148 = tpu.memref_slice %arg6[%add3A_111, %dma_wait3A] : memref<1280x128xi32, #tpu.memory_space<hbm>> -> memref<40x128xi32, #tpu.memory_space<hbm>>
        %dma_wait3A_149 = arith.constant 0 : i32
        %dma_wait3A_150 = tpu.memref_slice %arg6[%add3A_111, %dma_wait3A_149] : memref<1280x128xi32, #tpu.memory_space<hbm>> -> memref<40x128xi32, #tpu.memory_space<hbm>>
        tpu.wait_dma2 semaphore(%run_scoped3A : memref<!tpu.dma_semaphore, #tpu.memory_space<semaphore_mem>>) src(%dma_wait3A_150 : memref<40x128xi32, #tpu.memory_space<hbm>>) dst(%arg13 : memref<40x128xi32, #tpu.memory_space<vmem>>)
        tpu.yield
      }) : () -> ()
      "tpu.region"() ({
        %run_scoped3A = tpu.sem_alloc : memref<!tpu.dma_semaphore, #tpu.memory_space<semaphore_mem>>
        %dma_start3A_144 = arith.constant 0 : i32
        %dma_start3A_145 = tpu.memref_slice %arg7[%add3A_111, %dma_start3A_144] : memref<1280x128xi32, #tpu.memory_space<hbm>> -> memref<40x128xi32, #tpu.memory_space<hbm>>
        %dma_start3A_146 = arith.constant 0 : i32
        %dma_start3A_147 = tpu.memref_slice %arg7[%add3A_111, %dma_start3A_146] : memref<1280x128xi32, #tpu.memory_space<hbm>> -> memref<40x128xi32, #tpu.memory_space<hbm>>
        tpu.enqueue_dma source(%dma_start3A_147 : memref<40x128xi32, #tpu.memory_space<hbm>>) target(%arg14 : memref<40x128xi32, #tpu.memory_space<vmem>>) target_semaphore(%run_scoped3A : memref<!tpu.dma_semaphore, #tpu.memory_space<semaphore_mem>>)
        %dma_wait3A = arith.constant 0 : i32
        %dma_wait3A_148 = tpu.memref_slice %arg7[%add3A_111, %dma_wait3A] : memref<1280x128xi32, #tpu.memory_space<hbm>> -> memref<40x128xi32, #tpu.memory_space<hbm>>
        %dma_wait3A_149 = arith.constant 0 : i32
        %dma_wait3A_150 = tpu.memref_slice %arg7[%add3A_111, %dma_wait3A_149] : memref<1280x128xi32, #tpu.memory_space<hbm>> -> memref<40x128xi32, #tpu.memory_space<hbm>>
        tpu.wait_dma2 semaphore(%run_scoped3A : memref<!tpu.dma_semaphore, #tpu.memory_space<semaphore_mem>>) src(%dma_wait3A_150 : memref<40x128xi32, #tpu.memory_space<hbm>>) dst(%arg14 : memref<40x128xi32, #tpu.memory_space<vmem>>)
        tpu.yield
      }) : () -> ()
      %dma_start3A_112 = arith.constant 0 : i32
      %dma_start3A_113 = arith.constant 0 : i32
      %dma_start3A_114 = arith.constant 0 : i32
      %dma_start3A_115 = arith.constant 0 : i32
      %dma_start3A_116 = tpu.memref_slice %arg15[%dma_start3A_113, %dma_start3A_114, %dma_start3A_115] : memref<2x128x128xf32, #tpu.memory_space<vmem>> -> memref<1x128x128xf32, #tpu.memory_space<vmem>>
      %dma_start3A_117 = tpu.memref_squeeze %dma_start3A_116 : memref<1x128x128xf32, #tpu.memory_space<vmem>> -> memref<128x128xf32, #tpu.memory_space<vmem>>
      %dma_start3A_118 = arith.constant 0 : i32
      %dma_start3A_119 = tpu.memref_slice %arg13[%dma_start3A_112, %dma_start3A_118] : memref<40x128xi32, #tpu.memory_space<vmem>> -> memref<1x128xi32, #tpu.memory_space<vmem>>
      %dma_start3A_120 = tpu.memref_squeeze %dma_start3A_119 : memref<1x128xi32, #tpu.memory_space<vmem>> -> memref<128xi32, #tpu.memory_space<vmem>>
      %dma_start3A_121 = arith.constant 0 : i32
      %dma_start3A_122 = arith.constant 0 : i32
      %dma_start3A_123 = tpu.memref_slice %arg5[%dma_start3A_121, %dma_start3A_122] : memref<10000x128xf32, #tpu.memory_space<hbm>> -> memref<10000x128xf32, #tpu.memory_space<hbm>>
      tpu.enqueue_indirect_dma source(%dma_start3A_123 : memref<10000x128xf32, #tpu.memory_space<hbm>>) target(%dma_start3A_117 : memref<128x128xf32, #tpu.memory_space<vmem>>) offsets(%dma_start3A_120 : memref<128xi32, #tpu.memory_space<vmem>>) semaphore(%arg17 : memref<!tpu.dma_semaphore, #tpu.memory_space<semaphore_mem>>)
      %dma_start3A_124 = arith.constant 1 : i32
      %dma_start3A_125 = arith.constant 1 : i32
      %dma_start3A_126 = arith.constant 0 : i32
      %dma_start3A_127 = arith.constant 0 : i32
      %dma_start3A_128 = tpu.memref_slice %arg15[%dma_start3A_125, %dma_start3A_126, %dma_start3A_127] : memref<2x128x128xf32, #tpu.memory_space<vmem>> -> memref<1x128x128xf32, #tpu.memory_space<vmem>>
      %dma_start3A_129 = tpu.memref_squeeze %dma_start3A_128 : memref<1x128x128xf32, #tpu.memory_space<vmem>> -> memref<128x128xf32, #tpu.memory_space<vmem>>
      %dma_start3A_130 = arith.constant 0 : i32
      %dma_start3A_131 = tpu.memref_slice %arg13[%dma_start3A_124, %dma_start3A_130] : memref<40x128xi32, #tpu.memory_space<vmem>> -> memref<1x128xi32, #tpu.memory_space<vmem>>
      %dma_start3A_132 = tpu.memref_squeeze %dma_start3A_131 : memref<1x128xi32, #tpu.memory_space<vmem>> -> memref<128xi32, #tpu.memory_space<vmem>>
      %dma_start3A_133 = arith.constant 0 : i32
      %dma_start3A_134 = arith.constant 0 : i32
      %dma_start3A_135 = tpu.memref_slice %arg5[%dma_start3A_133, %dma_start3A_134] : memref<10000x128xf32, #tpu.memory_space<hbm>> -> memref<10000x128xf32, #tpu.memory_space<hbm>>
      tpu.enqueue_indirect_dma source(%dma_start3A_135 : memref<10000x128xf32, #tpu.memory_space<hbm>>) target(%dma_start3A_129 : memref<128x128xf32, #tpu.memory_space<vmem>>) offsets(%dma_start3A_132 : memref<128xi32, #tpu.memory_space<vmem>>) semaphore(%arg17 : memref<!tpu.dma_semaphore, #tpu.memory_space<semaphore_mem>>)
      %scan3A_136 = arith.constant 0 : i32
      %scan3A_137 = arith.constant 0 : i32
      %scan3A_138 = arith.constant 20 : i32
      %scan3A_139 = arith.addi %scan3A_137, %scan3A_138 : i32
      %scan3A_140 = arith.constant 1 : i32
      scf.for %scan3A_144 = %scan3A_137 to %scan3A_139 step %scan3A_140  : i32 {
        %mul3A_145 = arith.constant 2 : i32
        %mul3A_146 = arith.muli %scan3A_144, %mul3A_145 : i32
        %add3A_147 = arith.constant 0 : i32
        %add3A_148 = arith.addi %mul3A_146, %add3A_147 : i32
        %dma_wait3A = arith.constant 0 : i32
        %dma_wait3A_149 = arith.constant 0 : i32
        %dma_wait3A_150 = arith.constant 0 : i32
        %dma_wait3A_151 = tpu.memref_slice %arg15[%dma_wait3A, %dma_wait3A_149, %dma_wait3A_150] : memref<2x128x128xf32, #tpu.memory_space<vmem>> -> memref<1x128x128xf32, #tpu.memory_space<vmem>>
        %dma_wait3A_152 = tpu.memref_squeeze %dma_wait3A_151 : memref<1x128x128xf32, #tpu.memory_space<vmem>> -> memref<128x128xf32, #tpu.memory_space<vmem>>
        %dma_wait3A_153 = arith.constant 0 : i32
        %dma_wait3A_154 = tpu.memref_slice %arg13[%add3A_148, %dma_wait3A_153] : memref<40x128xi32, #tpu.memory_space<vmem>> -> memref<1x128xi32, #tpu.memory_space<vmem>>
        %dma_wait3A_155 = tpu.memref_squeeze %dma_wait3A_154 : memref<1x128xi32, #tpu.memory_space<vmem>> -> memref<128xi32, #tpu.memory_space<vmem>>
        %dma_wait3A_156 = arith.constant 0 : i32
        %dma_wait3A_157 = arith.constant 0 : i32
        %dma_wait3A_158 = tpu.memref_slice %arg5[%dma_wait3A_156, %dma_wait3A_157] : memref<10000x128xf32, #tpu.memory_space<hbm>> -> memref<10000x128xf32, #tpu.memory_space<hbm>>
        tpu.wait_indirect_dma semaphore(%arg17 : memref<!tpu.dma_semaphore, #tpu.memory_space<semaphore_mem>>) src(%dma_wait3A_158 : memref<10000x128xf32, #tpu.memory_space<hbm>>) dst(%dma_wait3A_152 : memref<128x128xf32, #tpu.memory_space<vmem>>)
        %run_scoped3A = arith.constant 0 : i32
        "tpu.region"() ({
          %run_scoped3A_188 = tpu.sem_alloc : memref<!tpu.dma_semaphore, #tpu.memory_space<semaphore_mem>>
          %dma_start3A_189 = arith.constant 0 : i32
          %dma_start3A_190 = arith.constant 0 : i32
          %dma_start3A_191 = tpu.memref_slice %arg15[%run_scoped3A, %dma_start3A_189, %dma_start3A_190] : memref<2x128x128xf32, #tpu.memory_space<vmem>> -> memref<1x128x128xf32, #tpu.memory_space<vmem>>
          %dma_start3A_192 = tpu.memref_squeeze %dma_start3A_191 : memref<1x128x128xf32, #tpu.memory_space<vmem>> -> memref<128x128xf32, #tpu.memory_space<vmem>>
          %dma_start3A_193 = arith.constant 0 : i32
          %dma_start3A_194 = tpu.memref_slice %arg14[%add3A_148, %dma_start3A_193] : memref<40x128xi32, #tpu.memory_space<vmem>> -> memref<1x128xi32, #tpu.memory_space<vmem>>
          %dma_start3A_195 = tpu.memref_squeeze %dma_start3A_194 : memref<1x128xi32, #tpu.memory_space<vmem>> -> memref<128xi32, #tpu.memory_space<vmem>>
          %dma_start3A_196 = arith.constant 0 : i32
          %dma_start3A_197 = arith.constant 0 : i32
          %dma_start3A_198 = tpu.memref_slice %arg16[%dma_start3A_196, %dma_start3A_197] : memref<10112x128xf32, #tpu.memory_space<vmem_shared>> -> memref<10112x128xf32, #tpu.memory_space<vmem_shared>>
          tpu.enqueue_indirect_dma source(%dma_start3A_192 : memref<128x128xf32, #tpu.memory_space<vmem>>) target(%dma_start3A_198 : memref<10112x128xf32, #tpu.memory_space<vmem_shared>>) offsets(%dma_start3A_195 : memref<128xi32, #tpu.memory_space<vmem>>) semaphore(%run_scoped3A_188 : memref<!tpu.dma_semaphore, #tpu.memory_space<semaphore_mem>>) {add = true}
          %dma_wait3A_199 = arith.constant 0 : i32
          %dma_wait3A_200 = arith.constant 0 : i32
          %dma_wait3A_201 = tpu.memref_slice %arg15[%run_scoped3A, %dma_wait3A_199, %dma_wait3A_200] : memref<2x128x128xf32, #tpu.memory_space<vmem>> -> memref<1x128x128xf32, #tpu.memory_space<vmem>>
          %dma_wait3A_202 = tpu.memref_squeeze %dma_wait3A_201 : memref<1x128x128xf32, #tpu.memory_space<vmem>> -> memref<128x128xf32, #tpu.memory_space<vmem>>
          %dma_wait3A_203 = arith.constant 0 : i32
          %dma_wait3A_204 = tpu.memref_slice %arg14[%add3A_148, %dma_wait3A_203] : memref<40x128xi32, #tpu.memory_space<vmem>> -> memref<1x128xi32, #tpu.memory_space<vmem>>
          %dma_wait3A_205 = tpu.memref_squeeze %dma_wait3A_204 : memref<1x128xi32, #tpu.memory_space<vmem>> -> memref<128xi32, #tpu.memory_space<vmem>>
          %dma_wait3A_206 = arith.constant 0 : i32
          %dma_wait3A_207 = arith.constant 0 : i32
          %dma_wait3A_208 = tpu.memref_slice %arg16[%dma_wait3A_206, %dma_wait3A_207] : memref<10112x128xf32, #tpu.memory_space<vmem_shared>> -> memref<10112x128xf32, #tpu.memory_space<vmem_shared>>
          tpu.wait_indirect_dma semaphore(%run_scoped3A_188 : memref<!tpu.dma_semaphore, #tpu.memory_space<semaphore_mem>>) src(%dma_wait3A_202 : memref<128x128xf32, #tpu.memory_space<vmem>>) dst(%dma_wait3A_208 : memref<10112x128xf32, #tpu.memory_space<vmem_shared>>)
          tpu.yield
        }) : () -> ()
        %add3A_159 = arith.constant 2 : i32
        %add3A_160 = arith.addi %add3A_148, %add3A_159 : i32
        %lt3A = arith.constant 40 : i32
        %lt3A_161 = arith.cmpi slt, %add3A_160, %lt3A : i32
        %convert_element_type3A_162 = arith.extui %lt3A_161 : i1 to i32
        %cond3A_163 = arith.constant 0 : i32
        %cond3A_164 = arith.cmpi ne, %convert_element_type3A_162, %cond3A_163 : i32
        scf.if %cond3A_164 {
          %add3A_188 = arith.constant 2 : i32
          %add3A_189 = arith.addi %add3A_148, %add3A_188 : i32
          %dma_start3A_190 = arith.constant 0 : i32
          %dma_start3A_191 = arith.constant 0 : i32
          %dma_start3A_192 = arith.constant 0 : i32
          %dma_start3A_193 = tpu.memref_slice %arg15[%dma_start3A_190, %dma_start3A_191, %dma_start3A_192] : memref<2x128x128xf32, #tpu.memory_space<vmem>> -> memref<1x128x128xf32, #tpu.memory_space<vmem>>
          %dma_start3A_194 = tpu.memref_squeeze %dma_start3A_193 : memref<1x128x128xf32, #tpu.memory_space<vmem>> -> memref<128x128xf32, #tpu.memory_space<vmem>>
          %dma_start3A_195 = arith.constant 0 : i32
          %dma_start3A_196 = tpu.memref_slice %arg13[%add3A_189, %dma_start3A_195] : memref<40x128xi32, #tpu.memory_space<vmem>> -> memref<1x128xi32, #tpu.memory_space<vmem>>
          %dma_start3A_197 = tpu.memref_squeeze %dma_start3A_196 : memref<1x128xi32, #tpu.memory_space<vmem>> -> memref<128xi32, #tpu.memory_space<vmem>>
          %dma_start3A_198 = arith.constant 0 : i32
          %dma_start3A_199 = arith.constant 0 : i32
          %dma_start3A_200 = tpu.memref_slice %arg5[%dma_start3A_198, %dma_start3A_199] : memref<10000x128xf32, #tpu.memory_space<hbm>> -> memref<10000x128xf32, #tpu.memory_space<hbm>>
          tpu.enqueue_indirect_dma source(%dma_start3A_200 : memref<10000x128xf32, #tpu.memory_space<hbm>>) target(%dma_start3A_194 : memref<128x128xf32, #tpu.memory_space<vmem>>) offsets(%dma_start3A_197 : memref<128xi32, #tpu.memory_space<vmem>>) semaphore(%arg17 : memref<!tpu.dma_semaphore, #tpu.memory_space<semaphore_mem>>)
        } else {
        }
        %mul3A_165 = arith.constant 2 : i32
        %mul3A_166 = arith.muli %scan3A_144, %mul3A_165 : i32
        %add3A_167 = arith.constant 1 : i32
        %add3A_168 = arith.addi %mul3A_166, %add3A_167 : i32
        %dma_wait3A_169 = arith.constant 1 : i32
        %dma_wait3A_170 = arith.constant 0 : i32
        %dma_wait3A_171 = arith.constant 0 : i32
        %dma_wait3A_172 = tpu.memref_slice %arg15[%dma_wait3A_169, %dma_wait3A_170, %dma_wait3A_171] : memref<2x128x128xf32, #tpu.memory_space<vmem>> -> memref<1x128x128xf32, #tpu.memory_space<vmem>>
        %dma_wait3A_173 = tpu.memref_squeeze %dma_wait3A_172 : memref<1x128x128xf32, #tpu.memory_space<vmem>> -> memref<128x128xf32, #tpu.memory_space<vmem>>
        %dma_wait3A_174 = arith.constant 0 : i32
        %dma_wait3A_175 = tpu.memref_slice %arg13[%add3A_168, %dma_wait3A_174] : memref<40x128xi32, #tpu.memory_space<vmem>> -> memref<1x128xi32, #tpu.memory_space<vmem>>
        %dma_wait3A_176 = tpu.memref_squeeze %dma_wait3A_175 : memref<1x128xi32, #tpu.memory_space<vmem>> -> memref<128xi32, #tpu.memory_space<vmem>>
        %dma_wait3A_177 = arith.constant 0 : i32
        %dma_wait3A_178 = arith.constant 0 : i32
        %dma_wait3A_179 = tpu.memref_slice %arg5[%dma_wait3A_177, %dma_wait3A_178] : memref<10000x128xf32, #tpu.memory_space<hbm>> -> memref<10000x128xf32, #tpu.memory_space<hbm>>
        tpu.wait_indirect_dma semaphore(%arg17 : memref<!tpu.dma_semaphore, #tpu.memory_space<semaphore_mem>>) src(%dma_wait3A_179 : memref<10000x128xf32, #tpu.memory_space<hbm>>) dst(%dma_wait3A_173 : memref<128x128xf32, #tpu.memory_space<vmem>>)
        %run_scoped3A_180 = arith.constant 1 : i32
        "tpu.region"() ({
          %run_scoped3A_188 = tpu.sem_alloc : memref<!tpu.dma_semaphore, #tpu.memory_space<semaphore_mem>>
          %dma_start3A_189 = arith.constant 0 : i32
          %dma_start3A_190 = arith.constant 0 : i32
          %dma_start3A_191 = tpu.memref_slice %arg15[%run_scoped3A_180, %dma_start3A_189, %dma_start3A_190] : memref<2x128x128xf32, #tpu.memory_space<vmem>> -> memref<1x128x128xf32, #tpu.memory_space<vmem>>
          %dma_start3A_192 = tpu.memref_squeeze %dma_start3A_191 : memref<1x128x128xf32, #tpu.memory_space<vmem>> -> memref<128x128xf32, #tpu.memory_space<vmem>>
          %dma_start3A_193 = arith.constant 0 : i32
          %dma_start3A_194 = tpu.memref_slice %arg14[%add3A_168, %dma_start3A_193] : memref<40x128xi32, #tpu.memory_space<vmem>> -> memref<1x128xi32, #tpu.memory_space<vmem>>
          %dma_start3A_195 = tpu.memref_squeeze %dma_start3A_194 : memref<1x128xi32, #tpu.memory_space<vmem>> -> memref<128xi32, #tpu.memory_space<vmem>>
          %dma_start3A_196 = arith.constant 0 : i32
          %dma_start3A_197 = arith.constant 0 : i32
          %dma_start3A_198 = tpu.memref_slice %arg16[%dma_start3A_196, %dma_start3A_197] : memref<10112x128xf32, #tpu.memory_space<vmem_shared>> -> memref<10112x128xf32, #tpu.memory_space<vmem_shared>>
          tpu.enqueue_indirect_dma source(%dma_start3A_192 : memref<128x128xf32, #tpu.memory_space<vmem>>) target(%dma_start3A_198 : memref<10112x128xf32, #tpu.memory_space<vmem_shared>>) offsets(%dma_start3A_195 : memref<128xi32, #tpu.memory_space<vmem>>) semaphore(%run_scoped3A_188 : memref<!tpu.dma_semaphore, #tpu.memory_space<semaphore_mem>>) {add = true}
          %dma_wait3A_199 = arith.constant 0 : i32
          %dma_wait3A_200 = arith.constant 0 : i32
          %dma_wait3A_201 = tpu.memref_slice %arg15[%run_scoped3A_180, %dma_wait3A_199, %dma_wait3A_200] : memref<2x128x128xf32, #tpu.memory_space<vmem>> -> memref<1x128x128xf32, #tpu.memory_space<vmem>>
          %dma_wait3A_202 = tpu.memref_squeeze %dma_wait3A_201 : memref<1x128x128xf32, #tpu.memory_space<vmem>> -> memref<128x128xf32, #tpu.memory_space<vmem>>
          %dma_wait3A_203 = arith.constant 0 : i32
          %dma_wait3A_204 = tpu.memref_slice %arg14[%add3A_168, %dma_wait3A_203] : memref<40x128xi32, #tpu.memory_space<vmem>> -> memref<1x128xi32, #tpu.memory_space<vmem>>
          %dma_wait3A_205 = tpu.memref_squeeze %dma_wait3A_204 : memref<1x128xi32, #tpu.memory_space<vmem>> -> memref<128xi32, #tpu.memory_space<vmem>>
          %dma_wait3A_206 = arith.constant 0 : i32
          %dma_wait3A_207 = arith.constant 0 : i32
          %dma_wait3A_208 = tpu.memref_slice %arg16[%dma_wait3A_206, %dma_wait3A_207] : memref<10112x128xf32, #tpu.memory_space<vmem_shared>> -> memref<10112x128xf32, #tpu.memory_space<vmem_shared>>
          tpu.wait_indirect_dma semaphore(%run_scoped3A_188 : memref<!tpu.dma_semaphore, #tpu.memory_space<semaphore_mem>>) src(%dma_wait3A_202 : memref<128x128xf32, #tpu.memory_space<vmem>>) dst(%dma_wait3A_208 : memref<10112x128xf32, #tpu.memory_space<vmem_shared>>)
          tpu.yield
        }) : () -> ()
        %add3A_181 = arith.constant 2 : i32
        %add3A_182 = arith.addi %add3A_168, %add3A_181 : i32
        %lt3A_183 = arith.constant 40 : i32
        %lt3A_184 = arith.cmpi slt, %add3A_182, %lt3A_183 : i32
        %convert_element_type3A_185 = arith.extui %lt3A_184 : i1 to i32
        %cond3A_186 = arith.constant 0 : i32
        %cond3A_187 = arith.cmpi ne, %convert_element_type3A_185, %cond3A_186 : i32
        scf.if %cond3A_187 {
          %add3A_188 = arith.constant 2 : i32
          %add3A_189 = arith.addi %add3A_168, %add3A_188 : i32
          %dma_start3A_190 = arith.constant 1 : i32
          %dma_start3A_191 = arith.constant 0 : i32
          %dma_start3A_192 = arith.constant 0 : i32
          %dma_start3A_193 = tpu.memref_slice %arg15[%dma_start3A_190, %dma_start3A_191, %dma_start3A_192] : memref<2x128x128xf32, #tpu.memory_space<vmem>> -> memref<1x128x128xf32, #tpu.memory_space<vmem>>
          %dma_start3A_194 = tpu.memref_squeeze %dma_start3A_193 : memref<1x128x128xf32, #tpu.memory_space<vmem>> -> memref<128x128xf32, #tpu.memory_space<vmem>>
          %dma_start3A_195 = arith.constant 0 : i32
          %dma_start3A_196 = tpu.memref_slice %arg13[%add3A_189, %dma_start3A_195] : memref<40x128xi32, #tpu.memory_space<vmem>> -> memref<1x128xi32, #tpu.memory_space<vmem>>
          %dma_start3A_197 = tpu.memref_squeeze %dma_start3A_196 : memref<1x128xi32, #tpu.memory_space<vmem>> -> memref<128xi32, #tpu.memory_space<vmem>>
          %dma_start3A_198 = arith.constant 0 : i32
          %dma_start3A_199 = arith.constant 0 : i32
          %dma_start3A_200 = tpu.memref_slice %arg5[%dma_start3A_198, %dma_start3A_199] : memref<10000x128xf32, #tpu.memory_space<hbm>> -> memref<10000x128xf32, #tpu.memory_space<hbm>>
          tpu.enqueue_indirect_dma source(%dma_start3A_200 : memref<10000x128xf32, #tpu.memory_space<hbm>>) target(%dma_start3A_194 : memref<128x128xf32, #tpu.memory_space<vmem>>) offsets(%dma_start3A_197 : memref<128xi32, #tpu.memory_space<vmem>>) semaphore(%arg17 : memref<!tpu.dma_semaphore, #tpu.memory_space<semaphore_mem>>)
        } else {
        }
      }
      %scan3A_141 = arith.constant 20 : i32
      %barrier3A_142 = arith.constant 0 : index
      tpu.barrier barrier_id(%barrier3A_142)
      "tpu.region"() ({
        %run_scoped3A = tpu.sem_alloc : memref<!tpu.dma_semaphore, #tpu.memory_space<semaphore_mem>>
        %dma_start3A_144 = arith.constant 0 : i32
        %dma_start3A_145 = tpu.memref_slice %arg12[%mul3A_2, %dma_start3A_144] : memref<10112x128xf32, #tpu.memory_space<hbm>> -> memref<632x128xf32, #tpu.memory_space<hbm>>
        %dma_start3A_146 = arith.constant 0 : i32
        %dma_start3A_147 = tpu.memref_slice %arg16[%mul3A_2, %dma_start3A_146] : memref<10112x128xf32, #tpu.memory_space<vmem_shared>> -> memref<632x128xf32, #tpu.memory_space<vmem_shared>>
        tpu.enqueue_dma source(%dma_start3A_147 : memref<632x128xf32, #tpu.memory_space<vmem_shared>>) target(%dma_start3A_145 : memref<632x128xf32, #tpu.memory_space<hbm>>) target_semaphore(%run_scoped3A : memref<!tpu.dma_semaphore, #tpu.memory_space<semaphore_mem>>)
        %dma_wait3A = arith.constant 0 : i32
        %dma_wait3A_148 = tpu.memref_slice %arg12[%mul3A_2, %dma_wait3A] : memref<10112x128xf32, #tpu.memory_space<hbm>> -> memref<632x128xf32, #tpu.memory_space<hbm>>
        %dma_wait3A_149 = arith.constant 0 : i32
        %dma_wait3A_150 = tpu.memref_slice %arg16[%mul3A_2, %dma_wait3A_149] : memref<10112x128xf32, #tpu.memory_space<vmem_shared>> -> memref<632x128xf32, #tpu.memory_space<vmem_shared>>
        tpu.wait_dma2 semaphore(%run_scoped3A : memref<!tpu.dma_semaphore, #tpu.memory_space<semaphore_mem>>) src(%dma_wait3A_150 : memref<632x128xf32, #tpu.memory_space<vmem_shared>>) dst(%dma_wait3A_148 : memref<632x128xf32, #tpu.memory_space<hbm>>)
        tpu.yield
      }) : () -> ()
      %barrier3A_143 = arith.constant 0 : index
      tpu.barrier barrier_id(%barrier3A_143)
    } else {
    }
    return
  }
}

#map = affine_map<(d0, d1) -> (0, 0)>
module attributes {stable_mosaic.version = 14 : i64} {
  func.func @k(%arg0: i32, %arg1: i32, %arg2: memref<10000x128xf32, #tpu.memory_space<hbm>>, %arg3: memref<10000x128xf32, #tpu.memory_space<hbm>>, %arg4: memref<10000x128xf32, #tpu.memory_space<hbm>>, %arg5: memref<1280x128xi32, #tpu.memory_space<hbm>>, %arg6: memref<1280x128xi32, #tpu.memory_space<hbm>>, %arg7: memref<10112x128xf32, #tpu.memory_space<hbm>>, %arg8: memref<10112x128xf32, #tpu.memory_space<hbm>>, %arg9: memref<10112x128xf32, #tpu.memory_space<hbm>>, %arg10: memref<10112x128xf32, #tpu.memory_space<hbm>>, %arg11: memref<10112x128xf32, #tpu.memory_space<hbm>>, %arg12: memref<40x128xi32, #tpu.memory_space<vmem>>, %arg13: memref<40x128xi32, #tpu.memory_space<vmem>>, %arg14: memref<2x128x128xf32, #tpu.memory_space<vmem>>, %arg15: memref<10112x128xf32, #tpu.memory_space<vmem_shared>>, %arg16: memref<!tpu.dma_semaphore, #tpu.memory_space<semaphore_mem>>) attributes {dimension_semantics = [#tpu.dimension_semantics<core_parallel>, #tpu.dimension_semantics<subcore_parallel>], iteration_bounds = array<i64: 2, 16>, scalar_prefetch = 0 : i64, scratch_operands = 5 : i64, tpu.core_type = #tpu.core_type<sc_vector_subcore>, window_params = [{transform_indices = #map}, {transform_indices = #map}, {transform_indices = #map}, {transform_indices = #map}, {transform_indices = #map}, {transform_indices = #map}, {transform_indices = #map}, {transform_indices = #map}, {transform_indices = #map}, {transform_indices = #map}]} {
    %mul3A = arith.constant 632 : i32
    %mul3A_0 = arith.muli %arg1, %mul3A : i32
    %mul3A_1 = arith.constant 632 : i32
    %mul3A_2 = arith.muli %arg1, %mul3A_1 : i32
    %eq3A = arith.constant 0 : i32
    %eq3A_3 = arith.cmpi eq, %arg0, %eq3A : i32
    %convert_element_type3A = arith.extui %eq3A_3 : i1 to i32
    %cond3A = arith.constant 0 : i32
    %cond3A_4 = arith.cmpi ne, %convert_element_type3A, %cond3A : i32
    scf.if %cond3A_4 {
      %mul3A_10 = arith.constant 80 : i32
      %mul3A_11 = arith.muli %arg1, %mul3A_10 : i32
      "tpu.region"() ({
        %run_scoped3A = tpu.sem_alloc : memref<!tpu.dma_semaphore, #tpu.memory_space<semaphore_mem>>
        %dma_start3A_112 = arith.constant 0 : i32
        %dma_start3A_113 = tpu.memref_slice %arg15[%mul3A_0, %dma_start3A_112] : memref<10112x128xf32, #tpu.memory_space<vmem_shared>> -> memref<632x128xf32, #tpu.memory_space<vmem_shared>>
        %dma_start3A_114 = arith.constant 0 : i32
        %dma_start3A_115 = tpu.memref_slice %arg7[%mul3A_0, %dma_start3A_114] : memref<10112x128xf32, #tpu.memory_space<hbm>> -> memref<632x128xf32, #tpu.memory_space<hbm>>
        tpu.enqueue_dma source(%dma_start3A_115 : memref<632x128xf32, #tpu.memory_space<hbm>>) target(%dma_start3A_113 : memref<632x128xf32, #tpu.memory_space<vmem_shared>>) target_semaphore(%run_scoped3A : memref<!tpu.dma_semaphore, #tpu.memory_space<semaphore_mem>>)
        %dma_wait3A = arith.constant 0 : i32
        %dma_wait3A_116 = tpu.memref_slice %arg15[%mul3A_0, %dma_wait3A] : memref<10112x128xf32, #tpu.memory_space<vmem_shared>> -> memref<632x128xf32, #tpu.memory_space<vmem_shared>>
        %dma_wait3A_117 = arith.constant 0 : i32
        %dma_wait3A_118 = tpu.memref_slice %arg7[%mul3A_0, %dma_wait3A_117] : memref<10112x128xf32, #tpu.memory_space<hbm>> -> memref<632x128xf32, #tpu.memory_space<hbm>>
        tpu.wait_dma2 semaphore(%run_scoped3A : memref<!tpu.dma_semaphore, #tpu.memory_space<semaphore_mem>>) src(%dma_wait3A_118 : memref<632x128xf32, #tpu.memory_space<hbm>>) dst(%dma_wait3A_116 : memref<632x128xf32, #tpu.memory_space<vmem_shared>>)
        tpu.yield
      }) : () -> ()
      %add3A = arith.constant 0 : i32
      %add3A_12 = arith.addi %mul3A_11, %add3A : i32
      "tpu.region"() ({
        %run_scoped3A = tpu.sem_alloc : memref<!tpu.dma_semaphore, #tpu.memory_space<semaphore_mem>>
        %dma_start3A_112 = arith.constant 0 : i32
        %dma_start3A_113 = tpu.memref_slice %arg5[%add3A_12, %dma_start3A_112] : memref<1280x128xi32, #tpu.memory_space<hbm>> -> memref<40x128xi32, #tpu.memory_space<hbm>>
        %dma_start3A_114 = arith.constant 0 : i32
        %dma_start3A_115 = tpu.memref_slice %arg5[%add3A_12, %dma_start3A_114] : memref<1280x128xi32, #tpu.memory_space<hbm>> -> memref<40x128xi32, #tpu.memory_space<hbm>>
        tpu.enqueue_dma source(%dma_start3A_115 : memref<40x128xi32, #tpu.memory_space<hbm>>) target(%arg12 : memref<40x128xi32, #tpu.memory_space<vmem>>) target_semaphore(%run_scoped3A : memref<!tpu.dma_semaphore, #tpu.memory_space<semaphore_mem>>)
        %dma_wait3A = arith.constant 0 : i32
        %dma_wait3A_116 = tpu.memref_slice %arg5[%add3A_12, %dma_wait3A] : memref<1280x128xi32, #tpu.memory_space<hbm>> -> memref<40x128xi32, #tpu.memory_space<hbm>>
        %dma_wait3A_117 = arith.constant 0 : i32
        %dma_wait3A_118 = tpu.memref_slice %arg5[%add3A_12, %dma_wait3A_117] : memref<1280x128xi32, #tpu.memory_space<hbm>> -> memref<40x128xi32, #tpu.memory_space<hbm>>
        tpu.wait_dma2 semaphore(%run_scoped3A : memref<!tpu.dma_semaphore, #tpu.memory_space<semaphore_mem>>) src(%dma_wait3A_118 : memref<40x128xi32, #tpu.memory_space<hbm>>) dst(%arg12 : memref<40x128xi32, #tpu.memory_space<vmem>>)
        tpu.yield
      }) : () -> ()
      "tpu.region"() ({
        %run_scoped3A = tpu.sem_alloc : memref<!tpu.dma_semaphore, #tpu.memory_space<semaphore_mem>>
        %dma_start3A_112 = arith.constant 0 : i32
        %dma_start3A_113 = tpu.memref_slice %arg6[%add3A_12, %dma_start3A_112] : memref<1280x128xi32, #tpu.memory_space<hbm>> -> memref<40x128xi32, #tpu.memory_space<hbm>>
        %dma_start3A_114 = arith.constant 0 : i32
        %dma_start3A_115 = tpu.memref_slice %arg6[%add3A_12, %dma_start3A_114] : memref<1280x128xi32, #tpu.memory_space<hbm>> -> memref<40x128xi32, #tpu.memory_space<hbm>>
        tpu.enqueue_dma source(%dma_start3A_115 : memref<40x128xi32, #tpu.memory_space<hbm>>) target(%arg13 : memref<40x128xi32, #tpu.memory_space<vmem>>) target_semaphore(%run_scoped3A : memref<!tpu.dma_semaphore, #tpu.memory_space<semaphore_mem>>)
        %dma_wait3A = arith.constant 0 : i32
        %dma_wait3A_116 = tpu.memref_slice %arg6[%add3A_12, %dma_wait3A] : memref<1280x128xi32, #tpu.memory_space<hbm>> -> memref<40x128xi32, #tpu.memory_space<hbm>>
        %dma_wait3A_117 = arith.constant 0 : i32
        %dma_wait3A_118 = tpu.memref_slice %arg6[%add3A_12, %dma_wait3A_117] : memref<1280x128xi32, #tpu.memory_space<hbm>> -> memref<40x128xi32, #tpu.memory_space<hbm>>
        tpu.wait_dma2 semaphore(%run_scoped3A : memref<!tpu.dma_semaphore, #tpu.memory_space<semaphore_mem>>) src(%dma_wait3A_118 : memref<40x128xi32, #tpu.memory_space<hbm>>) dst(%arg13 : memref<40x128xi32, #tpu.memory_space<vmem>>)
        tpu.yield
      }) : () -> ()
      %barrier3A = arith.constant 0 : index
      tpu.barrier barrier_id(%barrier3A)
      %dma_start3A = arith.constant 0 : i32
      %dma_start3A_13 = arith.constant 0 : i32
      %dma_start3A_14 = arith.constant 0 : i32
      %dma_start3A_15 = arith.constant 0 : i32
      %dma_start3A_16 = tpu.memref_slice %arg14[%dma_start3A_13, %dma_start3A_14, %dma_start3A_15] : memref<2x128x128xf32, #tpu.memory_space<vmem>> -> memref<1x128x128xf32, #tpu.memory_space<vmem>>
      %dma_start3A_17 = tpu.memref_squeeze %dma_start3A_16 : memref<1x128x128xf32, #tpu.memory_space<vmem>> -> memref<128x128xf32, #tpu.memory_space<vmem>>
      %dma_start3A_18 = arith.constant 0 : i32
      %dma_start3A_19 = tpu.memref_slice %arg12[%dma_start3A, %dma_start3A_18] : memref<40x128xi32, #tpu.memory_space<vmem>> -> memref<1x128xi32, #tpu.memory_space<vmem>>
      %dma_start3A_20 = tpu.memref_squeeze %dma_start3A_19 : memref<1x128xi32, #tpu.memory_space<vmem>> -> memref<128xi32, #tpu.memory_space<vmem>>
      %dma_start3A_21 = arith.constant 0 : i32
      %dma_start3A_22 = arith.constant 0 : i32
      %dma_start3A_23 = tpu.memref_slice %arg2[%dma_start3A_21, %dma_start3A_22] : memref<10000x128xf32, #tpu.memory_space<hbm>> -> memref<10000x128xf32, #tpu.memory_space<hbm>>
      tpu.enqueue_indirect_dma source(%dma_start3A_23 : memref<10000x128xf32, #tpu.memory_space<hbm>>) target(%dma_start3A_17 : memref<128x128xf32, #tpu.memory_space<vmem>>) offsets(%dma_start3A_20 : memref<128xi32, #tpu.memory_space<vmem>>) semaphore(%arg16 : memref<!tpu.dma_semaphore, #tpu.memory_space<semaphore_mem>>)
      %dma_start3A_24 = arith.constant 1 : i32
      %dma_start3A_25 = arith.constant 1 : i32
      %dma_start3A_26 = arith.constant 0 : i32
      %dma_start3A_27 = arith.constant 0 : i32
      %dma_start3A_28 = tpu.memref_slice %arg14[%dma_start3A_25, %dma_start3A_26, %dma_start3A_27] : memref<2x128x128xf32, #tpu.memory_space<vmem>> -> memref<1x128x128xf32, #tpu.memory_space<vmem>>
      %dma_start3A_29 = tpu.memref_squeeze %dma_start3A_28 : memref<1x128x128xf32, #tpu.memory_space<vmem>> -> memref<128x128xf32, #tpu.memory_space<vmem>>
      %dma_start3A_30 = arith.constant 0 : i32
      %dma_start3A_31 = tpu.memref_slice %arg12[%dma_start3A_24, %dma_start3A_30] : memref<40x128xi32, #tpu.memory_space<vmem>> -> memref<1x128xi32, #tpu.memory_space<vmem>>
      %dma_start3A_32 = tpu.memref_squeeze %dma_start3A_31 : memref<1x128xi32, #tpu.memory_space<vmem>> -> memref<128xi32, #tpu.memory_space<vmem>>
      %dma_start3A_33 = arith.constant 0 : i32
      %dma_start3A_34 = arith.constant 0 : i32
      %dma_start3A_35 = tpu.memref_slice %arg2[%dma_start3A_33, %dma_start3A_34] : memref<10000x128xf32, #tpu.memory_space<hbm>> -> memref<10000x128xf32, #tpu.memory_space<hbm>>
      tpu.enqueue_indirect_dma source(%dma_start3A_35 : memref<10000x128xf32, #tpu.memory_space<hbm>>) target(%dma_start3A_29 : memref<128x128xf32, #tpu.memory_space<vmem>>) offsets(%dma_start3A_32 : memref<128xi32, #tpu.memory_space<vmem>>) semaphore(%arg16 : memref<!tpu.dma_semaphore, #tpu.memory_space<semaphore_mem>>)
      %scan3A = arith.constant 0 : i32
      %scan3A_36 = arith.constant 0 : i32
      %scan3A_37 = arith.constant 20 : i32
      %scan3A_38 = arith.addi %scan3A_36, %scan3A_37 : i32
      %scan3A_39 = arith.constant 1 : i32
      scf.for %scan3A_112 = %scan3A_36 to %scan3A_38 step %scan3A_39  : i32 {
        %mul3A_113 = arith.constant 2 : i32
        %mul3A_114 = arith.muli %scan3A_112, %mul3A_113 : i32
        %add3A_115 = arith.constant 0 : i32
        %add3A_116 = arith.addi %mul3A_114, %add3A_115 : i32
        %dma_wait3A = arith.constant 0 : i32
        %dma_wait3A_117 = arith.constant 0 : i32
        %dma_wait3A_118 = arith.constant 0 : i32
        %dma_wait3A_119 = tpu.memref_slice %arg14[%dma_wait3A, %dma_wait3A_117, %dma_wait3A_118] : memref<2x128x128xf32, #tpu.memory_space<vmem>> -> memref<1x128x128xf32, #tpu.memory_space<vmem>>
        %dma_wait3A_120 = tpu.memref_squeeze %dma_wait3A_119 : memref<1x128x128xf32, #tpu.memory_space<vmem>> -> memref<128x128xf32, #tpu.memory_space<vmem>>
        %dma_wait3A_121 = arith.constant 0 : i32
        %dma_wait3A_122 = tpu.memref_slice %arg12[%add3A_116, %dma_wait3A_121] : memref<40x128xi32, #tpu.memory_space<vmem>> -> memref<1x128xi32, #tpu.memory_space<vmem>>
        %dma_wait3A_123 = tpu.memref_squeeze %dma_wait3A_122 : memref<1x128xi32, #tpu.memory_space<vmem>> -> memref<128xi32, #tpu.memory_space<vmem>>
        %dma_wait3A_124 = arith.constant 0 : i32
        %dma_wait3A_125 = arith.constant 0 : i32
        %dma_wait3A_126 = tpu.memref_slice %arg2[%dma_wait3A_124, %dma_wait3A_125] : memref<10000x128xf32, #tpu.memory_space<hbm>> -> memref<10000x128xf32, #tpu.memory_space<hbm>>
        tpu.wait_indirect_dma semaphore(%arg16 : memref<!tpu.dma_semaphore, #tpu.memory_space<semaphore_mem>>) src(%dma_wait3A_126 : memref<10000x128xf32, #tpu.memory_space<hbm>>) dst(%dma_wait3A_120 : memref<128x128xf32, #tpu.memory_space<vmem>>)
        %run_scoped3A = arith.constant 0 : i32
        "tpu.region"() ({
          %run_scoped3A_156 = tpu.sem_alloc : memref<!tpu.dma_semaphore, #tpu.memory_space<semaphore_mem>>
          %dma_start3A_157 = arith.constant 0 : i32
          %dma_start3A_158 = arith.constant 0 : i32
          %dma_start3A_159 = tpu.memref_slice %arg14[%run_scoped3A, %dma_start3A_157, %dma_start3A_158] : memref<2x128x128xf32, #tpu.memory_space<vmem>> -> memref<1x128x128xf32, #tpu.memory_space<vmem>>
          %dma_start3A_160 = tpu.memref_squeeze %dma_start3A_159 : memref<1x128x128xf32, #tpu.memory_space<vmem>> -> memref<128x128xf32, #tpu.memory_space<vmem>>
          %dma_start3A_161 = arith.constant 0 : i32
          %dma_start3A_162 = tpu.memref_slice %arg13[%add3A_116, %dma_start3A_161] : memref<40x128xi32, #tpu.memory_space<vmem>> -> memref<1x128xi32, #tpu.memory_space<vmem>>
          %dma_start3A_163 = tpu.memref_squeeze %dma_start3A_162 : memref<1x128xi32, #tpu.memory_space<vmem>> -> memref<128xi32, #tpu.memory_space<vmem>>
          %dma_start3A_164 = arith.constant 0 : i32
          %dma_start3A_165 = arith.constant 0 : i32
          %dma_start3A_166 = tpu.memref_slice %arg15[%dma_start3A_164, %dma_start3A_165] : memref<10112x128xf32, #tpu.memory_space<vmem_shared>> -> memref<10112x128xf32, #tpu.memory_space<vmem_shared>>
          tpu.enqueue_indirect_dma source(%dma_start3A_160 : memref<128x128xf32, #tpu.memory_space<vmem>>) target(%dma_start3A_166 : memref<10112x128xf32, #tpu.memory_space<vmem_shared>>) offsets(%dma_start3A_163 : memref<128xi32, #tpu.memory_space<vmem>>) semaphore(%run_scoped3A_156 : memref<!tpu.dma_semaphore, #tpu.memory_space<semaphore_mem>>) {add = true}
          %dma_wait3A_167 = arith.constant 0 : i32
          %dma_wait3A_168 = arith.constant 0 : i32
          %dma_wait3A_169 = tpu.memref_slice %arg14[%run_scoped3A, %dma_wait3A_167, %dma_wait3A_168] : memref<2x128x128xf32, #tpu.memory_space<vmem>> -> memref<1x128x128xf32, #tpu.memory_space<vmem>>
          %dma_wait3A_170 = tpu.memref_squeeze %dma_wait3A_169 : memref<1x128x128xf32, #tpu.memory_space<vmem>> -> memref<128x128xf32, #tpu.memory_space<vmem>>
          %dma_wait3A_171 = arith.constant 0 : i32
          %dma_wait3A_172 = tpu.memref_slice %arg13[%add3A_116, %dma_wait3A_171] : memref<40x128xi32, #tpu.memory_space<vmem>> -> memref<1x128xi32, #tpu.memory_space<vmem>>
          %dma_wait3A_173 = tpu.memref_squeeze %dma_wait3A_172 : memref<1x128xi32, #tpu.memory_space<vmem>> -> memref<128xi32, #tpu.memory_space<vmem>>
          %dma_wait3A_174 = arith.constant 0 : i32
          %dma_wait3A_175 = arith.constant 0 : i32
          %dma_wait3A_176 = tpu.memref_slice %arg15[%dma_wait3A_174, %dma_wait3A_175] : memref<10112x128xf32, #tpu.memory_space<vmem_shared>> -> memref<10112x128xf32, #tpu.memory_space<vmem_shared>>
          tpu.wait_indirect_dma semaphore(%run_scoped3A_156 : memref<!tpu.dma_semaphore, #tpu.memory_space<semaphore_mem>>) src(%dma_wait3A_170 : memref<128x128xf32, #tpu.memory_space<vmem>>) dst(%dma_wait3A_176 : memref<10112x128xf32, #tpu.memory_space<vmem_shared>>)
          tpu.yield
        }) : () -> ()
        %add3A_127 = arith.constant 2 : i32
        %add3A_128 = arith.addi %add3A_116, %add3A_127 : i32
        %lt3A = arith.constant 40 : i32
        %lt3A_129 = arith.cmpi slt, %add3A_128, %lt3A : i32
        %convert_element_type3A_130 = arith.extui %lt3A_129 : i1 to i32
        %cond3A_131 = arith.constant 0 : i32
        %cond3A_132 = arith.cmpi ne, %convert_element_type3A_130, %cond3A_131 : i32
        scf.if %cond3A_132 {
          %add3A_156 = arith.constant 2 : i32
          %add3A_157 = arith.addi %add3A_116, %add3A_156 : i32
          %dma_start3A_158 = arith.constant 0 : i32
          %dma_start3A_159 = arith.constant 0 : i32
          %dma_start3A_160 = arith.constant 0 : i32
          %dma_start3A_161 = tpu.memref_slice %arg14[%dma_start3A_158, %dma_start3A_159, %dma_start3A_160] : memref<2x128x128xf32, #tpu.memory_space<vmem>> -> memref<1x128x128xf32, #tpu.memory_space<vmem>>
          %dma_start3A_162 = tpu.memref_squeeze %dma_start3A_161 : memref<1x128x128xf32, #tpu.memory_space<vmem>> -> memref<128x128xf32, #tpu.memory_space<vmem>>
          %dma_start3A_163 = arith.constant 0 : i32
          %dma_start3A_164 = tpu.memref_slice %arg12[%add3A_157, %dma_start3A_163] : memref<40x128xi32, #tpu.memory_space<vmem>> -> memref<1x128xi32, #tpu.memory_space<vmem>>
          %dma_start3A_165 = tpu.memref_squeeze %dma_start3A_164 : memref<1x128xi32, #tpu.memory_space<vmem>> -> memref<128xi32, #tpu.memory_space<vmem>>
          %dma_start3A_166 = arith.constant 0 : i32
          %dma_start3A_167 = arith.constant 0 : i32
          %dma_start3A_168 = tpu.memref_slice %arg2[%dma_start3A_166, %dma_start3A_167] : memref<10000x128xf32, #tpu.memory_space<hbm>> -> memref<10000x128xf32, #tpu.memory_space<hbm>>
          tpu.enqueue_indirect_dma source(%dma_start3A_168 : memref<10000x128xf32, #tpu.memory_space<hbm>>) target(%dma_start3A_162 : memref<128x128xf32, #tpu.memory_space<vmem>>) offsets(%dma_start3A_165 : memref<128xi32, #tpu.memory_space<vmem>>) semaphore(%arg16 : memref<!tpu.dma_semaphore, #tpu.memory_space<semaphore_mem>>)
        } else {
        }
        %mul3A_133 = arith.constant 2 : i32
        %mul3A_134 = arith.muli %scan3A_112, %mul3A_133 : i32
        %add3A_135 = arith.constant 1 : i32
        %add3A_136 = arith.addi %mul3A_134, %add3A_135 : i32
        %dma_wait3A_137 = arith.constant 1 : i32
        %dma_wait3A_138 = arith.constant 0 : i32
        %dma_wait3A_139 = arith.constant 0 : i32
        %dma_wait3A_140 = tpu.memref_slice %arg14[%dma_wait3A_137, %dma_wait3A_138, %dma_wait3A_139] : memref<2x128x128xf32, #tpu.memory_space<vmem>> -> memref<1x128x128xf32, #tpu.memory_space<vmem>>
        %dma_wait3A_141 = tpu.memref_squeeze %dma_wait3A_140 : memref<1x128x128xf32, #tpu.memory_space<vmem>> -> memref<128x128xf32, #tpu.memory_space<vmem>>
        %dma_wait3A_142 = arith.constant 0 : i32
        %dma_wait3A_143 = tpu.memref_slice %arg12[%add3A_136, %dma_wait3A_142] : memref<40x128xi32, #tpu.memory_space<vmem>> -> memref<1x128xi32, #tpu.memory_space<vmem>>
        %dma_wait3A_144 = tpu.memref_squeeze %dma_wait3A_143 : memref<1x128xi32, #tpu.memory_space<vmem>> -> memref<128xi32, #tpu.memory_space<vmem>>
        %dma_wait3A_145 = arith.constant 0 : i32
        %dma_wait3A_146 = arith.constant 0 : i32
        %dma_wait3A_147 = tpu.memref_slice %arg2[%dma_wait3A_145, %dma_wait3A_146] : memref<10000x128xf32, #tpu.memory_space<hbm>> -> memref<10000x128xf32, #tpu.memory_space<hbm>>
        tpu.wait_indirect_dma semaphore(%arg16 : memref<!tpu.dma_semaphore, #tpu.memory_space<semaphore_mem>>) src(%dma_wait3A_147 : memref<10000x128xf32, #tpu.memory_space<hbm>>) dst(%dma_wait3A_141 : memref<128x128xf32, #tpu.memory_space<vmem>>)
        %run_scoped3A_148 = arith.constant 1 : i32
        "tpu.region"() ({
          %run_scoped3A_156 = tpu.sem_alloc : memref<!tpu.dma_semaphore, #tpu.memory_space<semaphore_mem>>
          %dma_start3A_157 = arith.constant 0 : i32
          %dma_start3A_158 = arith.constant 0 : i32
          %dma_start3A_159 = tpu.memref_slice %arg14[%run_scoped3A_148, %dma_start3A_157, %dma_start3A_158] : memref<2x128x128xf32, #tpu.memory_space<vmem>> -> memref<1x128x128xf32, #tpu.memory_space<vmem>>
          %dma_start3A_160 = tpu.memref_squeeze %dma_start3A_159 : memref<1x128x128xf32, #tpu.memory_space<vmem>> -> memref<128x128xf32, #tpu.memory_space<vmem>>
          %dma_start3A_161 = arith.constant 0 : i32
          %dma_start3A_162 = tpu.memref_slice %arg13[%add3A_136, %dma_start3A_161] : memref<40x128xi32, #tpu.memory_space<vmem>> -> memref<1x128xi32, #tpu.memory_space<vmem>>
          %dma_start3A_163 = tpu.memref_squeeze %dma_start3A_162 : memref<1x128xi32, #tpu.memory_space<vmem>> -> memref<128xi32, #tpu.memory_space<vmem>>
          %dma_start3A_164 = arith.constant 0 : i32
          %dma_start3A_165 = arith.constant 0 : i32
          %dma_start3A_166 = tpu.memref_slice %arg15[%dma_start3A_164, %dma_start3A_165] : memref<10112x128xf32, #tpu.memory_space<vmem_shared>> -> memref<10112x128xf32, #tpu.memory_space<vmem_shared>>
          tpu.enqueue_indirect_dma source(%dma_start3A_160 : memref<128x128xf32, #tpu.memory_space<vmem>>) target(%dma_start3A_166 : memref<10112x128xf32, #tpu.memory_space<vmem_shared>>) offsets(%dma_start3A_163 : memref<128xi32, #tpu.memory_space<vmem>>) semaphore(%run_scoped3A_156 : memref<!tpu.dma_semaphore, #tpu.memory_space<semaphore_mem>>) {add = true}
          %dma_wait3A_167 = arith.constant 0 : i32
          %dma_wait3A_168 = arith.constant 0 : i32
          %dma_wait3A_169 = tpu.memref_slice %arg14[%run_scoped3A_148, %dma_wait3A_167, %dma_wait3A_168] : memref<2x128x128xf32, #tpu.memory_space<vmem>> -> memref<1x128x128xf32, #tpu.memory_space<vmem>>
          %dma_wait3A_170 = tpu.memref_squeeze %dma_wait3A_169 : memref<1x128x128xf32, #tpu.memory_space<vmem>> -> memref<128x128xf32, #tpu.memory_space<vmem>>
          %dma_wait3A_171 = arith.constant 0 : i32
          %dma_wait3A_172 = tpu.memref_slice %arg13[%add3A_136, %dma_wait3A_171] : memref<40x128xi32, #tpu.memory_space<vmem>> -> memref<1x128xi32, #tpu.memory_space<vmem>>
          %dma_wait3A_173 = tpu.memref_squeeze %dma_wait3A_172 : memref<1x128xi32, #tpu.memory_space<vmem>> -> memref<128xi32, #tpu.memory_space<vmem>>
          %dma_wait3A_174 = arith.constant 0 : i32
          %dma_wait3A_175 = arith.constant 0 : i32
          %dma_wait3A_176 = tpu.memref_slice %arg15[%dma_wait3A_174, %dma_wait3A_175] : memref<10112x128xf32, #tpu.memory_space<vmem_shared>> -> memref<10112x128xf32, #tpu.memory_space<vmem_shared>>
          tpu.wait_indirect_dma semaphore(%run_scoped3A_156 : memref<!tpu.dma_semaphore, #tpu.memory_space<semaphore_mem>>) src(%dma_wait3A_170 : memref<128x128xf32, #tpu.memory_space<vmem>>) dst(%dma_wait3A_176 : memref<10112x128xf32, #tpu.memory_space<vmem_shared>>)
          tpu.yield
        }) : () -> ()
        %add3A_149 = arith.constant 2 : i32
        %add3A_150 = arith.addi %add3A_136, %add3A_149 : i32
        %lt3A_151 = arith.constant 40 : i32
        %lt3A_152 = arith.cmpi slt, %add3A_150, %lt3A_151 : i32
        %convert_element_type3A_153 = arith.extui %lt3A_152 : i1 to i32
        %cond3A_154 = arith.constant 0 : i32
        %cond3A_155 = arith.cmpi ne, %convert_element_type3A_153, %cond3A_154 : i32
        scf.if %cond3A_155 {
          %add3A_156 = arith.constant 2 : i32
          %add3A_157 = arith.addi %add3A_136, %add3A_156 : i32
          %dma_start3A_158 = arith.constant 1 : i32
          %dma_start3A_159 = arith.constant 0 : i32
          %dma_start3A_160 = arith.constant 0 : i32
          %dma_start3A_161 = tpu.memref_slice %arg14[%dma_start3A_158, %dma_start3A_159, %dma_start3A_160] : memref<2x128x128xf32, #tpu.memory_space<vmem>> -> memref<1x128x128xf32, #tpu.memory_space<vmem>>
          %dma_start3A_162 = tpu.memref_squeeze %dma_start3A_161 : memref<1x128x128xf32, #tpu.memory_space<vmem>> -> memref<128x128xf32, #tpu.memory_space<vmem>>
          %dma_start3A_163 = arith.constant 0 : i32
          %dma_start3A_164 = tpu.memref_slice %arg12[%add3A_157, %dma_start3A_163] : memref<40x128xi32, #tpu.memory_space<vmem>> -> memref<1x128xi32, #tpu.memory_space<vmem>>
          %dma_start3A_165 = tpu.memref_squeeze %dma_start3A_164 : memref<1x128xi32, #tpu.memory_space<vmem>> -> memref<128xi32, #tpu.memory_space<vmem>>
          %dma_start3A_166 = arith.constant 0 : i32
          %dma_start3A_167 = arith.constant 0 : i32
          %dma_start3A_168 = tpu.memref_slice %arg2[%dma_start3A_166, %dma_start3A_167] : memref<10000x128xf32, #tpu.memory_space<hbm>> -> memref<10000x128xf32, #tpu.memory_space<hbm>>
          tpu.enqueue_indirect_dma source(%dma_start3A_168 : memref<10000x128xf32, #tpu.memory_space<hbm>>) target(%dma_start3A_162 : memref<128x128xf32, #tpu.memory_space<vmem>>) offsets(%dma_start3A_165 : memref<128xi32, #tpu.memory_space<vmem>>) semaphore(%arg16 : memref<!tpu.dma_semaphore, #tpu.memory_space<semaphore_mem>>)
        } else {
        }
      }
      %scan3A_40 = arith.constant 20 : i32
      %add3A_41 = arith.constant 40 : i32
      %add3A_42 = arith.addi %mul3A_11, %add3A_41 : i32
      "tpu.region"() ({
        %run_scoped3A = tpu.sem_alloc : memref<!tpu.dma_semaphore, #tpu.memory_space<semaphore_mem>>
        %dma_start3A_112 = arith.constant 0 : i32
        %dma_start3A_113 = tpu.memref_slice %arg5[%add3A_42, %dma_start3A_112] : memref<1280x128xi32, #tpu.memory_space<hbm>> -> memref<40x128xi32, #tpu.memory_space<hbm>>
        %dma_start3A_114 = arith.constant 0 : i32
        %dma_start3A_115 = tpu.memref_slice %arg5[%add3A_42, %dma_start3A_114] : memref<1280x128xi32, #tpu.memory_space<hbm>> -> memref<40x128xi32, #tpu.memory_space<hbm>>
        tpu.enqueue_dma source(%dma_start3A_115 : memref<40x128xi32, #tpu.memory_space<hbm>>) target(%arg12 : memref<40x128xi32, #tpu.memory_space<vmem>>) target_semaphore(%run_scoped3A : memref<!tpu.dma_semaphore, #tpu.memory_space<semaphore_mem>>)
        %dma_wait3A = arith.constant 0 : i32
        %dma_wait3A_116 = tpu.memref_slice %arg5[%add3A_42, %dma_wait3A] : memref<1280x128xi32, #tpu.memory_space<hbm>> -> memref<40x128xi32, #tpu.memory_space<hbm>>
        %dma_wait3A_117 = arith.constant 0 : i32
        %dma_wait3A_118 = tpu.memref_slice %arg5[%add3A_42, %dma_wait3A_117] : memref<1280x128xi32, #tpu.memory_space<hbm>> -> memref<40x128xi32, #tpu.memory_space<hbm>>
        tpu.wait_dma2 semaphore(%run_scoped3A : memref<!tpu.dma_semaphore, #tpu.memory_space<semaphore_mem>>) src(%dma_wait3A_118 : memref<40x128xi32, #tpu.memory_space<hbm>>) dst(%arg12 : memref<40x128xi32, #tpu.memory_space<vmem>>)
        tpu.yield
      }) : () -> ()
      "tpu.region"() ({
        %run_scoped3A = tpu.sem_alloc : memref<!tpu.dma_semaphore, #tpu.memory_space<semaphore_mem>>
        %dma_start3A_112 = arith.constant 0 : i32
        %dma_start3A_113 = tpu.memref_slice %arg6[%add3A_42, %dma_start3A_112] : memref<1280x128xi32, #tpu.memory_space<hbm>> -> memref<40x128xi32, #tpu.memory_space<hbm>>
        %dma_start3A_114 = arith.constant 0 : i32
        %dma_start3A_115 = tpu.memref_slice %arg6[%add3A_42, %dma_start3A_114] : memref<1280x128xi32, #tpu.memory_space<hbm>> -> memref<40x128xi32, #tpu.memory_space<hbm>>
        tpu.enqueue_dma source(%dma_start3A_115 : memref<40x128xi32, #tpu.memory_space<hbm>>) target(%arg13 : memref<40x128xi32, #tpu.memory_space<vmem>>) target_semaphore(%run_scoped3A : memref<!tpu.dma_semaphore, #tpu.memory_space<semaphore_mem>>)
        %dma_wait3A = arith.constant 0 : i32
        %dma_wait3A_116 = tpu.memref_slice %arg6[%add3A_42, %dma_wait3A] : memref<1280x128xi32, #tpu.memory_space<hbm>> -> memref<40x128xi32, #tpu.memory_space<hbm>>
        %dma_wait3A_117 = arith.constant 0 : i32
        %dma_wait3A_118 = tpu.memref_slice %arg6[%add3A_42, %dma_wait3A_117] : memref<1280x128xi32, #tpu.memory_space<hbm>> -> memref<40x128xi32, #tpu.memory_space<hbm>>
        tpu.wait_dma2 semaphore(%run_scoped3A : memref<!tpu.dma_semaphore, #tpu.memory_space<semaphore_mem>>) src(%dma_wait3A_118 : memref<40x128xi32, #tpu.memory_space<hbm>>) dst(%arg13 : memref<40x128xi32, #tpu.memory_space<vmem>>)
        tpu.yield
      }) : () -> ()
      %dma_start3A_43 = arith.constant 0 : i32
      %dma_start3A_44 = arith.constant 0 : i32
      %dma_start3A_45 = arith.constant 0 : i32
      %dma_start3A_46 = arith.constant 0 : i32
      %dma_start3A_47 = tpu.memref_slice %arg14[%dma_start3A_44, %dma_start3A_45, %dma_start3A_46] : memref<2x128x128xf32, #tpu.memory_space<vmem>> -> memref<1x128x128xf32, #tpu.memory_space<vmem>>
      %dma_start3A_48 = tpu.memref_squeeze %dma_start3A_47 : memref<1x128x128xf32, #tpu.memory_space<vmem>> -> memref<128x128xf32, #tpu.memory_space<vmem>>
      %dma_start3A_49 = arith.constant 0 : i32
      %dma_start3A_50 = tpu.memref_slice %arg12[%dma_start3A_43, %dma_start3A_49] : memref<40x128xi32, #tpu.memory_space<vmem>> -> memref<1x128xi32, #tpu.memory_space<vmem>>
      %dma_start3A_51 = tpu.memref_squeeze %dma_start3A_50 : memref<1x128xi32, #tpu.memory_space<vmem>> -> memref<128xi32, #tpu.memory_space<vmem>>
      %dma_start3A_52 = arith.constant 0 : i32
      %dma_start3A_53 = arith.constant 0 : i32
      %dma_start3A_54 = tpu.memref_slice %arg2[%dma_start3A_52, %dma_start3A_53] : memref<10000x128xf32, #tpu.memory_space<hbm>> -> memref<10000x128xf32, #tpu.memory_space<hbm>>
      tpu.enqueue_indirect_dma source(%dma_start3A_54 : memref<10000x128xf32, #tpu.memory_space<hbm>>) target(%dma_start3A_48 : memref<128x128xf32, #tpu.memory_space<vmem>>) offsets(%dma_start3A_51 : memref<128xi32, #tpu.memory_space<vmem>>) semaphore(%arg16 : memref<!tpu.dma_semaphore, #tpu.memory_space<semaphore_mem>>)
      %dma_start3A_55 = arith.constant 1 : i32
      %dma_start3A_56 = arith.constant 1 : i32
      %dma_start3A_57 = arith.constant 0 : i32
      %dma_start3A_58 = arith.constant 0 : i32
      %dma_start3A_59 = tpu.memref_slice %arg14[%dma_start3A_56, %dma_start3A_57, %dma_start3A_58] : memref<2x128x128xf32, #tpu.memory_space<vmem>> -> memref<1x128x128xf32, #tpu.memory_space<vmem>>
      %dma_start3A_60 = tpu.memref_squeeze %dma_start3A_59 : memref<1x128x128xf32, #tpu.memory_space<vmem>> -> memref<128x128xf32, #tpu.memory_space<vmem>>
      %dma_start3A_61 = arith.constant 0 : i32
      %dma_start3A_62 = tpu.memref_slice %arg12[%dma_start3A_55, %dma_start3A_61] : memref<40x128xi32, #tpu.memory_space<vmem>> -> memref<1x128xi32, #tpu.memory_space<vmem>>
      %dma_start3A_63 = tpu.memref_squeeze %dma_start3A_62 : memref<1x128xi32, #tpu.memory_space<vmem>> -> memref<128xi32, #tpu.memory_space<vmem>>
      %dma_start3A_64 = arith.constant 0 : i32
      %dma_start3A_65 = arith.constant 0 : i32
      %dma_start3A_66 = tpu.memref_slice %arg2[%dma_start3A_64, %dma_start3A_65] : memref<10000x128xf32, #tpu.memory_space<hbm>> -> memref<10000x128xf32, #tpu.memory_space<hbm>>
      tpu.enqueue_indirect_dma source(%dma_start3A_66 : memref<10000x128xf32, #tpu.memory_space<hbm>>) target(%dma_start3A_60 : memref<128x128xf32, #tpu.memory_space<vmem>>) offsets(%dma_start3A_63 : memref<128xi32, #tpu.memory_space<vmem>>) semaphore(%arg16 : memref<!tpu.dma_semaphore, #tpu.memory_space<semaphore_mem>>)
      %scan3A_67 = arith.constant 0 : i32
      %scan3A_68 = arith.constant 0 : i32
      %scan3A_69 = arith.constant 20 : i32
      %scan3A_70 = arith.addi %scan3A_68, %scan3A_69 : i32
      %scan3A_71 = arith.constant 1 : i32
      scf.for %scan3A_112 = %scan3A_68 to %scan3A_70 step %scan3A_71  : i32 {
        %mul3A_113 = arith.constant 2 : i32
        %mul3A_114 = arith.muli %scan3A_112, %mul3A_113 : i32
        %add3A_115 = arith.constant 0 : i32
        %add3A_116 = arith.addi %mul3A_114, %add3A_115 : i32
        %dma_wait3A = arith.constant 0 : i32
        %dma_wait3A_117 = arith.constant 0 : i32
        %dma_wait3A_118 = arith.constant 0 : i32
        %dma_wait3A_119 = tpu.memref_slice %arg14[%dma_wait3A, %dma_wait3A_117, %dma_wait3A_118] : memref<2x128x128xf32, #tpu.memory_space<vmem>> -> memref<1x128x128xf32, #tpu.memory_space<vmem>>
        %dma_wait3A_120 = tpu.memref_squeeze %dma_wait3A_119 : memref<1x128x128xf32, #tpu.memory_space<vmem>> -> memref<128x128xf32, #tpu.memory_space<vmem>>
        %dma_wait3A_121 = arith.constant 0 : i32
        %dma_wait3A_122 = tpu.memref_slice %arg12[%add3A_116, %dma_wait3A_121] : memref<40x128xi32, #tpu.memory_space<vmem>> -> memref<1x128xi32, #tpu.memory_space<vmem>>
        %dma_wait3A_123 = tpu.memref_squeeze %dma_wait3A_122 : memref<1x128xi32, #tpu.memory_space<vmem>> -> memref<128xi32, #tpu.memory_space<vmem>>
        %dma_wait3A_124 = arith.constant 0 : i32
        %dma_wait3A_125 = arith.constant 0 : i32
        %dma_wait3A_126 = tpu.memref_slice %arg2[%dma_wait3A_124, %dma_wait3A_125] : memref<10000x128xf32, #tpu.memory_space<hbm>> -> memref<10000x128xf32, #tpu.memory_space<hbm>>
        tpu.wait_indirect_dma semaphore(%arg16 : memref<!tpu.dma_semaphore, #tpu.memory_space<semaphore_mem>>) src(%dma_wait3A_126 : memref<10000x128xf32, #tpu.memory_space<hbm>>) dst(%dma_wait3A_120 : memref<128x128xf32, #tpu.memory_space<vmem>>)
        %run_scoped3A = arith.constant 0 : i32
        "tpu.region"() ({
          %run_scoped3A_156 = tpu.sem_alloc : memref<!tpu.dma_semaphore, #tpu.memory_space<semaphore_mem>>
          %dma_start3A_157 = arith.constant 0 : i32
          %dma_start3A_158 = arith.constant 0 : i32
          %dma_start3A_159 = tpu.memref_slice %arg14[%run_scoped3A, %dma_start3A_157, %dma_start3A_158] : memref<2x128x128xf32, #tpu.memory_space<vmem>> -> memref<1x128x128xf32, #tpu.memory_space<vmem>>
          %dma_start3A_160 = tpu.memref_squeeze %dma_start3A_159 : memref<1x128x128xf32, #tpu.memory_space<vmem>> -> memref<128x128xf32, #tpu.memory_space<vmem>>
          %dma_start3A_161 = arith.constant 0 : i32
          %dma_start3A_162 = tpu.memref_slice %arg13[%add3A_116, %dma_start3A_161] : memref<40x128xi32, #tpu.memory_space<vmem>> -> memref<1x128xi32, #tpu.memory_space<vmem>>
          %dma_start3A_163 = tpu.memref_squeeze %dma_start3A_162 : memref<1x128xi32, #tpu.memory_space<vmem>> -> memref<128xi32, #tpu.memory_space<vmem>>
          %dma_start3A_164 = arith.constant 0 : i32
          %dma_start3A_165 = arith.constant 0 : i32
          %dma_start3A_166 = tpu.memref_slice %arg15[%dma_start3A_164, %dma_start3A_165] : memref<10112x128xf32, #tpu.memory_space<vmem_shared>> -> memref<10112x128xf32, #tpu.memory_space<vmem_shared>>
          tpu.enqueue_indirect_dma source(%dma_start3A_160 : memref<128x128xf32, #tpu.memory_space<vmem>>) target(%dma_start3A_166 : memref<10112x128xf32, #tpu.memory_space<vmem_shared>>) offsets(%dma_start3A_163 : memref<128xi32, #tpu.memory_space<vmem>>) semaphore(%run_scoped3A_156 : memref<!tpu.dma_semaphore, #tpu.memory_space<semaphore_mem>>) {add = true}
          %dma_wait3A_167 = arith.constant 0 : i32
          %dma_wait3A_168 = arith.constant 0 : i32
          %dma_wait3A_169 = tpu.memref_slice %arg14[%run_scoped3A, %dma_wait3A_167, %dma_wait3A_168] : memref<2x128x128xf32, #tpu.memory_space<vmem>> -> memref<1x128x128xf32, #tpu.memory_space<vmem>>
          %dma_wait3A_170 = tpu.memref_squeeze %dma_wait3A_169 : memref<1x128x128xf32, #tpu.memory_space<vmem>> -> memref<128x128xf32, #tpu.memory_space<vmem>>
          %dma_wait3A_171 = arith.constant 0 : i32
          %dma_wait3A_172 = tpu.memref_slice %arg13[%add3A_116, %dma_wait3A_171] : memref<40x128xi32, #tpu.memory_space<vmem>> -> memref<1x128xi32, #tpu.memory_space<vmem>>
          %dma_wait3A_173 = tpu.memref_squeeze %dma_wait3A_172 : memref<1x128xi32, #tpu.memory_space<vmem>> -> memref<128xi32, #tpu.memory_space<vmem>>
          %dma_wait3A_174 = arith.constant 0 : i32
          %dma_wait3A_175 = arith.constant 0 : i32
          %dma_wait3A_176 = tpu.memref_slice %arg15[%dma_wait3A_174, %dma_wait3A_175] : memref<10112x128xf32, #tpu.memory_space<vmem_shared>> -> memref<10112x128xf32, #tpu.memory_space<vmem_shared>>
          tpu.wait_indirect_dma semaphore(%run_scoped3A_156 : memref<!tpu.dma_semaphore, #tpu.memory_space<semaphore_mem>>) src(%dma_wait3A_170 : memref<128x128xf32, #tpu.memory_space<vmem>>) dst(%dma_wait3A_176 : memref<10112x128xf32, #tpu.memory_space<vmem_shared>>)
          tpu.yield
        }) : () -> ()
        %add3A_127 = arith.constant 2 : i32
        %add3A_128 = arith.addi %add3A_116, %add3A_127 : i32
        %lt3A = arith.constant 40 : i32
        %lt3A_129 = arith.cmpi slt, %add3A_128, %lt3A : i32
        %convert_element_type3A_130 = arith.extui %lt3A_129 : i1 to i32
        %cond3A_131 = arith.constant 0 : i32
        %cond3A_132 = arith.cmpi ne, %convert_element_type3A_130, %cond3A_131 : i32
        scf.if %cond3A_132 {
          %add3A_156 = arith.constant 2 : i32
          %add3A_157 = arith.addi %add3A_116, %add3A_156 : i32
          %dma_start3A_158 = arith.constant 0 : i32
          %dma_start3A_159 = arith.constant 0 : i32
          %dma_start3A_160 = arith.constant 0 : i32
          %dma_start3A_161 = tpu.memref_slice %arg14[%dma_start3A_158, %dma_start3A_159, %dma_start3A_160] : memref<2x128x128xf32, #tpu.memory_space<vmem>> -> memref<1x128x128xf32, #tpu.memory_space<vmem>>
          %dma_start3A_162 = tpu.memref_squeeze %dma_start3A_161 : memref<1x128x128xf32, #tpu.memory_space<vmem>> -> memref<128x128xf32, #tpu.memory_space<vmem>>
          %dma_start3A_163 = arith.constant 0 : i32
          %dma_start3A_164 = tpu.memref_slice %arg12[%add3A_157, %dma_start3A_163] : memref<40x128xi32, #tpu.memory_space<vmem>> -> memref<1x128xi32, #tpu.memory_space<vmem>>
          %dma_start3A_165 = tpu.memref_squeeze %dma_start3A_164 : memref<1x128xi32, #tpu.memory_space<vmem>> -> memref<128xi32, #tpu.memory_space<vmem>>
          %dma_start3A_166 = arith.constant 0 : i32
          %dma_start3A_167 = arith.constant 0 : i32
          %dma_start3A_168 = tpu.memref_slice %arg2[%dma_start3A_166, %dma_start3A_167] : memref<10000x128xf32, #tpu.memory_space<hbm>> -> memref<10000x128xf32, #tpu.memory_space<hbm>>
          tpu.enqueue_indirect_dma source(%dma_start3A_168 : memref<10000x128xf32, #tpu.memory_space<hbm>>) target(%dma_start3A_162 : memref<128x128xf32, #tpu.memory_space<vmem>>) offsets(%dma_start3A_165 : memref<128xi32, #tpu.memory_space<vmem>>) semaphore(%arg16 : memref<!tpu.dma_semaphore, #tpu.memory_space<semaphore_mem>>)
        } else {
        }
        %mul3A_133 = arith.constant 2 : i32
        %mul3A_134 = arith.muli %scan3A_112, %mul3A_133 : i32
        %add3A_135 = arith.constant 1 : i32
        %add3A_136 = arith.addi %mul3A_134, %add3A_135 : i32
        %dma_wait3A_137 = arith.constant 1 : i32
        %dma_wait3A_138 = arith.constant 0 : i32
        %dma_wait3A_139 = arith.constant 0 : i32
        %dma_wait3A_140 = tpu.memref_slice %arg14[%dma_wait3A_137, %dma_wait3A_138, %dma_wait3A_139] : memref<2x128x128xf32, #tpu.memory_space<vmem>> -> memref<1x128x128xf32, #tpu.memory_space<vmem>>
        %dma_wait3A_141 = tpu.memref_squeeze %dma_wait3A_140 : memref<1x128x128xf32, #tpu.memory_space<vmem>> -> memref<128x128xf32, #tpu.memory_space<vmem>>
        %dma_wait3A_142 = arith.constant 0 : i32
        %dma_wait3A_143 = tpu.memref_slice %arg12[%add3A_136, %dma_wait3A_142] : memref<40x128xi32, #tpu.memory_space<vmem>> -> memref<1x128xi32, #tpu.memory_space<vmem>>
        %dma_wait3A_144 = tpu.memref_squeeze %dma_wait3A_143 : memref<1x128xi32, #tpu.memory_space<vmem>> -> memref<128xi32, #tpu.memory_space<vmem>>
        %dma_wait3A_145 = arith.constant 0 : i32
        %dma_wait3A_146 = arith.constant 0 : i32
        %dma_wait3A_147 = tpu.memref_slice %arg2[%dma_wait3A_145, %dma_wait3A_146] : memref<10000x128xf32, #tpu.memory_space<hbm>> -> memref<10000x128xf32, #tpu.memory_space<hbm>>
        tpu.wait_indirect_dma semaphore(%arg16 : memref<!tpu.dma_semaphore, #tpu.memory_space<semaphore_mem>>) src(%dma_wait3A_147 : memref<10000x128xf32, #tpu.memory_space<hbm>>) dst(%dma_wait3A_141 : memref<128x128xf32, #tpu.memory_space<vmem>>)
        %run_scoped3A_148 = arith.constant 1 : i32
        "tpu.region"() ({
          %run_scoped3A_156 = tpu.sem_alloc : memref<!tpu.dma_semaphore, #tpu.memory_space<semaphore_mem>>
          %dma_start3A_157 = arith.constant 0 : i32
          %dma_start3A_158 = arith.constant 0 : i32
          %dma_start3A_159 = tpu.memref_slice %arg14[%run_scoped3A_148, %dma_start3A_157, %dma_start3A_158] : memref<2x128x128xf32, #tpu.memory_space<vmem>> -> memref<1x128x128xf32, #tpu.memory_space<vmem>>
          %dma_start3A_160 = tpu.memref_squeeze %dma_start3A_159 : memref<1x128x128xf32, #tpu.memory_space<vmem>> -> memref<128x128xf32, #tpu.memory_space<vmem>>
          %dma_start3A_161 = arith.constant 0 : i32
          %dma_start3A_162 = tpu.memref_slice %arg13[%add3A_136, %dma_start3A_161] : memref<40x128xi32, #tpu.memory_space<vmem>> -> memref<1x128xi32, #tpu.memory_space<vmem>>
          %dma_start3A_163 = tpu.memref_squeeze %dma_start3A_162 : memref<1x128xi32, #tpu.memory_space<vmem>> -> memref<128xi32, #tpu.memory_space<vmem>>
          %dma_start3A_164 = arith.constant 0 : i32
          %dma_start3A_165 = arith.constant 0 : i32
          %dma_start3A_166 = tpu.memref_slice %arg15[%dma_start3A_164, %dma_start3A_165] : memref<10112x128xf32, #tpu.memory_space<vmem_shared>> -> memref<10112x128xf32, #tpu.memory_space<vmem_shared>>
          tpu.enqueue_indirect_dma source(%dma_start3A_160 : memref<128x128xf32, #tpu.memory_space<vmem>>) target(%dma_start3A_166 : memref<10112x128xf32, #tpu.memory_space<vmem_shared>>) offsets(%dma_start3A_163 : memref<128xi32, #tpu.memory_space<vmem>>) semaphore(%run_scoped3A_156 : memref<!tpu.dma_semaphore, #tpu.memory_space<semaphore_mem>>) {add = true}
          %dma_wait3A_167 = arith.constant 0 : i32
          %dma_wait3A_168 = arith.constant 0 : i32
          %dma_wait3A_169 = tpu.memref_slice %arg14[%run_scoped3A_148, %dma_wait3A_167, %dma_wait3A_168] : memref<2x128x128xf32, #tpu.memory_space<vmem>> -> memref<1x128x128xf32, #tpu.memory_space<vmem>>
          %dma_wait3A_170 = tpu.memref_squeeze %dma_wait3A_169 : memref<1x128x128xf32, #tpu.memory_space<vmem>> -> memref<128x128xf32, #tpu.memory_space<vmem>>
          %dma_wait3A_171 = arith.constant 0 : i32
          %dma_wait3A_172 = tpu.memref_slice %arg13[%add3A_136, %dma_wait3A_171] : memref<40x128xi32, #tpu.memory_space<vmem>> -> memref<1x128xi32, #tpu.memory_space<vmem>>
          %dma_wait3A_173 = tpu.memref_squeeze %dma_wait3A_172 : memref<1x128xi32, #tpu.memory_space<vmem>> -> memref<128xi32, #tpu.memory_space<vmem>>
          %dma_wait3A_174 = arith.constant 0 : i32
          %dma_wait3A_175 = arith.constant 0 : i32
          %dma_wait3A_176 = tpu.memref_slice %arg15[%dma_wait3A_174, %dma_wait3A_175] : memref<10112x128xf32, #tpu.memory_space<vmem_shared>> -> memref<10112x128xf32, #tpu.memory_space<vmem_shared>>
          tpu.wait_indirect_dma semaphore(%run_scoped3A_156 : memref<!tpu.dma_semaphore, #tpu.memory_space<semaphore_mem>>) src(%dma_wait3A_170 : memref<128x128xf32, #tpu.memory_space<vmem>>) dst(%dma_wait3A_176 : memref<10112x128xf32, #tpu.memory_space<vmem_shared>>)
          tpu.yield
        }) : () -> ()
        %add3A_149 = arith.constant 2 : i32
        %add3A_150 = arith.addi %add3A_136, %add3A_149 : i32
        %lt3A_151 = arith.constant 40 : i32
        %lt3A_152 = arith.cmpi slt, %add3A_150, %lt3A_151 : i32
        %convert_element_type3A_153 = arith.extui %lt3A_152 : i1 to i32
        %cond3A_154 = arith.constant 0 : i32
        %cond3A_155 = arith.cmpi ne, %convert_element_type3A_153, %cond3A_154 : i32
        scf.if %cond3A_155 {
          %add3A_156 = arith.constant 2 : i32
          %add3A_157 = arith.addi %add3A_136, %add3A_156 : i32
          %dma_start3A_158 = arith.constant 1 : i32
          %dma_start3A_159 = arith.constant 0 : i32
          %dma_start3A_160 = arith.constant 0 : i32
          %dma_start3A_161 = tpu.memref_slice %arg14[%dma_start3A_158, %dma_start3A_159, %dma_start3A_160] : memref<2x128x128xf32, #tpu.memory_space<vmem>> -> memref<1x128x128xf32, #tpu.memory_space<vmem>>
          %dma_start3A_162 = tpu.memref_squeeze %dma_start3A_161 : memref<1x128x128xf32, #tpu.memory_space<vmem>> -> memref<128x128xf32, #tpu.memory_space<vmem>>
          %dma_start3A_163 = arith.constant 0 : i32
          %dma_start3A_164 = tpu.memref_slice %arg12[%add3A_157, %dma_start3A_163] : memref<40x128xi32, #tpu.memory_space<vmem>> -> memref<1x128xi32, #tpu.memory_space<vmem>>
          %dma_start3A_165 = tpu.memref_squeeze %dma_start3A_164 : memref<1x128xi32, #tpu.memory_space<vmem>> -> memref<128xi32, #tpu.memory_space<vmem>>
          %dma_start3A_166 = arith.constant 0 : i32
          %dma_start3A_167 = arith.constant 0 : i32
          %dma_start3A_168 = tpu.memref_slice %arg2[%dma_start3A_166, %dma_start3A_167] : memref<10000x128xf32, #tpu.memory_space<hbm>> -> memref<10000x128xf32, #tpu.memory_space<hbm>>
          tpu.enqueue_indirect_dma source(%dma_start3A_168 : memref<10000x128xf32, #tpu.memory_space<hbm>>) target(%dma_start3A_162 : memref<128x128xf32, #tpu.memory_space<vmem>>) offsets(%dma_start3A_165 : memref<128xi32, #tpu.memory_space<vmem>>) semaphore(%arg16 : memref<!tpu.dma_semaphore, #tpu.memory_space<semaphore_mem>>)
        } else {
        }
      }
      %scan3A_72 = arith.constant 20 : i32
      %barrier3A_73 = arith.constant 0 : index
      tpu.barrier barrier_id(%barrier3A_73)
      "tpu.region"() ({
        %run_scoped3A = tpu.sem_alloc : memref<!tpu.dma_semaphore, #tpu.memory_space<semaphore_mem>>
        %dma_start3A_112 = arith.constant 0 : i32
        %dma_start3A_113 = tpu.memref_slice %arg8[%mul3A_2, %dma_start3A_112] : memref<10112x128xf32, #tpu.memory_space<hbm>> -> memref<632x128xf32, #tpu.memory_space<hbm>>
        %dma_start3A_114 = arith.constant 0 : i32
        %dma_start3A_115 = tpu.memref_slice %arg15[%mul3A_2, %dma_start3A_114] : memref<10112x128xf32, #tpu.memory_space<vmem_shared>> -> memref<632x128xf32, #tpu.memory_space<vmem_shared>>
        tpu.enqueue_dma source(%dma_start3A_115 : memref<632x128xf32, #tpu.memory_space<vmem_shared>>) target(%dma_start3A_113 : memref<632x128xf32, #tpu.memory_space<hbm>>) target_semaphore(%run_scoped3A : memref<!tpu.dma_semaphore, #tpu.memory_space<semaphore_mem>>)
        %dma_wait3A = arith.constant 0 : i32
        %dma_wait3A_116 = tpu.memref_slice %arg8[%mul3A_2, %dma_wait3A] : memref<10112x128xf32, #tpu.memory_space<hbm>> -> memref<632x128xf32, #tpu.memory_space<hbm>>
        %dma_wait3A_117 = arith.constant 0 : i32
        %dma_wait3A_118 = tpu.memref_slice %arg15[%mul3A_2, %dma_wait3A_117] : memref<10112x128xf32, #tpu.memory_space<vmem_shared>> -> memref<632x128xf32, #tpu.memory_space<vmem_shared>>
        tpu.wait_dma2 semaphore(%run_scoped3A : memref<!tpu.dma_semaphore, #tpu.memory_space<semaphore_mem>>) src(%dma_wait3A_118 : memref<632x128xf32, #tpu.memory_space<vmem_shared>>) dst(%dma_wait3A_116 : memref<632x128xf32, #tpu.memory_space<hbm>>)
        tpu.yield
      }) : () -> ()
      %barrier3A_74 = arith.constant 0 : index
      tpu.barrier barrier_id(%barrier3A_74)
      %mul3A_75 = arith.constant 40 : i32
      %mul3A_76 = arith.muli %arg1, %mul3A_75 : i32
      "tpu.region"() ({
        %run_scoped3A = tpu.sem_alloc : memref<!tpu.dma_semaphore, #tpu.memory_space<semaphore_mem>>
        %dma_start3A_112 = arith.constant 0 : i32
        %dma_start3A_113 = tpu.memref_slice %arg15[%mul3A_0, %dma_start3A_112] : memref<10112x128xf32, #tpu.memory_space<vmem_shared>> -> memref<632x128xf32, #tpu.memory_space<vmem_shared>>
        %dma_start3A_114 = arith.constant 0 : i32
        %dma_start3A_115 = tpu.memref_slice %arg7[%mul3A_0, %dma_start3A_114] : memref<10112x128xf32, #tpu.memory_space<hbm>> -> memref<632x128xf32, #tpu.memory_space<hbm>>
        tpu.enqueue_dma source(%dma_start3A_115 : memref<632x128xf32, #tpu.memory_space<hbm>>) target(%dma_start3A_113 : memref<632x128xf32, #tpu.memory_space<vmem_shared>>) target_semaphore(%run_scoped3A : memref<!tpu.dma_semaphore, #tpu.memory_space<semaphore_mem>>)
        %dma_wait3A = arith.constant 0 : i32
        %dma_wait3A_116 = tpu.memref_slice %arg15[%mul3A_0, %dma_wait3A] : memref<10112x128xf32, #tpu.memory_space<vmem_shared>> -> memref<632x128xf32, #tpu.memory_space<vmem_shared>>
        %dma_wait3A_117 = arith.constant 0 : i32
        %dma_wait3A_118 = tpu.memref_slice %arg7[%mul3A_0, %dma_wait3A_117] : memref<10112x128xf32, #tpu.memory_space<hbm>> -> memref<632x128xf32, #tpu.memory_space<hbm>>
        tpu.wait_dma2 semaphore(%run_scoped3A : memref<!tpu.dma_semaphore, #tpu.memory_space<semaphore_mem>>) src(%dma_wait3A_118 : memref<632x128xf32, #tpu.memory_space<hbm>>) dst(%dma_wait3A_116 : memref<632x128xf32, #tpu.memory_space<vmem_shared>>)
        tpu.yield
      }) : () -> ()
      %add3A_77 = arith.constant 0 : i32
      %add3A_78 = arith.addi %mul3A_76, %add3A_77 : i32
      "tpu.region"() ({
        %run_scoped3A = tpu.sem_alloc : memref<!tpu.dma_semaphore, #tpu.memory_space<semaphore_mem>>
        %dma_start3A_112 = arith.constant 0 : i32
        %dma_start3A_113 = tpu.memref_slice %arg5[%add3A_78, %dma_start3A_112] : memref<1280x128xi32, #tpu.memory_space<hbm>> -> memref<40x128xi32, #tpu.memory_space<hbm>>
        %dma_start3A_114 = arith.constant 0 : i32
        %dma_start3A_115 = tpu.memref_slice %arg5[%add3A_78, %dma_start3A_114] : memref<1280x128xi32, #tpu.memory_space<hbm>> -> memref<40x128xi32, #tpu.memory_space<hbm>>
        tpu.enqueue_dma source(%dma_start3A_115 : memref<40x128xi32, #tpu.memory_space<hbm>>) target(%arg12 : memref<40x128xi32, #tpu.memory_space<vmem>>) target_semaphore(%run_scoped3A : memref<!tpu.dma_semaphore, #tpu.memory_space<semaphore_mem>>)
        %dma_wait3A = arith.constant 0 : i32
        %dma_wait3A_116 = tpu.memref_slice %arg5[%add3A_78, %dma_wait3A] : memref<1280x128xi32, #tpu.memory_space<hbm>> -> memref<40x128xi32, #tpu.memory_space<hbm>>
        %dma_wait3A_117 = arith.constant 0 : i32
        %dma_wait3A_118 = tpu.memref_slice %arg5[%add3A_78, %dma_wait3A_117] : memref<1280x128xi32, #tpu.memory_space<hbm>> -> memref<40x128xi32, #tpu.memory_space<hbm>>
        tpu.wait_dma2 semaphore(%run_scoped3A : memref<!tpu.dma_semaphore, #tpu.memory_space<semaphore_mem>>) src(%dma_wait3A_118 : memref<40x128xi32, #tpu.memory_space<hbm>>) dst(%arg12 : memref<40x128xi32, #tpu.memory_space<vmem>>)
        tpu.yield
      }) : () -> ()
      "tpu.region"() ({
        %run_scoped3A = tpu.sem_alloc : memref<!tpu.dma_semaphore, #tpu.memory_space<semaphore_mem>>
        %dma_start3A_112 = arith.constant 0 : i32
        %dma_start3A_113 = tpu.memref_slice %arg6[%add3A_78, %dma_start3A_112] : memref<1280x128xi32, #tpu.memory_space<hbm>> -> memref<40x128xi32, #tpu.memory_space<hbm>>
        %dma_start3A_114 = arith.constant 0 : i32
        %dma_start3A_115 = tpu.memref_slice %arg6[%add3A_78, %dma_start3A_114] : memref<1280x128xi32, #tpu.memory_space<hbm>> -> memref<40x128xi32, #tpu.memory_space<hbm>>
        tpu.enqueue_dma source(%dma_start3A_115 : memref<40x128xi32, #tpu.memory_space<hbm>>) target(%arg13 : memref<40x128xi32, #tpu.memory_space<vmem>>) target_semaphore(%run_scoped3A : memref<!tpu.dma_semaphore, #tpu.memory_space<semaphore_mem>>)
        %dma_wait3A = arith.constant 0 : i32
        %dma_wait3A_116 = tpu.memref_slice %arg6[%add3A_78, %dma_wait3A] : memref<1280x128xi32, #tpu.memory_space<hbm>> -> memref<40x128xi32, #tpu.memory_space<hbm>>
        %dma_wait3A_117 = arith.constant 0 : i32
        %dma_wait3A_118 = tpu.memref_slice %arg6[%add3A_78, %dma_wait3A_117] : memref<1280x128xi32, #tpu.memory_space<hbm>> -> memref<40x128xi32, #tpu.memory_space<hbm>>
        tpu.wait_dma2 semaphore(%run_scoped3A : memref<!tpu.dma_semaphore, #tpu.memory_space<semaphore_mem>>) src(%dma_wait3A_118 : memref<40x128xi32, #tpu.memory_space<hbm>>) dst(%arg13 : memref<40x128xi32, #tpu.memory_space<vmem>>)
        tpu.yield
      }) : () -> ()
      %barrier3A_79 = arith.constant 0 : index
      tpu.barrier barrier_id(%barrier3A_79)
      %dma_start3A_80 = arith.constant 0 : i32
      %dma_start3A_81 = arith.constant 0 : i32
      %dma_start3A_82 = arith.constant 0 : i32
      %dma_start3A_83 = arith.constant 0 : i32
      %dma_start3A_84 = tpu.memref_slice %arg14[%dma_start3A_81, %dma_start3A_82, %dma_start3A_83] : memref<2x128x128xf32, #tpu.memory_space<vmem>> -> memref<1x128x128xf32, #tpu.memory_space<vmem>>
      %dma_start3A_85 = tpu.memref_squeeze %dma_start3A_84 : memref<1x128x128xf32, #tpu.memory_space<vmem>> -> memref<128x128xf32, #tpu.memory_space<vmem>>
      %dma_start3A_86 = arith.constant 0 : i32
      %dma_start3A_87 = tpu.memref_slice %arg12[%dma_start3A_80, %dma_start3A_86] : memref<40x128xi32, #tpu.memory_space<vmem>> -> memref<1x128xi32, #tpu.memory_space<vmem>>
      %dma_start3A_88 = tpu.memref_squeeze %dma_start3A_87 : memref<1x128xi32, #tpu.memory_space<vmem>> -> memref<128xi32, #tpu.memory_space<vmem>>
      %dma_start3A_89 = arith.constant 0 : i32
      %dma_start3A_90 = arith.constant 0 : i32
      %dma_start3A_91 = tpu.memref_slice %arg4[%dma_start3A_89, %dma_start3A_90] : memref<10000x128xf32, #tpu.memory_space<hbm>> -> memref<10000x128xf32, #tpu.memory_space<hbm>>
      tpu.enqueue_indirect_dma source(%dma_start3A_91 : memref<10000x128xf32, #tpu.memory_space<hbm>>) target(%dma_start3A_85 : memref<128x128xf32, #tpu.memory_space<vmem>>) offsets(%dma_start3A_88 : memref<128xi32, #tpu.memory_space<vmem>>) semaphore(%arg16 : memref<!tpu.dma_semaphore, #tpu.memory_space<semaphore_mem>>)
      %dma_start3A_92 = arith.constant 1 : i32
      %dma_start3A_93 = arith.constant 1 : i32
      %dma_start3A_94 = arith.constant 0 : i32
      %dma_start3A_95 = arith.constant 0 : i32
      %dma_start3A_96 = tpu.memref_slice %arg14[%dma_start3A_93, %dma_start3A_94, %dma_start3A_95] : memref<2x128x128xf32, #tpu.memory_space<vmem>> -> memref<1x128x128xf32, #tpu.memory_space<vmem>>
      %dma_start3A_97 = tpu.memref_squeeze %dma_start3A_96 : memref<1x128x128xf32, #tpu.memory_space<vmem>> -> memref<128x128xf32, #tpu.memory_space<vmem>>
      %dma_start3A_98 = arith.constant 0 : i32
      %dma_start3A_99 = tpu.memref_slice %arg12[%dma_start3A_92, %dma_start3A_98] : memref<40x128xi32, #tpu.memory_space<vmem>> -> memref<1x128xi32, #tpu.memory_space<vmem>>
      %dma_start3A_100 = tpu.memref_squeeze %dma_start3A_99 : memref<1x128xi32, #tpu.memory_space<vmem>> -> memref<128xi32, #tpu.memory_space<vmem>>
      %dma_start3A_101 = arith.constant 0 : i32
      %dma_start3A_102 = arith.constant 0 : i32
      %dma_start3A_103 = tpu.memref_slice %arg4[%dma_start3A_101, %dma_start3A_102] : memref<10000x128xf32, #tpu.memory_space<hbm>> -> memref<10000x128xf32, #tpu.memory_space<hbm>>
      tpu.enqueue_indirect_dma source(%dma_start3A_103 : memref<10000x128xf32, #tpu.memory_space<hbm>>) target(%dma_start3A_97 : memref<128x128xf32, #tpu.memory_space<vmem>>) offsets(%dma_start3A_100 : memref<128xi32, #tpu.memory_space<vmem>>) semaphore(%arg16 : memref<!tpu.dma_semaphore, #tpu.memory_space<semaphore_mem>>)
      %scan3A_104 = arith.constant 0 : i32
      %scan3A_105 = arith.constant 0 : i32
      %scan3A_106 = arith.constant 20 : i32
      %scan3A_107 = arith.addi %scan3A_105, %scan3A_106 : i32
      %scan3A_108 = arith.constant 1 : i32
      scf.for %scan3A_112 = %scan3A_105 to %scan3A_107 step %scan3A_108  : i32 {
        %mul3A_113 = arith.constant 2 : i32
        %mul3A_114 = arith.muli %scan3A_112, %mul3A_113 : i32
        %add3A_115 = arith.constant 0 : i32
        %add3A_116 = arith.addi %mul3A_114, %add3A_115 : i32
        %dma_wait3A = arith.constant 0 : i32
        %dma_wait3A_117 = arith.constant 0 : i32
        %dma_wait3A_118 = arith.constant 0 : i32
        %dma_wait3A_119 = tpu.memref_slice %arg14[%dma_wait3A, %dma_wait3A_117, %dma_wait3A_118] : memref<2x128x128xf32, #tpu.memory_space<vmem>> -> memref<1x128x128xf32, #tpu.memory_space<vmem>>
        %dma_wait3A_120 = tpu.memref_squeeze %dma_wait3A_119 : memref<1x128x128xf32, #tpu.memory_space<vmem>> -> memref<128x128xf32, #tpu.memory_space<vmem>>
        %dma_wait3A_121 = arith.constant 0 : i32
        %dma_wait3A_122 = tpu.memref_slice %arg12[%add3A_116, %dma_wait3A_121] : memref<40x128xi32, #tpu.memory_space<vmem>> -> memref<1x128xi32, #tpu.memory_space<vmem>>
        %dma_wait3A_123 = tpu.memref_squeeze %dma_wait3A_122 : memref<1x128xi32, #tpu.memory_space<vmem>> -> memref<128xi32, #tpu.memory_space<vmem>>
        %dma_wait3A_124 = arith.constant 0 : i32
        %dma_wait3A_125 = arith.constant 0 : i32
        %dma_wait3A_126 = tpu.memref_slice %arg4[%dma_wait3A_124, %dma_wait3A_125] : memref<10000x128xf32, #tpu.memory_space<hbm>> -> memref<10000x128xf32, #tpu.memory_space<hbm>>
        tpu.wait_indirect_dma semaphore(%arg16 : memref<!tpu.dma_semaphore, #tpu.memory_space<semaphore_mem>>) src(%dma_wait3A_126 : memref<10000x128xf32, #tpu.memory_space<hbm>>) dst(%dma_wait3A_120 : memref<128x128xf32, #tpu.memory_space<vmem>>)
        %run_scoped3A = arith.constant 0 : i32
        "tpu.region"() ({
          %run_scoped3A_156 = tpu.sem_alloc : memref<!tpu.dma_semaphore, #tpu.memory_space<semaphore_mem>>
          %dma_start3A_157 = arith.constant 0 : i32
          %dma_start3A_158 = arith.constant 0 : i32
          %dma_start3A_159 = tpu.memref_slice %arg14[%run_scoped3A, %dma_start3A_157, %dma_start3A_158] : memref<2x128x128xf32, #tpu.memory_space<vmem>> -> memref<1x128x128xf32, #tpu.memory_space<vmem>>
          %dma_start3A_160 = tpu.memref_squeeze %dma_start3A_159 : memref<1x128x128xf32, #tpu.memory_space<vmem>> -> memref<128x128xf32, #tpu.memory_space<vmem>>
          %dma_start3A_161 = arith.constant 0 : i32
          %dma_start3A_162 = tpu.memref_slice %arg13[%add3A_116, %dma_start3A_161] : memref<40x128xi32, #tpu.memory_space<vmem>> -> memref<1x128xi32, #tpu.memory_space<vmem>>
          %dma_start3A_163 = tpu.memref_squeeze %dma_start3A_162 : memref<1x128xi32, #tpu.memory_space<vmem>> -> memref<128xi32, #tpu.memory_space<vmem>>
          %dma_start3A_164 = arith.constant 0 : i32
          %dma_start3A_165 = arith.constant 0 : i32
          %dma_start3A_166 = tpu.memref_slice %arg15[%dma_start3A_164, %dma_start3A_165] : memref<10112x128xf32, #tpu.memory_space<vmem_shared>> -> memref<10112x128xf32, #tpu.memory_space<vmem_shared>>
          tpu.enqueue_indirect_dma source(%dma_start3A_160 : memref<128x128xf32, #tpu.memory_space<vmem>>) target(%dma_start3A_166 : memref<10112x128xf32, #tpu.memory_space<vmem_shared>>) offsets(%dma_start3A_163 : memref<128xi32, #tpu.memory_space<vmem>>) semaphore(%run_scoped3A_156 : memref<!tpu.dma_semaphore, #tpu.memory_space<semaphore_mem>>) {add = true}
          %dma_wait3A_167 = arith.constant 0 : i32
          %dma_wait3A_168 = arith.constant 0 : i32
          %dma_wait3A_169 = tpu.memref_slice %arg14[%run_scoped3A, %dma_wait3A_167, %dma_wait3A_168] : memref<2x128x128xf32, #tpu.memory_space<vmem>> -> memref<1x128x128xf32, #tpu.memory_space<vmem>>
          %dma_wait3A_170 = tpu.memref_squeeze %dma_wait3A_169 : memref<1x128x128xf32, #tpu.memory_space<vmem>> -> memref<128x128xf32, #tpu.memory_space<vmem>>
          %dma_wait3A_171 = arith.constant 0 : i32
          %dma_wait3A_172 = tpu.memref_slice %arg13[%add3A_116, %dma_wait3A_171] : memref<40x128xi32, #tpu.memory_space<vmem>> -> memref<1x128xi32, #tpu.memory_space<vmem>>
          %dma_wait3A_173 = tpu.memref_squeeze %dma_wait3A_172 : memref<1x128xi32, #tpu.memory_space<vmem>> -> memref<128xi32, #tpu.memory_space<vmem>>
          %dma_wait3A_174 = arith.constant 0 : i32
          %dma_wait3A_175 = arith.constant 0 : i32
          %dma_wait3A_176 = tpu.memref_slice %arg15[%dma_wait3A_174, %dma_wait3A_175] : memref<10112x128xf32, #tpu.memory_space<vmem_shared>> -> memref<10112x128xf32, #tpu.memory_space<vmem_shared>>
          tpu.wait_indirect_dma semaphore(%run_scoped3A_156 : memref<!tpu.dma_semaphore, #tpu.memory_space<semaphore_mem>>) src(%dma_wait3A_170 : memref<128x128xf32, #tpu.memory_space<vmem>>) dst(%dma_wait3A_176 : memref<10112x128xf32, #tpu.memory_space<vmem_shared>>)
          tpu.yield
        }) : () -> ()
        %add3A_127 = arith.constant 2 : i32
        %add3A_128 = arith.addi %add3A_116, %add3A_127 : i32
        %lt3A = arith.constant 40 : i32
        %lt3A_129 = arith.cmpi slt, %add3A_128, %lt3A : i32
        %convert_element_type3A_130 = arith.extui %lt3A_129 : i1 to i32
        %cond3A_131 = arith.constant 0 : i32
        %cond3A_132 = arith.cmpi ne, %convert_element_type3A_130, %cond3A_131 : i32
        scf.if %cond3A_132 {
          %add3A_156 = arith.constant 2 : i32
          %add3A_157 = arith.addi %add3A_116, %add3A_156 : i32
          %dma_start3A_158 = arith.constant 0 : i32
          %dma_start3A_159 = arith.constant 0 : i32
          %dma_start3A_160 = arith.constant 0 : i32
          %dma_start3A_161 = tpu.memref_slice %arg14[%dma_start3A_158, %dma_start3A_159, %dma_start3A_160] : memref<2x128x128xf32, #tpu.memory_space<vmem>> -> memref<1x128x128xf32, #tpu.memory_space<vmem>>
          %dma_start3A_162 = tpu.memref_squeeze %dma_start3A_161 : memref<1x128x128xf32, #tpu.memory_space<vmem>> -> memref<128x128xf32, #tpu.memory_space<vmem>>
          %dma_start3A_163 = arith.constant 0 : i32
          %dma_start3A_164 = tpu.memref_slice %arg12[%add3A_157, %dma_start3A_163] : memref<40x128xi32, #tpu.memory_space<vmem>> -> memref<1x128xi32, #tpu.memory_space<vmem>>
          %dma_start3A_165 = tpu.memref_squeeze %dma_start3A_164 : memref<1x128xi32, #tpu.memory_space<vmem>> -> memref<128xi32, #tpu.memory_space<vmem>>
          %dma_start3A_166 = arith.constant 0 : i32
          %dma_start3A_167 = arith.constant 0 : i32
          %dma_start3A_168 = tpu.memref_slice %arg4[%dma_start3A_166, %dma_start3A_167] : memref<10000x128xf32, #tpu.memory_space<hbm>> -> memref<10000x128xf32, #tpu.memory_space<hbm>>
          tpu.enqueue_indirect_dma source(%dma_start3A_168 : memref<10000x128xf32, #tpu.memory_space<hbm>>) target(%dma_start3A_162 : memref<128x128xf32, #tpu.memory_space<vmem>>) offsets(%dma_start3A_165 : memref<128xi32, #tpu.memory_space<vmem>>) semaphore(%arg16 : memref<!tpu.dma_semaphore, #tpu.memory_space<semaphore_mem>>)
        } else {
        }
        %mul3A_133 = arith.constant 2 : i32
        %mul3A_134 = arith.muli %scan3A_112, %mul3A_133 : i32
        %add3A_135 = arith.constant 1 : i32
        %add3A_136 = arith.addi %mul3A_134, %add3A_135 : i32
        %dma_wait3A_137 = arith.constant 1 : i32
        %dma_wait3A_138 = arith.constant 0 : i32
        %dma_wait3A_139 = arith.constant 0 : i32
        %dma_wait3A_140 = tpu.memref_slice %arg14[%dma_wait3A_137, %dma_wait3A_138, %dma_wait3A_139] : memref<2x128x128xf32, #tpu.memory_space<vmem>> -> memref<1x128x128xf32, #tpu.memory_space<vmem>>
        %dma_wait3A_141 = tpu.memref_squeeze %dma_wait3A_140 : memref<1x128x128xf32, #tpu.memory_space<vmem>> -> memref<128x128xf32, #tpu.memory_space<vmem>>
        %dma_wait3A_142 = arith.constant 0 : i32
        %dma_wait3A_143 = tpu.memref_slice %arg12[%add3A_136, %dma_wait3A_142] : memref<40x128xi32, #tpu.memory_space<vmem>> -> memref<1x128xi32, #tpu.memory_space<vmem>>
        %dma_wait3A_144 = tpu.memref_squeeze %dma_wait3A_143 : memref<1x128xi32, #tpu.memory_space<vmem>> -> memref<128xi32, #tpu.memory_space<vmem>>
        %dma_wait3A_145 = arith.constant 0 : i32
        %dma_wait3A_146 = arith.constant 0 : i32
        %dma_wait3A_147 = tpu.memref_slice %arg4[%dma_wait3A_145, %dma_wait3A_146] : memref<10000x128xf32, #tpu.memory_space<hbm>> -> memref<10000x128xf32, #tpu.memory_space<hbm>>
        tpu.wait_indirect_dma semaphore(%arg16 : memref<!tpu.dma_semaphore, #tpu.memory_space<semaphore_mem>>) src(%dma_wait3A_147 : memref<10000x128xf32, #tpu.memory_space<hbm>>) dst(%dma_wait3A_141 : memref<128x128xf32, #tpu.memory_space<vmem>>)
        %run_scoped3A_148 = arith.constant 1 : i32
        "tpu.region"() ({
          %run_scoped3A_156 = tpu.sem_alloc : memref<!tpu.dma_semaphore, #tpu.memory_space<semaphore_mem>>
          %dma_start3A_157 = arith.constant 0 : i32
          %dma_start3A_158 = arith.constant 0 : i32
          %dma_start3A_159 = tpu.memref_slice %arg14[%run_scoped3A_148, %dma_start3A_157, %dma_start3A_158] : memref<2x128x128xf32, #tpu.memory_space<vmem>> -> memref<1x128x128xf32, #tpu.memory_space<vmem>>
          %dma_start3A_160 = tpu.memref_squeeze %dma_start3A_159 : memref<1x128x128xf32, #tpu.memory_space<vmem>> -> memref<128x128xf32, #tpu.memory_space<vmem>>
          %dma_start3A_161 = arith.constant 0 : i32
          %dma_start3A_162 = tpu.memref_slice %arg13[%add3A_136, %dma_start3A_161] : memref<40x128xi32, #tpu.memory_space<vmem>> -> memref<1x128xi32, #tpu.memory_space<vmem>>
          %dma_start3A_163 = tpu.memref_squeeze %dma_start3A_162 : memref<1x128xi32, #tpu.memory_space<vmem>> -> memref<128xi32, #tpu.memory_space<vmem>>
          %dma_start3A_164 = arith.constant 0 : i32
          %dma_start3A_165 = arith.constant 0 : i32
          %dma_start3A_166 = tpu.memref_slice %arg15[%dma_start3A_164, %dma_start3A_165] : memref<10112x128xf32, #tpu.memory_space<vmem_shared>> -> memref<10112x128xf32, #tpu.memory_space<vmem_shared>>
          tpu.enqueue_indirect_dma source(%dma_start3A_160 : memref<128x128xf32, #tpu.memory_space<vmem>>) target(%dma_start3A_166 : memref<10112x128xf32, #tpu.memory_space<vmem_shared>>) offsets(%dma_start3A_163 : memref<128xi32, #tpu.memory_space<vmem>>) semaphore(%run_scoped3A_156 : memref<!tpu.dma_semaphore, #tpu.memory_space<semaphore_mem>>) {add = true}
          %dma_wait3A_167 = arith.constant 0 : i32
          %dma_wait3A_168 = arith.constant 0 : i32
          %dma_wait3A_169 = tpu.memref_slice %arg14[%run_scoped3A_148, %dma_wait3A_167, %dma_wait3A_168] : memref<2x128x128xf32, #tpu.memory_space<vmem>> -> memref<1x128x128xf32, #tpu.memory_space<vmem>>
          %dma_wait3A_170 = tpu.memref_squeeze %dma_wait3A_169 : memref<1x128x128xf32, #tpu.memory_space<vmem>> -> memref<128x128xf32, #tpu.memory_space<vmem>>
          %dma_wait3A_171 = arith.constant 0 : i32
          %dma_wait3A_172 = tpu.memref_slice %arg13[%add3A_136, %dma_wait3A_171] : memref<40x128xi32, #tpu.memory_space<vmem>> -> memref<1x128xi32, #tpu.memory_space<vmem>>
          %dma_wait3A_173 = tpu.memref_squeeze %dma_wait3A_172 : memref<1x128xi32, #tpu.memory_space<vmem>> -> memref<128xi32, #tpu.memory_space<vmem>>
          %dma_wait3A_174 = arith.constant 0 : i32
          %dma_wait3A_175 = arith.constant 0 : i32
          %dma_wait3A_176 = tpu.memref_slice %arg15[%dma_wait3A_174, %dma_wait3A_175] : memref<10112x128xf32, #tpu.memory_space<vmem_shared>> -> memref<10112x128xf32, #tpu.memory_space<vmem_shared>>
          tpu.wait_indirect_dma semaphore(%run_scoped3A_156 : memref<!tpu.dma_semaphore, #tpu.memory_space<semaphore_mem>>) src(%dma_wait3A_170 : memref<128x128xf32, #tpu.memory_space<vmem>>) dst(%dma_wait3A_176 : memref<10112x128xf32, #tpu.memory_space<vmem_shared>>)
          tpu.yield
        }) : () -> ()
        %add3A_149 = arith.constant 2 : i32
        %add3A_150 = arith.addi %add3A_136, %add3A_149 : i32
        %lt3A_151 = arith.constant 40 : i32
        %lt3A_152 = arith.cmpi slt, %add3A_150, %lt3A_151 : i32
        %convert_element_type3A_153 = arith.extui %lt3A_152 : i1 to i32
        %cond3A_154 = arith.constant 0 : i32
        %cond3A_155 = arith.cmpi ne, %convert_element_type3A_153, %cond3A_154 : i32
        scf.if %cond3A_155 {
          %add3A_156 = arith.constant 2 : i32
          %add3A_157 = arith.addi %add3A_136, %add3A_156 : i32
          %dma_start3A_158 = arith.constant 1 : i32
          %dma_start3A_159 = arith.constant 0 : i32
          %dma_start3A_160 = arith.constant 0 : i32
          %dma_start3A_161 = tpu.memref_slice %arg14[%dma_start3A_158, %dma_start3A_159, %dma_start3A_160] : memref<2x128x128xf32, #tpu.memory_space<vmem>> -> memref<1x128x128xf32, #tpu.memory_space<vmem>>
          %dma_start3A_162 = tpu.memref_squeeze %dma_start3A_161 : memref<1x128x128xf32, #tpu.memory_space<vmem>> -> memref<128x128xf32, #tpu.memory_space<vmem>>
          %dma_start3A_163 = arith.constant 0 : i32
          %dma_start3A_164 = tpu.memref_slice %arg12[%add3A_157, %dma_start3A_163] : memref<40x128xi32, #tpu.memory_space<vmem>> -> memref<1x128xi32, #tpu.memory_space<vmem>>
          %dma_start3A_165 = tpu.memref_squeeze %dma_start3A_164 : memref<1x128xi32, #tpu.memory_space<vmem>> -> memref<128xi32, #tpu.memory_space<vmem>>
          %dma_start3A_166 = arith.constant 0 : i32
          %dma_start3A_167 = arith.constant 0 : i32
          %dma_start3A_168 = tpu.memref_slice %arg4[%dma_start3A_166, %dma_start3A_167] : memref<10000x128xf32, #tpu.memory_space<hbm>> -> memref<10000x128xf32, #tpu.memory_space<hbm>>
          tpu.enqueue_indirect_dma source(%dma_start3A_168 : memref<10000x128xf32, #tpu.memory_space<hbm>>) target(%dma_start3A_162 : memref<128x128xf32, #tpu.memory_space<vmem>>) offsets(%dma_start3A_165 : memref<128xi32, #tpu.memory_space<vmem>>) semaphore(%arg16 : memref<!tpu.dma_semaphore, #tpu.memory_space<semaphore_mem>>)
        } else {
        }
      }
      %scan3A_109 = arith.constant 20 : i32
      %barrier3A_110 = arith.constant 0 : index
      tpu.barrier barrier_id(%barrier3A_110)
      "tpu.region"() ({
        %run_scoped3A = tpu.sem_alloc : memref<!tpu.dma_semaphore, #tpu.memory_space<semaphore_mem>>
        %dma_start3A_112 = arith.constant 0 : i32
        %dma_start3A_113 = tpu.memref_slice %arg10[%mul3A_2, %dma_start3A_112] : memref<10112x128xf32, #tpu.memory_space<hbm>> -> memref<632x128xf32, #tpu.memory_space<hbm>>
        %dma_start3A_114 = arith.constant 0 : i32
        %dma_start3A_115 = tpu.memref_slice %arg15[%mul3A_2, %dma_start3A_114] : memref<10112x128xf32, #tpu.memory_space<vmem_shared>> -> memref<632x128xf32, #tpu.memory_space<vmem_shared>>
        tpu.enqueue_dma source(%dma_start3A_115 : memref<632x128xf32, #tpu.memory_space<vmem_shared>>) target(%dma_start3A_113 : memref<632x128xf32, #tpu.memory_space<hbm>>) target_semaphore(%run_scoped3A : memref<!tpu.dma_semaphore, #tpu.memory_space<semaphore_mem>>)
        %dma_wait3A = arith.constant 0 : i32
        %dma_wait3A_116 = tpu.memref_slice %arg10[%mul3A_2, %dma_wait3A] : memref<10112x128xf32, #tpu.memory_space<hbm>> -> memref<632x128xf32, #tpu.memory_space<hbm>>
        %dma_wait3A_117 = arith.constant 0 : i32
        %dma_wait3A_118 = tpu.memref_slice %arg15[%mul3A_2, %dma_wait3A_117] : memref<10112x128xf32, #tpu.memory_space<vmem_shared>> -> memref<632x128xf32, #tpu.memory_space<vmem_shared>>
        tpu.wait_dma2 semaphore(%run_scoped3A : memref<!tpu.dma_semaphore, #tpu.memory_space<semaphore_mem>>) src(%dma_wait3A_118 : memref<632x128xf32, #tpu.memory_space<vmem_shared>>) dst(%dma_wait3A_116 : memref<632x128xf32, #tpu.memory_space<hbm>>)
        tpu.yield
      }) : () -> ()
      %barrier3A_111 = arith.constant 0 : index
      tpu.barrier barrier_id(%barrier3A_111)
    } else {
    }
    %eq3A_5 = arith.constant 1 : i32
    %eq3A_6 = arith.cmpi eq, %arg0, %eq3A_5 : i32
    %convert_element_type3A_7 = arith.extui %eq3A_6 : i1 to i32
    %cond3A_8 = arith.constant 0 : i32
    %cond3A_9 = arith.cmpi ne, %convert_element_type3A_7, %cond3A_8 : i32
    scf.if %cond3A_9 {
      %mul3A_10 = arith.constant 80 : i32
      %mul3A_11 = arith.muli %arg1, %mul3A_10 : i32
      "tpu.region"() ({
        %run_scoped3A = tpu.sem_alloc : memref<!tpu.dma_semaphore, #tpu.memory_space<semaphore_mem>>
        %dma_start3A_114 = arith.constant 0 : i32
        %dma_start3A_115 = tpu.memref_slice %arg15[%mul3A_0, %dma_start3A_114] : memref<10112x128xf32, #tpu.memory_space<vmem_shared>> -> memref<632x128xf32, #tpu.memory_space<vmem_shared>>
        %dma_start3A_116 = arith.constant 0 : i32
        %dma_start3A_117 = tpu.memref_slice %arg7[%mul3A_0, %dma_start3A_116] : memref<10112x128xf32, #tpu.memory_space<hbm>> -> memref<632x128xf32, #tpu.memory_space<hbm>>
        tpu.enqueue_dma source(%dma_start3A_117 : memref<632x128xf32, #tpu.memory_space<hbm>>) target(%dma_start3A_115 : memref<632x128xf32, #tpu.memory_space<vmem_shared>>) target_semaphore(%run_scoped3A : memref<!tpu.dma_semaphore, #tpu.memory_space<semaphore_mem>>)
        %dma_wait3A = arith.constant 0 : i32
        %dma_wait3A_118 = tpu.memref_slice %arg15[%mul3A_0, %dma_wait3A] : memref<10112x128xf32, #tpu.memory_space<vmem_shared>> -> memref<632x128xf32, #tpu.memory_space<vmem_shared>>
        %dma_wait3A_119 = arith.constant 0 : i32
        %dma_wait3A_120 = tpu.memref_slice %arg7[%mul3A_0, %dma_wait3A_119] : memref<10112x128xf32, #tpu.memory_space<hbm>> -> memref<632x128xf32, #tpu.memory_space<hbm>>
        tpu.wait_dma2 semaphore(%run_scoped3A : memref<!tpu.dma_semaphore, #tpu.memory_space<semaphore_mem>>) src(%dma_wait3A_120 : memref<632x128xf32, #tpu.memory_space<hbm>>) dst(%dma_wait3A_118 : memref<632x128xf32, #tpu.memory_space<vmem_shared>>)
        tpu.yield
      }) : () -> ()
      %add3A = arith.constant 0 : i32
      %add3A_12 = arith.addi %mul3A_11, %add3A : i32
      "tpu.region"() ({
        %run_scoped3A = tpu.sem_alloc : memref<!tpu.dma_semaphore, #tpu.memory_space<semaphore_mem>>
        %dma_start3A_114 = arith.constant 0 : i32
        %dma_start3A_115 = tpu.memref_slice %arg5[%add3A_12, %dma_start3A_114] : memref<1280x128xi32, #tpu.memory_space<hbm>> -> memref<40x128xi32, #tpu.memory_space<hbm>>
        %dma_start3A_116 = arith.constant 0 : i32
        %dma_start3A_117 = tpu.memref_slice %arg5[%add3A_12, %dma_start3A_116] : memref<1280x128xi32, #tpu.memory_space<hbm>> -> memref<40x128xi32, #tpu.memory_space<hbm>>
        tpu.enqueue_dma source(%dma_start3A_117 : memref<40x128xi32, #tpu.memory_space<hbm>>) target(%arg12 : memref<40x128xi32, #tpu.memory_space<vmem>>) target_semaphore(%run_scoped3A : memref<!tpu.dma_semaphore, #tpu.memory_space<semaphore_mem>>)
        %dma_wait3A = arith.constant 0 : i32
        %dma_wait3A_118 = tpu.memref_slice %arg5[%add3A_12, %dma_wait3A] : memref<1280x128xi32, #tpu.memory_space<hbm>> -> memref<40x128xi32, #tpu.memory_space<hbm>>
        %dma_wait3A_119 = arith.constant 0 : i32
        %dma_wait3A_120 = tpu.memref_slice %arg5[%add3A_12, %dma_wait3A_119] : memref<1280x128xi32, #tpu.memory_space<hbm>> -> memref<40x128xi32, #tpu.memory_space<hbm>>
        tpu.wait_dma2 semaphore(%run_scoped3A : memref<!tpu.dma_semaphore, #tpu.memory_space<semaphore_mem>>) src(%dma_wait3A_120 : memref<40x128xi32, #tpu.memory_space<hbm>>) dst(%arg12 : memref<40x128xi32, #tpu.memory_space<vmem>>)
        tpu.yield
      }) : () -> ()
      "tpu.region"() ({
        %run_scoped3A = tpu.sem_alloc : memref<!tpu.dma_semaphore, #tpu.memory_space<semaphore_mem>>
        %dma_start3A_114 = arith.constant 0 : i32
        %dma_start3A_115 = tpu.memref_slice %arg6[%add3A_12, %dma_start3A_114] : memref<1280x128xi32, #tpu.memory_space<hbm>> -> memref<40x128xi32, #tpu.memory_space<hbm>>
        %dma_start3A_116 = arith.constant 0 : i32
        %dma_start3A_117 = tpu.memref_slice %arg6[%add3A_12, %dma_start3A_116] : memref<1280x128xi32, #tpu.memory_space<hbm>> -> memref<40x128xi32, #tpu.memory_space<hbm>>
        tpu.enqueue_dma source(%dma_start3A_117 : memref<40x128xi32, #tpu.memory_space<hbm>>) target(%arg13 : memref<40x128xi32, #tpu.memory_space<vmem>>) target_semaphore(%run_scoped3A : memref<!tpu.dma_semaphore, #tpu.memory_space<semaphore_mem>>)
        %dma_wait3A = arith.constant 0 : i32
        %dma_wait3A_118 = tpu.memref_slice %arg6[%add3A_12, %dma_wait3A] : memref<1280x128xi32, #tpu.memory_space<hbm>> -> memref<40x128xi32, #tpu.memory_space<hbm>>
        %dma_wait3A_119 = arith.constant 0 : i32
        %dma_wait3A_120 = tpu.memref_slice %arg6[%add3A_12, %dma_wait3A_119] : memref<1280x128xi32, #tpu.memory_space<hbm>> -> memref<40x128xi32, #tpu.memory_space<hbm>>
        tpu.wait_dma2 semaphore(%run_scoped3A : memref<!tpu.dma_semaphore, #tpu.memory_space<semaphore_mem>>) src(%dma_wait3A_120 : memref<40x128xi32, #tpu.memory_space<hbm>>) dst(%arg13 : memref<40x128xi32, #tpu.memory_space<vmem>>)
        tpu.yield
      }) : () -> ()
      %barrier3A = arith.constant 0 : index
      tpu.barrier barrier_id(%barrier3A)
      %dma_start3A = arith.constant 0 : i32
      %dma_start3A_13 = arith.constant 0 : i32
      %dma_start3A_14 = arith.constant 0 : i32
      %dma_start3A_15 = arith.constant 0 : i32
      %dma_start3A_16 = tpu.memref_slice %arg14[%dma_start3A_13, %dma_start3A_14, %dma_start3A_15] : memref<2x128x128xf32, #tpu.memory_space<vmem>> -> memref<1x128x128xf32, #tpu.memory_space<vmem>>
      %dma_start3A_17 = tpu.memref_squeeze %dma_start3A_16 : memref<1x128x128xf32, #tpu.memory_space<vmem>> -> memref<128x128xf32, #tpu.memory_space<vmem>>
      %dma_start3A_18 = arith.constant 0 : i32
      %dma_start3A_19 = tpu.memref_slice %arg12[%dma_start3A, %dma_start3A_18] : memref<40x128xi32, #tpu.memory_space<vmem>> -> memref<1x128xi32, #tpu.memory_space<vmem>>
      %dma_start3A_20 = tpu.memref_squeeze %dma_start3A_19 : memref<1x128xi32, #tpu.memory_space<vmem>> -> memref<128xi32, #tpu.memory_space<vmem>>
      %dma_start3A_21 = arith.constant 0 : i32
      %dma_start3A_22 = arith.constant 0 : i32
      %dma_start3A_23 = tpu.memref_slice %arg3[%dma_start3A_21, %dma_start3A_22] : memref<10000x128xf32, #tpu.memory_space<hbm>> -> memref<10000x128xf32, #tpu.memory_space<hbm>>
      tpu.enqueue_indirect_dma source(%dma_start3A_23 : memref<10000x128xf32, #tpu.memory_space<hbm>>) target(%dma_start3A_17 : memref<128x128xf32, #tpu.memory_space<vmem>>) offsets(%dma_start3A_20 : memref<128xi32, #tpu.memory_space<vmem>>) semaphore(%arg16 : memref<!tpu.dma_semaphore, #tpu.memory_space<semaphore_mem>>)
      %dma_start3A_24 = arith.constant 1 : i32
      %dma_start3A_25 = arith.constant 1 : i32
      %dma_start3A_26 = arith.constant 0 : i32
      %dma_start3A_27 = arith.constant 0 : i32
      %dma_start3A_28 = tpu.memref_slice %arg14[%dma_start3A_25, %dma_start3A_26, %dma_start3A_27] : memref<2x128x128xf32, #tpu.memory_space<vmem>> -> memref<1x128x128xf32, #tpu.memory_space<vmem>>
      %dma_start3A_29 = tpu.memref_squeeze %dma_start3A_28 : memref<1x128x128xf32, #tpu.memory_space<vmem>> -> memref<128x128xf32, #tpu.memory_space<vmem>>
      %dma_start3A_30 = arith.constant 0 : i32
      %dma_start3A_31 = tpu.memref_slice %arg12[%dma_start3A_24, %dma_start3A_30] : memref<40x128xi32, #tpu.memory_space<vmem>> -> memref<1x128xi32, #tpu.memory_space<vmem>>
      %dma_start3A_32 = tpu.memref_squeeze %dma_start3A_31 : memref<1x128xi32, #tpu.memory_space<vmem>> -> memref<128xi32, #tpu.memory_space<vmem>>
      %dma_start3A_33 = arith.constant 0 : i32
      %dma_start3A_34 = arith.constant 0 : i32
      %dma_start3A_35 = tpu.memref_slice %arg3[%dma_start3A_33, %dma_start3A_34] : memref<10000x128xf32, #tpu.memory_space<hbm>> -> memref<10000x128xf32, #tpu.memory_space<hbm>>
      tpu.enqueue_indirect_dma source(%dma_start3A_35 : memref<10000x128xf32, #tpu.memory_space<hbm>>) target(%dma_start3A_29 : memref<128x128xf32, #tpu.memory_space<vmem>>) offsets(%dma_start3A_32 : memref<128xi32, #tpu.memory_space<vmem>>) semaphore(%arg16 : memref<!tpu.dma_semaphore, #tpu.memory_space<semaphore_mem>>)
      %scan3A = arith.constant 0 : i32
      %scan3A_36 = arith.constant 0 : i32
      %scan3A_37 = arith.constant 20 : i32
      %scan3A_38 = arith.addi %scan3A_36, %scan3A_37 : i32
      %scan3A_39 = arith.constant 1 : i32
      scf.for %scan3A_114 = %scan3A_36 to %scan3A_38 step %scan3A_39  : i32 {
        %mul3A_115 = arith.constant 2 : i32
        %mul3A_116 = arith.muli %scan3A_114, %mul3A_115 : i32
        %add3A_117 = arith.constant 0 : i32
        %add3A_118 = arith.addi %mul3A_116, %add3A_117 : i32
        %dma_wait3A = arith.constant 0 : i32
        %dma_wait3A_119 = arith.constant 0 : i32
        %dma_wait3A_120 = arith.constant 0 : i32
        %dma_wait3A_121 = tpu.memref_slice %arg14[%dma_wait3A, %dma_wait3A_119, %dma_wait3A_120] : memref<2x128x128xf32, #tpu.memory_space<vmem>> -> memref<1x128x128xf32, #tpu.memory_space<vmem>>
        %dma_wait3A_122 = tpu.memref_squeeze %dma_wait3A_121 : memref<1x128x128xf32, #tpu.memory_space<vmem>> -> memref<128x128xf32, #tpu.memory_space<vmem>>
        %dma_wait3A_123 = arith.constant 0 : i32
        %dma_wait3A_124 = tpu.memref_slice %arg12[%add3A_118, %dma_wait3A_123] : memref<40x128xi32, #tpu.memory_space<vmem>> -> memref<1x128xi32, #tpu.memory_space<vmem>>
        %dma_wait3A_125 = tpu.memref_squeeze %dma_wait3A_124 : memref<1x128xi32, #tpu.memory_space<vmem>> -> memref<128xi32, #tpu.memory_space<vmem>>
        %dma_wait3A_126 = arith.constant 0 : i32
        %dma_wait3A_127 = arith.constant 0 : i32
        %dma_wait3A_128 = tpu.memref_slice %arg3[%dma_wait3A_126, %dma_wait3A_127] : memref<10000x128xf32, #tpu.memory_space<hbm>> -> memref<10000x128xf32, #tpu.memory_space<hbm>>
        tpu.wait_indirect_dma semaphore(%arg16 : memref<!tpu.dma_semaphore, #tpu.memory_space<semaphore_mem>>) src(%dma_wait3A_128 : memref<10000x128xf32, #tpu.memory_space<hbm>>) dst(%dma_wait3A_122 : memref<128x128xf32, #tpu.memory_space<vmem>>)
        %run_scoped3A = arith.constant 0 : i32
        "tpu.region"() ({
          %run_scoped3A_158 = tpu.sem_alloc : memref<!tpu.dma_semaphore, #tpu.memory_space<semaphore_mem>>
          %dma_start3A_159 = arith.constant 0 : i32
          %dma_start3A_160 = arith.constant 0 : i32
          %dma_start3A_161 = tpu.memref_slice %arg14[%run_scoped3A, %dma_start3A_159, %dma_start3A_160] : memref<2x128x128xf32, #tpu.memory_space<vmem>> -> memref<1x128x128xf32, #tpu.memory_space<vmem>>
          %dma_start3A_162 = tpu.memref_squeeze %dma_start3A_161 : memref<1x128x128xf32, #tpu.memory_space<vmem>> -> memref<128x128xf32, #tpu.memory_space<vmem>>
          %dma_start3A_163 = arith.constant 0 : i32
          %dma_start3A_164 = tpu.memref_slice %arg13[%add3A_118, %dma_start3A_163] : memref<40x128xi32, #tpu.memory_space<vmem>> -> memref<1x128xi32, #tpu.memory_space<vmem>>
          %dma_start3A_165 = tpu.memref_squeeze %dma_start3A_164 : memref<1x128xi32, #tpu.memory_space<vmem>> -> memref<128xi32, #tpu.memory_space<vmem>>
          %dma_start3A_166 = arith.constant 0 : i32
          %dma_start3A_167 = arith.constant 0 : i32
          %dma_start3A_168 = tpu.memref_slice %arg15[%dma_start3A_166, %dma_start3A_167] : memref<10112x128xf32, #tpu.memory_space<vmem_shared>> -> memref<10112x128xf32, #tpu.memory_space<vmem_shared>>
          tpu.enqueue_indirect_dma source(%dma_start3A_162 : memref<128x128xf32, #tpu.memory_space<vmem>>) target(%dma_start3A_168 : memref<10112x128xf32, #tpu.memory_space<vmem_shared>>) offsets(%dma_start3A_165 : memref<128xi32, #tpu.memory_space<vmem>>) semaphore(%run_scoped3A_158 : memref<!tpu.dma_semaphore, #tpu.memory_space<semaphore_mem>>) {add = true}
          %dma_wait3A_169 = arith.constant 0 : i32
          %dma_wait3A_170 = arith.constant 0 : i32
          %dma_wait3A_171 = tpu.memref_slice %arg14[%run_scoped3A, %dma_wait3A_169, %dma_wait3A_170] : memref<2x128x128xf32, #tpu.memory_space<vmem>> -> memref<1x128x128xf32, #tpu.memory_space<vmem>>
          %dma_wait3A_172 = tpu.memref_squeeze %dma_wait3A_171 : memref<1x128x128xf32, #tpu.memory_space<vmem>> -> memref<128x128xf32, #tpu.memory_space<vmem>>
          %dma_wait3A_173 = arith.constant 0 : i32
          %dma_wait3A_174 = tpu.memref_slice %arg13[%add3A_118, %dma_wait3A_173] : memref<40x128xi32, #tpu.memory_space<vmem>> -> memref<1x128xi32, #tpu.memory_space<vmem>>
          %dma_wait3A_175 = tpu.memref_squeeze %dma_wait3A_174 : memref<1x128xi32, #tpu.memory_space<vmem>> -> memref<128xi32, #tpu.memory_space<vmem>>
          %dma_wait3A_176 = arith.constant 0 : i32
          %dma_wait3A_177 = arith.constant 0 : i32
          %dma_wait3A_178 = tpu.memref_slice %arg15[%dma_wait3A_176, %dma_wait3A_177] : memref<10112x128xf32, #tpu.memory_space<vmem_shared>> -> memref<10112x128xf32, #tpu.memory_space<vmem_shared>>
          tpu.wait_indirect_dma semaphore(%run_scoped3A_158 : memref<!tpu.dma_semaphore, #tpu.memory_space<semaphore_mem>>) src(%dma_wait3A_172 : memref<128x128xf32, #tpu.memory_space<vmem>>) dst(%dma_wait3A_178 : memref<10112x128xf32, #tpu.memory_space<vmem_shared>>)
          tpu.yield
        }) : () -> ()
        %add3A_129 = arith.constant 2 : i32
        %add3A_130 = arith.addi %add3A_118, %add3A_129 : i32
        %lt3A = arith.constant 40 : i32
        %lt3A_131 = arith.cmpi slt, %add3A_130, %lt3A : i32
        %convert_element_type3A_132 = arith.extui %lt3A_131 : i1 to i32
        %cond3A_133 = arith.constant 0 : i32
        %cond3A_134 = arith.cmpi ne, %convert_element_type3A_132, %cond3A_133 : i32
        scf.if %cond3A_134 {
          %add3A_158 = arith.constant 2 : i32
          %add3A_159 = arith.addi %add3A_118, %add3A_158 : i32
          %dma_start3A_160 = arith.constant 0 : i32
          %dma_start3A_161 = arith.constant 0 : i32
          %dma_start3A_162 = arith.constant 0 : i32
          %dma_start3A_163 = tpu.memref_slice %arg14[%dma_start3A_160, %dma_start3A_161, %dma_start3A_162] : memref<2x128x128xf32, #tpu.memory_space<vmem>> -> memref<1x128x128xf32, #tpu.memory_space<vmem>>
          %dma_start3A_164 = tpu.memref_squeeze %dma_start3A_163 : memref<1x128x128xf32, #tpu.memory_space<vmem>> -> memref<128x128xf32, #tpu.memory_space<vmem>>
          %dma_start3A_165 = arith.constant 0 : i32
          %dma_start3A_166 = tpu.memref_slice %arg12[%add3A_159, %dma_start3A_165] : memref<40x128xi32, #tpu.memory_space<vmem>> -> memref<1x128xi32, #tpu.memory_space<vmem>>
          %dma_start3A_167 = tpu.memref_squeeze %dma_start3A_166 : memref<1x128xi32, #tpu.memory_space<vmem>> -> memref<128xi32, #tpu.memory_space<vmem>>
          %dma_start3A_168 = arith.constant 0 : i32
          %dma_start3A_169 = arith.constant 0 : i32
          %dma_start3A_170 = tpu.memref_slice %arg3[%dma_start3A_168, %dma_start3A_169] : memref<10000x128xf32, #tpu.memory_space<hbm>> -> memref<10000x128xf32, #tpu.memory_space<hbm>>
          tpu.enqueue_indirect_dma source(%dma_start3A_170 : memref<10000x128xf32, #tpu.memory_space<hbm>>) target(%dma_start3A_164 : memref<128x128xf32, #tpu.memory_space<vmem>>) offsets(%dma_start3A_167 : memref<128xi32, #tpu.memory_space<vmem>>) semaphore(%arg16 : memref<!tpu.dma_semaphore, #tpu.memory_space<semaphore_mem>>)
        } else {
        }
        %mul3A_135 = arith.constant 2 : i32
        %mul3A_136 = arith.muli %scan3A_114, %mul3A_135 : i32
        %add3A_137 = arith.constant 1 : i32
        %add3A_138 = arith.addi %mul3A_136, %add3A_137 : i32
        %dma_wait3A_139 = arith.constant 1 : i32
        %dma_wait3A_140 = arith.constant 0 : i32
        %dma_wait3A_141 = arith.constant 0 : i32
        %dma_wait3A_142 = tpu.memref_slice %arg14[%dma_wait3A_139, %dma_wait3A_140, %dma_wait3A_141] : memref<2x128x128xf32, #tpu.memory_space<vmem>> -> memref<1x128x128xf32, #tpu.memory_space<vmem>>
        %dma_wait3A_143 = tpu.memref_squeeze %dma_wait3A_142 : memref<1x128x128xf32, #tpu.memory_space<vmem>> -> memref<128x128xf32, #tpu.memory_space<vmem>>
        %dma_wait3A_144 = arith.constant 0 : i32
        %dma_wait3A_145 = tpu.memref_slice %arg12[%add3A_138, %dma_wait3A_144] : memref<40x128xi32, #tpu.memory_space<vmem>> -> memref<1x128xi32, #tpu.memory_space<vmem>>
        %dma_wait3A_146 = tpu.memref_squeeze %dma_wait3A_145 : memref<1x128xi32, #tpu.memory_space<vmem>> -> memref<128xi32, #tpu.memory_space<vmem>>
        %dma_wait3A_147 = arith.constant 0 : i32
        %dma_wait3A_148 = arith.constant 0 : i32
        %dma_wait3A_149 = tpu.memref_slice %arg3[%dma_wait3A_147, %dma_wait3A_148] : memref<10000x128xf32, #tpu.memory_space<hbm>> -> memref<10000x128xf32, #tpu.memory_space<hbm>>
        tpu.wait_indirect_dma semaphore(%arg16 : memref<!tpu.dma_semaphore, #tpu.memory_space<semaphore_mem>>) src(%dma_wait3A_149 : memref<10000x128xf32, #tpu.memory_space<hbm>>) dst(%dma_wait3A_143 : memref<128x128xf32, #tpu.memory_space<vmem>>)
        %run_scoped3A_150 = arith.constant 1 : i32
        "tpu.region"() ({
          %run_scoped3A_158 = tpu.sem_alloc : memref<!tpu.dma_semaphore, #tpu.memory_space<semaphore_mem>>
          %dma_start3A_159 = arith.constant 0 : i32
          %dma_start3A_160 = arith.constant 0 : i32
          %dma_start3A_161 = tpu.memref_slice %arg14[%run_scoped3A_150, %dma_start3A_159, %dma_start3A_160] : memref<2x128x128xf32, #tpu.memory_space<vmem>> -> memref<1x128x128xf32, #tpu.memory_space<vmem>>
          %dma_start3A_162 = tpu.memref_squeeze %dma_start3A_161 : memref<1x128x128xf32, #tpu.memory_space<vmem>> -> memref<128x128xf32, #tpu.memory_space<vmem>>
          %dma_start3A_163 = arith.constant 0 : i32
          %dma_start3A_164 = tpu.memref_slice %arg13[%add3A_138, %dma_start3A_163] : memref<40x128xi32, #tpu.memory_space<vmem>> -> memref<1x128xi32, #tpu.memory_space<vmem>>
          %dma_start3A_165 = tpu.memref_squeeze %dma_start3A_164 : memref<1x128xi32, #tpu.memory_space<vmem>> -> memref<128xi32, #tpu.memory_space<vmem>>
          %dma_start3A_166 = arith.constant 0 : i32
          %dma_start3A_167 = arith.constant 0 : i32
          %dma_start3A_168 = tpu.memref_slice %arg15[%dma_start3A_166, %dma_start3A_167] : memref<10112x128xf32, #tpu.memory_space<vmem_shared>> -> memref<10112x128xf32, #tpu.memory_space<vmem_shared>>
          tpu.enqueue_indirect_dma source(%dma_start3A_162 : memref<128x128xf32, #tpu.memory_space<vmem>>) target(%dma_start3A_168 : memref<10112x128xf32, #tpu.memory_space<vmem_shared>>) offsets(%dma_start3A_165 : memref<128xi32, #tpu.memory_space<vmem>>) semaphore(%run_scoped3A_158 : memref<!tpu.dma_semaphore, #tpu.memory_space<semaphore_mem>>) {add = true}
          %dma_wait3A_169 = arith.constant 0 : i32
          %dma_wait3A_170 = arith.constant 0 : i32
          %dma_wait3A_171 = tpu.memref_slice %arg14[%run_scoped3A_150, %dma_wait3A_169, %dma_wait3A_170] : memref<2x128x128xf32, #tpu.memory_space<vmem>> -> memref<1x128x128xf32, #tpu.memory_space<vmem>>
          %dma_wait3A_172 = tpu.memref_squeeze %dma_wait3A_171 : memref<1x128x128xf32, #tpu.memory_space<vmem>> -> memref<128x128xf32, #tpu.memory_space<vmem>>
          %dma_wait3A_173 = arith.constant 0 : i32
          %dma_wait3A_174 = tpu.memref_slice %arg13[%add3A_138, %dma_wait3A_173] : memref<40x128xi32, #tpu.memory_space<vmem>> -> memref<1x128xi32, #tpu.memory_space<vmem>>
          %dma_wait3A_175 = tpu.memref_squeeze %dma_wait3A_174 : memref<1x128xi32, #tpu.memory_space<vmem>> -> memref<128xi32, #tpu.memory_space<vmem>>
          %dma_wait3A_176 = arith.constant 0 : i32
          %dma_wait3A_177 = arith.constant 0 : i32
          %dma_wait3A_178 = tpu.memref_slice %arg15[%dma_wait3A_176, %dma_wait3A_177] : memref<10112x128xf32, #tpu.memory_space<vmem_shared>> -> memref<10112x128xf32, #tpu.memory_space<vmem_shared>>
          tpu.wait_indirect_dma semaphore(%run_scoped3A_158 : memref<!tpu.dma_semaphore, #tpu.memory_space<semaphore_mem>>) src(%dma_wait3A_172 : memref<128x128xf32, #tpu.memory_space<vmem>>) dst(%dma_wait3A_178 : memref<10112x128xf32, #tpu.memory_space<vmem_shared>>)
          tpu.yield
        }) : () -> ()
        %add3A_151 = arith.constant 2 : i32
        %add3A_152 = arith.addi %add3A_138, %add3A_151 : i32
        %lt3A_153 = arith.constant 40 : i32
        %lt3A_154 = arith.cmpi slt, %add3A_152, %lt3A_153 : i32
        %convert_element_type3A_155 = arith.extui %lt3A_154 : i1 to i32
        %cond3A_156 = arith.constant 0 : i32
        %cond3A_157 = arith.cmpi ne, %convert_element_type3A_155, %cond3A_156 : i32
        scf.if %cond3A_157 {
          %add3A_158 = arith.constant 2 : i32
          %add3A_159 = arith.addi %add3A_138, %add3A_158 : i32
          %dma_start3A_160 = arith.constant 1 : i32
          %dma_start3A_161 = arith.constant 0 : i32
          %dma_start3A_162 = arith.constant 0 : i32
          %dma_start3A_163 = tpu.memref_slice %arg14[%dma_start3A_160, %dma_start3A_161, %dma_start3A_162] : memref<2x128x128xf32, #tpu.memory_space<vmem>> -> memref<1x128x128xf32, #tpu.memory_space<vmem>>
          %dma_start3A_164 = tpu.memref_squeeze %dma_start3A_163 : memref<1x128x128xf32, #tpu.memory_space<vmem>> -> memref<128x128xf32, #tpu.memory_space<vmem>>
          %dma_start3A_165 = arith.constant 0 : i32
          %dma_start3A_166 = tpu.memref_slice %arg12[%add3A_159, %dma_start3A_165] : memref<40x128xi32, #tpu.memory_space<vmem>> -> memref<1x128xi32, #tpu.memory_space<vmem>>
          %dma_start3A_167 = tpu.memref_squeeze %dma_start3A_166 : memref<1x128xi32, #tpu.memory_space<vmem>> -> memref<128xi32, #tpu.memory_space<vmem>>
          %dma_start3A_168 = arith.constant 0 : i32
          %dma_start3A_169 = arith.constant 0 : i32
          %dma_start3A_170 = tpu.memref_slice %arg3[%dma_start3A_168, %dma_start3A_169] : memref<10000x128xf32, #tpu.memory_space<hbm>> -> memref<10000x128xf32, #tpu.memory_space<hbm>>
          tpu.enqueue_indirect_dma source(%dma_start3A_170 : memref<10000x128xf32, #tpu.memory_space<hbm>>) target(%dma_start3A_164 : memref<128x128xf32, #tpu.memory_space<vmem>>) offsets(%dma_start3A_167 : memref<128xi32, #tpu.memory_space<vmem>>) semaphore(%arg16 : memref<!tpu.dma_semaphore, #tpu.memory_space<semaphore_mem>>)
        } else {
        }
      }
      %scan3A_40 = arith.constant 20 : i32
      %add3A_41 = arith.constant 40 : i32
      %add3A_42 = arith.addi %mul3A_11, %add3A_41 : i32
      "tpu.region"() ({
        %run_scoped3A = tpu.sem_alloc : memref<!tpu.dma_semaphore, #tpu.memory_space<semaphore_mem>>
        %dma_start3A_114 = arith.constant 0 : i32
        %dma_start3A_115 = tpu.memref_slice %arg5[%add3A_42, %dma_start3A_114] : memref<1280x128xi32, #tpu.memory_space<hbm>> -> memref<40x128xi32, #tpu.memory_space<hbm>>
        %dma_start3A_116 = arith.constant 0 : i32
        %dma_start3A_117 = tpu.memref_slice %arg5[%add3A_42, %dma_start3A_116] : memref<1280x128xi32, #tpu.memory_space<hbm>> -> memref<40x128xi32, #tpu.memory_space<hbm>>
        tpu.enqueue_dma source(%dma_start3A_117 : memref<40x128xi32, #tpu.memory_space<hbm>>) target(%arg12 : memref<40x128xi32, #tpu.memory_space<vmem>>) target_semaphore(%run_scoped3A : memref<!tpu.dma_semaphore, #tpu.memory_space<semaphore_mem>>)
        %dma_wait3A = arith.constant 0 : i32
        %dma_wait3A_118 = tpu.memref_slice %arg5[%add3A_42, %dma_wait3A] : memref<1280x128xi32, #tpu.memory_space<hbm>> -> memref<40x128xi32, #tpu.memory_space<hbm>>
        %dma_wait3A_119 = arith.constant 0 : i32
        %dma_wait3A_120 = tpu.memref_slice %arg5[%add3A_42, %dma_wait3A_119] : memref<1280x128xi32, #tpu.memory_space<hbm>> -> memref<40x128xi32, #tpu.memory_space<hbm>>
        tpu.wait_dma2 semaphore(%run_scoped3A : memref<!tpu.dma_semaphore, #tpu.memory_space<semaphore_mem>>) src(%dma_wait3A_120 : memref<40x128xi32, #tpu.memory_space<hbm>>) dst(%arg12 : memref<40x128xi32, #tpu.memory_space<vmem>>)
        tpu.yield
      }) : () -> ()
      "tpu.region"() ({
        %run_scoped3A = tpu.sem_alloc : memref<!tpu.dma_semaphore, #tpu.memory_space<semaphore_mem>>
        %dma_start3A_114 = arith.constant 0 : i32
        %dma_start3A_115 = tpu.memref_slice %arg6[%add3A_42, %dma_start3A_114] : memref<1280x128xi32, #tpu.memory_space<hbm>> -> memref<40x128xi32, #tpu.memory_space<hbm>>
        %dma_start3A_116 = arith.constant 0 : i32
        %dma_start3A_117 = tpu.memref_slice %arg6[%add3A_42, %dma_start3A_116] : memref<1280x128xi32, #tpu.memory_space<hbm>> -> memref<40x128xi32, #tpu.memory_space<hbm>>
        tpu.enqueue_dma source(%dma_start3A_117 : memref<40x128xi32, #tpu.memory_space<hbm>>) target(%arg13 : memref<40x128xi32, #tpu.memory_space<vmem>>) target_semaphore(%run_scoped3A : memref<!tpu.dma_semaphore, #tpu.memory_space<semaphore_mem>>)
        %dma_wait3A = arith.constant 0 : i32
        %dma_wait3A_118 = tpu.memref_slice %arg6[%add3A_42, %dma_wait3A] : memref<1280x128xi32, #tpu.memory_space<hbm>> -> memref<40x128xi32, #tpu.memory_space<hbm>>
        %dma_wait3A_119 = arith.constant 0 : i32
        %dma_wait3A_120 = tpu.memref_slice %arg6[%add3A_42, %dma_wait3A_119] : memref<1280x128xi32, #tpu.memory_space<hbm>> -> memref<40x128xi32, #tpu.memory_space<hbm>>
        tpu.wait_dma2 semaphore(%run_scoped3A : memref<!tpu.dma_semaphore, #tpu.memory_space<semaphore_mem>>) src(%dma_wait3A_120 : memref<40x128xi32, #tpu.memory_space<hbm>>) dst(%arg13 : memref<40x128xi32, #tpu.memory_space<vmem>>)
        tpu.yield
      }) : () -> ()
      %dma_start3A_43 = arith.constant 0 : i32
      %dma_start3A_44 = arith.constant 0 : i32
      %dma_start3A_45 = arith.constant 0 : i32
      %dma_start3A_46 = arith.constant 0 : i32
      %dma_start3A_47 = tpu.memref_slice %arg14[%dma_start3A_44, %dma_start3A_45, %dma_start3A_46] : memref<2x128x128xf32, #tpu.memory_space<vmem>> -> memref<1x128x128xf32, #tpu.memory_space<vmem>>
      %dma_start3A_48 = tpu.memref_squeeze %dma_start3A_47 : memref<1x128x128xf32, #tpu.memory_space<vmem>> -> memref<128x128xf32, #tpu.memory_space<vmem>>
      %dma_start3A_49 = arith.constant 0 : i32
      %dma_start3A_50 = tpu.memref_slice %arg12[%dma_start3A_43, %dma_start3A_49] : memref<40x128xi32, #tpu.memory_space<vmem>> -> memref<1x128xi32, #tpu.memory_space<vmem>>
      %dma_start3A_51 = tpu.memref_squeeze %dma_start3A_50 : memref<1x128xi32, #tpu.memory_space<vmem>> -> memref<128xi32, #tpu.memory_space<vmem>>
      %dma_start3A_52 = arith.constant 0 : i32
      %dma_start3A_53 = arith.constant 0 : i32
      %dma_start3A_54 = tpu.memref_slice %arg3[%dma_start3A_52, %dma_start3A_53] : memref<10000x128xf32, #tpu.memory_space<hbm>> -> memref<10000x128xf32, #tpu.memory_space<hbm>>
      tpu.enqueue_indirect_dma source(%dma_start3A_54 : memref<10000x128xf32, #tpu.memory_space<hbm>>) target(%dma_start3A_48 : memref<128x128xf32, #tpu.memory_space<vmem>>) offsets(%dma_start3A_51 : memref<128xi32, #tpu.memory_space<vmem>>) semaphore(%arg16 : memref<!tpu.dma_semaphore, #tpu.memory_space<semaphore_mem>>)
      %dma_start3A_55 = arith.constant 1 : i32
      %dma_start3A_56 = arith.constant 1 : i32
      %dma_start3A_57 = arith.constant 0 : i32
      %dma_start3A_58 = arith.constant 0 : i32
      %dma_start3A_59 = tpu.memref_slice %arg14[%dma_start3A_56, %dma_start3A_57, %dma_start3A_58] : memref<2x128x128xf32, #tpu.memory_space<vmem>> -> memref<1x128x128xf32, #tpu.memory_space<vmem>>
      %dma_start3A_60 = tpu.memref_squeeze %dma_start3A_59 : memref<1x128x128xf32, #tpu.memory_space<vmem>> -> memref<128x128xf32, #tpu.memory_space<vmem>>
      %dma_start3A_61 = arith.constant 0 : i32
      %dma_start3A_62 = tpu.memref_slice %arg12[%dma_start3A_55, %dma_start3A_61] : memref<40x128xi32, #tpu.memory_space<vmem>> -> memref<1x128xi32, #tpu.memory_space<vmem>>
      %dma_start3A_63 = tpu.memref_squeeze %dma_start3A_62 : memref<1x128xi32, #tpu.memory_space<vmem>> -> memref<128xi32, #tpu.memory_space<vmem>>
      %dma_start3A_64 = arith.constant 0 : i32
      %dma_start3A_65 = arith.constant 0 : i32
      %dma_start3A_66 = tpu.memref_slice %arg3[%dma_start3A_64, %dma_start3A_65] : memref<10000x128xf32, #tpu.memory_space<hbm>> -> memref<10000x128xf32, #tpu.memory_space<hbm>>
      tpu.enqueue_indirect_dma source(%dma_start3A_66 : memref<10000x128xf32, #tpu.memory_space<hbm>>) target(%dma_start3A_60 : memref<128x128xf32, #tpu.memory_space<vmem>>) offsets(%dma_start3A_63 : memref<128xi32, #tpu.memory_space<vmem>>) semaphore(%arg16 : memref<!tpu.dma_semaphore, #tpu.memory_space<semaphore_mem>>)
      %scan3A_67 = arith.constant 0 : i32
      %scan3A_68 = arith.constant 0 : i32
      %scan3A_69 = arith.constant 20 : i32
      %scan3A_70 = arith.addi %scan3A_68, %scan3A_69 : i32
      %scan3A_71 = arith.constant 1 : i32
      scf.for %scan3A_114 = %scan3A_68 to %scan3A_70 step %scan3A_71  : i32 {
        %mul3A_115 = arith.constant 2 : i32
        %mul3A_116 = arith.muli %scan3A_114, %mul3A_115 : i32
        %add3A_117 = arith.constant 0 : i32
        %add3A_118 = arith.addi %mul3A_116, %add3A_117 : i32
        %dma_wait3A = arith.constant 0 : i32
        %dma_wait3A_119 = arith.constant 0 : i32
        %dma_wait3A_120 = arith.constant 0 : i32
        %dma_wait3A_121 = tpu.memref_slice %arg14[%dma_wait3A, %dma_wait3A_119, %dma_wait3A_120] : memref<2x128x128xf32, #tpu.memory_space<vmem>> -> memref<1x128x128xf32, #tpu.memory_space<vmem>>
        %dma_wait3A_122 = tpu.memref_squeeze %dma_wait3A_121 : memref<1x128x128xf32, #tpu.memory_space<vmem>> -> memref<128x128xf32, #tpu.memory_space<vmem>>
        %dma_wait3A_123 = arith.constant 0 : i32
        %dma_wait3A_124 = tpu.memref_slice %arg12[%add3A_118, %dma_wait3A_123] : memref<40x128xi32, #tpu.memory_space<vmem>> -> memref<1x128xi32, #tpu.memory_space<vmem>>
        %dma_wait3A_125 = tpu.memref_squeeze %dma_wait3A_124 : memref<1x128xi32, #tpu.memory_space<vmem>> -> memref<128xi32, #tpu.memory_space<vmem>>
        %dma_wait3A_126 = arith.constant 0 : i32
        %dma_wait3A_127 = arith.constant 0 : i32
        %dma_wait3A_128 = tpu.memref_slice %arg3[%dma_wait3A_126, %dma_wait3A_127] : memref<10000x128xf32, #tpu.memory_space<hbm>> -> memref<10000x128xf32, #tpu.memory_space<hbm>>
        tpu.wait_indirect_dma semaphore(%arg16 : memref<!tpu.dma_semaphore, #tpu.memory_space<semaphore_mem>>) src(%dma_wait3A_128 : memref<10000x128xf32, #tpu.memory_space<hbm>>) dst(%dma_wait3A_122 : memref<128x128xf32, #tpu.memory_space<vmem>>)
        %run_scoped3A = arith.constant 0 : i32
        "tpu.region"() ({
          %run_scoped3A_158 = tpu.sem_alloc : memref<!tpu.dma_semaphore, #tpu.memory_space<semaphore_mem>>
          %dma_start3A_159 = arith.constant 0 : i32
          %dma_start3A_160 = arith.constant 0 : i32
          %dma_start3A_161 = tpu.memref_slice %arg14[%run_scoped3A, %dma_start3A_159, %dma_start3A_160] : memref<2x128x128xf32, #tpu.memory_space<vmem>> -> memref<1x128x128xf32, #tpu.memory_space<vmem>>
          %dma_start3A_162 = tpu.memref_squeeze %dma_start3A_161 : memref<1x128x128xf32, #tpu.memory_space<vmem>> -> memref<128x128xf32, #tpu.memory_space<vmem>>
          %dma_start3A_163 = arith.constant 0 : i32
          %dma_start3A_164 = tpu.memref_slice %arg13[%add3A_118, %dma_start3A_163] : memref<40x128xi32, #tpu.memory_space<vmem>> -> memref<1x128xi32, #tpu.memory_space<vmem>>
          %dma_start3A_165 = tpu.memref_squeeze %dma_start3A_164 : memref<1x128xi32, #tpu.memory_space<vmem>> -> memref<128xi32, #tpu.memory_space<vmem>>
          %dma_start3A_166 = arith.constant 0 : i32
          %dma_start3A_167 = arith.constant 0 : i32
          %dma_start3A_168 = tpu.memref_slice %arg15[%dma_start3A_166, %dma_start3A_167] : memref<10112x128xf32, #tpu.memory_space<vmem_shared>> -> memref<10112x128xf32, #tpu.memory_space<vmem_shared>>
          tpu.enqueue_indirect_dma source(%dma_start3A_162 : memref<128x128xf32, #tpu.memory_space<vmem>>) target(%dma_start3A_168 : memref<10112x128xf32, #tpu.memory_space<vmem_shared>>) offsets(%dma_start3A_165 : memref<128xi32, #tpu.memory_space<vmem>>) semaphore(%run_scoped3A_158 : memref<!tpu.dma_semaphore, #tpu.memory_space<semaphore_mem>>) {add = true}
          %dma_wait3A_169 = arith.constant 0 : i32
          %dma_wait3A_170 = arith.constant 0 : i32
          %dma_wait3A_171 = tpu.memref_slice %arg14[%run_scoped3A, %dma_wait3A_169, %dma_wait3A_170] : memref<2x128x128xf32, #tpu.memory_space<vmem>> -> memref<1x128x128xf32, #tpu.memory_space<vmem>>
          %dma_wait3A_172 = tpu.memref_squeeze %dma_wait3A_171 : memref<1x128x128xf32, #tpu.memory_space<vmem>> -> memref<128x128xf32, #tpu.memory_space<vmem>>
          %dma_wait3A_173 = arith.constant 0 : i32
          %dma_wait3A_174 = tpu.memref_slice %arg13[%add3A_118, %dma_wait3A_173] : memref<40x128xi32, #tpu.memory_space<vmem>> -> memref<1x128xi32, #tpu.memory_space<vmem>>
          %dma_wait3A_175 = tpu.memref_squeeze %dma_wait3A_174 : memref<1x128xi32, #tpu.memory_space<vmem>> -> memref<128xi32, #tpu.memory_space<vmem>>
          %dma_wait3A_176 = arith.constant 0 : i32
          %dma_wait3A_177 = arith.constant 0 : i32
          %dma_wait3A_178 = tpu.memref_slice %arg15[%dma_wait3A_176, %dma_wait3A_177] : memref<10112x128xf32, #tpu.memory_space<vmem_shared>> -> memref<10112x128xf32, #tpu.memory_space<vmem_shared>>
          tpu.wait_indirect_dma semaphore(%run_scoped3A_158 : memref<!tpu.dma_semaphore, #tpu.memory_space<semaphore_mem>>) src(%dma_wait3A_172 : memref<128x128xf32, #tpu.memory_space<vmem>>) dst(%dma_wait3A_178 : memref<10112x128xf32, #tpu.memory_space<vmem_shared>>)
          tpu.yield
        }) : () -> ()
        %add3A_129 = arith.constant 2 : i32
        %add3A_130 = arith.addi %add3A_118, %add3A_129 : i32
        %lt3A = arith.constant 40 : i32
        %lt3A_131 = arith.cmpi slt, %add3A_130, %lt3A : i32
        %convert_element_type3A_132 = arith.extui %lt3A_131 : i1 to i32
        %cond3A_133 = arith.constant 0 : i32
        %cond3A_134 = arith.cmpi ne, %convert_element_type3A_132, %cond3A_133 : i32
        scf.if %cond3A_134 {
          %add3A_158 = arith.constant 2 : i32
          %add3A_159 = arith.addi %add3A_118, %add3A_158 : i32
          %dma_start3A_160 = arith.constant 0 : i32
          %dma_start3A_161 = arith.constant 0 : i32
          %dma_start3A_162 = arith.constant 0 : i32
          %dma_start3A_163 = tpu.memref_slice %arg14[%dma_start3A_160, %dma_start3A_161, %dma_start3A_162] : memref<2x128x128xf32, #tpu.memory_space<vmem>> -> memref<1x128x128xf32, #tpu.memory_space<vmem>>
          %dma_start3A_164 = tpu.memref_squeeze %dma_start3A_163 : memref<1x128x128xf32, #tpu.memory_space<vmem>> -> memref<128x128xf32, #tpu.memory_space<vmem>>
          %dma_start3A_165 = arith.constant 0 : i32
          %dma_start3A_166 = tpu.memref_slice %arg12[%add3A_159, %dma_start3A_165] : memref<40x128xi32, #tpu.memory_space<vmem>> -> memref<1x128xi32, #tpu.memory_space<vmem>>
          %dma_start3A_167 = tpu.memref_squeeze %dma_start3A_166 : memref<1x128xi32, #tpu.memory_space<vmem>> -> memref<128xi32, #tpu.memory_space<vmem>>
          %dma_start3A_168 = arith.constant 0 : i32
          %dma_start3A_169 = arith.constant 0 : i32
          %dma_start3A_170 = tpu.memref_slice %arg3[%dma_start3A_168, %dma_start3A_169] : memref<10000x128xf32, #tpu.memory_space<hbm>> -> memref<10000x128xf32, #tpu.memory_space<hbm>>
          tpu.enqueue_indirect_dma source(%dma_start3A_170 : memref<10000x128xf32, #tpu.memory_space<hbm>>) target(%dma_start3A_164 : memref<128x128xf32, #tpu.memory_space<vmem>>) offsets(%dma_start3A_167 : memref<128xi32, #tpu.memory_space<vmem>>) semaphore(%arg16 : memref<!tpu.dma_semaphore, #tpu.memory_space<semaphore_mem>>)
        } else {
        }
        %mul3A_135 = arith.constant 2 : i32
        %mul3A_136 = arith.muli %scan3A_114, %mul3A_135 : i32
        %add3A_137 = arith.constant 1 : i32
        %add3A_138 = arith.addi %mul3A_136, %add3A_137 : i32
        %dma_wait3A_139 = arith.constant 1 : i32
        %dma_wait3A_140 = arith.constant 0 : i32
        %dma_wait3A_141 = arith.constant 0 : i32
        %dma_wait3A_142 = tpu.memref_slice %arg14[%dma_wait3A_139, %dma_wait3A_140, %dma_wait3A_141] : memref<2x128x128xf32, #tpu.memory_space<vmem>> -> memref<1x128x128xf32, #tpu.memory_space<vmem>>
        %dma_wait3A_143 = tpu.memref_squeeze %dma_wait3A_142 : memref<1x128x128xf32, #tpu.memory_space<vmem>> -> memref<128x128xf32, #tpu.memory_space<vmem>>
        %dma_wait3A_144 = arith.constant 0 : i32
        %dma_wait3A_145 = tpu.memref_slice %arg12[%add3A_138, %dma_wait3A_144] : memref<40x128xi32, #tpu.memory_space<vmem>> -> memref<1x128xi32, #tpu.memory_space<vmem>>
        %dma_wait3A_146 = tpu.memref_squeeze %dma_wait3A_145 : memref<1x128xi32, #tpu.memory_space<vmem>> -> memref<128xi32, #tpu.memory_space<vmem>>
        %dma_wait3A_147 = arith.constant 0 : i32
        %dma_wait3A_148 = arith.constant 0 : i32
        %dma_wait3A_149 = tpu.memref_slice %arg3[%dma_wait3A_147, %dma_wait3A_148] : memref<10000x128xf32, #tpu.memory_space<hbm>> -> memref<10000x128xf32, #tpu.memory_space<hbm>>
        tpu.wait_indirect_dma semaphore(%arg16 : memref<!tpu.dma_semaphore, #tpu.memory_space<semaphore_mem>>) src(%dma_wait3A_149 : memref<10000x128xf32, #tpu.memory_space<hbm>>) dst(%dma_wait3A_143 : memref<128x128xf32, #tpu.memory_space<vmem>>)
        %run_scoped3A_150 = arith.constant 1 : i32
        "tpu.region"() ({
          %run_scoped3A_158 = tpu.sem_alloc : memref<!tpu.dma_semaphore, #tpu.memory_space<semaphore_mem>>
          %dma_start3A_159 = arith.constant 0 : i32
          %dma_start3A_160 = arith.constant 0 : i32
          %dma_start3A_161 = tpu.memref_slice %arg14[%run_scoped3A_150, %dma_start3A_159, %dma_start3A_160] : memref<2x128x128xf32, #tpu.memory_space<vmem>> -> memref<1x128x128xf32, #tpu.memory_space<vmem>>
          %dma_start3A_162 = tpu.memref_squeeze %dma_start3A_161 : memref<1x128x128xf32, #tpu.memory_space<vmem>> -> memref<128x128xf32, #tpu.memory_space<vmem>>
          %dma_start3A_163 = arith.constant 0 : i32
          %dma_start3A_164 = tpu.memref_slice %arg13[%add3A_138, %dma_start3A_163] : memref<40x128xi32, #tpu.memory_space<vmem>> -> memref<1x128xi32, #tpu.memory_space<vmem>>
          %dma_start3A_165 = tpu.memref_squeeze %dma_start3A_164 : memref<1x128xi32, #tpu.memory_space<vmem>> -> memref<128xi32, #tpu.memory_space<vmem>>
          %dma_start3A_166 = arith.constant 0 : i32
          %dma_start3A_167 = arith.constant 0 : i32
          %dma_start3A_168 = tpu.memref_slice %arg15[%dma_start3A_166, %dma_start3A_167] : memref<10112x128xf32, #tpu.memory_space<vmem_shared>> -> memref<10112x128xf32, #tpu.memory_space<vmem_shared>>
          tpu.enqueue_indirect_dma source(%dma_start3A_162 : memref<128x128xf32, #tpu.memory_space<vmem>>) target(%dma_start3A_168 : memref<10112x128xf32, #tpu.memory_space<vmem_shared>>) offsets(%dma_start3A_165 : memref<128xi32, #tpu.memory_space<vmem>>) semaphore(%run_scoped3A_158 : memref<!tpu.dma_semaphore, #tpu.memory_space<semaphore_mem>>) {add = true}
          %dma_wait3A_169 = arith.constant 0 : i32
          %dma_wait3A_170 = arith.constant 0 : i32
          %dma_wait3A_171 = tpu.memref_slice %arg14[%run_scoped3A_150, %dma_wait3A_169, %dma_wait3A_170] : memref<2x128x128xf32, #tpu.memory_space<vmem>> -> memref<1x128x128xf32, #tpu.memory_space<vmem>>
          %dma_wait3A_172 = tpu.memref_squeeze %dma_wait3A_171 : memref<1x128x128xf32, #tpu.memory_space<vmem>> -> memref<128x128xf32, #tpu.memory_space<vmem>>
          %dma_wait3A_173 = arith.constant 0 : i32
          %dma_wait3A_174 = tpu.memref_slice %arg13[%add3A_138, %dma_wait3A_173] : memref<40x128xi32, #tpu.memory_space<vmem>> -> memref<1x128xi32, #tpu.memory_space<vmem>>
          %dma_wait3A_175 = tpu.memref_squeeze %dma_wait3A_174 : memref<1x128xi32, #tpu.memory_space<vmem>> -> memref<128xi32, #tpu.memory_space<vmem>>
          %dma_wait3A_176 = arith.constant 0 : i32
          %dma_wait3A_177 = arith.constant 0 : i32
          %dma_wait3A_178 = tpu.memref_slice %arg15[%dma_wait3A_176, %dma_wait3A_177] : memref<10112x128xf32, #tpu.memory_space<vmem_shared>> -> memref<10112x128xf32, #tpu.memory_space<vmem_shared>>
          tpu.wait_indirect_dma semaphore(%run_scoped3A_158 : memref<!tpu.dma_semaphore, #tpu.memory_space<semaphore_mem>>) src(%dma_wait3A_172 : memref<128x128xf32, #tpu.memory_space<vmem>>) dst(%dma_wait3A_178 : memref<10112x128xf32, #tpu.memory_space<vmem_shared>>)
          tpu.yield
        }) : () -> ()
        %add3A_151 = arith.constant 2 : i32
        %add3A_152 = arith.addi %add3A_138, %add3A_151 : i32
        %lt3A_153 = arith.constant 40 : i32
        %lt3A_154 = arith.cmpi slt, %add3A_152, %lt3A_153 : i32
        %convert_element_type3A_155 = arith.extui %lt3A_154 : i1 to i32
        %cond3A_156 = arith.constant 0 : i32
        %cond3A_157 = arith.cmpi ne, %convert_element_type3A_155, %cond3A_156 : i32
        scf.if %cond3A_157 {
          %add3A_158 = arith.constant 2 : i32
          %add3A_159 = arith.addi %add3A_138, %add3A_158 : i32
          %dma_start3A_160 = arith.constant 1 : i32
          %dma_start3A_161 = arith.constant 0 : i32
          %dma_start3A_162 = arith.constant 0 : i32
          %dma_start3A_163 = tpu.memref_slice %arg14[%dma_start3A_160, %dma_start3A_161, %dma_start3A_162] : memref<2x128x128xf32, #tpu.memory_space<vmem>> -> memref<1x128x128xf32, #tpu.memory_space<vmem>>
          %dma_start3A_164 = tpu.memref_squeeze %dma_start3A_163 : memref<1x128x128xf32, #tpu.memory_space<vmem>> -> memref<128x128xf32, #tpu.memory_space<vmem>>
          %dma_start3A_165 = arith.constant 0 : i32
          %dma_start3A_166 = tpu.memref_slice %arg12[%add3A_159, %dma_start3A_165] : memref<40x128xi32, #tpu.memory_space<vmem>> -> memref<1x128xi32, #tpu.memory_space<vmem>>
          %dma_start3A_167 = tpu.memref_squeeze %dma_start3A_166 : memref<1x128xi32, #tpu.memory_space<vmem>> -> memref<128xi32, #tpu.memory_space<vmem>>
          %dma_start3A_168 = arith.constant 0 : i32
          %dma_start3A_169 = arith.constant 0 : i32
          %dma_start3A_170 = tpu.memref_slice %arg3[%dma_start3A_168, %dma_start3A_169] : memref<10000x128xf32, #tpu.memory_space<hbm>> -> memref<10000x128xf32, #tpu.memory_space<hbm>>
          tpu.enqueue_indirect_dma source(%dma_start3A_170 : memref<10000x128xf32, #tpu.memory_space<hbm>>) target(%dma_start3A_164 : memref<128x128xf32, #tpu.memory_space<vmem>>) offsets(%dma_start3A_167 : memref<128xi32, #tpu.memory_space<vmem>>) semaphore(%arg16 : memref<!tpu.dma_semaphore, #tpu.memory_space<semaphore_mem>>)
        } else {
        }
      }
      %scan3A_72 = arith.constant 20 : i32
      %barrier3A_73 = arith.constant 0 : index
      tpu.barrier barrier_id(%barrier3A_73)
      "tpu.region"() ({
        %run_scoped3A = tpu.sem_alloc : memref<!tpu.dma_semaphore, #tpu.memory_space<semaphore_mem>>
        %dma_start3A_114 = arith.constant 0 : i32
        %dma_start3A_115 = tpu.memref_slice %arg9[%mul3A_2, %dma_start3A_114] : memref<10112x128xf32, #tpu.memory_space<hbm>> -> memref<632x128xf32, #tpu.memory_space<hbm>>
        %dma_start3A_116 = arith.constant 0 : i32
        %dma_start3A_117 = tpu.memref_slice %arg15[%mul3A_2, %dma_start3A_116] : memref<10112x128xf32, #tpu.memory_space<vmem_shared>> -> memref<632x128xf32, #tpu.memory_space<vmem_shared>>
        tpu.enqueue_dma source(%dma_start3A_117 : memref<632x128xf32, #tpu.memory_space<vmem_shared>>) target(%dma_start3A_115 : memref<632x128xf32, #tpu.memory_space<hbm>>) target_semaphore(%run_scoped3A : memref<!tpu.dma_semaphore, #tpu.memory_space<semaphore_mem>>)
        %dma_wait3A = arith.constant 0 : i32
        %dma_wait3A_118 = tpu.memref_slice %arg9[%mul3A_2, %dma_wait3A] : memref<10112x128xf32, #tpu.memory_space<hbm>> -> memref<632x128xf32, #tpu.memory_space<hbm>>
        %dma_wait3A_119 = arith.constant 0 : i32
        %dma_wait3A_120 = tpu.memref_slice %arg15[%mul3A_2, %dma_wait3A_119] : memref<10112x128xf32, #tpu.memory_space<vmem_shared>> -> memref<632x128xf32, #tpu.memory_space<vmem_shared>>
        tpu.wait_dma2 semaphore(%run_scoped3A : memref<!tpu.dma_semaphore, #tpu.memory_space<semaphore_mem>>) src(%dma_wait3A_120 : memref<632x128xf32, #tpu.memory_space<vmem_shared>>) dst(%dma_wait3A_118 : memref<632x128xf32, #tpu.memory_space<hbm>>)
        tpu.yield
      }) : () -> ()
      %barrier3A_74 = arith.constant 0 : index
      tpu.barrier barrier_id(%barrier3A_74)
      %mul3A_75 = arith.constant 40 : i32
      %mul3A_76 = arith.muli %arg1, %mul3A_75 : i32
      %add3A_77 = arith.constant 640 : i32
      %add3A_78 = arith.addi %add3A_77, %mul3A_76 : i32
      "tpu.region"() ({
        %run_scoped3A = tpu.sem_alloc : memref<!tpu.dma_semaphore, #tpu.memory_space<semaphore_mem>>
        %dma_start3A_114 = arith.constant 0 : i32
        %dma_start3A_115 = tpu.memref_slice %arg15[%mul3A_0, %dma_start3A_114] : memref<10112x128xf32, #tpu.memory_space<vmem_shared>> -> memref<632x128xf32, #tpu.memory_space<vmem_shared>>
        %dma_start3A_116 = arith.constant 0 : i32
        %dma_start3A_117 = tpu.memref_slice %arg7[%mul3A_0, %dma_start3A_116] : memref<10112x128xf32, #tpu.memory_space<hbm>> -> memref<632x128xf32, #tpu.memory_space<hbm>>
        tpu.enqueue_dma source(%dma_start3A_117 : memref<632x128xf32, #tpu.memory_space<hbm>>) target(%dma_start3A_115 : memref<632x128xf32, #tpu.memory_space<vmem_shared>>) target_semaphore(%run_scoped3A : memref<!tpu.dma_semaphore, #tpu.memory_space<semaphore_mem>>)
        %dma_wait3A = arith.constant 0 : i32
        %dma_wait3A_118 = tpu.memref_slice %arg15[%mul3A_0, %dma_wait3A] : memref<10112x128xf32, #tpu.memory_space<vmem_shared>> -> memref<632x128xf32, #tpu.memory_space<vmem_shared>>
        %dma_wait3A_119 = arith.constant 0 : i32
        %dma_wait3A_120 = tpu.memref_slice %arg7[%mul3A_0, %dma_wait3A_119] : memref<10112x128xf32, #tpu.memory_space<hbm>> -> memref<632x128xf32, #tpu.memory_space<hbm>>
        tpu.wait_dma2 semaphore(%run_scoped3A : memref<!tpu.dma_semaphore, #tpu.memory_space<semaphore_mem>>) src(%dma_wait3A_120 : memref<632x128xf32, #tpu.memory_space<hbm>>) dst(%dma_wait3A_118 : memref<632x128xf32, #tpu.memory_space<vmem_shared>>)
        tpu.yield
      }) : () -> ()
      %add3A_79 = arith.constant 0 : i32
      %add3A_80 = arith.addi %add3A_78, %add3A_79 : i32
      "tpu.region"() ({
        %run_scoped3A = tpu.sem_alloc : memref<!tpu.dma_semaphore, #tpu.memory_space<semaphore_mem>>
        %dma_start3A_114 = arith.constant 0 : i32
        %dma_start3A_115 = tpu.memref_slice %arg5[%add3A_80, %dma_start3A_114] : memref<1280x128xi32, #tpu.memory_space<hbm>> -> memref<40x128xi32, #tpu.memory_space<hbm>>
        %dma_start3A_116 = arith.constant 0 : i32
        %dma_start3A_117 = tpu.memref_slice %arg5[%add3A_80, %dma_start3A_116] : memref<1280x128xi32, #tpu.memory_space<hbm>> -> memref<40x128xi32, #tpu.memory_space<hbm>>
        tpu.enqueue_dma source(%dma_start3A_117 : memref<40x128xi32, #tpu.memory_space<hbm>>) target(%arg12 : memref<40x128xi32, #tpu.memory_space<vmem>>) target_semaphore(%run_scoped3A : memref<!tpu.dma_semaphore, #tpu.memory_space<semaphore_mem>>)
        %dma_wait3A = arith.constant 0 : i32
        %dma_wait3A_118 = tpu.memref_slice %arg5[%add3A_80, %dma_wait3A] : memref<1280x128xi32, #tpu.memory_space<hbm>> -> memref<40x128xi32, #tpu.memory_space<hbm>>
        %dma_wait3A_119 = arith.constant 0 : i32
        %dma_wait3A_120 = tpu.memref_slice %arg5[%add3A_80, %dma_wait3A_119] : memref<1280x128xi32, #tpu.memory_space<hbm>> -> memref<40x128xi32, #tpu.memory_space<hbm>>
        tpu.wait_dma2 semaphore(%run_scoped3A : memref<!tpu.dma_semaphore, #tpu.memory_space<semaphore_mem>>) src(%dma_wait3A_120 : memref<40x128xi32, #tpu.memory_space<hbm>>) dst(%arg12 : memref<40x128xi32, #tpu.memory_space<vmem>>)
        tpu.yield
      }) : () -> ()
      "tpu.region"() ({
        %run_scoped3A = tpu.sem_alloc : memref<!tpu.dma_semaphore, #tpu.memory_space<semaphore_mem>>
        %dma_start3A_114 = arith.constant 0 : i32
        %dma_start3A_115 = tpu.memref_slice %arg6[%add3A_80, %dma_start3A_114] : memref<1280x128xi32, #tpu.memory_space<hbm>> -> memref<40x128xi32, #tpu.memory_space<hbm>>
        %dma_start3A_116 = arith.constant 0 : i32
        %dma_start3A_117 = tpu.memref_slice %arg6[%add3A_80, %dma_start3A_116] : memref<1280x128xi32, #tpu.memory_space<hbm>> -> memref<40x128xi32, #tpu.memory_space<hbm>>
        tpu.enqueue_dma source(%dma_start3A_117 : memref<40x128xi32, #tpu.memory_space<hbm>>) target(%arg13 : memref<40x128xi32, #tpu.memory_space<vmem>>) target_semaphore(%run_scoped3A : memref<!tpu.dma_semaphore, #tpu.memory_space<semaphore_mem>>)
        %dma_wait3A = arith.constant 0 : i32
        %dma_wait3A_118 = tpu.memref_slice %arg6[%add3A_80, %dma_wait3A] : memref<1280x128xi32, #tpu.memory_space<hbm>> -> memref<40x128xi32, #tpu.memory_space<hbm>>
        %dma_wait3A_119 = arith.constant 0 : i32
        %dma_wait3A_120 = tpu.memref_slice %arg6[%add3A_80, %dma_wait3A_119] : memref<1280x128xi32, #tpu.memory_space<hbm>> -> memref<40x128xi32, #tpu.memory_space<hbm>>
        tpu.wait_dma2 semaphore(%run_scoped3A : memref<!tpu.dma_semaphore, #tpu.memory_space<semaphore_mem>>) src(%dma_wait3A_120 : memref<40x128xi32, #tpu.memory_space<hbm>>) dst(%arg13 : memref<40x128xi32, #tpu.memory_space<vmem>>)
        tpu.yield
      }) : () -> ()
      %barrier3A_81 = arith.constant 0 : index
      tpu.barrier barrier_id(%barrier3A_81)
      %dma_start3A_82 = arith.constant 0 : i32
      %dma_start3A_83 = arith.constant 0 : i32
      %dma_start3A_84 = arith.constant 0 : i32
      %dma_start3A_85 = arith.constant 0 : i32
      %dma_start3A_86 = tpu.memref_slice %arg14[%dma_start3A_83, %dma_start3A_84, %dma_start3A_85] : memref<2x128x128xf32, #tpu.memory_space<vmem>> -> memref<1x128x128xf32, #tpu.memory_space<vmem>>
      %dma_start3A_87 = tpu.memref_squeeze %dma_start3A_86 : memref<1x128x128xf32, #tpu.memory_space<vmem>> -> memref<128x128xf32, #tpu.memory_space<vmem>>
      %dma_start3A_88 = arith.constant 0 : i32
      %dma_start3A_89 = tpu.memref_slice %arg12[%dma_start3A_82, %dma_start3A_88] : memref<40x128xi32, #tpu.memory_space<vmem>> -> memref<1x128xi32, #tpu.memory_space<vmem>>
      %dma_start3A_90 = tpu.memref_squeeze %dma_start3A_89 : memref<1x128xi32, #tpu.memory_space<vmem>> -> memref<128xi32, #tpu.memory_space<vmem>>
      %dma_start3A_91 = arith.constant 0 : i32
      %dma_start3A_92 = arith.constant 0 : i32
      %dma_start3A_93 = tpu.memref_slice %arg4[%dma_start3A_91, %dma_start3A_92] : memref<10000x128xf32, #tpu.memory_space<hbm>> -> memref<10000x128xf32, #tpu.memory_space<hbm>>
      tpu.enqueue_indirect_dma source(%dma_start3A_93 : memref<10000x128xf32, #tpu.memory_space<hbm>>) target(%dma_start3A_87 : memref<128x128xf32, #tpu.memory_space<vmem>>) offsets(%dma_start3A_90 : memref<128xi32, #tpu.memory_space<vmem>>) semaphore(%arg16 : memref<!tpu.dma_semaphore, #tpu.memory_space<semaphore_mem>>)
      %dma_start3A_94 = arith.constant 1 : i32
      %dma_start3A_95 = arith.constant 1 : i32
      %dma_start3A_96 = arith.constant 0 : i32
      %dma_start3A_97 = arith.constant 0 : i32
      %dma_start3A_98 = tpu.memref_slice %arg14[%dma_start3A_95, %dma_start3A_96, %dma_start3A_97] : memref<2x128x128xf32, #tpu.memory_space<vmem>> -> memref<1x128x128xf32, #tpu.memory_space<vmem>>
      %dma_start3A_99 = tpu.memref_squeeze %dma_start3A_98 : memref<1x128x128xf32, #tpu.memory_space<vmem>> -> memref<128x128xf32, #tpu.memory_space<vmem>>
      %dma_start3A_100 = arith.constant 0 : i32
      %dma_start3A_101 = tpu.memref_slice %arg12[%dma_start3A_94, %dma_start3A_100] : memref<40x128xi32, #tpu.memory_space<vmem>> -> memref<1x128xi32, #tpu.memory_space<vmem>>
      %dma_start3A_102 = tpu.memref_squeeze %dma_start3A_101 : memref<1x128xi32, #tpu.memory_space<vmem>> -> memref<128xi32, #tpu.memory_space<vmem>>
      %dma_start3A_103 = arith.constant 0 : i32
      %dma_start3A_104 = arith.constant 0 : i32
      %dma_start3A_105 = tpu.memref_slice %arg4[%dma_start3A_103, %dma_start3A_104] : memref<10000x128xf32, #tpu.memory_space<hbm>> -> memref<10000x128xf32, #tpu.memory_space<hbm>>
      tpu.enqueue_indirect_dma source(%dma_start3A_105 : memref<10000x128xf32, #tpu.memory_space<hbm>>) target(%dma_start3A_99 : memref<128x128xf32, #tpu.memory_space<vmem>>) offsets(%dma_start3A_102 : memref<128xi32, #tpu.memory_space<vmem>>) semaphore(%arg16 : memref<!tpu.dma_semaphore, #tpu.memory_space<semaphore_mem>>)
      %scan3A_106 = arith.constant 0 : i32
      %scan3A_107 = arith.constant 0 : i32
      %scan3A_108 = arith.constant 20 : i32
      %scan3A_109 = arith.addi %scan3A_107, %scan3A_108 : i32
      %scan3A_110 = arith.constant 1 : i32
      scf.for %scan3A_114 = %scan3A_107 to %scan3A_109 step %scan3A_110  : i32 {
        %mul3A_115 = arith.constant 2 : i32
        %mul3A_116 = arith.muli %scan3A_114, %mul3A_115 : i32
        %add3A_117 = arith.constant 0 : i32
        %add3A_118 = arith.addi %mul3A_116, %add3A_117 : i32
        %dma_wait3A = arith.constant 0 : i32
        %dma_wait3A_119 = arith.constant 0 : i32
        %dma_wait3A_120 = arith.constant 0 : i32
        %dma_wait3A_121 = tpu.memref_slice %arg14[%dma_wait3A, %dma_wait3A_119, %dma_wait3A_120] : memref<2x128x128xf32, #tpu.memory_space<vmem>> -> memref<1x128x128xf32, #tpu.memory_space<vmem>>
        %dma_wait3A_122 = tpu.memref_squeeze %dma_wait3A_121 : memref<1x128x128xf32, #tpu.memory_space<vmem>> -> memref<128x128xf32, #tpu.memory_space<vmem>>
        %dma_wait3A_123 = arith.constant 0 : i32
        %dma_wait3A_124 = tpu.memref_slice %arg12[%add3A_118, %dma_wait3A_123] : memref<40x128xi32, #tpu.memory_space<vmem>> -> memref<1x128xi32, #tpu.memory_space<vmem>>
        %dma_wait3A_125 = tpu.memref_squeeze %dma_wait3A_124 : memref<1x128xi32, #tpu.memory_space<vmem>> -> memref<128xi32, #tpu.memory_space<vmem>>
        %dma_wait3A_126 = arith.constant 0 : i32
        %dma_wait3A_127 = arith.constant 0 : i32
        %dma_wait3A_128 = tpu.memref_slice %arg4[%dma_wait3A_126, %dma_wait3A_127] : memref<10000x128xf32, #tpu.memory_space<hbm>> -> memref<10000x128xf32, #tpu.memory_space<hbm>>
        tpu.wait_indirect_dma semaphore(%arg16 : memref<!tpu.dma_semaphore, #tpu.memory_space<semaphore_mem>>) src(%dma_wait3A_128 : memref<10000x128xf32, #tpu.memory_space<hbm>>) dst(%dma_wait3A_122 : memref<128x128xf32, #tpu.memory_space<vmem>>)
        %run_scoped3A = arith.constant 0 : i32
        "tpu.region"() ({
          %run_scoped3A_158 = tpu.sem_alloc : memref<!tpu.dma_semaphore, #tpu.memory_space<semaphore_mem>>
          %dma_start3A_159 = arith.constant 0 : i32
          %dma_start3A_160 = arith.constant 0 : i32
          %dma_start3A_161 = tpu.memref_slice %arg14[%run_scoped3A, %dma_start3A_159, %dma_start3A_160] : memref<2x128x128xf32, #tpu.memory_space<vmem>> -> memref<1x128x128xf32, #tpu.memory_space<vmem>>
          %dma_start3A_162 = tpu.memref_squeeze %dma_start3A_161 : memref<1x128x128xf32, #tpu.memory_space<vmem>> -> memref<128x128xf32, #tpu.memory_space<vmem>>
          %dma_start3A_163 = arith.constant 0 : i32
          %dma_start3A_164 = tpu.memref_slice %arg13[%add3A_118, %dma_start3A_163] : memref<40x128xi32, #tpu.memory_space<vmem>> -> memref<1x128xi32, #tpu.memory_space<vmem>>
          %dma_start3A_165 = tpu.memref_squeeze %dma_start3A_164 : memref<1x128xi32, #tpu.memory_space<vmem>> -> memref<128xi32, #tpu.memory_space<vmem>>
          %dma_start3A_166 = arith.constant 0 : i32
          %dma_start3A_167 = arith.constant 0 : i32
          %dma_start3A_168 = tpu.memref_slice %arg15[%dma_start3A_166, %dma_start3A_167] : memref<10112x128xf32, #tpu.memory_space<vmem_shared>> -> memref<10112x128xf32, #tpu.memory_space<vmem_shared>>
          tpu.enqueue_indirect_dma source(%dma_start3A_162 : memref<128x128xf32, #tpu.memory_space<vmem>>) target(%dma_start3A_168 : memref<10112x128xf32, #tpu.memory_space<vmem_shared>>) offsets(%dma_start3A_165 : memref<128xi32, #tpu.memory_space<vmem>>) semaphore(%run_scoped3A_158 : memref<!tpu.dma_semaphore, #tpu.memory_space<semaphore_mem>>) {add = true}
          %dma_wait3A_169 = arith.constant 0 : i32
          %dma_wait3A_170 = arith.constant 0 : i32
          %dma_wait3A_171 = tpu.memref_slice %arg14[%run_scoped3A, %dma_wait3A_169, %dma_wait3A_170] : memref<2x128x128xf32, #tpu.memory_space<vmem>> -> memref<1x128x128xf32, #tpu.memory_space<vmem>>
          %dma_wait3A_172 = tpu.memref_squeeze %dma_wait3A_171 : memref<1x128x128xf32, #tpu.memory_space<vmem>> -> memref<128x128xf32, #tpu.memory_space<vmem>>
          %dma_wait3A_173 = arith.constant 0 : i32
          %dma_wait3A_174 = tpu.memref_slice %arg13[%add3A_118, %dma_wait3A_173] : memref<40x128xi32, #tpu.memory_space<vmem>> -> memref<1x128xi32, #tpu.memory_space<vmem>>
          %dma_wait3A_175 = tpu.memref_squeeze %dma_wait3A_174 : memref<1x128xi32, #tpu.memory_space<vmem>> -> memref<128xi32, #tpu.memory_space<vmem>>
          %dma_wait3A_176 = arith.constant 0 : i32
          %dma_wait3A_177 = arith.constant 0 : i32
          %dma_wait3A_178 = tpu.memref_slice %arg15[%dma_wait3A_176, %dma_wait3A_177] : memref<10112x128xf32, #tpu.memory_space<vmem_shared>> -> memref<10112x128xf32, #tpu.memory_space<vmem_shared>>
          tpu.wait_indirect_dma semaphore(%run_scoped3A_158 : memref<!tpu.dma_semaphore, #tpu.memory_space<semaphore_mem>>) src(%dma_wait3A_172 : memref<128x128xf32, #tpu.memory_space<vmem>>) dst(%dma_wait3A_178 : memref<10112x128xf32, #tpu.memory_space<vmem_shared>>)
          tpu.yield
        }) : () -> ()
        %add3A_129 = arith.constant 2 : i32
        %add3A_130 = arith.addi %add3A_118, %add3A_129 : i32
        %lt3A = arith.constant 40 : i32
        %lt3A_131 = arith.cmpi slt, %add3A_130, %lt3A : i32
        %convert_element_type3A_132 = arith.extui %lt3A_131 : i1 to i32
        %cond3A_133 = arith.constant 0 : i32
        %cond3A_134 = arith.cmpi ne, %convert_element_type3A_132, %cond3A_133 : i32
        scf.if %cond3A_134 {
          %add3A_158 = arith.constant 2 : i32
          %add3A_159 = arith.addi %add3A_118, %add3A_158 : i32
          %dma_start3A_160 = arith.constant 0 : i32
          %dma_start3A_161 = arith.constant 0 : i32
          %dma_start3A_162 = arith.constant 0 : i32
          %dma_start3A_163 = tpu.memref_slice %arg14[%dma_start3A_160, %dma_start3A_161, %dma_start3A_162] : memref<2x128x128xf32, #tpu.memory_space<vmem>> -> memref<1x128x128xf32, #tpu.memory_space<vmem>>
          %dma_start3A_164 = tpu.memref_squeeze %dma_start3A_163 : memref<1x128x128xf32, #tpu.memory_space<vmem>> -> memref<128x128xf32, #tpu.memory_space<vmem>>
          %dma_start3A_165 = arith.constant 0 : i32
          %dma_start3A_166 = tpu.memref_slice %arg12[%add3A_159, %dma_start3A_165] : memref<40x128xi32, #tpu.memory_space<vmem>> -> memref<1x128xi32, #tpu.memory_space<vmem>>
          %dma_start3A_167 = tpu.memref_squeeze %dma_start3A_166 : memref<1x128xi32, #tpu.memory_space<vmem>> -> memref<128xi32, #tpu.memory_space<vmem>>
          %dma_start3A_168 = arith.constant 0 : i32
          %dma_start3A_169 = arith.constant 0 : i32
          %dma_start3A_170 = tpu.memref_slice %arg4[%dma_start3A_168, %dma_start3A_169] : memref<10000x128xf32, #tpu.memory_space<hbm>> -> memref<10000x128xf32, #tpu.memory_space<hbm>>
          tpu.enqueue_indirect_dma source(%dma_start3A_170 : memref<10000x128xf32, #tpu.memory_space<hbm>>) target(%dma_start3A_164 : memref<128x128xf32, #tpu.memory_space<vmem>>) offsets(%dma_start3A_167 : memref<128xi32, #tpu.memory_space<vmem>>) semaphore(%arg16 : memref<!tpu.dma_semaphore, #tpu.memory_space<semaphore_mem>>)
        } else {
        }
        %mul3A_135 = arith.constant 2 : i32
        %mul3A_136 = arith.muli %scan3A_114, %mul3A_135 : i32
        %add3A_137 = arith.constant 1 : i32
        %add3A_138 = arith.addi %mul3A_136, %add3A_137 : i32
        %dma_wait3A_139 = arith.constant 1 : i32
        %dma_wait3A_140 = arith.constant 0 : i32
        %dma_wait3A_141 = arith.constant 0 : i32
        %dma_wait3A_142 = tpu.memref_slice %arg14[%dma_wait3A_139, %dma_wait3A_140, %dma_wait3A_141] : memref<2x128x128xf32, #tpu.memory_space<vmem>> -> memref<1x128x128xf32, #tpu.memory_space<vmem>>
        %dma_wait3A_143 = tpu.memref_squeeze %dma_wait3A_142 : memref<1x128x128xf32, #tpu.memory_space<vmem>> -> memref<128x128xf32, #tpu.memory_space<vmem>>
        %dma_wait3A_144 = arith.constant 0 : i32
        %dma_wait3A_145 = tpu.memref_slice %arg12[%add3A_138, %dma_wait3A_144] : memref<40x128xi32, #tpu.memory_space<vmem>> -> memref<1x128xi32, #tpu.memory_space<vmem>>
        %dma_wait3A_146 = tpu.memref_squeeze %dma_wait3A_145 : memref<1x128xi32, #tpu.memory_space<vmem>> -> memref<128xi32, #tpu.memory_space<vmem>>
        %dma_wait3A_147 = arith.constant 0 : i32
        %dma_wait3A_148 = arith.constant 0 : i32
        %dma_wait3A_149 = tpu.memref_slice %arg4[%dma_wait3A_147, %dma_wait3A_148] : memref<10000x128xf32, #tpu.memory_space<hbm>> -> memref<10000x128xf32, #tpu.memory_space<hbm>>
        tpu.wait_indirect_dma semaphore(%arg16 : memref<!tpu.dma_semaphore, #tpu.memory_space<semaphore_mem>>) src(%dma_wait3A_149 : memref<10000x128xf32, #tpu.memory_space<hbm>>) dst(%dma_wait3A_143 : memref<128x128xf32, #tpu.memory_space<vmem>>)
        %run_scoped3A_150 = arith.constant 1 : i32
        "tpu.region"() ({
          %run_scoped3A_158 = tpu.sem_alloc : memref<!tpu.dma_semaphore, #tpu.memory_space<semaphore_mem>>
          %dma_start3A_159 = arith.constant 0 : i32
          %dma_start3A_160 = arith.constant 0 : i32
          %dma_start3A_161 = tpu.memref_slice %arg14[%run_scoped3A_150, %dma_start3A_159, %dma_start3A_160] : memref<2x128x128xf32, #tpu.memory_space<vmem>> -> memref<1x128x128xf32, #tpu.memory_space<vmem>>
          %dma_start3A_162 = tpu.memref_squeeze %dma_start3A_161 : memref<1x128x128xf32, #tpu.memory_space<vmem>> -> memref<128x128xf32, #tpu.memory_space<vmem>>
          %dma_start3A_163 = arith.constant 0 : i32
          %dma_start3A_164 = tpu.memref_slice %arg13[%add3A_138, %dma_start3A_163] : memref<40x128xi32, #tpu.memory_space<vmem>> -> memref<1x128xi32, #tpu.memory_space<vmem>>
          %dma_start3A_165 = tpu.memref_squeeze %dma_start3A_164 : memref<1x128xi32, #tpu.memory_space<vmem>> -> memref<128xi32, #tpu.memory_space<vmem>>
          %dma_start3A_166 = arith.constant 0 : i32
          %dma_start3A_167 = arith.constant 0 : i32
          %dma_start3A_168 = tpu.memref_slice %arg15[%dma_start3A_166, %dma_start3A_167] : memref<10112x128xf32, #tpu.memory_space<vmem_shared>> -> memref<10112x128xf32, #tpu.memory_space<vmem_shared>>
          tpu.enqueue_indirect_dma source(%dma_start3A_162 : memref<128x128xf32, #tpu.memory_space<vmem>>) target(%dma_start3A_168 : memref<10112x128xf32, #tpu.memory_space<vmem_shared>>) offsets(%dma_start3A_165 : memref<128xi32, #tpu.memory_space<vmem>>) semaphore(%run_scoped3A_158 : memref<!tpu.dma_semaphore, #tpu.memory_space<semaphore_mem>>) {add = true}
          %dma_wait3A_169 = arith.constant 0 : i32
          %dma_wait3A_170 = arith.constant 0 : i32
          %dma_wait3A_171 = tpu.memref_slice %arg14[%run_scoped3A_150, %dma_wait3A_169, %dma_wait3A_170] : memref<2x128x128xf32, #tpu.memory_space<vmem>> -> memref<1x128x128xf32, #tpu.memory_space<vmem>>
          %dma_wait3A_172 = tpu.memref_squeeze %dma_wait3A_171 : memref<1x128x128xf32, #tpu.memory_space<vmem>> -> memref<128x128xf32, #tpu.memory_space<vmem>>
          %dma_wait3A_173 = arith.constant 0 : i32
          %dma_wait3A_174 = tpu.memref_slice %arg13[%add3A_138, %dma_wait3A_173] : memref<40x128xi32, #tpu.memory_space<vmem>> -> memref<1x128xi32, #tpu.memory_space<vmem>>
          %dma_wait3A_175 = tpu.memref_squeeze %dma_wait3A_174 : memref<1x128xi32, #tpu.memory_space<vmem>> -> memref<128xi32, #tpu.memory_space<vmem>>
          %dma_wait3A_176 = arith.constant 0 : i32
          %dma_wait3A_177 = arith.constant 0 : i32
          %dma_wait3A_178 = tpu.memref_slice %arg15[%dma_wait3A_176, %dma_wait3A_177] : memref<10112x128xf32, #tpu.memory_space<vmem_shared>> -> memref<10112x128xf32, #tpu.memory_space<vmem_shared>>
          tpu.wait_indirect_dma semaphore(%run_scoped3A_158 : memref<!tpu.dma_semaphore, #tpu.memory_space<semaphore_mem>>) src(%dma_wait3A_172 : memref<128x128xf32, #tpu.memory_space<vmem>>) dst(%dma_wait3A_178 : memref<10112x128xf32, #tpu.memory_space<vmem_shared>>)
          tpu.yield
        }) : () -> ()
        %add3A_151 = arith.constant 2 : i32
        %add3A_152 = arith.addi %add3A_138, %add3A_151 : i32
        %lt3A_153 = arith.constant 40 : i32
        %lt3A_154 = arith.cmpi slt, %add3A_152, %lt3A_153 : i32
        %convert_element_type3A_155 = arith.extui %lt3A_154 : i1 to i32
        %cond3A_156 = arith.constant 0 : i32
        %cond3A_157 = arith.cmpi ne, %convert_element_type3A_155, %cond3A_156 : i32
        scf.if %cond3A_157 {
          %add3A_158 = arith.constant 2 : i32
          %add3A_159 = arith.addi %add3A_138, %add3A_158 : i32
          %dma_start3A_160 = arith.constant 1 : i32
          %dma_start3A_161 = arith.constant 0 : i32
          %dma_start3A_162 = arith.constant 0 : i32
          %dma_start3A_163 = tpu.memref_slice %arg14[%dma_start3A_160, %dma_start3A_161, %dma_start3A_162] : memref<2x128x128xf32, #tpu.memory_space<vmem>> -> memref<1x128x128xf32, #tpu.memory_space<vmem>>
          %dma_start3A_164 = tpu.memref_squeeze %dma_start3A_163 : memref<1x128x128xf32, #tpu.memory_space<vmem>> -> memref<128x128xf32, #tpu.memory_space<vmem>>
          %dma_start3A_165 = arith.constant 0 : i32
          %dma_start3A_166 = tpu.memref_slice %arg12[%add3A_159, %dma_start3A_165] : memref<40x128xi32, #tpu.memory_space<vmem>> -> memref<1x128xi32, #tpu.memory_space<vmem>>
          %dma_start3A_167 = tpu.memref_squeeze %dma_start3A_166 : memref<1x128xi32, #tpu.memory_space<vmem>> -> memref<128xi32, #tpu.memory_space<vmem>>
          %dma_start3A_168 = arith.constant 0 : i32
          %dma_start3A_169 = arith.constant 0 : i32
          %dma_start3A_170 = tpu.memref_slice %arg4[%dma_start3A_168, %dma_start3A_169] : memref<10000x128xf32, #tpu.memory_space<hbm>> -> memref<10000x128xf32, #tpu.memory_space<hbm>>
          tpu.enqueue_indirect_dma source(%dma_start3A_170 : memref<10000x128xf32, #tpu.memory_space<hbm>>) target(%dma_start3A_164 : memref<128x128xf32, #tpu.memory_space<vmem>>) offsets(%dma_start3A_167 : memref<128xi32, #tpu.memory_space<vmem>>) semaphore(%arg16 : memref<!tpu.dma_semaphore, #tpu.memory_space<semaphore_mem>>)
        } else {
        }
      }
      %scan3A_111 = arith.constant 20 : i32
      %barrier3A_112 = arith.constant 0 : index
      tpu.barrier barrier_id(%barrier3A_112)
      "tpu.region"() ({
        %run_scoped3A = tpu.sem_alloc : memref<!tpu.dma_semaphore, #tpu.memory_space<semaphore_mem>>
        %dma_start3A_114 = arith.constant 0 : i32
        %dma_start3A_115 = tpu.memref_slice %arg11[%mul3A_2, %dma_start3A_114] : memref<10112x128xf32, #tpu.memory_space<hbm>> -> memref<632x128xf32, #tpu.memory_space<hbm>>
        %dma_start3A_116 = arith.constant 0 : i32
        %dma_start3A_117 = tpu.memref_slice %arg15[%mul3A_2, %dma_start3A_116] : memref<10112x128xf32, #tpu.memory_space<vmem_shared>> -> memref<632x128xf32, #tpu.memory_space<vmem_shared>>
        tpu.enqueue_dma source(%dma_start3A_117 : memref<632x128xf32, #tpu.memory_space<vmem_shared>>) target(%dma_start3A_115 : memref<632x128xf32, #tpu.memory_space<hbm>>) target_semaphore(%run_scoped3A : memref<!tpu.dma_semaphore, #tpu.memory_space<semaphore_mem>>)
        %dma_wait3A = arith.constant 0 : i32
        %dma_wait3A_118 = tpu.memref_slice %arg11[%mul3A_2, %dma_wait3A] : memref<10112x128xf32, #tpu.memory_space<hbm>> -> memref<632x128xf32, #tpu.memory_space<hbm>>
        %dma_wait3A_119 = arith.constant 0 : i32
        %dma_wait3A_120 = tpu.memref_slice %arg15[%mul3A_2, %dma_wait3A_119] : memref<10112x128xf32, #tpu.memory_space<vmem_shared>> -> memref<632x128xf32, #tpu.memory_space<vmem_shared>>
        tpu.wait_dma2 semaphore(%run_scoped3A : memref<!tpu.dma_semaphore, #tpu.memory_space<semaphore_mem>>) src(%dma_wait3A_120 : memref<632x128xf32, #tpu.memory_space<vmem_shared>>) dst(%dma_wait3A_118 : memref<632x128xf32, #tpu.memory_space<hbm>>)
        tpu.yield
      }) : () -> ()
      %barrier3A_113 = arith.constant 0 : index
      tpu.barrier barrier_id(%barrier3A_113)
    } else {
    }
    return
  }
}

module attributes {stable_mosaic.version = 14 : i64} {
  func.func @body(%arg0: i32, %arg1: memref<1000x256xf32, #tpu.memory_space<vmem>>, %arg2: memref<1000x1xf32, #tpu.memory_space<vmem>>, %arg3: memref<1000x128xf32, #tpu.memory_space<vmem>>, %arg4: memref<1000x128xf32, #tpu.memory_space<vmem>>, %arg5: memref<1000x128xf32, #tpu.memory_space<vmem>>) attributes {dimension_semantics = [#tpu.dimension_semantics<arbitrary>], iteration_bounds = array<i64: 10>, scalar_prefetch = 0 : i64, scratch_operands = 0 : i64, tpu.core_type = #tpu.core_type<tc>, window_params = [{transform_indices = @transform_0, window_bounds = array<i64: 1000, 256>}, {transform_indices = @transform_1, window_bounds = array<i64: 1000, 1>}, {transform_indices = @transform_2, window_bounds = array<i64: 1000, 128>}, {transform_indices = @transform_3, window_bounds = array<i64: 1000, 128>}, {transform_indices = @transform_4, window_bounds = array<i64: 1000, 128>}]} {
    %get3A = arith.constant 0 : index
    %get3A_0 = arith.constant 0 : index
    %get3A_1 = vector.load %arg2[%get3A, %get3A_0] : memref<1000x1xf32, #tpu.memory_space<vmem>>, vector<1000x1xf32>
    %get3A_2 = arith.constant 0 : index
    %get3A_3 = arith.constant 0 : index
    %get3A_4 = vector.load %arg1[%get3A_2, %get3A_3] : memref<1000x256xf32, #tpu.memory_space<vmem>>, vector<1000x256xf32>
    %mul3A = vector.broadcast %get3A_1 : vector<1000x1xf32> to vector<1000x256xf32>
    %mul3A_5 = arith.mulf %get3A_4, %mul3A : vector<1000x256xf32>
    %slice3A = vector.extract_strided_slice %mul3A_5 {offsets = [0, 0], sizes = [1000, 128], strides = [1, 1]} : vector<1000x256xf32> to vector<1000x128xf32>
    %swap3A = arith.constant 0 : index
    %swap3A_6 = arith.constant 0 : index
    %swap3A_7 = vector.load %arg3[%swap3A, %swap3A_6] : memref<1000x128xf32, #tpu.memory_space<vmem>>, vector<1000x128xf32>
    tpu.vector_store %arg3[%swap3A, %swap3A_6], %slice3A {strides = array<i32>} : memref<1000x128xf32, #tpu.memory_space<vmem>>, vector<1000x128xf32>,
    %slice3A_8 = vector.extract_strided_slice %mul3A_5 {offsets = [0, 128], sizes = [1000, 128], strides = [1, 1]} : vector<1000x256xf32> to vector<1000x128xf32>
    %swap3A_9 = arith.constant 0 : index
    %swap3A_10 = arith.constant 0 : index
    %swap3A_11 = vector.load %arg4[%swap3A_9, %swap3A_10] : memref<1000x128xf32, #tpu.memory_space<vmem>>, vector<1000x128xf32>
    tpu.vector_store %arg4[%swap3A_9, %swap3A_10], %slice3A_8 {strides = array<i32>} : memref<1000x128xf32, #tpu.memory_space<vmem>>, vector<1000x128xf32>,
    %broadcast_in_dim3A = vector.shape_cast %get3A_1 : vector<1000x1xf32> to vector<1000x1xf32>
    %broadcast_in_dim3A_12 = vector.broadcast %broadcast_in_dim3A : vector<1000x1xf32> to vector<1000x128xf32>
    %swap3A_13 = arith.constant 0 : index
    %swap3A_14 = arith.constant 0 : index
    %swap3A_15 = vector.load %arg5[%swap3A_13, %swap3A_14] : memref<1000x128xf32, #tpu.memory_space<vmem>>, vector<1000x128xf32>
    tpu.vector_store %arg5[%swap3A_13, %swap3A_14], %broadcast_in_dim3A_12 {strides = array<i32>} : memref<1000x128xf32, #tpu.memory_space<vmem>>, vector<1000x128xf32>,
    return
  }
  func.func @transform_0(%arg0: i32) -> (i32, i32) {
    %c0_i32 = arith.constant 0 : i32
    %c0_i32_0 = arith.constant 0 : i32
    return %arg0, %c0_i32 : i32, i32
  }
  func.func @transform_1(%arg0: i32) -> (i32, i32) {
    %c0_i32 = arith.constant 0 : i32
    %c0_i32_0 = arith.constant 0 : i32
    return %arg0, %c0_i32 : i32, i32
  }
  func.func @transform_2(%arg0: i32) -> (i32, i32) {
    %c0_i32 = arith.constant 0 : i32
    %c0_i32_0 = arith.constant 0 : i32
    return %arg0, %c0_i32 : i32, i32
  }
  func.func @transform_3(%arg0: i32) -> (i32, i32) {
    %c0_i32 = arith.constant 0 : i32
    %c0_i32_0 = arith.constant 0 : i32
    return %arg0, %c0_i32 : i32, i32
  }
  func.func @transform_4(%arg0: i32) -> (i32, i32) {
    %c0_i32 = arith.constant 0 : i32
    %c0_i32_0 = arith.constant 0 : i32
    return %arg0, %c0_i32 : i32, i32
  }
}

module attributes {stable_mosaic.version = 14 : i64} {
  func.func @body(%arg0: i32, %arg1: memref<1000x128xf32, #tpu.memory_space<vmem>>, %arg2: memref<1000x128xf32, #tpu.memory_space<vmem>>, %arg3: memref<1000x1xf32, #tpu.memory_space<vmem>>, %arg4: memref<1000x1xf32, #tpu.memory_space<vmem>>, %arg5: memref<128x512xf32, #tpu.memory_space<vmem>>, %arg6: memref<128x512xf32, #tpu.memory_space<vmem>>, %arg7: memref<1x512xf32, #tpu.memory_space<vmem>>, %arg8: memref<1000x512xf32, #tpu.memory_space<vmem>>, %arg9: memref<1000x128xf32, #tpu.memory_space<vmem>>, %arg10: memref<1000x128xf32, #tpu.memory_space<vmem>>, %arg11: memref<1000x128xf32, #tpu.memory_space<vmem>>, %arg12: memref<1000x128xf32, #tpu.memory_space<vmem>>) attributes {dimension_semantics = [#tpu.dimension_semantics<arbitrary>], iteration_bounds = array<i64: 10>, scalar_prefetch = 0 : i64, scratch_operands = 0 : i64, tpu.core_type = #tpu.core_type<tc>, window_params = [{transform_indices = @transform_0, window_bounds = array<i64: 1000, 128>}, {transform_indices = @transform_1, window_bounds = array<i64: 1000, 128>}, {transform_indices = @transform_2, window_bounds = array<i64: 1000, 1>}, {transform_indices = @transform_3, window_bounds = array<i64: 1000, 1>}, {pipeline_mode = #tpu.pipeline_mode<synchronous>, transform_indices = @transform_4, window_bounds = array<i64: 128, 512>}, {pipeline_mode = #tpu.pipeline_mode<synchronous>, transform_indices = @transform_5, window_bounds = array<i64: 128, 512>}, {pipeline_mode = #tpu.pipeline_mode<synchronous>, transform_indices = @transform_6, window_bounds = array<i64: 1, 512>}, {transform_indices = @transform_7, window_bounds = array<i64: 1000, 512>}, {transform_indices = @transform_8, window_bounds = array<i64: 1000, 128>}, {transform_indices = @transform_9, window_bounds = array<i64: 1000, 128>}, {transform_indices = @transform_10, window_bounds = array<i64: 1000, 128>}, {transform_indices = @transform_11, window_bounds = array<i64: 1000, 128>}]} {
    %get3A = arith.constant 0 : index
    %get3A_0 = arith.constant 0 : index
    %get3A_1 = vector.load %arg4[%get3A, %get3A_0] : memref<1000x1xf32, #tpu.memory_space<vmem>>, vector<1000x1xf32>
    %get3A_2 = arith.constant 0 : index
    %get3A_3 = arith.constant 0 : index
    %get3A_4 = vector.load %arg3[%get3A_2, %get3A_3] : memref<1000x1xf32, #tpu.memory_space<vmem>>, vector<1000x1xf32>
    %mul3A = arith.mulf %get3A_1, %get3A_4 : vector<1000x1xf32>
    %max3A = arith.constant 1.000000e+00 : f32
    %max3A_5 = vector.broadcast %max3A : f32 to vector<1000x1xf32>
    %max3A_6 = arith.maximumf %mul3A, %max3A_5 : vector<1000x1xf32>
    %div3A = arith.divf %get3A_1, %max3A_6 : vector<1000x1xf32>
    %get3A_7 = arith.constant 0 : index
    %get3A_8 = arith.constant 0 : index
    %get3A_9 = vector.load %arg1[%get3A_7, %get3A_8] : memref<1000x128xf32, #tpu.memory_space<vmem>>, vector<1000x128xf32>
    %mul3A_10 = vector.broadcast %div3A : vector<1000x1xf32> to vector<1000x128xf32>
    %mul3A_11 = arith.mulf %get3A_9, %mul3A_10 : vector<1000x128xf32>
    %get3A_12 = arith.constant 0 : index
    %get3A_13 = arith.constant 0 : index
    %get3A_14 = vector.load %arg2[%get3A_12, %get3A_13] : memref<1000x128xf32, #tpu.memory_space<vmem>>, vector<1000x128xf32>
    %mul3A_15 = vector.broadcast %div3A : vector<1000x1xf32> to vector<1000x128xf32>
    %mul3A_16 = arith.mulf %get3A_14, %mul3A_15 : vector<1000x128xf32>
    %get3A_17 = arith.constant 0 : index
    %get3A_18 = arith.constant 0 : index
    %get3A_19 = vector.load %arg5[%get3A_17, %get3A_18] : memref<128x512xf32, #tpu.memory_space<vmem>>, vector<128x512xf32>
    %dot_general3A = arith.constant dense<0.000000e+00> : vector<1000x512xf32>
    %dot_general3A_20 = tpu.matmul %mul3A_11, %get3A_19, %dot_general3A {dimension_numbers = #tpu.dot_dimension_numbers<[1], [0], [0], [1], [0, 0, 1, 1], [], []>, precision = #tpu.contract_precision<fp32>, transpose_lhs_hint = false} : vector<1000x128xf32>, vector<128x512xf32>, vector<1000x512xf32> -> vector<1000x512xf32>
    %get3A_21 = arith.constant 0 : index
    %get3A_22 = arith.constant 0 : index
    %get3A_23 = vector.load %arg6[%get3A_21, %get3A_22] : memref<128x512xf32, #tpu.memory_space<vmem>>, vector<128x512xf32>
    %dot_general3A_24 = arith.constant dense<0.000000e+00> : vector<1000x512xf32>
    %dot_general3A_25 = tpu.matmul %mul3A_16, %get3A_23, %dot_general3A_24 {dimension_numbers = #tpu.dot_dimension_numbers<[1], [0], [0], [1], [0, 0, 1, 1], [], []>, precision = #tpu.contract_precision<fp32>, transpose_lhs_hint = false} : vector<1000x128xf32>, vector<128x512xf32>, vector<1000x512xf32> -> vector<1000x512xf32>
    %add3A = arith.addf %dot_general3A_20, %dot_general3A_25 : vector<1000x512xf32>
    %get3A_26 = arith.constant 0 : index
    %get3A_27 = arith.constant 0 : index
    %get3A_28 = vector.load %arg7[%get3A_26, %get3A_27] : memref<1x512xf32, #tpu.memory_space<vmem>>, vector<1x512xf32>
    %add3A_29 = vector.broadcast %get3A_28 : vector<1x512xf32> to vector<1000x512xf32>
    %add3A_30 = arith.addf %add3A, %add3A_29 : vector<1000x512xf32>
    %max3A_31 = arith.constant 0.000000e+00 : f32
    %max3A_32 = vector.broadcast %max3A_31 : f32 to vector<1000x512xf32>
    %max3A_33 = arith.maximumf %add3A_30, %max3A_32 : vector<1000x512xf32>
    %swap3A = arith.constant 0 : index
    %swap3A_34 = arith.constant 0 : index
    %swap3A_35 = vector.load %arg8[%swap3A, %swap3A_34] : memref<1000x512xf32, #tpu.memory_space<vmem>>, vector<1000x512xf32>
    tpu.vector_store %arg8[%swap3A, %swap3A_34], %max3A_33 {strides = array<i32>} : memref<1000x512xf32, #tpu.memory_space<vmem>>, vector<1000x512xf32>,
    %mul3A_36 = vector.broadcast %get3A_1 : vector<1000x1xf32> to vector<1000x512xf32>
    %mul3A_37 = arith.mulf %max3A_33, %mul3A_36 : vector<1000x512xf32>
    %slice3A = vector.extract_strided_slice %mul3A_37 {offsets = [0, 0], sizes = [1000, 128], strides = [1, 1]} : vector<1000x512xf32> to vector<1000x128xf32>
    %swap3A_38 = arith.constant 0 : index
    %swap3A_39 = arith.constant 0 : index
    %swap3A_40 = vector.load %arg9[%swap3A_38, %swap3A_39] : memref<1000x128xf32, #tpu.memory_space<vmem>>, vector<1000x128xf32>
    tpu.vector_store %arg9[%swap3A_38, %swap3A_39], %slice3A {strides = array<i32>} : memref<1000x128xf32, #tpu.memory_space<vmem>>, vector<1000x128xf32>,
    %slice3A_41 = vector.extract_strided_slice %mul3A_37 {offsets = [0, 128], sizes = [1000, 128], strides = [1, 1]} : vector<1000x512xf32> to vector<1000x128xf32>
    %swap3A_42 = arith.constant 0 : index
    %swap3A_43 = arith.constant 0 : index
    %swap3A_44 = vector.load %arg10[%swap3A_42, %swap3A_43] : memref<1000x128xf32, #tpu.memory_space<vmem>>, vector<1000x128xf32>
    tpu.vector_store %arg10[%swap3A_42, %swap3A_43], %slice3A_41 {strides = array<i32>} : memref<1000x128xf32, #tpu.memory_space<vmem>>, vector<1000x128xf32>,
    %slice3A_45 = vector.extract_strided_slice %mul3A_37 {offsets = [0, 256], sizes = [1000, 128], strides = [1, 1]} : vector<1000x512xf32> to vector<1000x128xf32>
    %swap3A_46 = arith.constant 0 : index
    %swap3A_47 = arith.constant 0 : index
    %swap3A_48 = vector.load %arg11[%swap3A_46, %swap3A_47] : memref<1000x128xf32, #tpu.memory_space<vmem>>, vector<1000x128xf32>
    tpu.vector_store %arg11[%swap3A_46, %swap3A_47], %slice3A_45 {strides = array<i32>} : memref<1000x128xf32, #tpu.memory_space<vmem>>, vector<1000x128xf32>,
    %slice3A_49 = vector.extract_strided_slice %mul3A_37 {offsets = [0, 384], sizes = [1000, 128], strides = [1, 1]} : vector<1000x512xf32> to vector<1000x128xf32>
    %swap3A_50 = arith.constant 0 : index
    %swap3A_51 = arith.constant 0 : index
    %swap3A_52 = vector.load %arg12[%swap3A_50, %swap3A_51] : memref<1000x128xf32, #tpu.memory_space<vmem>>, vector<1000x128xf32>
    tpu.vector_store %arg12[%swap3A_50, %swap3A_51], %slice3A_49 {strides = array<i32>} : memref<1000x128xf32, #tpu.memory_space<vmem>>, vector<1000x128xf32>,
    return
  }
  func.func @transform_0(%arg0: i32) -> (i32, i32) {
    %c0_i32 = arith.constant 0 : i32
    %c0_i32_0 = arith.constant 0 : i32
    return %arg0, %c0_i32 : i32, i32
  }
  func.func @transform_1(%arg0: i32) -> (i32, i32) {
    %c0_i32 = arith.constant 0 : i32
    %c0_i32_0 = arith.constant 0 : i32
    return %arg0, %c0_i32 : i32, i32
  }
  func.func @transform_2(%arg0: i32) -> (i32, i32) {
    %c0_i32 = arith.constant 0 : i32
    %c0_i32_0 = arith.constant 0 : i32
    return %arg0, %c0_i32 : i32, i32
  }
  func.func @transform_3(%arg0: i32) -> (i32, i32) {
    %c0_i32 = arith.constant 0 : i32
    %c0_i32_0 = arith.constant 0 : i32
    return %arg0, %c0_i32 : i32, i32
  }
  func.func @transform_4(%arg0: i32) -> (i32, i32) {
    %c0_i32 = arith.constant 0 : i32
    %c0_i32_0 = arith.constant 0 : i32
    %c0_i32_1 = arith.constant 0 : i32
    return %c0_i32, %c0_i32_0 : i32, i32
  }
  func.func @transform_5(%arg0: i32) -> (i32, i32) {
    %c0_i32 = arith.constant 0 : i32
    %c0_i32_0 = arith.constant 0 : i32
    %c0_i32_1 = arith.constant 0 : i32
    return %c0_i32, %c0_i32_0 : i32, i32
  }
  func.func @transform_6(%arg0: i32) -> (i32, i32) {
    %c0_i32 = arith.constant 0 : i32
    %c0_i32_0 = arith.constant 0 : i32
    %c0_i32_1 = arith.constant 0 : i32
    return %c0_i32, %c0_i32_0 : i32, i32
  }
  func.func @transform_7(%arg0: i32) -> (i32, i32) {
    %c0_i32 = arith.constant 0 : i32
    %c0_i32_0 = arith.constant 0 : i32
    return %arg0, %c0_i32 : i32, i32
  }
  func.func @transform_8(%arg0: i32) -> (i32, i32) {
    %c0_i32 = arith.constant 0 : i32
    %c0_i32_0 = arith.constant 0 : i32
    return %arg0, %c0_i32 : i32, i32
  }
  func.func @transform_9(%arg0: i32) -> (i32, i32) {
    %c0_i32 = arith.constant 0 : i32
    %c0_i32_0 = arith.constant 0 : i32
    return %arg0, %c0_i32 : i32, i32
  }
  func.func @transform_10(%arg0: i32) -> (i32, i32) {
    %c0_i32 = arith.constant 0 : i32
    %c0_i32_0 = arith.constant 0 : i32
    return %arg0, %c0_i32 : i32, i32
  }
  func.func @transform_11(%arg0: i32) -> (i32, i32) {
    %c0_i32 = arith.constant 0 : i32
    %c0_i32_0 = arith.constant 0 : i32
    return %arg0, %c0_i32 : i32, i32
  }
}

module attributes {stable_mosaic.version = 14 : i64} {
  func.func @body(%arg0: i32, %arg1: memref<1000x128xf32, #tpu.memory_space<vmem>>, %arg2: memref<1000x128xf32, #tpu.memory_space<vmem>>, %arg3: memref<1000x128xf32, #tpu.memory_space<vmem>>, %arg4: memref<1000x128xf32, #tpu.memory_space<vmem>>, %arg5: memref<1000x1xf32, #tpu.memory_space<vmem>>, %arg6: memref<1000x1xf32, #tpu.memory_space<vmem>>, %arg7: memref<1000x64xf32, #tpu.memory_space<vmem>>, %arg8: memref<128x512xf32, #tpu.memory_space<vmem>>, %arg9: memref<128x512xf32, #tpu.memory_space<vmem>>, %arg10: memref<128x512xf32, #tpu.memory_space<vmem>>, %arg11: memref<128x512xf32, #tpu.memory_space<vmem>>, %arg12: memref<1x512xf32, #tpu.memory_space<vmem>>, %arg13: memref<64x512xf32, #tpu.memory_space<vmem>>, %arg14: memref<64x128xf32, #tpu.memory_space<vmem>>) attributes {dimension_semantics = [#tpu.dimension_semantics<arbitrary>], iteration_bounds = array<i64: 10>, scalar_prefetch = 0 : i64, scratch_operands = 0 : i64, tpu.core_type = #tpu.core_type<tc>, window_params = [{transform_indices = @transform_0, window_bounds = array<i64: 1000, 128>}, {transform_indices = @transform_1, window_bounds = array<i64: 1000, 128>}, {transform_indices = @transform_2, window_bounds = array<i64: 1000, 128>}, {transform_indices = @transform_3, window_bounds = array<i64: 1000, 128>}, {transform_indices = @transform_4, window_bounds = array<i64: 1000, 1>}, {transform_indices = @transform_5, window_bounds = array<i64: 1000, 1>}, {transform_indices = @transform_6, window_bounds = array<i64: 1000, 64>}, {pipeline_mode = #tpu.pipeline_mode<synchronous>, transform_indices = @transform_7, window_bounds = array<i64: 128, 512>}, {pipeline_mode = #tpu.pipeline_mode<synchronous>, transform_indices = @transform_8, window_bounds = array<i64: 128, 512>}, {pipeline_mode = #tpu.pipeline_mode<synchronous>, transform_indices = @transform_9, window_bounds = array<i64: 128, 512>}, {pipeline_mode = #tpu.pipeline_mode<synchronous>, transform_indices = @transform_10, window_bounds = array<i64: 128, 512>}, {pipeline_mode = #tpu.pipeline_mode<synchronous>, transform_indices = @transform_11, window_bounds = array<i64: 1, 512>}, {pipeline_mode = #tpu.pipeline_mode<synchronous>, transform_indices = @transform_12, window_bounds = array<i64: 64, 512>}, {pipeline_mode = #tpu.pipeline_mode<synchronous>, transform_indices = @transform_13, window_bounds = array<i64: 64, 128>}]} {
    %eq3A = arith.constant 0 : i32
    %eq3A_0 = arith.cmpi eq, %arg0, %eq3A : i32
    %convert_element_type3A = arith.extui %eq3A_0 : i1 to i32
    %cond3A = arith.constant 0 : i32
    %cond3A_1 = arith.cmpi ne, %convert_element_type3A, %cond3A : i32
    scf.if %cond3A_1 {
      %broadcast_in_dim3A_87 = arith.constant 0.000000e+00 : f32
      %broadcast_in_dim3A_88 = vector.broadcast %broadcast_in_dim3A_87 : f32 to vector<64x512xf32>
      %swap3A_89 = arith.constant 0 : index
      %swap3A_90 = arith.constant 0 : index
      %swap3A_91 = vector.load %arg13[%swap3A_89, %swap3A_90] : memref<64x512xf32, #tpu.memory_space<vmem>>, vector<64x512xf32>
      tpu.vector_store %arg13[%swap3A_89, %swap3A_90], %broadcast_in_dim3A_88 {strides = array<i32>} : memref<64x512xf32, #tpu.memory_space<vmem>>, vector<64x512xf32>,
      %broadcast_in_dim3A_92 = arith.constant 0.000000e+00 : f32
      %broadcast_in_dim3A_93 = vector.broadcast %broadcast_in_dim3A_92 : f32 to vector<64x128xf32>
      %swap3A_94 = arith.constant 0 : index
      %swap3A_95 = arith.constant 0 : index
      %swap3A_96 = vector.load %arg14[%swap3A_94, %swap3A_95] : memref<64x128xf32, #tpu.memory_space<vmem>>, vector<64x128xf32>
      tpu.vector_store %arg14[%swap3A_94, %swap3A_95], %broadcast_in_dim3A_93 {strides = array<i32>} : memref<64x128xf32, #tpu.memory_space<vmem>>, vector<64x128xf32>,
    } else {
    }
    %get3A = arith.constant 0 : index
    %get3A_2 = arith.constant 0 : index
    %get3A_3 = vector.load %arg6[%get3A, %get3A_2] : memref<1000x1xf32, #tpu.memory_space<vmem>>, vector<1000x1xf32>
    %get3A_4 = arith.constant 0 : index
    %get3A_5 = arith.constant 0 : index
    %get3A_6 = vector.load %arg5[%get3A_4, %get3A_5] : memref<1000x1xf32, #tpu.memory_space<vmem>>, vector<1000x1xf32>
    %mul3A = arith.mulf %get3A_3, %get3A_6 : vector<1000x1xf32>
    %max3A = arith.constant 1.000000e+00 : f32
    %max3A_7 = vector.broadcast %max3A : f32 to vector<1000x1xf32>
    %max3A_8 = arith.maximumf %mul3A, %max3A_7 : vector<1000x1xf32>
    %div3A = arith.divf %get3A_3, %max3A_8 : vector<1000x1xf32>
    %get3A_9 = arith.constant 0 : index
    %get3A_10 = arith.constant 0 : index
    %get3A_11 = vector.load %arg12[%get3A_9, %get3A_10] : memref<1x512xf32, #tpu.memory_space<vmem>>, vector<1x512xf32>
    %get3A_12 = arith.constant 0 : index
    %get3A_13 = arith.constant 0 : index
    %get3A_14 = vector.load %arg1[%get3A_12, %get3A_13] : memref<1000x128xf32, #tpu.memory_space<vmem>>, vector<1000x128xf32>
    %mul3A_15 = vector.broadcast %div3A : vector<1000x1xf32> to vector<1000x128xf32>
    %mul3A_16 = arith.mulf %get3A_14, %mul3A_15 : vector<1000x128xf32>
    %get3A_17 = arith.constant 0 : index
    %get3A_18 = arith.constant 0 : index
    %get3A_19 = vector.load %arg8[%get3A_17, %get3A_18] : memref<128x512xf32, #tpu.memory_space<vmem>>, vector<128x512xf32>
    %dot_general3A = arith.constant dense<0.000000e+00> : vector<1000x512xf32>
    %dot_general3A_20 = tpu.matmul %mul3A_16, %get3A_19, %dot_general3A {dimension_numbers = #tpu.dot_dimension_numbers<[1], [0], [0], [1], [0, 0, 1, 1], [], []>, precision = #tpu.contract_precision<fp32>, transpose_lhs_hint = false} : vector<1000x128xf32>, vector<128x512xf32>, vector<1000x512xf32> -> vector<1000x512xf32>
    %add3A = arith.constant 0.000000e+00 : f32
    %add3A_21 = vector.broadcast %add3A : f32 to vector<1000x512xf32>
    %add3A_22 = arith.addf %add3A_21, %dot_general3A_20 : vector<1000x512xf32>
    %get3A_23 = arith.constant 0 : index
    %get3A_24 = arith.constant 0 : index
    %get3A_25 = vector.load %arg2[%get3A_23, %get3A_24] : memref<1000x128xf32, #tpu.memory_space<vmem>>, vector<1000x128xf32>
    %mul3A_26 = vector.broadcast %div3A : vector<1000x1xf32> to vector<1000x128xf32>
    %mul3A_27 = arith.mulf %get3A_25, %mul3A_26 : vector<1000x128xf32>
    %get3A_28 = arith.constant 0 : index
    %get3A_29 = arith.constant 0 : index
    %get3A_30 = vector.load %arg9[%get3A_28, %get3A_29] : memref<128x512xf32, #tpu.memory_space<vmem>>, vector<128x512xf32>
    %dot_general3A_31 = arith.constant dense<0.000000e+00> : vector<1000x512xf32>
    %dot_general3A_32 = tpu.matmul %mul3A_27, %get3A_30, %dot_general3A_31 {dimension_numbers = #tpu.dot_dimension_numbers<[1], [0], [0], [1], [0, 0, 1, 1], [], []>, precision = #tpu.contract_precision<fp32>, transpose_lhs_hint = false} : vector<1000x128xf32>, vector<128x512xf32>, vector<1000x512xf32> -> vector<1000x512xf32>
    %add3A_33 = arith.addf %add3A_22, %dot_general3A_32 : vector<1000x512xf32>
    %get3A_34 = arith.constant 0 : index
    %get3A_35 = arith.constant 0 : index
    %get3A_36 = vector.load %arg3[%get3A_34, %get3A_35] : memref<1000x128xf32, #tpu.memory_space<vmem>>, vector<1000x128xf32>
    %mul3A_37 = vector.broadcast %div3A : vector<1000x1xf32> to vector<1000x128xf32>
    %mul3A_38 = arith.mulf %get3A_36, %mul3A_37 : vector<1000x128xf32>
    %get3A_39 = arith.constant 0 : index
    %get3A_40 = arith.constant 0 : index
    %get3A_41 = vector.load %arg10[%get3A_39, %get3A_40] : memref<128x512xf32, #tpu.memory_space<vmem>>, vector<128x512xf32>
    %dot_general3A_42 = arith.constant dense<0.000000e+00> : vector<1000x512xf32>
    %dot_general3A_43 = tpu.matmul %mul3A_38, %get3A_41, %dot_general3A_42 {dimension_numbers = #tpu.dot_dimension_numbers<[1], [0], [0], [1], [0, 0, 1, 1], [], []>, precision = #tpu.contract_precision<fp32>, transpose_lhs_hint = false} : vector<1000x128xf32>, vector<128x512xf32>, vector<1000x512xf32> -> vector<1000x512xf32>
    %add3A_44 = arith.addf %add3A_33, %dot_general3A_43 : vector<1000x512xf32>
    %get3A_45 = arith.constant 0 : index
    %get3A_46 = arith.constant 0 : index
    %get3A_47 = vector.load %arg4[%get3A_45, %get3A_46] : memref<1000x128xf32, #tpu.memory_space<vmem>>, vector<1000x128xf32>
    %mul3A_48 = vector.broadcast %div3A : vector<1000x1xf32> to vector<1000x128xf32>
    %mul3A_49 = arith.mulf %get3A_47, %mul3A_48 : vector<1000x128xf32>
    %get3A_50 = arith.constant 0 : index
    %get3A_51 = arith.constant 0 : index
    %get3A_52 = vector.load %arg11[%get3A_50, %get3A_51] : memref<128x512xf32, #tpu.memory_space<vmem>>, vector<128x512xf32>
    %dot_general3A_53 = arith.constant dense<0.000000e+00> : vector<1000x512xf32>
    %dot_general3A_54 = tpu.matmul %mul3A_49, %get3A_52, %dot_general3A_53 {dimension_numbers = #tpu.dot_dimension_numbers<[1], [0], [0], [1], [0, 0, 1, 1], [], []>, precision = #tpu.contract_precision<fp32>, transpose_lhs_hint = false} : vector<1000x128xf32>, vector<128x512xf32>, vector<1000x512xf32> -> vector<1000x512xf32>
    %add3A_55 = arith.addf %add3A_44, %dot_general3A_54 : vector<1000x512xf32>
    %add3A_56 = vector.broadcast %get3A_11 : vector<1x512xf32> to vector<1000x512xf32>
    %add3A_57 = arith.addf %add3A_56, %add3A_55 : vector<1000x512xf32>
    %max3A_58 = arith.constant 0.000000e+00 : f32
    %max3A_59 = vector.broadcast %max3A_58 : f32 to vector<1000x512xf32>
    %max3A_60 = arith.maximumf %add3A_57, %max3A_59 : vector<1000x512xf32>
    %get3A_61 = arith.constant 0 : index
    %get3A_62 = arith.constant 0 : index
    %get3A_63 = vector.load %arg7[%get3A_61, %get3A_62] : memref<1000x64xf32, #tpu.memory_space<vmem>>, vector<1000x64xf32>
    %get3A_64 = arith.constant 0 : index
    %get3A_65 = arith.constant 0 : index
    %get3A_66 = vector.load %arg13[%get3A_64, %get3A_65] : memref<64x512xf32, #tpu.memory_space<vmem>>, vector<64x512xf32>
    %dot_general3A_67 = arith.constant dense<0.000000e+00> : vector<64x512xf32>
    %dot_general3A_68 = tpu.matmul %get3A_63, %max3A_60, %dot_general3A_67 {dimension_numbers = #tpu.dot_dimension_numbers<[0], [0], [1], [1], [0, 1, 1, 1], [], []>, precision = #tpu.contract_precision<fp32>, transpose_lhs_hint = false} : vector<1000x64xf32>, vector<1000x512xf32>, vector<64x512xf32> -> vector<64x512xf32>
    %add3A_69 = arith.addf %get3A_66, %dot_general3A_68 : vector<64x512xf32>
    %swap3A = arith.constant 0 : index
    %swap3A_70 = arith.constant 0 : index
    %swap3A_71 = vector.load %arg13[%swap3A, %swap3A_70] : memref<64x512xf32, #tpu.memory_space<vmem>>, vector<64x512xf32>
    tpu.vector_store %arg13[%swap3A, %swap3A_70], %add3A_69 {strides = array<i32>} : memref<64x512xf32, #tpu.memory_space<vmem>>, vector<64x512xf32>,
    %get3A_72 = arith.constant 0 : index
    %get3A_73 = arith.constant 0 : index
    %get3A_74 = vector.load %arg14[%get3A_72, %get3A_73] : memref<64x128xf32, #tpu.memory_space<vmem>>, vector<64x128xf32>
    %broadcast_in_dim3A = arith.constant 1.000000e+00 : f32
    %broadcast_in_dim3A_75 = vector.broadcast %broadcast_in_dim3A : f32 to vector<1000x128xf32>
    %dot_general3A_76 = arith.constant dense<0.000000e+00> : vector<64x128xf32>
    %dot_general3A_77 = tpu.matmul %get3A_63, %broadcast_in_dim3A_75, %dot_general3A_76 {dimension_numbers = #tpu.dot_dimension_numbers<[0], [0], [1], [1], [0, 1, 1, 1], [], []>, precision = #tpu.contract_precision<fp32>, transpose_lhs_hint = false} : vector<1000x64xf32>, vector<1000x128xf32>, vector<64x128xf32> -> vector<64x128xf32>
    %add3A_78 = arith.addf %get3A_74, %dot_general3A_77 : vector<64x128xf32>
    %swap3A_79 = arith.constant 0 : index
    %swap3A_80 = arith.constant 0 : index
    %swap3A_81 = vector.load %arg14[%swap3A_79, %swap3A_80] : memref<64x128xf32, #tpu.memory_space<vmem>>, vector<64x128xf32>
    tpu.vector_store %arg14[%swap3A_79, %swap3A_80], %add3A_78 {strides = array<i32>} : memref<64x128xf32, #tpu.memory_space<vmem>>, vector<64x128xf32>,
    %eq3A_82 = arith.constant 9 : i32
    %eq3A_83 = arith.cmpi eq, %arg0, %eq3A_82 : i32
    %convert_element_type3A_84 = arith.extui %eq3A_83 : i1 to i32
    %cond3A_85 = arith.constant 0 : i32
    %cond3A_86 = arith.cmpi ne, %convert_element_type3A_84, %cond3A_85 : i32
    scf.if %cond3A_86 {
      %get3A_87 = arith.constant 0 : index
      %get3A_88 = arith.constant 0 : index
      %get3A_89 = vector.load %arg13[%get3A_87, %get3A_88] : memref<64x512xf32, #tpu.memory_space<vmem>>, vector<64x512xf32>
      %get3A_90 = arith.constant 0 : index
      %get3A_91 = arith.constant 0 : index
      %get3A_92 = vector.load %arg14[%get3A_90, %get3A_91] : memref<64x128xf32, #tpu.memory_space<vmem>>, vector<64x1xf32>
      %max3A_93 = arith.constant 1.000000e+00 : f32
      %max3A_94 = vector.broadcast %max3A_93 : f32 to vector<64x1xf32>
      %max3A_95 = arith.maximumf %get3A_92, %max3A_94 : vector<64x1xf32>
      %div3A_96 = vector.broadcast %max3A_95 : vector<64x1xf32> to vector<64x512xf32>
      %div3A_97 = arith.divf %get3A_89, %div3A_96 : vector<64x512xf32>
      %swap3A_98 = arith.constant 0 : index
      %swap3A_99 = arith.constant 0 : index
      %swap3A_100 = vector.load %arg13[%swap3A_98, %swap3A_99] : memref<64x512xf32, #tpu.memory_space<vmem>>, vector<64x512xf32>
      tpu.vector_store %arg13[%swap3A_98, %swap3A_99], %div3A_97 {strides = array<i32>} : memref<64x512xf32, #tpu.memory_space<vmem>>, vector<64x512xf32>,
    } else {
    }
    return
  }
  func.func @transform_0(%arg0: i32) -> (i32, i32) {
    %c0_i32 = arith.constant 0 : i32
    %c0_i32_0 = arith.constant 0 : i32
    return %arg0, %c0_i32 : i32, i32
  }
  func.func @transform_1(%arg0: i32) -> (i32, i32) {
    %c0_i32 = arith.constant 0 : i32
    %c0_i32_0 = arith.constant 0 : i32
    return %arg0, %c0_i32 : i32, i32
  }
  func.func @transform_2(%arg0: i32) -> (i32, i32) {
    %c0_i32 = arith.constant 0 : i32
    %c0_i32_0 = arith.constant 0 : i32
    return %arg0, %c0_i32 : i32, i32
  }
  func.func @transform_3(%arg0: i32) -> (i32, i32) {
    %c0_i32 = arith.constant 0 : i32
    %c0_i32_0 = arith.constant 0 : i32
    return %arg0, %c0_i32 : i32, i32
  }
  func.func @transform_4(%arg0: i32) -> (i32, i32) {
    %c0_i32 = arith.constant 0 : i32
    %c0_i32_0 = arith.constant 0 : i32
    return %arg0, %c0_i32 : i32, i32
  }
  func.func @transform_5(%arg0: i32) -> (i32, i32) {
    %c0_i32 = arith.constant 0 : i32
    %c0_i32_0 = arith.constant 0 : i32
    return %arg0, %c0_i32 : i32, i32
  }
  func.func @transform_6(%arg0: i32) -> (i32, i32) {
    %c0_i32 = arith.constant 0 : i32
    %c0_i32_0 = arith.constant 0 : i32
    return %arg0, %c0_i32 : i32, i32
  }
  func.func @transform_7(%arg0: i32) -> (i32, i32) {
    %c0_i32 = arith.constant 0 : i32
    %c0_i32_0 = arith.constant 0 : i32
    %c0_i32_1 = arith.constant 0 : i32
    return %c0_i32, %c0_i32_0 : i32, i32
  }
  func.func @transform_8(%arg0: i32) -> (i32, i32) {
    %c0_i32 = arith.constant 0 : i32
    %c0_i32_0 = arith.constant 0 : i32
    %c0_i32_1 = arith.constant 0 : i32
    return %c0_i32, %c0_i32_0 : i32, i32
  }
  func.func @transform_9(%arg0: i32) -> (i32, i32) {
    %c0_i32 = arith.constant 0 : i32
    %c0_i32_0 = arith.constant 0 : i32
    %c0_i32_1 = arith.constant 0 : i32
    return %c0_i32, %c0_i32_0 : i32, i32
  }
  func.func @transform_10(%arg0: i32) -> (i32, i32) {
    %c0_i32 = arith.constant 0 : i32
    %c0_i32_0 = arith.constant 0 : i32
    %c0_i32_1 = arith.constant 0 : i32
    return %c0_i32, %c0_i32_0 : i32, i32
  }
  func.func @transform_11(%arg0: i32) -> (i32, i32) {
    %c0_i32 = arith.constant 0 : i32
    %c0_i32_0 = arith.constant 0 : i32
    %c0_i32_1 = arith.constant 0 : i32
    return %c0_i32, %c0_i32_0 : i32, i32
  }
  func.func @transform_12(%arg0: i32) -> (i32, i32) {
    %c0_i32 = arith.constant 0 : i32
    %c0_i32_0 = arith.constant 0 : i32
    %c0_i32_1 = arith.constant 0 : i32
    return %c0_i32, %c0_i32_0 : i32, i32
  }
  func.func @transform_13(%arg0: i32) -> (i32, i32) {
    %c0_i32 = arith.constant 0 : i32
    %c0_i32_0 = arith.constant 0 : i32
    %c0_i32_1 = arith.constant 0 : i32
    return %c0_i32, %c0_i32_0 : i32, i32
  }
}

</mosaic_0001>

<sc_bundles>
// kernel: kernel.10.cloned.1.call-start
scs
__scs_entry_jumppad:
0x0: {  	(pc) =	sbr.rel $0x88, $3  }
0x1: {  	(tag) =	ssettag $0x0;
	lr =	simm.s32 $0x1  }
0x2: {  	[smem:$0x3F9A] =	sst lr;
	_ =	strace $0xD0000000  }
0x3: {  	_ = 	snop  }
0x4: {  	_ = 	snop  }
0x5: {  	_ = 	snop  }
0x6: {  	_ = 	snop  }
0x7: {  	_ = 	snop  }
__scs_overlays_trampoline_lowered:
0x8: {  	[smem:$0x3FA9] =	sst s0  }
0x9: {  	[smem:$0x3FAA] =	sst s1  }
0xa: {  	[smem:$0x3FAB] =	sst s2  }
0xb: {  	[smem:$0x3FAC] =	sst s3  }
0xc: {  	[smem:$0x3FAD] =	sst s4  }
0xd: {  	[smem:$0x3FAE] =	sst s5  }
0xe: {  	[smem:$0x3FAF] =	sst s6  }
0xf: {  	[smem:$0x3FB0] =	sst s7  }
0x10: {  	[smem:$0x3FB1] =	sst s8  }
0x11: {  	[smem:$0x3FB2] =	sst s9;
	s0 =	simm.s32 @!p0 $0x0  }
0x12: {  	s1 =	sld [smem:$0x3F98];
	s0 =	simm.s32 @p0 $0x1  }
0x13: {  	[smem:$0x3FB3] =	sst s0;
	s0 =	simm.s32 @!p1 $0x0  }
0x14: {  	s2 =	sld [smem:$0x3F97];
	s0 =	simm.s32 @p1 $0x1  }
0x15: {  	[smem:$0x3FB4] =	sst s0;
	s0 =	simm.s32 @!p2 $0x0  }
0x16: {  	s3 =	sld [smem:$0x3FDB];
	s0 =	simm.s32 @p2 $0x1  }
0x17: {  	s4 =	simm.s32 $0x1BF5;
	[smem:$0x3FB6] =	sst s0  }
0x18: {  	s0 =	sld [smem:$0x3F99];
	_ =	swait.ge [sflag:s4], $0x0  }
0x19: {  	s7 =	sld [smem:$0x3F9A]  }
0x1a: {  	s8 =	sadd.s32 $0xFFFFE003, lr  }
0x1b: {  	s9 =	sadd.s32 $0xFFFFFEF7, lr;
	s5 =	simm.s32 $0xFFFFFFFF;
	p2 =	slt.u32 s8, $0xFFFFF086  }
0x1c: {  	p1 =	slt.u32 s9, $0xF7A;
	s5 =	simm.s32 @!p2 $0x0  }
0x1d: {  	s5 =	simm.s32 @p1 $0x1;
	p0 =	seq.s32 s7, s2  }
0x1e: {  	s7 =	smul.u32 @!p0 $0xF7A, s2;
	p2 =	seq.s32 @!p0 s5, $0x0  }
0x1f: {  	s9 =	smul.u32 $0xF7A, s1;
	s8 =	simm.s32 @!p0 $0x1BF5;
	p2 =	por !p2, p0  }
0x20: {  	[sflag:s8] =	ssyncset.s32 @!p0 $0xFFFFF086;
	s6 =	sadd.s32 @!p0 s3, s7;
	s7 =	simm.s32 @!p0 $0x108  }
0x21: {  	s3 =	sadd.s32 s3, s9;
	s6 =	sadd.s32 @!p0 $0x88, s6;
	s7 =	simm.s32 @p2 $0x1082  }
0x22: {  	[simem:s7], [sflag:s8] =	dma.local @!p0 [hbm:s6], $0xF7A  }
0x23: {  	s9 =	sor.u32 $0xD0000000, s2;
	s6 =	simm.s32 $0x108;
	_ =	swait.ge @!p0 [sflag:s8], $0x0  }
0x24: {  	s3 =	sadd.s32 $0x88, s3;
	s6 =	simm.s32 @!p1 $0x1082;
	[sflag:s4] =	ssyncset.s32 $0xFFFFF086  }
0x25: {  	[simem:s6], [sflag:s4] =	dma.local [hbm:s3], $0xF7A  }
0x26: {  	[smem:$0x3F9A] =	sst s1;
	(tag) =	ssettag s2;
	_ =	strace s9  }
0x27: {  	s1 =	sld [smem:$0x3FAA]  }
0x28: {  	s2 =	sld [smem:$0x3FAB]  }
0x29: {  	s4 =	sld [smem:$0x3FAD]  }
0x2a: {  	p0 =	seq.s32 s5, $0x0;
	s5 =	sld [smem:$0x3FAE]  }
0x2b: {  	s6 =	sld [smem:$0x3FAF]  }
0x2c: {  	s7 =	sld [smem:$0x3FB0]  }
0x2d: {  	s3 =	simm.s32 $0x108;
	s8 =	sld [smem:$0x3FB1]  }
0x2e: {  	s3 =	simm.s32 @!p0 $0x1082;
	s9 =	sld [smem:$0x3FB2]  }
0x2f: {  	lr =	sadd.s32 s0, s3;
	s0 =	sld [smem:$0x3FA9]  }
0x30: {  	s3 =	sld [smem:$0x3FAC]  }
0x31: {  	[smem:$0x3FB5] =	sst s10  }
0x32: {  	s10 =	sld [smem:$0x3FB3];
	_ =	sdelay $0x3  }
0x33: {  	p0 =	seq.s32 s10, $0x1;
	s10 =	sld [smem:$0x3FB5];
	_ =	sdelay $0x3  }
0x34: {  	[smem:$0x3FB5] =	sst s10  }
0x35: {  	s10 =	sld [smem:$0x3FB4];
	_ =	sdelay $0x3  }
0x36: {  	p1 =	seq.s32 s10, $0x1;
	s10 =	sld [smem:$0x3FB5];
	_ =	sdelay $0x3  }
0x37: {  	[smem:$0x3FB5] =	sst s10  }
0x38: {  	s10 =	sld [smem:$0x3FB6]  }
0x39: {  	_ = 	snop;
	(pc) =	sbr.ind lr, $3  }
0x3a: {  	_ = 	snop  }
0x3b: {  	_ = 	snop  }
0x3c: {  	p2 =	seq.s32 s10, $0x1;
	s10 =	sld [smem:$0x3FB5]  }
0x3d: {  	_ =	shalt  }
0x3e: {  	_ =	shalt  }
0x3f: {  	_ =	shalt  }
0x40: {  	_ =	shalt  }
0x41: {  	_ =	shalt  }
0x42: {  	_ =	shalt  }
0x43: {  	_ =	shalt  }
0x44: {  	_ =	shalt  }
0x45: {  	_ =	shalt  }
0x46: {  	_ =	shalt  }
0x47: {  	_ =	shalt  }
0x48: {  	_ =	shalt  }
0x49: {  	_ =	shalt  }
0x4a: {  	_ =	shalt  }
0x4b: {  	_ =	shalt  }
0x4c: {  	_ =	shalt  }
0x4d: {  	_ =	shalt  }
0x4e: {  	_ =	shalt  }
0x4f: {  	_ =	shalt  }
0x50: {  	_ =	shalt  }
0x51: {  	_ =	shalt  }
0x52: {  	_ =	shalt  }
0x53: {  	_ =	shalt  }
0x54: {  	_ =	shalt  }
0x55: {  	_ =	shalt  }
0x56: {  	_ =	shalt  }
0x57: {  	_ =	shalt  }
0x58: {  	_ =	shalt  }
0x59: {  	_ =	shalt  }
0x5a: {  	_ =	shalt  }
0x5b: {  	_ =	shalt  }
0x5c: {  	_ =	shalt  }
0x5d: {  	_ =	shalt  }
0x5e: {  	_ =	shalt  }
0x5f: {  	_ =	shalt  }
0x60: {  	_ =	shalt  }
0x61: {  	_ =	shalt  }
0x62: {  	_ =	shalt  }
0x63: {  	_ =	shalt  }
0x64: {  	_ =	shalt  }
0x65: {  	_ =	shalt  }
0x66: {  	_ =	shalt  }
0x67: {  	_ =	shalt  }
0x68: {  	_ =	shalt  }
0x69: {  	_ =	shalt  }
0x6a: {  	_ =	shalt  }
0x6b: {  	_ =	shalt  }
0x6c: {  	_ =	shalt  }
0x6d: {  	_ =	shalt  }
0x6e: {  	_ =	shalt  }
0x6f: {  	_ =	shalt  }
0x70: {  	_ =	shalt  }
0x71: {  	_ =	shalt  }
0x72: {  	_ =	shalt  }
0x73: {  	_ =	shalt  }
0x74: {  	_ =	shalt  }
0x75: {  	_ =	shalt  }
0x76: {  	_ =	shalt  }
0x77: {  	_ =	shalt  }
0x78: {  	_ =	shalt  }
0x79: {  	_ =	shalt  }
0x7a: {  	_ =	shalt  }
0x7b: {  	_ =	shalt  }
0x7c: {  	_ =	shalt  }
0x7d: {  	_ =	shalt  }
0x7e: {  	_ =	shalt  }
0x7f: {  	_ =	shalt  }
0x80: {  	_ =	shalt  }
0x81: {  	_ =	shalt  }
0x82: {  	_ =	shalt  }
0x83: {  	_ =	shalt  }
0x84: {  	_ =	shalt  }
0x85: {  	_ =	shalt  }
0x86: {  	_ =	shalt  }
0x87: {  	_ =	shalt  }
.Lfunc_end0:
.L_simem_size_0:
called_computation.1_lowered:
.L_overlay_start_0:
0x88: {  	s2 =	sld [smem:$0x3FD9]  }
0x89: {  	s3 =	sld [smem:$0x3FFE];
	_ =	sdelay $0x1  }
0x8a: {  	s1 =	srdreg.scid  }
0x8b: {  	s0 =	sand.u32 $0x1, s1  }
0x8c: {  	s16 =	sshll.u32 s0, $0xA;
	s2 =	sadd.s32 s3, s2  }
0x8d: {  	s2 =	sadd.s32 s2, s16  }
0x8e: {  	[smem:$0x3FC1] =	sst s2  }
0x8f: {  	_ = 	snop  }
0x90: {  	(tm) =	ssettm $0x1  }
0x91: {  	s17 =	sld [smem:$0x3FFB];
	_ =	sdelay $0x3  }
0x92: {  	_ =	strace s17  }
0x93: {  	s2 =	sld [smem:$0x3FFC];
	_ =	sdelay $0x3  }
0x94: {  	_ =	strace s2  }
0x95: {  	s2 =	sld [smem:$0x3FFD];
	_ =	sdelay $0x3  }
0x96: {  	_ =	strace s2  }
0x97: {  	_ =	strace $0x8FFFFFFF  }
0x98: {  	s18 =	sld [smem:$0x3FDB];
	_ =	sdelay $0x1  }
0x99: {  	s19 =	simm.s32 $_scs_section_size  }
0x9a: {  	s4 =	simm.s32 $_size__tile_overlayer_lowered;
	s5 =	simm.s32 $_tile_overlayer_lowered  }
0x9b: {  	s22 =	simm.s32 $0x1BFF;
	s21 =	sshll.u32 s5, $0x1;
	s2 =	sadd.s32 s19, s18  }
0x9c: {  	s6 =	simm.s32 $0x0;
	s20 =	sshll.u32 s4, $0x1;
	s4 =	sadd.s32 s21, s2  }
0x9d: {  	[timem:s6], [sflag:s22] =	dma.local [hbm:s4], s20  }
0x9e: {  	_ =	swait.ge [sflag:s22], s20  }
0x9f: {  	s3 =	ssub.s32 $0x0, s20;
	[sflag:s22] =	ssyncset.done $0x0  }
0xa0: {  	[sflag:s22] =	ssyncadd.s32 s3;
	_ =	sdelay $0x1  }
0xa1: {  	s23 =	simm.s32 $0x1B8B  }
0xa2: {  	_ =	swait.ge [sflag:s23], $0x1  }
0xa3: {  	[sflag:s23] =	ssyncset.done $0x0  }
0xa4: {  	s25 =	simm.s32 $0x1B8E;
	s24 =	sld [smem:$0x3FFE];
	[sflag:s23] =	ssyncadd.s32 $0xFFFFFFFF  }
0xa5: {  	s26 =	simm.s32 $execute0_lowered;
	[smem:$0x3FD2] =	sst s25  }
0xa6: {  	s4 =	sshll.u32 s26, $0x1;
	_ =	strace $0x80000049;
	[dreg:$0x1] =	wrdreg $0xFFFFFFFF  }
0xa7: {  	s28 =	simm.s32 $_size_execute0_lowered;
	s2 =	sadd.s32 s2, s4;
	[dreg:$0x0] =	wrdreg $0x0  }
0xa8: {  	s4 =	sshll.u32 s28, $0x1;
	[dreg:$0x2] =	wrdreg s2  }
0xa9: {  	[dreg:$0x3] =	wrdreg s4  }
0xaa: {  	[dreg:$0x4] =	wrdreg $0xC0  }
0xab: {  	_ =	task [dreg:s6], $0x5FFFF  }
0xac: {  	[dreg:$0x1] =	wrdreg $0xFFFFFFFF  }
0xad: {  	[dreg:$0x0] =	wrdreg $0x60  }
0xae: {  	[dreg:$0x2] =	wrdreg s24  }
0xaf: {  	[dreg:$0x3] =	wrdreg $0xA8000  }
0xb0: {  	[dreg:$0x4] =	wrdreg $0x9  }
0xb1: {  	_ =	task.clear_ibuf [dreg:s6], $0x5FFFF;
	_ =	strace $0x90000049  }
0xb2: {  	s29 =	simm.s32 $0x9;
	_ =	strace $0x8000004B  }
0xb3: {  	_ =	swait.ge [sflag:s29], $0x1  }
0xb4: {  	[sflag:s29] =	ssyncadd.s32 $0xFFFFFFFF  }
0xb5: {  	_ =	strace $0x9000004B  }
0xb6: {  	_ =	sfence  }
0xb7: {  	s30 =	sld [smem:$0x0];
	_ =	sdelay $0x2  }
0xb8: {  	s31 =	sshll.u32 s1, $0xD;
	s1 =	sshrl.u32 s1, $0x2  }
0xb9: {  	s3 =	sand.u32 $0x4000, s31;
	s1 =	sadd.s32 s1, s30  }
0xba: {  	s0 =	sor.u32 s3, s0;
	s1 =	sshll.u32 s1, $0x11  }
0xbb: {  	s0 =	sor.u32 s1, s0  }
0xbc: {  	s0 =	sadd.s32 $0x8F2B, s0  }
0xbd: {  	[sflag:s0] =	ssyncadd.remote.s32 $0x1  }
0xbe: {  	_ =	sfence.sel $0xFFFF  }
0xbf: {  	[dreg:$0x0] =	wrdreg $0xFFFFFFFF;
	(pc) =	sbr.abs _section_cstart, $3  }
0xc0: {  	[dreg:$0x1] =	wrdreg $0xFFFFFFFF  }
0xc1: {  	_ =	task.clear_ibuf [dreg:s6], $0x2FFFF;
	_ =	strace $0x9FFFFFFF  }
0xc2: {  	(tm) =	ssettm $0x7FFFFFFF  }
0xc3: {  	_ =	shalt  }
tec
execute0_lowered:
.L_overlay_start_1:
0x0: {  	(tag) =	ssettag $0x1  }
0x1: {  	s0 =	rddreg [dreg:$0x0]  }
0x2: {  	s1 =	rddreg [dreg:$0x1]  }
0x3: {  	s2 =	simm.s32 $0x0;
	s3 =	stileid.u32;
	s10 =	srdreg.scid  }
0x4: {  	s21 =	simm.s32 $0x2;
	s22 =	simm.s32 $0x1400;
	s23 =	simm.s32 $0x80  }
0x5: {  	s24 =	simm.s32 $0x2800;
	s28 =	simm.s32 $0x2700;
	s29 =	simm.s32 $0x2780  }
0x6: {  	s30 =	simm.s32 $0x0;
	[smem:$0x7FF] =	sst s2;
	s4 =	sadd.s32 $0x52600, s0  }
0x7: {  	s5 =	sadd.s32 $0x79800, s0;
	s6 =	sadd.s32 $0xD2200, s0;
	s8 =	smul.u32 $0x2780, s3  }
0x8: {  	s7 =	sadd.s32 $0xF9400, s0;
	s14 =	sadd.s32 $0xA5A00, s0;
	s13 =	smul.u32 $0x4F000, s3  }
0x9: {  	s15 =	sadd.s32 $0xA0A00, s0;
	s9 =	sadd.s32 $0x147E00, s0;
	s16 =	smul.u32 $0x2800, s3  }
0xa: {  	s11 =	sand.u32 $0x1, s10;
	s10 =	sadd.s32 $0x196E00, s0;
	s31 =	smul.u32 $0x500, s3  }
0xb: {  	s19 =	sshll.u32 s3, $0x6;
	_ =	strace $0x8000004A;
	s12 =	ssub.s32 $0x2, s11  }
0xc: {  	p0 =	seq.s32 s11, $0x1;
	s19 =	sor.u32 $0x1C02, s19;
	s17 =	sadd.s32 s8, s0  }
0xd: {  	s25 =	sshrl.u32 s12, $0x1;
	s26 =	sshrl.u32 s13, $0x2;
	s16 =	sshrl.u32 s16, $0x3  }
.Ltmp0:
0xe: {  	s13 =	sadd.s32 s15, s31;
	s0 =	ssub.s32 s12, s25;
	(pc) =	sbr.rel .LBB2_1-.Ltmp0, $4  }
0xf: {  	s20 =	sadd.s32 s26, s1;
	s11 =	sadd.s32 $0xAAA00, s17;
	s12 =	sadd.s32 s14, s31  }
0x10: {  	s16 =	sadd.s32 $0x280, s16;
	s25 =	simm.s32 $0x6800;
	s26 =	simm.s32 $0x1  }
0x11: {  	s14 =	sadd.s32 s14, s16;
	s15 =	sadd.s32 s15, s16;
	s16 =	sadd.s32 $0x120600, s17  }
0x12: {  	s17 =	sadd.s32 $0x16F600, s17;
	s18 =	smax.u32 s0, $0x1;
	s20 =	sshrl.u32 s20, $0x3  }
.LBB2_19:
0x13: {  	[tilespmem:s25], [sflag:$0x1] =	stream.indirect.gather [hbm4b:s7+s23], $0x80, s0, s23, $0xb8;
	[tilespmem:$0x1E400] =	vst v63  }
0x14: {  	s31 =	smov.u32 s10  }
.LBB2_20:
0x15: {  	_ =	swait.ge [sflag:s26], $0x4000  }
0x16: {  	[sflag:s26] =	ssyncset.done $0x0  }
0x17: {  	[sflag:s26] =	ssyncadd.s32 $0xFFFFC000  }
0x18: {  	[spmem:s1] =	stream.indirect.scatter.add.f32 [tilespmem:s24], [sflag:$0x2], $0x80, s28, s23, $0xb8;
	[tilespmem:$0x1E400] =	vst v63  }
0x19: {  	_ =	swait.ge [sflag:s21], $0x4000  }
0x1a: {  	[sflag:s21] =	ssyncset.done $0x0  }
0x1b: {  	[sflag:s21] =	ssyncadd.s32 $0xFFFFC000  }
0x1c: {  	_ =	swait.ge [sflag:s26], $0x4000  }
0x1d: {  	[sflag:s26] =	ssyncset.done $0x0  }
0x1e: {  	[sflag:s26] =	ssyncadd.s32 $0xFFFFC000  }
0x1f: {  	[spmem:s1] =	stream.indirect.scatter.add.f32 [tilespmem:s25], [sflag:$0x2], $0x80, s29, s23, $0xb8;
	[tilespmem:$0x1E400] =	vst v63  }
0x20: {  	_ =	swait.ge [sflag:s21], $0x4000  }
0x21: {  	[sflag:s21] =	ssyncset.done $0x0  }
0x22: {  	s30 =	sadd.s32 $0x1, s30;
	[sflag:s21] =	ssyncadd.s32 $0xFFFFC000  }
0x23: {  	s0 =	sadd.s32 s31, s8;
	p1 =	sne.s32 s30, s18;
	[bflag:$0x0] =	sbarrier.arrive $0xFFFF  }
0x24: {  	[hbm:s0], [sflag:s19] =	dma.local [spmem:s20], $0x2780  }
.Ltmp1:
0x25: {  	_ =	swait.ge [sflag:s21], $0x2780;
	(pc) =	sbr.rel @!p1 .LBB2_21-.Ltmp1, $3  }
0x26: {  	[sflag:s21] =	ssyncset.done $0x0  }
0x27: {  	[sflag:s21] =	ssyncadd.s32 $0xFFFFD880  }
0x28: {  	[bflag:$0x0] =	sbarrier.arrive $0xFFFF;
	_ =	sdelay $0x1  }
.LBB2_1:
0x29: {  	[spmem:s20], [sflag:s19] =	dma.local [hbm:s11], $0x2780  }
0x2a: {  	_ =	swait.ge [sflag:s21], $0x2780  }
0x2b: {  	[sflag:s21] =	ssyncset.done $0x0  }
0x2c: {  	[sflag:s21] =	ssyncadd.s32 $0xFFFFD880  }
0x2d: {  	[tilespmem:s2], [sflag:$0x2] =	stream.linear.gather [hbm4b:s12+s2], $0x1400, $0x38;
	[tilespmem:$0x1E400] =	vst v63  }
0x2e: {  	_ =	swait.ge [sflag:s21], $0x1400  }
0x2f: {  	[sflag:s21] =	ssyncset.done $0x0  }
0x30: {  	[sflag:s21] =	ssyncadd.s32 $0xFFFFEC00  }
0x31: {  	[tilespmem:s22], [sflag:$0x2] =	stream.linear.gather [hbm4b:s13+s2], $0x1400, $0x38;
	[tilespmem:$0x1E400] =	vst v63  }
.Ltmp2:
0x32: {  	_ =	swait.ge [sflag:s21], $0x1400;
	(pc) =	sbr.rel @!p0 .LBB2_2-.Ltmp2, $4  }
0x33: {  	[sflag:s21] =	ssyncset.done $0x0  }
0x34: {  	[sflag:s21] =	ssyncadd.s32 $0xFFFFEC00  }
0x35: {  	[bflag:$0x0] =	sbarrier.arrive $0xFFFF  }
0x36: {  	s0 =	simm.s32 $0x0  }
0x37: {  	[tilespmem:s24], [sflag:$0x1] =	stream.indirect.gather [hbm4b:s6+s23], $0x80, s0, s23, $0xb8;
	[tilespmem:$0x1E400] =	vst v63  }
0x38: {  	_ = 	snop  }
0x39: {  	[tilespmem:s25], [sflag:$0x1] =	stream.indirect.gather [hbm4b:s6+s23], $0x80, s23, s23, $0xb8;
	[tilespmem:$0x1E400] =	vst v63  }
0x3a: {  	_ =	swait.ge [sflag:s26], $0x4000  }
0x3b: {  	[sflag:s26] =	ssyncset.done $0x0  }
0x3c: {  	s3 =	simm.s32 $0x1400;
	[sflag:s26] =	ssyncadd.s32 $0xFFFFC000  }
0x3d: {  	[spmem:s1] =	stream.indirect.scatter.add.f32 [tilespmem:s24], [sflag:$0x2], $0x80, s3, s23, $0xb8;
	[tilespmem:$0x1E400] =	vst v63  }
0x3e: {  	_ =	swait.ge [sflag:s21], $0x4000  }
0x3f: {  	[sflag:s21] =	ssyncset.done $0x0  }
0x40: {  	s3 =	simm.s32 $0x100;
	[sflag:s21] =	ssyncadd.s32 $0xFFFFC000  }
0x41: {  	[tilespmem:s24], [sflag:$0x1] =	stream.indirect.gather [hbm4b:s6+s23], $0x80, s3, s23, $0xb8;
	[tilespmem:$0x1E400] =	vst v63  }
0x42: {  	_ =	swait.ge [sflag:s26], $0x4000  }
0x43: {  	[sflag:s26] =	ssyncset.done $0x0  }
0x44: {  	s3 =	simm.s32 $0x1480;
	[sflag:s26] =	ssyncadd.s32 $0xFFFFC000  }
0x45: {  	[spmem:s1] =	stream.indirect.scatter.add.f32 [tilespmem:s25], [sflag:$0x2], $0x80, s3, s23, $0xb8;
	[tilespmem:$0x1E400] =	vst v63  }
0x46: {  	_ =	swait.ge [sflag:s21], $0x4000  }
0x47: {  	[sflag:s21] =	ssyncset.done $0x0  }
0x48: {  	s31 =	simm.s32 $0x400;
	s0 =	simm.s32 $0x180;
	[sflag:s21] =	ssyncadd.s32 $0xFFFFC000  }
.LBB2_12:
0x49: {  	[tilespmem:s25], [sflag:$0x1] =	stream.indirect.gather [hbm4b:s6+s23], $0x80, s0, s23, $0xb8;
	[tilespmem:$0x1E400] =	vst v63  }
0x4a: {  	s0 =	smov.u32 s31  }
0x4b: {  	p1 =	sne.s32 s31, $0x4800;
	s31 =	sadd.s32 $0x400, s31;
	_ =	swait.ge [sflag:s26], $0x4000  }
0x4c: {  	s0 =	sshra.s32 s0, $0x2;
	[sflag:s26] =	ssyncset.done $0x0  }
0x4d: {  	s3 =	sadd.s32 $0x1400, s0;
	[sflag:s26] =	ssyncadd.s32 $0xFFFFC000  }
0x4e: {  	[spmem:s1] =	stream.indirect.scatter.add.f32 [tilespmem:s24], [sflag:$0x2], $0x80, s3, s23, $0xb8;
	[tilespmem:$0x1E400] =	vst v63  }
0x4f: {  	_ =	swait.ge [sflag:s21], $0x4000  }
0x50: {  	[sflag:s21] =	ssyncset.done $0x0  }
0x51: {  	s3 =	sadd.s32 $0x100, s0;
	[sflag:s21] =	ssyncadd.s32 $0xFFFFC000  }
0x52: {  	[tilespmem:s24], [sflag:$0x1] =	stream.indirect.gather [hbm4b:s6+s23], $0x80, s3, s23, $0xb8;
	[tilespmem:$0x1E400] =	vst v63  }
0x53: {  	_ =	swait.ge [sflag:s26], $0x4000  }
0x54: {  	[sflag:s26] =	ssyncset.done $0x0  }
.Ltmp3:
0x55: {  	s3 =	sadd.s32 $0x1480, s0;
	[sflag:s26] =	ssyncadd.s32 $0xFFFFC000;
	(pc) =	sbr.rel @p1 .LBB2_12-.Ltmp3, $4  }
0x56: {  	[spmem:s1] =	stream.indirect.scatter.add.f32 [tilespmem:s25], [sflag:$0x2], $0x80, s3, s23, $0xb8;
	[tilespmem:$0x1E400] =	vst v63  }
0x57: {  	_ =	swait.ge [sflag:s21], $0x4000  }
0x58: {  	[sflag:s21] =	ssyncset.done $0x0  }
0x59: {  	s0 =	sadd.s32 $0x180, s0;
	[sflag:s21] =	ssyncadd.s32 $0xFFFFC000  }
0x5a: {  	[tilespmem:s25], [sflag:$0x1] =	stream.indirect.gather [hbm4b:s6+s23], $0x80, s0, s23, $0xb8;
	[tilespmem:$0x1E400] =	vst v63  }
0x5b: {  	_ =	swait.ge [sflag:s26], $0x4000  }
0x5c: {  	[sflag:s26] =	ssyncset.done $0x0  }
0x5d: {  	[sflag:s26] =	ssyncadd.s32 $0xFFFFC000  }
0x5e: {  	[spmem:s1] =	stream.indirect.scatter.add.f32 [tilespmem:s24], [sflag:$0x2], $0x80, s28, s23, $0xb8;
	[tilespmem:$0x1E400] =	vst v63  }
0x5f: {  	_ =	swait.ge [sflag:s21], $0x4000  }
0x60: {  	[sflag:s21] =	ssyncset.done $0x0  }
0x61: {  	[sflag:s21] =	ssyncadd.s32 $0xFFFFC000  }
0x62: {  	_ =	swait.ge [sflag:s26], $0x4000  }
0x63: {  	[sflag:s26] =	ssyncset.done $0x0  }
0x64: {  	[sflag:s26] =	ssyncadd.s32 $0xFFFFC000  }
0x65: {  	[spmem:s1] =	stream.indirect.scatter.add.f32 [tilespmem:s25], [sflag:$0x2], $0x80, s29, s23, $0xb8;
	[tilespmem:$0x1E400] =	vst v63  }
0x66: {  	_ =	swait.ge [sflag:s21], $0x4000  }
0x67: {  	[sflag:s21] =	ssyncset.done $0x0  }
0x68: {  	s3 =	simm.s32 $0x0;
	[sflag:s21] =	ssyncadd.s32 $0xFFFFC000  }
0x69: {  	[tilespmem:s3], [sflag:$0x2] =	stream.linear.gather [hbm4b:s14+s3], $0x1400, $0x38;
	[tilespmem:$0x1E400] =	vst v63  }
0x6a: {  	_ =	swait.ge [sflag:s21], $0x1400  }
0x6b: {  	[sflag:s21] =	ssyncset.done $0x0  }
0x6c: {  	[sflag:s21] =	ssyncadd.s32 $0xFFFFEC00  }
0x6d: {  	[tilespmem:s22], [sflag:$0x2] =	stream.linear.gather [hbm4b:s15+s3], $0x1400, $0x38;
	[tilespmem:$0x1E400] =	vst v63  }
0x6e: {  	_ =	swait.ge [sflag:s21], $0x1400  }
0x6f: {  	[sflag:s21] =	ssyncset.done $0x0  }
0x70: {  	[sflag:s21] =	ssyncadd.s32 $0xFFFFEC00  }
0x71: {  	[tilespmem:s24], [sflag:$0x1] =	stream.indirect.gather [hbm4b:s6+s23], $0x80, s3, s23, $0xb8;
	[tilespmem:$0x1E400] =	vst v63  }
0x72: {  	_ = 	snop  }
0x73: {  	[tilespmem:s25], [sflag:$0x1] =	stream.indirect.gather [hbm4b:s6+s23], $0x80, s23, s23, $0xb8;
	[tilespmem:$0x1E400] =	vst v63  }
0x74: {  	_ =	swait.ge [sflag:s26], $0x4000  }
0x75: {  	[sflag:s26] =	ssyncset.done $0x0  }
0x76: {  	s3 =	simm.s32 $0x1400;
	[sflag:s26] =	ssyncadd.s32 $0xFFFFC000  }
0x77: {  	[spmem:s1] =	stream.indirect.scatter.add.f32 [tilespmem:s24], [sflag:$0x2], $0x80, s3, s23, $0xb8;
	[tilespmem:$0x1E400] =	vst v63  }
0x78: {  	_ =	swait.ge [sflag:s21], $0x4000  }
0x79: {  	[sflag:s21] =	ssyncset.done $0x0  }
0x7a: {  	s3 =	simm.s32 $0x100;
	[sflag:s21] =	ssyncadd.s32 $0xFFFFC000  }
0x7b: {  	[tilespmem:s24], [sflag:$0x1] =	stream.indirect.gather [hbm4b:s6+s23], $0x80, s3, s23, $0xb8;
	[tilespmem:$0x1E400] =	vst v63  }
0x7c: {  	_ =	swait.ge [sflag:s26], $0x4000  }
0x7d: {  	[sflag:s26] =	ssyncset.done $0x0  }
0x7e: {  	s3 =	simm.s32 $0x1480;
	[sflag:s26] =	ssyncadd.s32 $0xFFFFC000  }
0x7f: {  	[spmem:s1] =	stream.indirect.scatter.add.f32 [tilespmem:s25], [sflag:$0x2], $0x80, s3, s23, $0xb8;
	[tilespmem:$0x1E400] =	vst v63  }
0x80: {  	_ =	swait.ge [sflag:s21], $0x4000  }
0x81: {  	[sflag:s21] =	ssyncset.done $0x0  }
0x82: {  	s31 =	simm.s32 $0x400;
	s0 =	simm.s32 $0x180;
	[sflag:s21] =	ssyncadd.s32 $0xFFFFC000  }
.LBB2_14:
0x83: {  	[tilespmem:s25], [sflag:$0x1] =	stream.indirect.gather [hbm4b:s6+s23], $0x80, s0, s23, $0xb8;
	[tilespmem:$0x1E400] =	vst v63  }
0x84: {  	s0 =	smov.u32 s31  }
0x85: {  	p1 =	sne.s32 s31, $0x4800;
	s31 =	sadd.s32 $0x400, s31;
	_ =	swait.ge [sflag:s26], $0x4000  }
0x86: {  	s0 =	sshra.s32 s0, $0x2;
	[sflag:s26] =	ssyncset.done $0x0  }
0x87: {  	s3 =	sadd.s32 $0x1400, s0;
	[sflag:s26] =	ssyncadd.s32 $0xFFFFC000  }
0x88: {  	[spmem:s1] =	stream.indirect.scatter.add.f32 [tilespmem:s24], [sflag:$0x2], $0x80, s3, s23, $0xb8;
	[tilespmem:$0x1E400] =	vst v63  }
0x89: {  	_ =	swait.ge [sflag:s21], $0x4000  }
0x8a: {  	[sflag:s21] =	ssyncset.done $0x0  }
0x8b: {  	s3 =	sadd.s32 $0x100, s0;
	[sflag:s21] =	ssyncadd.s32 $0xFFFFC000  }
0x8c: {  	[tilespmem:s24], [sflag:$0x1] =	stream.indirect.gather [hbm4b:s6+s23], $0x80, s3, s23, $0xb8;
	[tilespmem:$0x1E400] =	vst v63  }
0x8d: {  	_ =	swait.ge [sflag:s26], $0x4000  }
0x8e: {  	[sflag:s26] =	ssyncset.done $0x0  }
.Ltmp4:
0x8f: {  	s3 =	sadd.s32 $0x1480, s0;
	[sflag:s26] =	ssyncadd.s32 $0xFFFFC000;
	(pc) =	sbr.rel @p1 .LBB2_14-.Ltmp4, $4  }
0x90: {  	[spmem:s1] =	stream.indirect.scatter.add.f32 [tilespmem:s25], [sflag:$0x2], $0x80, s3, s23, $0xb8;
	[tilespmem:$0x1E400] =	vst v63  }
0x91: {  	_ =	swait.ge [sflag:s21], $0x4000  }
0x92: {  	[sflag:s21] =	ssyncset.done $0x0  }
0x93: {  	s0 =	sadd.s32 $0x180, s0;
	[sflag:s21] =	ssyncadd.s32 $0xFFFFC000  }
0x94: {  	[tilespmem:s25], [sflag:$0x1] =	stream.indirect.gather [hbm4b:s6+s23], $0x80, s0, s23, $0xb8;
	[tilespmem:$0x1E400] =	vst v63  }
0x95: {  	_ =	swait.ge [sflag:s26], $0x4000  }
0x96: {  	[sflag:s26] =	ssyncset.done $0x0  }
0x97: {  	[sflag:s26] =	ssyncadd.s32 $0xFFFFC000  }
0x98: {  	[spmem:s1] =	stream.indirect.scatter.add.f32 [tilespmem:s24], [sflag:$0x2], $0x80, s28, s23, $0xb8;
	[tilespmem:$0x1E400] =	vst v63  }
0x99: {  	_ =	swait.ge [sflag:s21], $0x4000  }
0x9a: {  	[sflag:s21] =	ssyncset.done $0x0  }
0x9b: {  	[sflag:s21] =	ssyncadd.s32 $0xFFFFC000  }
0x9c: {  	_ =	swait.ge [sflag:s26], $0x4000  }
0x9d: {  	[sflag:s26] =	ssyncset.done $0x0  }
0x9e: {  	[sflag:s26] =	ssyncadd.s32 $0xFFFFC000  }
0x9f: {  	[spmem:s1] =	stream.indirect.scatter.add.f32 [tilespmem:s25], [sflag:$0x2], $0x80, s29, s23, $0xb8;
	[tilespmem:$0x1E400] =	vst v63  }
0xa0: {  	_ =	swait.ge [sflag:s21], $0x4000  }
0xa1: {  	[sflag:s21] =	ssyncset.done $0x0  }
0xa2: {  	[sflag:s21] =	ssyncadd.s32 $0xFFFFC000  }
0xa3: {  	[bflag:$0x0] =	sbarrier.arrive $0xFFFF  }
0xa4: {  	[hbm:s17], [sflag:s19] =	dma.local [spmem:s20], $0x2780  }
0xa5: {  	_ =	swait.ge [sflag:s21], $0x2780  }
0xa6: {  	[sflag:s21] =	ssyncset.done $0x0  }
0xa7: {  	[sflag:s21] =	ssyncadd.s32 $0xFFFFD880  }
0xa8: {  	[bflag:$0x0] =	sbarrier.arrive $0xFFFF  }
0xa9: {  	[spmem:s20], [sflag:s19] =	dma.local [hbm:s11], $0x2780  }
0xaa: {  	_ =	swait.ge [sflag:s21], $0x2780  }
0xab: {  	[sflag:s21] =	ssyncset.done $0x0  }
0xac: {  	s3 =	simm.s32 $0x0;
	[sflag:s21] =	ssyncadd.s32 $0xFFFFD880  }
0xad: {  	[tilespmem:s3], [sflag:$0x2] =	stream.linear.gather [hbm4b:s12+s3], $0x1400, $0x38;
	[tilespmem:$0x1E400] =	vst v63  }
0xae: {  	_ =	swait.ge [sflag:s21], $0x1400  }
0xaf: {  	[sflag:s21] =	ssyncset.done $0x0  }
0xb0: {  	[sflag:s21] =	ssyncadd.s32 $0xFFFFEC00  }
0xb1: {  	[tilespmem:s22], [sflag:$0x2] =	stream.linear.gather [hbm4b:s13+s3], $0x1400, $0x38;
	[tilespmem:$0x1E400] =	vst v63  }
0xb2: {  	_ =	swait.ge [sflag:s21], $0x1400  }
0xb3: {  	[sflag:s21] =	ssyncset.done $0x0  }
0xb4: {  	[sflag:s21] =	ssyncadd.s32 $0xFFFFEC00  }
0xb5: {  	[bflag:$0x0] =	sbarrier.arrive $0xFFFF  }
0xb6: {  	[tilespmem:s24], [sflag:$0x1] =	stream.indirect.gather [hbm4b:s7+s23], $0x80, s3, s23, $0xb8;
	[tilespmem:$0x1E400] =	vst v63  }
0xb7: {  	_ = 	snop  }
0xb8: {  	[tilespmem:s25], [sflag:$0x1] =	stream.indirect.gather [hbm4b:s7+s23], $0x80, s23, s23, $0xb8;
	[tilespmem:$0x1E400] =	vst v63  }
0xb9: {  	_ =	swait.ge [sflag:s26], $0x4000  }
0xba: {  	[sflag:s26] =	ssyncset.done $0x0  }
0xbb: {  	s3 =	simm.s32 $0x1400;
	[sflag:s26] =	ssyncadd.s32 $0xFFFFC000  }
0xbc: {  	[spmem:s1] =	stream.indirect.scatter.add.f32 [tilespmem:s24], [sflag:$0x2], $0x80, s3, s23, $0xb8;
	[tilespmem:$0x1E400] =	vst v63  }
0xbd: {  	_ =	swait.ge [sflag:s21], $0x4000  }
0xbe: {  	[sflag:s21] =	ssyncset.done $0x0  }
0xbf: {  	s3 =	simm.s32 $0x100;
	[sflag:s21] =	ssyncadd.s32 $0xFFFFC000  }
0xc0: {  	[tilespmem:s24], [sflag:$0x1] =	stream.indirect.gather [hbm4b:s7+s23], $0x80, s3, s23, $0xb8;
	[tilespmem:$0x1E400] =	vst v63  }
0xc1: {  	_ =	swait.ge [sflag:s26], $0x4000  }
0xc2: {  	[sflag:s26] =	ssyncset.done $0x0  }
0xc3: {  	s3 =	simm.s32 $0x1480;
	[sflag:s26] =	ssyncadd.s32 $0xFFFFC000  }
0xc4: {  	[spmem:s1] =	stream.indirect.scatter.add.f32 [tilespmem:s25], [sflag:$0x2], $0x80, s3, s23, $0xb8;
	[tilespmem:$0x1E400] =	vst v63  }
0xc5: {  	_ =	swait.ge [sflag:s21], $0x4000  }
0xc6: {  	[sflag:s21] =	ssyncset.done $0x0  }
0xc7: {  	s31 =	simm.s32 $0x400;
	s0 =	simm.s32 $0x180;
	[sflag:s21] =	ssyncadd.s32 $0xFFFFC000  }
.LBB2_16:
0xc8: {  	[tilespmem:s25], [sflag:$0x1] =	stream.indirect.gather [hbm4b:s7+s23], $0x80, s0, s23, $0xb8;
	[tilespmem:$0x1E400] =	vst v63  }
0xc9: {  	s0 =	smov.u32 s31  }
0xca: {  	p1 =	sne.s32 s31, $0x4800;
	s31 =	sadd.s32 $0x400, s31;
	_ =	swait.ge [sflag:s26], $0x4000  }
0xcb: {  	s0 =	sshra.s32 s0, $0x2;
	[sflag:s26] =	ssyncset.done $0x0  }
0xcc: {  	s3 =	sadd.s32 $0x1400, s0;
	[sflag:s26] =	ssyncadd.s32 $0xFFFFC000  }
0xcd: {  	[spmem:s1] =	stream.indirect.scatter.add.f32 [tilespmem:s24], [sflag:$0x2], $0x80, s3, s23, $0xb8;
	[tilespmem:$0x1E400] =	vst v63  }
0xce: {  	_ =	swait.ge [sflag:s21], $0x4000  }
0xcf: {  	[sflag:s21] =	ssyncset.done $0x0  }
0xd0: {  	s3 =	sadd.s32 $0x100, s0;
	[sflag:s21] =	ssyncadd.s32 $0xFFFFC000  }
0xd1: {  	[tilespmem:s24], [sflag:$0x1] =	stream.indirect.gather [hbm4b:s7+s23], $0x80, s3, s23, $0xb8;
	[tilespmem:$0x1E400] =	vst v63  }
0xd2: {  	_ =	swait.ge [sflag:s26], $0x4000  }
0xd3: {  	[sflag:s26] =	ssyncset.done $0x0  }
.Ltmp5:
0xd4: {  	s3 =	sadd.s32 $0x1480, s0;
	[sflag:s26] =	ssyncadd.s32 $0xFFFFC000;
	(pc) =	sbr.rel @p1 .LBB2_16-.Ltmp5, $4  }
0xd5: {  	[spmem:s1] =	stream.indirect.scatter.add.f32 [tilespmem:s25], [sflag:$0x2], $0x80, s3, s23, $0xb8;
	[tilespmem:$0x1E400] =	vst v63  }
0xd6: {  	_ =	swait.ge [sflag:s21], $0x4000  }
0xd7: {  	[sflag:s21] =	ssyncset.done $0x0  }
0xd8: {  	s0 =	sadd.s32 $0x180, s0;
	[sflag:s21] =	ssyncadd.s32 $0xFFFFC000  }
0xd9: {  	[tilespmem:s25], [sflag:$0x1] =	stream.indirect.gather [hbm4b:s7+s23], $0x80, s0, s23, $0xb8;
	[tilespmem:$0x1E400] =	vst v63  }
0xda: {  	_ =	swait.ge [sflag:s26], $0x4000  }
0xdb: {  	[sflag:s26] =	ssyncset.done $0x0  }
0xdc: {  	[sflag:s26] =	ssyncadd.s32 $0xFFFFC000  }
0xdd: {  	[spmem:s1] =	stream.indirect.scatter.add.f32 [tilespmem:s24], [sflag:$0x2], $0x80, s28, s23, $0xb8;
	[tilespmem:$0x1E400] =	vst v63  }
0xde: {  	_ =	swait.ge [sflag:s21], $0x4000  }
0xdf: {  	[sflag:s21] =	ssyncset.done $0x0  }
0xe0: {  	[sflag:s21] =	ssyncadd.s32 $0xFFFFC000  }
0xe1: {  	_ =	swait.ge [sflag:s26], $0x4000  }
0xe2: {  	[sflag:s26] =	ssyncset.done $0x0  }
0xe3: {  	[sflag:s26] =	ssyncadd.s32 $0xFFFFC000  }
0xe4: {  	[spmem:s1] =	stream.indirect.scatter.add.f32 [tilespmem:s25], [sflag:$0x2], $0x80, s29, s23, $0xb8;
	[tilespmem:$0x1E400] =	vst v63  }
0xe5: {  	_ =	swait.ge [sflag:s21], $0x4000  }
0xe6: {  	[sflag:s21] =	ssyncset.done $0x0  }
0xe7: {  	s3 =	simm.s32 $0x0;
	[sflag:s21] =	ssyncadd.s32 $0xFFFFC000  }
0xe8: {  	[tilespmem:s3], [sflag:$0x2] =	stream.linear.gather [hbm4b:s14+s3], $0x1400, $0x38;
	[tilespmem:$0x1E400] =	vst v63  }
0xe9: {  	_ =	swait.ge [sflag:s21], $0x1400  }
0xea: {  	[sflag:s21] =	ssyncset.done $0x0  }
0xeb: {  	[sflag:s21] =	ssyncadd.s32 $0xFFFFEC00  }
0xec: {  	[tilespmem:s22], [sflag:$0x2] =	stream.linear.gather [hbm4b:s15+s3], $0x1400, $0x38;
	[tilespmem:$0x1E400] =	vst v63  }
0xed: {  	_ =	swait.ge [sflag:s21], $0x1400  }
0xee: {  	[sflag:s21] =	ssyncset.done $0x0  }
0xef: {  	[sflag:s21] =	ssyncadd.s32 $0xFFFFEC00  }
0xf0: {  	[tilespmem:s24], [sflag:$0x1] =	stream.indirect.gather [hbm4b:s7+s23], $0x80, s3, s23, $0xb8;
	[tilespmem:$0x1E400] =	vst v63  }
0xf1: {  	_ = 	snop  }
0xf2: {  	[tilespmem:s25], [sflag:$0x1] =	stream.indirect.gather [hbm4b:s7+s23], $0x80, s23, s23, $0xb8;
	[tilespmem:$0x1E400] =	vst v63  }
0xf3: {  	_ =	swait.ge [sflag:s26], $0x4000  }
0xf4: {  	[sflag:s26] =	ssyncset.done $0x0  }
0xf5: {  	s3 =	simm.s32 $0x1400;
	[sflag:s26] =	ssyncadd.s32 $0xFFFFC000  }
0xf6: {  	[spmem:s1] =	stream.indirect.scatter.add.f32 [tilespmem:s24], [sflag:$0x2], $0x80, s3, s23, $0xb8;
	[tilespmem:$0x1E400] =	vst v63  }
0xf7: {  	_ =	swait.ge [sflag:s21], $0x4000  }
0xf8: {  	[sflag:s21] =	ssyncset.done $0x0  }
0xf9: {  	s3 =	simm.s32 $0x100;
	[sflag:s21] =	ssyncadd.s32 $0xFFFFC000  }
0xfa: {  	[tilespmem:s24], [sflag:$0x1] =	stream.indirect.gather [hbm4b:s7+s23], $0x80, s3, s23, $0xb8;
	[tilespmem:$0x1E400] =	vst v63  }
0xfb: {  	_ =	swait.ge [sflag:s26], $0x4000  }
0xfc: {  	[sflag:s26] =	ssyncset.done $0x0  }
0xfd: {  	s3 =	simm.s32 $0x1480;
	[sflag:s26] =	ssyncadd.s32 $0xFFFFC000  }
0xfe: {  	[spmem:s1] =	stream.indirect.scatter.add.f32 [tilespmem:s25], [sflag:$0x2], $0x80, s3, s23, $0xb8;
	[tilespmem:$0x1E400] =	vst v63  }
0xff: {  	_ =	swait.ge [sflag:s21], $0x4000  }
0x100: {  	[sflag:s21] =	ssyncset.done $0x0  }
0x101: {  	s31 =	simm.s32 $0x400;
	s0 =	simm.s32 $0x180;
	[sflag:s21] =	ssyncadd.s32 $0xFFFFC000  }
.LBB2_18:
0x102: {  	[tilespmem:s25], [sflag:$0x1] =	stream.indirect.gather [hbm4b:s7+s23], $0x80, s0, s23, $0xb8;
	[tilespmem:$0x1E400] =	vst v63  }
0x103: {  	s0 =	smov.u32 s31  }
0x104: {  	p1 =	sne.s32 s31, $0x4800;
	s31 =	sadd.s32 $0x400, s31;
	_ =	swait.ge [sflag:s26], $0x4000  }
0x105: {  	s0 =	sshra.s32 s0, $0x2;
	[sflag:s26] =	ssyncset.done $0x0  }
0x106: {  	s3 =	sadd.s32 $0x1400, s0;
	[sflag:s26] =	ssyncadd.s32 $0xFFFFC000  }
0x107: {  	[spmem:s1] =	stream.indirect.scatter.add.f32 [tilespmem:s24], [sflag:$0x2], $0x80, s3, s23, $0xb8;
	[tilespmem:$0x1E400] =	vst v63  }
0x108: {  	_ =	swait.ge [sflag:s21], $0x4000  }
0x109: {  	[sflag:s21] =	ssyncset.done $0x0  }
0x10a: {  	s3 =	sadd.s32 $0x100, s0;
	[sflag:s21] =	ssyncadd.s32 $0xFFFFC000  }
0x10b: {  	[tilespmem:s24], [sflag:$0x1] =	stream.indirect.gather [hbm4b:s7+s23], $0x80, s3, s23, $0xb8;
	[tilespmem:$0x1E400] =	vst v63  }
0x10c: {  	_ =	swait.ge [sflag:s26], $0x4000  }
0x10d: {  	[sflag:s26] =	ssyncset.done $0x0  }
.Ltmp6:
0x10e: {  	s3 =	sadd.s32 $0x1480, s0;
	[sflag:s26] =	ssyncadd.s32 $0xFFFFC000;
	(pc) =	sbr.rel @p1 .LBB2_18-.Ltmp6, $4  }
0x10f: {  	[spmem:s1] =	stream.indirect.scatter.add.f32 [tilespmem:s25], [sflag:$0x2], $0x80, s3, s23, $0xb8;
	[tilespmem:$0x1E400] =	vst v63  }
0x110: {  	_ =	swait.ge [sflag:s21], $0x4000  }
0x111: {  	[sflag:s21] =	ssyncset.done $0x0  }
0x112: {  	s0 =	sadd.s32 $0x180, s0;
	[sflag:s21] =	ssyncadd.s32 $0xFFFFC000  }
.Ltmp7:
0x113: {  	_ = 	snop;
	(pc) =	sbr.rel .LBB2_19-.Ltmp7, $1  }
0x114: {  	_ =	sdelay $0x3  }
.LBB2_2:
0x115: {  	[tilespmem:s24], [sflag:$0x1] =	stream.indirect.gather [hbm4b:s4+s23], $0x80, s0, s23, $0xb8;
	[tilespmem:$0x1E400] =	vst v63  }
0x116: {  	_ = 	snop  }
0x117: {  	[tilespmem:s25], [sflag:$0x1] =	stream.indirect.gather [hbm4b:s4+s23], $0x80, s23, s23, $0xb8;
	[tilespmem:$0x1E400] =	vst v63  }
0x118: {  	_ =	swait.ge [sflag:s26], $0x4000  }
0x119: {  	[sflag:s26] =	ssyncset.done $0x0  }
0x11a: {  	s3 =	simm.s32 $0x1400;
	[sflag:s26] =	ssyncadd.s32 $0xFFFFC000  }
0x11b: {  	[spmem:s1] =	stream.indirect.scatter.add.f32 [tilespmem:s24], [sflag:$0x2], $0x80, s3, s23, $0xb8;
	[tilespmem:$0x1E400] =	vst v63  }
0x11c: {  	_ =	swait.ge [sflag:s21], $0x4000  }
0x11d: {  	[sflag:s21] =	ssyncset.done $0x0  }
0x11e: {  	s3 =	simm.s32 $0x100;
	[sflag:s21] =	ssyncadd.s32 $0xFFFFC000  }
0x11f: {  	[tilespmem:s24], [sflag:$0x1] =	stream.indirect.gather [hbm4b:s4+s23], $0x80, s3, s23, $0xb8;
	[tilespmem:$0x1E400] =	vst v63  }
0x120: {  	_ =	swait.ge [sflag:s26], $0x4000  }
0x121: {  	[sflag:s26] =	ssyncset.done $0x0  }
0x122: {  	s3 =	simm.s32 $0x1480;
	[sflag:s26] =	ssyncadd.s32 $0xFFFFC000  }
0x123: {  	[spmem:s1] =	stream.indirect.scatter.add.f32 [tilespmem:s25], [sflag:$0x2], $0x80, s3, s23, $0xb8;
	[tilespmem:$0x1E400] =	vst v63  }
0x124: {  	_ =	swait.ge [sflag:s21], $0x4000  }
0x125: {  	[sflag:s21] =	ssyncset.done $0x0  }
0x126: {  	s31 =	simm.s32 $0x400;
	s0 =	simm.s32 $0x180;
	[sflag:s21] =	ssyncadd.s32 $0xFFFFC000  }
.LBB2_3:
0x127: {  	[tilespmem:s25], [sflag:$0x1] =	stream.indirect.gather [hbm4b:s4+s23], $0x80, s0, s23, $0xb8;
	[tilespmem:$0x1E400] =	vst v63  }
0x128: {  	s0 =	smov.u32 s31  }
0x129: {  	p1 =	sne.s32 s31, $0x4800;
	s31 =	sadd.s32 $0x400, s31;
	_ =	swait.ge [sflag:s26], $0x4000  }
0x12a: {  	s0 =	sshra.s32 s0, $0x2;
	[sflag:s26] =	ssyncset.done $0x0  }
0x12b: {  	s3 =	sadd.s32 $0x1400, s0;
	[sflag:s26] =	ssyncadd.s32 $0xFFFFC000  }
0x12c: {  	[spmem:s1] =	stream.indirect.scatter.add.f32 [tilespmem:s24], [sflag:$0x2], $0x80, s3, s23, $0xb8;
	[tilespmem:$0x1E400] =	vst v63  }
0x12d: {  	_ =	swait.ge [sflag:s21], $0x4000  }
0x12e: {  	[sflag:s21] =	ssyncset.done $0x0  }
0x12f: {  	s3 =	sadd.s32 $0x100, s0;
	[sflag:s21] =	ssyncadd.s32 $0xFFFFC000  }
0x130: {  	[tilespmem:s24], [sflag:$0x1] =	stream.indirect.gather [hbm4b:s4+s23], $0x80, s3, s23, $0xb8;
	[tilespmem:$0x1E400] =	vst v63  }
0x131: {  	_ =	swait.ge [sflag:s26], $0x4000  }
0x132: {  	[sflag:s26] =	ssyncset.done $0x0  }
.Ltmp8:
0x133: {  	s3 =	sadd.s32 $0x1480, s0;
	[sflag:s26] =	ssyncadd.s32 $0xFFFFC000;
	(pc) =	sbr.rel @p1 .LBB2_3-.Ltmp8, $4  }
0x134: {  	[spmem:s1] =	stream.indirect.scatter.add.f32 [tilespmem:s25], [sflag:$0x2], $0x80, s3, s23, $0xb8;
	[tilespmem:$0x1E400] =	vst v63  }
0x135: {  	_ =	swait.ge [sflag:s21], $0x4000  }
0x136: {  	[sflag:s21] =	ssyncset.done $0x0  }
0x137: {  	s0 =	sadd.s32 $0x180, s0;
	[sflag:s21] =	ssyncadd.s32 $0xFFFFC000  }
0x138: {  	[tilespmem:s25], [sflag:$0x1] =	stream.indirect.gather [hbm4b:s4+s23], $0x80, s0, s23, $0xb8;
	[tilespmem:$0x1E400] =	vst v63  }
0x139: {  	_ =	swait.ge [sflag:s26], $0x4000  }
0x13a: {  	[sflag:s26] =	ssyncset.done $0x0  }
0x13b: {  	[sflag:s26] =	ssyncadd.s32 $0xFFFFC000  }
0x13c: {  	[spmem:s1] =	stream.indirect.scatter.add.f32 [tilespmem:s24], [sflag:$0x2], $0x80, s28, s23, $0xb8;
	[tilespmem:$0x1E400] =	vst v63  }
0x13d: {  	_ =	swait.ge [sflag:s21], $0x4000  }
0x13e: {  	[sflag:s21] =	ssyncset.done $0x0  }
0x13f: {  	[sflag:s21] =	ssyncadd.s32 $0xFFFFC000  }
0x140: {  	_ =	swait.ge [sflag:s26], $0x4000  }
0x141: {  	[sflag:s26] =	ssyncset.done $0x0  }
0x142: {  	[sflag:s26] =	ssyncadd.s32 $0xFFFFC000  }
0x143: {  	[spmem:s1] =	stream.indirect.scatter.add.f32 [tilespmem:s25], [sflag:$0x2], $0x80, s29, s23, $0xb8;
	[tilespmem:$0x1E400] =	vst v63  }
0x144: {  	_ =	swait.ge [sflag:s21], $0x4000  }
0x145: {  	[sflag:s21] =	ssyncset.done $0x0  }
0x146: {  	s3 =	simm.s32 $0x0;
	[sflag:s21] =	ssyncadd.s32 $0xFFFFC000  }
0x147: {  	[tilespmem:s3], [sflag:$0x2] =	stream.linear.gather [hbm4b:s14+s3], $0x1400, $0x38;
	[tilespmem:$0x1E400] =	vst v63  }
0x148: {  	_ =	swait.ge [sflag:s21], $0x1400  }
0x149: {  	[sflag:s21] =	ssyncset.done $0x0  }
0x14a: {  	[sflag:s21] =	ssyncadd.s32 $0xFFFFEC00  }
0x14b: {  	[tilespmem:s22], [sflag:$0x2] =	stream.linear.gather [hbm4b:s15+s3], $0x1400, $0x38;
	[tilespmem:$0x1E400] =	vst v63  }
0x14c: {  	_ =	swait.ge [sflag:s21], $0x1400  }
0x14d: {  	[sflag:s21] =	ssyncset.done $0x0  }
0x14e: {  	[sflag:s21] =	ssyncadd.s32 $0xFFFFEC00  }
0x14f: {  	[tilespmem:s24], [sflag:$0x1] =	stream.indirect.gather [hbm4b:s4+s23], $0x80, s3, s23, $0xb8;
	[tilespmem:$0x1E400] =	vst v63  }
0x150: {  	_ = 	snop  }
0x151: {  	[tilespmem:s25], [sflag:$0x1] =	stream.indirect.gather [hbm4b:s4+s23], $0x80, s23, s23, $0xb8;
	[tilespmem:$0x1E400] =	vst v63  }
0x152: {  	_ =	swait.ge [sflag:s26], $0x4000  }
0x153: {  	[sflag:s26] =	ssyncset.done $0x0  }
0x154: {  	s3 =	simm.s32 $0x1400;
	[sflag:s26] =	ssyncadd.s32 $0xFFFFC000  }
0x155: {  	[spmem:s1] =	stream.indirect.scatter.add.f32 [tilespmem:s24], [sflag:$0x2], $0x80, s3, s23, $0xb8;
	[tilespmem:$0x1E400] =	vst v63  }
0x156: {  	_ =	swait.ge [sflag:s21], $0x4000  }
0x157: {  	[sflag:s21] =	ssyncset.done $0x0  }
0x158: {  	s3 =	simm.s32 $0x100;
	[sflag:s21] =	ssyncadd.s32 $0xFFFFC000  }
0x159: {  	[tilespmem:s24], [sflag:$0x1] =	stream.indirect.gather [hbm4b:s4+s23], $0x80, s3, s23, $0xb8;
	[tilespmem:$0x1E400] =	vst v63  }
0x15a: {  	_ =	swait.ge [sflag:s26], $0x4000  }
0x15b: {  	[sflag:s26] =	ssyncset.done $0x0  }
0x15c: {  	s3 =	simm.s32 $0x1480;
	[sflag:s26] =	ssyncadd.s32 $0xFFFFC000  }
0x15d: {  	[spmem:s1] =	stream.indirect.scatter.add.f32 [tilespmem:s25], [sflag:$0x2], $0x80, s3, s23, $0xb8;
	[tilespmem:$0x1E400] =	vst v63  }
0x15e: {  	_ =	swait.ge [sflag:s21], $0x4000  }
0x15f: {  	[sflag:s21] =	ssyncset.done $0x0  }
0x160: {  	s31 =	simm.s32 $0x400;
	s0 =	simm.s32 $0x180;
	[sflag:s21] =	ssyncadd.s32 $0xFFFFC000  }
.LBB2_5:
0x161: {  	[tilespmem:s25], [sflag:$0x1] =	stream.indirect.gather [hbm4b:s4+s23], $0x80, s0, s23, $0xb8;
	[tilespmem:$0x1E400] =	vst v63  }
0x162: {  	s0 =	smov.u32 s31  }
0x163: {  	p1 =	sne.s32 s31, $0x4800;
	s31 =	sadd.s32 $0x400, s31;
	_ =	swait.ge [sflag:s26], $0x4000  }
0x164: {  	s0 =	sshra.s32 s0, $0x2;
	[sflag:s26] =	ssyncset.done $0x0  }
0x165: {  	s3 =	sadd.s32 $0x1400, s0;
	[sflag:s26] =	ssyncadd.s32 $0xFFFFC000  }
0x166: {  	[spmem:s1] =	stream.indirect.scatter.add.f32 [tilespmem:s24], [sflag:$0x2], $0x80, s3, s23, $0xb8;
	[tilespmem:$0x1E400] =	vst v63  }
0x167: {  	_ =	swait.ge [sflag:s21], $0x4000  }
0x168: {  	[sflag:s21] =	ssyncset.done $0x0  }
0x169: {  	s3 =	sadd.s32 $0x100, s0;
	[sflag:s21] =	ssyncadd.s32 $0xFFFFC000  }
0x16a: {  	[tilespmem:s24], [sflag:$0x1] =	stream.indirect.gather [hbm4b:s4+s23], $0x80, s3, s23, $0xb8;
	[tilespmem:$0x1E400] =	vst v63  }
0x16b: {  	_ =	swait.ge [sflag:s26], $0x4000  }
0x16c: {  	[sflag:s26] =	ssyncset.done $0x0  }
.Ltmp9:
0x16d: {  	s3 =	sadd.s32 $0x1480, s0;
	[sflag:s26] =	ssyncadd.s32 $0xFFFFC000;
	(pc) =	sbr.rel @p1 .LBB2_5-.Ltmp9, $4  }
0x16e: {  	[spmem:s1] =	stream.indirect.scatter.add.f32 [tilespmem:s25], [sflag:$0x2], $0x80, s3, s23, $0xb8;
	[tilespmem:$0x1E400] =	vst v63  }
0x16f: {  	_ =	swait.ge [sflag:s21], $0x4000  }
0x170: {  	[sflag:s21] =	ssyncset.done $0x0  }
0x171: {  	s0 =	sadd.s32 $0x180, s0;
	[sflag:s21] =	ssyncadd.s32 $0xFFFFC000  }
0x172: {  	[tilespmem:s25], [sflag:$0x1] =	stream.indirect.gather [hbm4b:s4+s23], $0x80, s0, s23, $0xb8;
	[tilespmem:$0x1E400] =	vst v63  }
0x173: {  	_ =	swait.ge [sflag:s26], $0x4000  }
0x174: {  	[sflag:s26] =	ssyncset.done $0x0  }
0x175: {  	[sflag:s26] =	ssyncadd.s32 $0xFFFFC000  }
0x176: {  	[spmem:s1] =	stream.indirect.scatter.add.f32 [tilespmem:s24], [sflag:$0x2], $0x80, s28, s23, $0xb8;
	[tilespmem:$0x1E400] =	vst v63  }
0x177: {  	_ =	swait.ge [sflag:s21], $0x4000  }
0x178: {  	[sflag:s21] =	ssyncset.done $0x0  }
0x179: {  	[sflag:s21] =	ssyncadd.s32 $0xFFFFC000  }
0x17a: {  	_ =	swait.ge [sflag:s26], $0x4000  }
0x17b: {  	[sflag:s26] =	ssyncset.done $0x0  }
0x17c: {  	[sflag:s26] =	ssyncadd.s32 $0xFFFFC000  }
0x17d: {  	[spmem:s1] =	stream.indirect.scatter.add.f32 [tilespmem:s25], [sflag:$0x2], $0x80, s29, s23, $0xb8;
	[tilespmem:$0x1E400] =	vst v63  }
0x17e: {  	_ =	swait.ge [sflag:s21], $0x4000  }
0x17f: {  	[sflag:s21] =	ssyncset.done $0x0  }
0x180: {  	[sflag:s21] =	ssyncadd.s32 $0xFFFFC000  }
0x181: {  	[bflag:$0x0] =	sbarrier.arrive $0xFFFF  }
0x182: {  	[hbm:s16], [sflag:s19] =	dma.local [spmem:s20], $0x2780  }
0x183: {  	_ =	swait.ge [sflag:s21], $0x2780  }
0x184: {  	[sflag:s21] =	ssyncset.done $0x0  }
0x185: {  	[sflag:s21] =	ssyncadd.s32 $0xFFFFD880  }
0x186: {  	[bflag:$0x0] =	sbarrier.arrive $0xFFFF  }
0x187: {  	[spmem:s20], [sflag:s19] =	dma.local [hbm:s11], $0x2780  }
0x188: {  	_ =	swait.ge [sflag:s21], $0x2780  }
0x189: {  	[sflag:s21] =	ssyncset.done $0x0  }
0x18a: {  	s3 =	simm.s32 $0x0;
	[sflag:s21] =	ssyncadd.s32 $0xFFFFD880  }
0x18b: {  	[tilespmem:s3], [sflag:$0x2] =	stream.linear.gather [hbm4b:s12+s3], $0x1400, $0x38;
	[tilespmem:$0x1E400] =	vst v63  }
0x18c: {  	_ =	swait.ge [sflag:s21], $0x1400  }
0x18d: {  	[sflag:s21] =	ssyncset.done $0x0  }
0x18e: {  	[sflag:s21] =	ssyncadd.s32 $0xFFFFEC00  }
0x18f: {  	[tilespmem:s22], [sflag:$0x2] =	stream.linear.gather [hbm4b:s13+s3], $0x1400, $0x38;
	[tilespmem:$0x1E400] =	vst v63  }
0x190: {  	_ =	swait.ge [sflag:s21], $0x1400  }
0x191: {  	[sflag:s21] =	ssyncset.done $0x0  }
0x192: {  	[sflag:s21] =	ssyncadd.s32 $0xFFFFEC00  }
0x193: {  	[bflag:$0x0] =	sbarrier.arrive $0xFFFF  }
0x194: {  	[tilespmem:s24], [sflag:$0x1] =	stream.indirect.gather [hbm4b:s5+s23], $0x80, s3, s23, $0xb8;
	[tilespmem:$0x1E400] =	vst v63  }
0x195: {  	_ = 	snop  }
0x196: {  	[tilespmem:s25], [sflag:$0x1] =	stream.indirect.gather [hbm4b:s5+s23], $0x80, s23, s23, $0xb8;
	[tilespmem:$0x1E400] =	vst v63  }
0x197: {  	_ =	swait.ge [sflag:s26], $0x4000  }
0x198: {  	[sflag:s26] =	ssyncset.done $0x0  }
0x199: {  	s3 =	simm.s32 $0x1400;
	[sflag:s26] =	ssyncadd.s32 $0xFFFFC000  }
0x19a: {  	[spmem:s1] =	stream.indirect.scatter.add.f32 [tilespmem:s24], [sflag:$0x2], $0x80, s3, s23, $0xb8;
	[tilespmem:$0x1E400] =	vst v63  }
0x19b: {  	_ =	swait.ge [sflag:s21], $0x4000  }
0x19c: {  	[sflag:s21] =	ssyncset.done $0x0  }
0x19d: {  	s3 =	simm.s32 $0x100;
	[sflag:s21] =	ssyncadd.s32 $0xFFFFC000  }
0x19e: {  	[tilespmem:s24], [sflag:$0x1] =	stream.indirect.gather [hbm4b:s5+s23], $0x80, s3, s23, $0xb8;
	[tilespmem:$0x1E400] =	vst v63  }
0x19f: {  	_ =	swait.ge [sflag:s26], $0x4000  }
0x1a0: {  	[sflag:s26] =	ssyncset.done $0x0  }
0x1a1: {  	s3 =	simm.s32 $0x1480;
	[sflag:s26] =	ssyncadd.s32 $0xFFFFC000  }
0x1a2: {  	[spmem:s1] =	stream.indirect.scatter.add.f32 [tilespmem:s25], [sflag:$0x2], $0x80, s3, s23, $0xb8;
	[tilespmem:$0x1E400] =	vst v63  }
0x1a3: {  	_ =	swait.ge [sflag:s21], $0x4000  }
0x1a4: {  	[sflag:s21] =	ssyncset.done $0x0  }
0x1a5: {  	s31 =	simm.s32 $0x400;
	s0 =	simm.s32 $0x180;
	[sflag:s21] =	ssyncadd.s32 $0xFFFFC000  }
.LBB2_7:
0x1a6: {  	[tilespmem:s25], [sflag:$0x1] =	stream.indirect.gather [hbm4b:s5+s23], $0x80, s0, s23, $0xb8;
	[tilespmem:$0x1E400] =	vst v63  }
0x1a7: {  	s0 =	smov.u32 s31  }
0x1a8: {  	p1 =	sne.s32 s31, $0x4800;
	s31 =	sadd.s32 $0x400, s31;
	_ =	swait.ge [sflag:s26], $0x4000  }
0x1a9: {  	s0 =	sshra.s32 s0, $0x2;
	[sflag:s26] =	ssyncset.done $0x0  }
0x1aa: {  	s3 =	sadd.s32 $0x1400, s0;
	[sflag:s26] =	ssyncadd.s32 $0xFFFFC000  }
0x1ab: {  	[spmem:s1] =	stream.indirect.scatter.add.f32 [tilespmem:s24], [sflag:$0x2], $0x80, s3, s23, $0xb8;
	[tilespmem:$0x1E400] =	vst v63  }
0x1ac: {  	_ =	swait.ge [sflag:s21], $0x4000  }
0x1ad: {  	[sflag:s21] =	ssyncset.done $0x0  }
0x1ae: {  	s3 =	sadd.s32 $0x100, s0;
	[sflag:s21] =	ssyncadd.s32 $0xFFFFC000  }
0x1af: {  	[tilespmem:s24], [sflag:$0x1] =	stream.indirect.gather [hbm4b:s5+s23], $0x80, s3, s23, $0xb8;
	[tilespmem:$0x1E400] =	vst v63  }
0x1b0: {  	_ =	swait.ge [sflag:s26], $0x4000  }
0x1b1: {  	[sflag:s26] =	ssyncset.done $0x0  }
.Ltmp10:
0x1b2: {  	s3 =	sadd.s32 $0x1480, s0;
	[sflag:s26] =	ssyncadd.s32 $0xFFFFC000;
	(pc) =	sbr.rel @p1 .LBB2_7-.Ltmp10, $4  }
0x1b3: {  	[spmem:s1] =	stream.indirect.scatter.add.f32 [tilespmem:s25], [sflag:$0x2], $0x80, s3, s23, $0xb8;
	[tilespmem:$0x1E400] =	vst v63  }
0x1b4: {  	_ =	swait.ge [sflag:s21], $0x4000  }
0x1b5: {  	[sflag:s21] =	ssyncset.done $0x0  }
0x1b6: {  	s0 =	sadd.s32 $0x180, s0;
	[sflag:s21] =	ssyncadd.s32 $0xFFFFC000  }
0x1b7: {  	[tilespmem:s25], [sflag:$0x1] =	stream.indirect.gather [hbm4b:s5+s23], $0x80, s0, s23, $0xb8;
	[tilespmem:$0x1E400] =	vst v63  }
0x1b8: {  	_ =	swait.ge [sflag:s26], $0x4000  }
0x1b9: {  	[sflag:s26] =	ssyncset.done $0x0  }
0x1ba: {  	[sflag:s26] =	ssyncadd.s32 $0xFFFFC000  }
0x1bb: {  	[spmem:s1] =	stream.indirect.scatter.add.f32 [tilespmem:s24], [sflag:$0x2], $0x80, s28, s23, $0xb8;
	[tilespmem:$0x1E400] =	vst v63  }
0x1bc: {  	_ =	swait.ge [sflag:s21], $0x4000  }
0x1bd: {  	[sflag:s21] =	ssyncset.done $0x0  }
0x1be: {  	[sflag:s21] =	ssyncadd.s32 $0xFFFFC000  }
0x1bf: {  	_ =	swait.ge [sflag:s26], $0x4000  }
0x1c0: {  	[sflag:s26] =	ssyncset.done $0x0  }
0x1c1: {  	[sflag:s26] =	ssyncadd.s32 $0xFFFFC000  }
0x1c2: {  	[spmem:s1] =	stream.indirect.scatter.add.f32 [tilespmem:s25], [sflag:$0x2], $0x80, s29, s23, $0xb8;
	[tilespmem:$0x1E400] =	vst v63  }
0x1c3: {  	_ =	swait.ge [sflag:s21], $0x4000  }
0x1c4: {  	[sflag:s21] =	ssyncset.done $0x0  }
0x1c5: {  	s3 =	simm.s32 $0x0;
	[sflag:s21] =	ssyncadd.s32 $0xFFFFC000  }
0x1c6: {  	[tilespmem:s3], [sflag:$0x2] =	stream.linear.gather [hbm4b:s14+s3], $0x1400, $0x38;
	[tilespmem:$0x1E400] =	vst v63  }
0x1c7: {  	_ =	swait.ge [sflag:s21], $0x1400  }
0x1c8: {  	[sflag:s21] =	ssyncset.done $0x0  }
0x1c9: {  	[sflag:s21] =	ssyncadd.s32 $0xFFFFEC00  }
0x1ca: {  	[tilespmem:s22], [sflag:$0x2] =	stream.linear.gather [hbm4b:s15+s3], $0x1400, $0x38;
	[tilespmem:$0x1E400] =	vst v63  }
0x1cb: {  	_ =	swait.ge [sflag:s21], $0x1400  }
0x1cc: {  	[sflag:s21] =	ssyncset.done $0x0  }
0x1cd: {  	[sflag:s21] =	ssyncadd.s32 $0xFFFFEC00  }
0x1ce: {  	[tilespmem:s24], [sflag:$0x1] =	stream.indirect.gather [hbm4b:s5+s23], $0x80, s3, s23, $0xb8;
	[tilespmem:$0x1E400] =	vst v63  }
0x1cf: {  	_ = 	snop  }
0x1d0: {  	[tilespmem:s25], [sflag:$0x1] =	stream.indirect.gather [hbm4b:s5+s23], $0x80, s23, s23, $0xb8;
	[tilespmem:$0x1E400] =	vst v63  }
0x1d1: {  	_ =	swait.ge [sflag:s26], $0x4000  }
0x1d2: {  	[sflag:s26] =	ssyncset.done $0x0  }
0x1d3: {  	s3 =	simm.s32 $0x1400;
	[sflag:s26] =	ssyncadd.s32 $0xFFFFC000  }
0x1d4: {  	[spmem:s1] =	stream.indirect.scatter.add.f32 [tilespmem:s24], [sflag:$0x2], $0x80, s3, s23, $0xb8;
	[tilespmem:$0x1E400] =	vst v63  }
0x1d5: {  	_ =	swait.ge [sflag:s21], $0x4000  }
0x1d6: {  	[sflag:s21] =	ssyncset.done $0x0  }
0x1d7: {  	s3 =	simm.s32 $0x100;
	[sflag:s21] =	ssyncadd.s32 $0xFFFFC000  }
0x1d8: {  	[tilespmem:s24], [sflag:$0x1] =	stream.indirect.gather [hbm4b:s5+s23], $0x80, s3, s23, $0xb8;
	[tilespmem:$0x1E400] =	vst v63  }
0x1d9: {  	_ =	swait.ge [sflag:s26], $0x4000  }
0x1da: {  	[sflag:s26] =	ssyncset.done $0x0  }
0x1db: {  	s3 =	simm.s32 $0x1480;
	[sflag:s26] =	ssyncadd.s32 $0xFFFFC000  }
0x1dc: {  	[spmem:s1] =	stream.indirect.scatter.add.f32 [tilespmem:s25], [sflag:$0x2], $0x80, s3, s23, $0xb8;
	[tilespmem:$0x1E400] =	vst v63  }
0x1dd: {  	_ =	swait.ge [sflag:s21], $0x4000  }
0x1de: {  	[sflag:s21] =	ssyncset.done $0x0  }
0x1df: {  	s31 =	simm.s32 $0x400;
	s0 =	simm.s32 $0x180;
	[sflag:s21] =	ssyncadd.s32 $0xFFFFC000  }
.LBB2_9:
0x1e0: {  	[tilespmem:s25], [sflag:$0x1] =	stream.indirect.gather [hbm4b:s5+s23], $0x80, s0, s23, $0xb8;
	[tilespmem:$0x1E400] =	vst v63  }
0x1e1: {  	s0 =	smov.u32 s31  }
0x1e2: {  	p1 =	seq.s32 s31, $0x4800;
	s31 =	sadd.s32 $0x400, s31;
	_ =	swait.ge [sflag:s26], $0x4000  }
0x1e3: {  	s0 =	sshra.s32 s0, $0x2;
	[sflag:s26] =	ssyncset.done $0x0  }
0x1e4: {  	s3 =	sadd.s32 $0x1400, s0;
	[sflag:s26] =	ssyncadd.s32 $0xFFFFC000  }
0x1e5: {  	[spmem:s1] =	stream.indirect.scatter.add.f32 [tilespmem:s24], [sflag:$0x2], $0x80, s3, s23, $0xb8;
	[tilespmem:$0x1E400] =	vst v63  }
0x1e6: {  	_ =	swait.ge [sflag:s21], $0x4000  }
0x1e7: {  	[sflag:s21] =	ssyncset.done $0x0  }
0x1e8: {  	s3 =	sadd.s32 $0x100, s0;
	[sflag:s21] =	ssyncadd.s32 $0xFFFFC000  }
0x1e9: {  	[tilespmem:s24], [sflag:$0x1] =	stream.indirect.gather [hbm4b:s5+s23], $0x80, s3, s23, $0xb8;
	[tilespmem:$0x1E400] =	vst v63  }
0x1ea: {  	_ =	swait.ge [sflag:s26], $0x4000  }
0x1eb: {  	[sflag:s26] =	ssyncset.done $0x0  }
.Ltmp11:
0x1ec: {  	s3 =	sadd.s32 $0x1480, s0;
	[sflag:s26] =	ssyncadd.s32 $0xFFFFC000;
	(pc) =	sbr.rel @!p1 .LBB2_9-.Ltmp11, $4  }
0x1ed: {  	[spmem:s1] =	stream.indirect.scatter.add.f32 [tilespmem:s25], [sflag:$0x2], $0x80, s3, s23, $0xb8;
	[tilespmem:$0x1E400] =	vst v63  }
0x1ee: {  	_ =	swait.ge [sflag:s21], $0x4000  }
0x1ef: {  	[sflag:s21] =	ssyncset.done $0x0  }
0x1f0: {  	s0 =	sadd.s32 $0x180, s0;
	[sflag:s21] =	ssyncadd.s32 $0xFFFFC000  }
.Ltmp12:
0x1f1: {  	(pc) =	sbr.rel .LBB2_20-.Ltmp12, $3  }
0x1f2: {  	_ =	sdelay $0x1  }
0x1f3: {  	[tilespmem:s25], [sflag:$0x1] =	stream.indirect.gather [hbm4b:s5+s23], $0x80, s0, s23, $0xb8;
	[tilespmem:$0x1E400] =	vst v63  }
0x1f4: {  	s31 =	smov.u32 s9  }
.LBB2_21:
0x1f5: {  	_ =	sfence.sel $0x180000  }
0x1f6: {  	[bflag:$0x0] =	sbarrier.arrive $0xFFFF  }
0x1f7: {  	_ =	strace $0x9000004A  }
0x1f8: {  	s0 =	stileid.u32;
	[bflag:$0x2] =	sbarrier.arrive $0xFFFF  }
0x1f9: {  	p0 =	sne.s32 s0, $0x0;
	s0 =	rddreg [dreg:$0x2]  }
0x1fa: {  	s0 =	sadd.s32 @!p0 $0x100000, s0  }
0x1fb: {  	[sflag:s0] =	ssyncadd.tile.s32 @!p0 $0x1;
	_ =	shalt  }
.Lfunc_end2:
_tile_overlayer_lowered:
.L_overlay_start_2:
0x1fc: {  	(tag) =	ssettag $0x2  }
0x1fd: {  	s0 =	rddreg [dreg:$0x0];
	s2 =	stileid.u32  }
0x1fe: {  	s1 =	rddreg [dreg:$0x1];
	p0 =	sne.s32 s2, $0x0  }
0x1ff: {  	s3 =	rddreg [dreg:$0x2];
	[bflag:$0x3] =	sbarrier.arrive $0xFFFF;
	s2 =	simm.s32 @!p0 $0x1C02  }
0x200: {  	[timem:s3], [sflag:s2] =	dma.local @!p0 [hbm:s0], s1  }
0x201: {  	s0 =	simm.s32 @!p0 $0x2  }
0x202: {  	_ =	swait.ge @!p0 [sflag:s0], s1  }
0x203: {  	s1 =	ssub.s32 @!p0 $0x0, s1;
	[sflag:s0] =	ssyncset.done @!p0 $0x0  }
0x204: {  	[sflag:s0] =	ssyncadd.s32 @!p0 s1  }
0x205: {  	[bflag:$0x3] =	sbarrier.arrive $0xFFFF  }
0x206: {  	_ =	shalt  }

// kernel: kernel.7.cloned.1.call-start
scs
__scs_entry_jumppad:
0x0: {  	(pc) =	sbr.rel $0x88, $3  }
0x1: {  	(tag) =	ssettag $0x0;
	lr =	simm.s32 $0x1  }
0x2: {  	[smem:$0x3F9A] =	sst lr;
	_ =	strace $0xD0000000  }
0x3: {  	_ = 	snop  }
0x4: {  	_ = 	snop  }
0x5: {  	_ = 	snop  }
0x6: {  	_ = 	snop  }
0x7: {  	_ = 	snop  }
__scs_overlays_trampoline_lowered:
0x8: {  	[smem:$0x3FA9] =	sst s0  }
0x9: {  	[smem:$0x3FAA] =	sst s1  }
0xa: {  	[smem:$0x3FAB] =	sst s2  }
0xb: {  	[smem:$0x3FAC] =	sst s3  }
0xc: {  	[smem:$0x3FAD] =	sst s4  }
0xd: {  	[smem:$0x3FAE] =	sst s5  }
0xe: {  	[smem:$0x3FAF] =	sst s6  }
0xf: {  	[smem:$0x3FB0] =	sst s7  }
0x10: {  	[smem:$0x3FB1] =	sst s8  }
0x11: {  	[smem:$0x3FB2] =	sst s9;
	s0 =	simm.s32 @!p0 $0x0  }
0x12: {  	s1 =	sld [smem:$0x3F98];
	s0 =	simm.s32 @p0 $0x1  }
0x13: {  	[smem:$0x3FB3] =	sst s0;
	s0 =	simm.s32 @!p1 $0x0  }
0x14: {  	s2 =	sld [smem:$0x3F97];
	s0 =	simm.s32 @p1 $0x1  }
0x15: {  	[smem:$0x3FB4] =	sst s0;
	s0 =	simm.s32 @!p2 $0x0  }
0x16: {  	s3 =	sld [smem:$0x3FDB];
	s0 =	simm.s32 @p2 $0x1  }
0x17: {  	s4 =	simm.s32 $0x1BF5;
	[smem:$0x3FB6] =	sst s0  }
0x18: {  	s0 =	sld [smem:$0x3F99];
	_ =	swait.ge [sflag:s4], $0x0  }
0x19: {  	s7 =	sld [smem:$0x3F9A]  }
0x1a: {  	s8 =	sadd.s32 $0xFFFFE003, lr  }
0x1b: {  	s9 =	sadd.s32 $0xFFFFFEF7, lr;
	s5 =	simm.s32 $0xFFFFFFFF;
	p2 =	slt.u32 s8, $0xFFFFF086  }
0x1c: {  	p1 =	slt.u32 s9, $0xF7A;
	s5 =	simm.s32 @!p2 $0x0  }
0x1d: {  	s5 =	simm.s32 @p1 $0x1;
	p0 =	seq.s32 s7, s2  }
0x1e: {  	s7 =	smul.u32 @!p0 $0xF7A, s2;
	p2 =	seq.s32 @!p0 s5, $0x0  }
0x1f: {  	s9 =	smul.u32 $0xF7A, s1;
	s8 =	simm.s32 @!p0 $0x1BF5;
	p2 =	por !p2, p0  }
0x20: {  	[sflag:s8] =	ssyncset.s32 @!p0 $0xFFFFF086;
	s6 =	sadd.s32 @!p0 s3, s7;
	s7 =	simm.s32 @!p0 $0x108  }
0x21: {  	s3 =	sadd.s32 s3, s9;
	s6 =	sadd.s32 @!p0 $0x88, s6;
	s7 =	simm.s32 @p2 $0x1082  }
0x22: {  	[simem:s7], [sflag:s8] =	dma.local @!p0 [hbm:s6], $0xF7A  }
0x23: {  	s9 =	sor.u32 $0xD0000000, s2;
	s6 =	simm.s32 $0x108;
	_ =	swait.ge @!p0 [sflag:s8], $0x0  }
0x24: {  	s3 =	sadd.s32 $0x88, s3;
	s6 =	simm.s32 @!p1 $0x1082;
	[sflag:s4] =	ssyncset.s32 $0xFFFFF086  }
0x25: {  	[simem:s6], [sflag:s4] =	dma.local [hbm:s3], $0xF7A  }
0x26: {  	[smem:$0x3F9A] =	sst s1;
	(tag) =	ssettag s2;
	_ =	strace s9  }
0x27: {  	s1 =	sld [smem:$0x3FAA]  }
0x28: {  	s2 =	sld [smem:$0x3FAB]  }
0x29: {  	s4 =	sld [smem:$0x3FAD]  }
0x2a: {  	p0 =	seq.s32 s5, $0x0;
	s5 =	sld [smem:$0x3FAE]  }
0x2b: {  	s6 =	sld [smem:$0x3FAF]  }
0x2c: {  	s7 =	sld [smem:$0x3FB0]  }
0x2d: {  	s3 =	simm.s32 $0x108;
	s8 =	sld [smem:$0x3FB1]  }
0x2e: {  	s3 =	simm.s32 @!p0 $0x1082;
	s9 =	sld [smem:$0x3FB2]  }
0x2f: {  	lr =	sadd.s32 s0, s3;
	s0 =	sld [smem:$0x3FA9]  }
0x30: {  	s3 =	sld [smem:$0x3FAC]  }
0x31: {  	[smem:$0x3FB5] =	sst s10  }
0x32: {  	s10 =	sld [smem:$0x3FB3];
	_ =	sdelay $0x3  }
0x33: {  	p0 =	seq.s32 s10, $0x1;
	s10 =	sld [smem:$0x3FB5];
	_ =	sdelay $0x3  }
0x34: {  	[smem:$0x3FB5] =	sst s10  }
0x35: {  	s10 =	sld [smem:$0x3FB4];
	_ =	sdelay $0x3  }
0x36: {  	p1 =	seq.s32 s10, $0x1;
	s10 =	sld [smem:$0x3FB5];
	_ =	sdelay $0x3  }
0x37: {  	[smem:$0x3FB5] =	sst s10  }
0x38: {  	s10 =	sld [smem:$0x3FB6]  }
0x39: {  	_ = 	snop;
	(pc) =	sbr.ind lr, $3  }
0x3a: {  	_ = 	snop  }
0x3b: {  	_ = 	snop  }
0x3c: {  	p2 =	seq.s32 s10, $0x1;
	s10 =	sld [smem:$0x3FB5]  }
0x3d: {  	_ =	shalt  }
0x3e: {  	_ =	shalt  }
0x3f: {  	_ =	shalt  }
0x40: {  	_ =	shalt  }
0x41: {  	_ =	shalt  }
0x42: {  	_ =	shalt  }
0x43: {  	_ =	shalt  }
0x44: {  	_ =	shalt  }
0x45: {  	_ =	shalt  }
0x46: {  	_ =	shalt  }
0x47: {  	_ =	shalt  }
0x48: {  	_ =	shalt  }
0x49: {  	_ =	shalt  }
0x4a: {  	_ =	shalt  }
0x4b: {  	_ =	shalt  }
0x4c: {  	_ =	shalt  }
0x4d: {  	_ =	shalt  }
0x4e: {  	_ =	shalt  }
0x4f: {  	_ =	shalt  }
0x50: {  	_ =	shalt  }
0x51: {  	_ =	shalt  }
0x52: {  	_ =	shalt  }
0x53: {  	_ =	shalt  }
0x54: {  	_ =	shalt  }
0x55: {  	_ =	shalt  }
0x56: {  	_ =	shalt  }
0x57: {  	_ =	shalt  }
0x58: {  	_ =	shalt  }
0x59: {  	_ =	shalt  }
0x5a: {  	_ =	shalt  }
0x5b: {  	_ =	shalt  }
0x5c: {  	_ =	shalt  }
0x5d: {  	_ =	shalt  }
0x5e: {  	_ =	shalt  }
0x5f: {  	_ =	shalt  }
0x60: {  	_ =	shalt  }
0x61: {  	_ =	shalt  }
0x62: {  	_ =	shalt  }
0x63: {  	_ =	shalt  }
0x64: {  	_ =	shalt  }
0x65: {  	_ =	shalt  }
0x66: {  	_ =	shalt  }
0x67: {  	_ =	shalt  }
0x68: {  	_ =	shalt  }
0x69: {  	_ =	shalt  }
0x6a: {  	_ =	shalt  }
0x6b: {  	_ =	shalt  }
0x6c: {  	_ =	shalt  }
0x6d: {  	_ =	shalt  }
0x6e: {  	_ =	shalt  }
0x6f: {  	_ =	shalt  }
0x70: {  	_ =	shalt  }
0x71: {  	_ =	shalt  }
0x72: {  	_ =	shalt  }
0x73: {  	_ =	shalt  }
0x74: {  	_ =	shalt  }
0x75: {  	_ =	shalt  }
0x76: {  	_ =	shalt  }
0x77: {  	_ =	shalt  }
0x78: {  	_ =	shalt  }
0x79: {  	_ =	shalt  }
0x7a: {  	_ =	shalt  }
0x7b: {  	_ =	shalt  }
0x7c: {  	_ =	shalt  }
0x7d: {  	_ =	shalt  }
0x7e: {  	_ =	shalt  }
0x7f: {  	_ =	shalt  }
0x80: {  	_ =	shalt  }
0x81: {  	_ =	shalt  }
0x82: {  	_ =	shalt  }
0x83: {  	_ =	shalt  }
0x84: {  	_ =	shalt  }
0x85: {  	_ =	shalt  }
0x86: {  	_ =	shalt  }
0x87: {  	_ =	shalt  }
.Lfunc_end0:
.L_simem_size_0:
called_computation_lowered:
.L_overlay_start_0:
0x88: {  	s2 =	sld [smem:$0x3FD9]  }
0x89: {  	s3 =	sld [smem:$0x3FFE];
	_ =	sdelay $0x1  }
0x8a: {  	s1 =	srdreg.scid  }
0x8b: {  	s0 =	sand.u32 $0x1, s1  }
0x8c: {  	s14 =	sshll.u32 s0, $0xA;
	s2 =	sadd.s32 s3, s2  }
0x8d: {  	s2 =	sadd.s32 s2, s14  }
0x8e: {  	[smem:$0x3FC1] =	sst s2  }
0x8f: {  	_ = 	snop  }
0x90: {  	s2 =	sld [smem:$0x3FD0];
	_ =	sdelay $0x2  }
0x91: {  	s15 =	simm.s32 $0xA;
	s4 =	simm.s32 $0x10  }
0x92: {  	[smem:s4], [sflag:s15] =	dma.local [hbm:s2], $0x1  }
0x93: {  	_ =	swait.eq [sflag:s15], $0x1  }
0x94: {  	[sflag:s15] =	ssyncset.done $0x0  }
0x95: {  	[sflag:s15] =	ssyncadd.s32 $0xFFFFFFFF  }
0x96: {  	s16 =	sld [smem:$0x11];
	(tm) =	ssettm $0x1  }
0x97: {  	s17 =	sld [smem:$0x3FFB];
	_ =	sdelay $0x3  }
0x98: {  	_ =	strace s17  }
0x99: {  	s3 =	sld [smem:$0x3FFC];
	_ =	sdelay $0x3  }
0x9a: {  	_ =	strace s3  }
0x9b: {  	s3 =	sld [smem:$0x3FFD];
	_ =	sdelay $0x3  }
0x9c: {  	_ =	strace s3  }
0x9d: {  	_ =	strace $0x8FFFFFFF  }
0x9e: {  	s18 =	sld [smem:$0x3FDB];
	_ =	sdelay $0x1  }
0x9f: {  	s19 =	simm.s32 $_scs_section_size  }
0xa0: {  	s5 =	simm.s32 $_size__tile_overlayer_lowered;
	s6 =	simm.s32 $_tile_overlayer_lowered  }
0xa1: {  	s22 =	simm.s32 $0x1BFF;
	s21 =	sshll.u32 s6, $0x1;
	s3 =	sadd.s32 s19, s18  }
0xa2: {  	s7 =	simm.s32 $0x0;
	s20 =	sshll.u32 s5, $0x1;
	s5 =	sadd.s32 s21, s3  }
0xa3: {  	[timem:s7], [sflag:s22] =	dma.local [hbm:s5], s20  }
0xa4: {  	_ =	swait.ge [sflag:s22], s20  }
0xa5: {  	s4 =	ssub.s32 $0x0, s20;
	[sflag:s22] =	ssyncset.done $0x0  }
0xa6: {  	[sflag:s22] =	ssyncadd.s32 s4;
	_ =	sdelay $0x1  }
0xa7: {  	s23 =	simm.s32 $0x1B8B  }
0xa8: {  	_ =	swait.ge [sflag:s23], $0x1  }
0xa9: {  	[sflag:s23] =	ssyncset.done $0x0  }
0xaa: {  	s25 =	simm.s32 $0x1B8E;
	s24 =	sld [smem:$0x3FFE];
	[sflag:s23] =	ssyncadd.s32 $0xFFFFFFFF  }
0xab: {  	s26 =	simm.s32 $execute0_lowered;
	[smem:$0x3FD2] =	sst s25  }
0xac: {  	s5 =	sshll.u32 s26, $0x1;
	_ =	strace $0x80000046;
	[dreg:$0x1] =	wrdreg $0xFFFFFFFF  }
0xad: {  	s28 =	simm.s32 $_size_execute0_lowered;
	s3 =	sadd.s32 s3, s5;
	[dreg:$0x0] =	wrdreg $0x0  }
0xae: {  	s5 =	sshll.u32 s28, $0x1;
	[dreg:$0x2] =	wrdreg s3  }
0xaf: {  	[dreg:$0x3] =	wrdreg s5  }
0xb0: {  	[dreg:$0x4] =	wrdreg $0xC0  }
0xb1: {  	_ =	task [dreg:s7], $0x5FFFF  }
0xb2: {  	[dreg:$0x1] =	wrdreg $0xFFFFFFFF  }
0xb3: {  	[dreg:$0x0] =	wrdreg $0x60  }
0xb4: {  	[dreg:$0x2] =	wrdreg s24  }
0xb5: {  	[dreg:$0x3] =	wrdreg s16  }
0xb6: {  	[dreg:$0x4] =	wrdreg $0xA8000  }
0xb7: {  	[dreg:$0x5] =	wrdreg $0x9  }
0xb8: {  	_ =	task.clear_ibuf [dreg:s7], $0x6FFFF;
	_ =	strace $0x90000046  }
0xb9: {  	s29 =	simm.s32 $0x9;
	_ =	strace $0x80000048  }
0xba: {  	_ =	swait.ge [sflag:s29], $0x1  }
0xbb: {  	[sflag:s29] =	ssyncadd.s32 $0xFFFFFFFF  }
0xbc: {  	_ =	strace $0x90000048  }
0xbd: {  	_ =	sfence  }
0xbe: {  	s30 =	sld [smem:$0x0];
	_ =	sdelay $0x2  }
0xbf: {  	s31 =	sshll.u32 s1, $0xD;
	s1 =	sshrl.u32 s1, $0x2  }
0xc0: {  	s3 =	sand.u32 $0x4000, s31;
	s1 =	sadd.s32 s1, s30  }
0xc1: {  	s0 =	sor.u32 s3, s0;
	s1 =	sshll.u32 s1, $0x11  }
0xc2: {  	s0 =	sor.u32 s1, s0  }
0xc3: {  	s0 =	sadd.s32 $0x8F2B, s0  }
0xc4: {  	[sflag:s0] =	ssyncadd.remote.s32 $0x1  }
0xc5: {  	_ =	sfence.sel $0xFFFF  }
0xc6: {  	[dreg:$0x0] =	wrdreg $0xFFFFFFFF;
	(pc) =	sbr.abs _section_cstart, $3  }
0xc7: {  	[dreg:$0x1] =	wrdreg $0xFFFFFFFF  }
0xc8: {  	_ =	task.clear_ibuf [dreg:s7], $0x2FFFF;
	_ =	strace $0x9FFFFFFF  }
0xc9: {  	(tm) =	ssettm $0x7FFFFFFF  }
tec
execute0_lowered:
.L_overlay_start_1:
0x0: {  	(tag) =	ssettag $0x1  }
0x1: {  	s0 =	rddreg [dreg:$0x0]  }
0x2: {  	s2 =	rddreg [dreg:$0x2];
	s3 =	simm.s32 $0x0;
	s21 =	stileid.u32  }
0x3: {  	s1 =	srdreg.scid;
	s28 =	simm.s32 $0x2800;
	s8 =	smul.u32 $0x2780, s21  }
0x4: {  	s29 =	simm.s32 $0x6800;
	s30 =	simm.s32 $0x1;
	s12 =	smul.u32 $0x4F000, s21  }
0x5: {  	s31 =	simm.s32 $0x2700;
	[smem:$0x7FF] =	sst s3;
	s13 =	smul.u32 $0x2800, s21  }
0x6: {  	s5 =	sadd.s32 $0x79800, s0;
	s6 =	sadd.s32 $0x2B400, s0;
	s14 =	smul.u32 $0x500, s21  }
0x7: {  	s7 =	sadd.s32 $0x52600, s0;
	s1 =	sand.u32 $0x1, s1;
	s17 =	smul.u32 $0x1400, s21  }
0x8: {  	s4 =	sadd.s32 $0xA5A00, s0;
	s9 =	sadd.s32 $0xA0A00, s0;
	s18 =	smul.u32 $0x280, s21  }
0x9: {  	s26 =	sshll.u32 s21, $0x6;
	_ =	strace $0x80000047;
	s10 =	ssub.s32 $0x2, s1  }
0xa: {  	p0 =	seq.s32 s1, $0x1;
	s16 =	sadd.s32 s8, s0;
	s11 =	sshrl.u32 s10, $0x1  }
0xb: {  	s0 =	sadd.s32 $0xD2200, s0;
	s20 =	sshrl.u32 s12, $0x2;
	s22 =	sshrl.u32 s13, $0x3  }
0xc: {  	s12 =	sadd.s32 s4, s14;
	s13 =	sadd.s32 s9, s14;
	s24 =	sshrl.u32 s17, $0x3  }
0xd: {  	s25 =	sadd.s32 s4, s18;
	s18 =	sadd.s32 s9, s18;
	[dreg:$0x4] =	wrdreg s0  }
0xe: {  	s0 =	ssub.s32 s10, s11;
	s10 =	sadd.s32 s20, s2;
	s11 =	sadd.s32 $0xAAA00, s16  }
0xf: {  	s1 =	sadd.s32 $0x280, s22;
	s23 =	sadd.s32 $0xF9A00, s16;
	[dreg:$0x6] =	wrdreg s25  }
.Ltmp0:
0x10: {  	s19 =	sadd.s32 $0x121200, s16;
	s25 =	simm.s32 $0x1400;
	(pc) =	sbr.rel .LBB2_1-.Ltmp0, $4  }
0x11: {  	s14 =	sadd.s32 s4, s1;
	s15 =	sadd.s32 s9, s1;
	[dreg:$0x5] =	wrdreg s23  }
0x12: {  	s1 =	sadd.s32 $0x2800, s24;
	s22 =	smax.u32 s0, $0x1;
	s23 =	sor.u32 $0x1C02, s26  }
0x13: {  	s24 =	simm.s32 $0x2;
	s26 =	simm.s32 $0x80;
	s0 =	simm.s32 $0x2780  }
0x14: {  	s20 =	sadd.s32 s4, s1;
	s21 =	sadd.s32 s9, s1;
	s4 =	simm.s32 $0x0  }
.LBB2_15:
0x15: {  	[tilespmem:s29], [sflag:$0x1] =	stream.indirect.gather [hbm4b:s7+s26], $0x80, s16, s26, $0xb8;
	[tilespmem:$0x1E400] =	vst v63  }
0x16: {  	s9 =	rddreg [dreg:$0x4]  }
.LBB2_16:
0x17: {  	_ =	swait.ge [sflag:s30], $0x4000  }
0x18: {  	[sflag:s30] =	ssyncset.done $0x0  }
0x19: {  	[sflag:s30] =	ssyncadd.s32 $0xFFFFC000  }
0x1a: {  	[spmem:s2] =	stream.indirect.scatter.add.f32 [tilespmem:s28], [sflag:$0x2], $0x80, s31, s26, $0xb8;
	[tilespmem:$0x1E400] =	vst v63  }
0x1b: {  	_ =	swait.ge [sflag:s24], $0x4000  }
0x1c: {  	[sflag:s24] =	ssyncset.done $0x0  }
0x1d: {  	[sflag:s24] =	ssyncadd.s32 $0xFFFFC000  }
0x1e: {  	_ =	swait.ge [sflag:s30], $0x4000  }
0x1f: {  	[sflag:s30] =	ssyncset.done $0x0  }
0x20: {  	[sflag:s30] =	ssyncadd.s32 $0xFFFFC000  }
0x21: {  	[spmem:s2] =	stream.indirect.scatter.add.f32 [tilespmem:s29], [sflag:$0x2], $0x80, s0, s26, $0xb8;
	[tilespmem:$0x1E400] =	vst v63  }
0x22: {  	_ =	swait.ge [sflag:s24], $0x4000  }
0x23: {  	[sflag:s24] =	ssyncset.done $0x0  }
0x24: {  	s4 =	sadd.s32 $0x1, s4;
	[sflag:s24] =	ssyncadd.s32 $0xFFFFC000  }
0x25: {  	s9 =	sadd.s32 s9, s8;
	p1 =	sne.s32 s4, s22;
	[bflag:$0x0] =	sbarrier.arrive $0xFFFF  }
0x26: {  	[hbm:s9], [sflag:s23] =	dma.local [spmem:s1], $0x2780  }
.Ltmp1:
0x27: {  	_ =	swait.ge [sflag:s24], $0x2780;
	(pc) =	sbr.rel @!p1 .LBB2_17-.Ltmp1, $3  }
0x28: {  	[sflag:s24] =	ssyncset.done $0x0  }
0x29: {  	[sflag:s24] =	ssyncadd.s32 $0xFFFFD880  }
0x2a: {  	[bflag:$0x0] =	sbarrier.arrive $0xFFFF;
	_ =	sdelay $0x1  }
.LBB2_1:
0x2b: {  	s1 =	sshrl.u32 s10, $0x3  }
0x2c: {  	[spmem:s1], [sflag:s23] =	dma.local [hbm:s11], $0x2780  }
0x2d: {  	_ =	swait.ge [sflag:s24], $0x2780  }
0x2e: {  	[sflag:s24] =	ssyncset.done $0x0  }
0x2f: {  	[sflag:s24] =	ssyncadd.s32 $0xFFFFD880  }
0x30: {  	[tilespmem:s3], [sflag:$0x2] =	stream.linear.gather [hbm4b:s12+s3], $0x1400, $0x38;
	[tilespmem:$0x1E400] =	vst v63  }
0x31: {  	_ =	swait.ge [sflag:s24], $0x1400  }
0x32: {  	[sflag:s24] =	ssyncset.done $0x0  }
0x33: {  	[sflag:s24] =	ssyncadd.s32 $0xFFFFEC00  }
0x34: {  	[tilespmem:s25], [sflag:$0x2] =	stream.linear.gather [hbm4b:s13+s3], $0x1400, $0x38;
	[tilespmem:$0x1E400] =	vst v63  }
.Ltmp2:
0x35: {  	_ =	swait.ge [sflag:s24], $0x1400;
	(pc) =	sbr.rel @!p0 .LBB2_2-.Ltmp2, $4  }
0x36: {  	[sflag:s24] =	ssyncset.done $0x0  }
0x37: {  	[sflag:s24] =	ssyncadd.s32 $0xFFFFEC00  }
0x38: {  	[bflag:$0x0] =	sbarrier.arrive $0xFFFF  }
0x39: {  	s9 =	simm.s32 $0x0  }
0x3a: {  	[tilespmem:s28], [sflag:$0x1] =	stream.indirect.gather [hbm4b:s6+s26], $0x80, s9, s26, $0xb8;
	[tilespmem:$0x1E400] =	vst v63  }
0x3b: {  	_ = 	snop  }
0x3c: {  	[tilespmem:s29], [sflag:$0x1] =	stream.indirect.gather [hbm4b:s6+s26], $0x80, s26, s26, $0xb8;
	[tilespmem:$0x1E400] =	vst v63  }
0x3d: {  	_ =	swait.ge [sflag:s30], $0x4000  }
0x3e: {  	[sflag:s30] =	ssyncset.done $0x0  }
0x3f: {  	s17 =	simm.s32 $0x1400;
	[sflag:s30] =	ssyncadd.s32 $0xFFFFC000  }
0x40: {  	[spmem:s2] =	stream.indirect.scatter.add.f32 [tilespmem:s28], [sflag:$0x2], $0x80, s17, s26, $0xb8;
	[tilespmem:$0x1E400] =	vst v63  }
0x41: {  	_ =	swait.ge [sflag:s24], $0x4000  }
0x42: {  	[sflag:s24] =	ssyncset.done $0x0  }
0x43: {  	s16 =	simm.s32 $0x100;
	[sflag:s24] =	ssyncadd.s32 $0xFFFFC000  }
0x44: {  	[tilespmem:s28], [sflag:$0x1] =	stream.indirect.gather [hbm4b:s6+s26], $0x80, s16, s26, $0xb8;
	[tilespmem:$0x1E400] =	vst v63  }
0x45: {  	_ =	swait.ge [sflag:s30], $0x4000  }
0x46: {  	[sflag:s30] =	ssyncset.done $0x0  }
0x47: {  	s17 =	simm.s32 $0x1480;
	[sflag:s30] =	ssyncadd.s32 $0xFFFFC000  }
0x48: {  	[spmem:s2] =	stream.indirect.scatter.add.f32 [tilespmem:s29], [sflag:$0x2], $0x80, s17, s26, $0xb8;
	[tilespmem:$0x1E400] =	vst v63  }
0x49: {  	_ =	swait.ge [sflag:s24], $0x4000  }
0x4a: {  	[sflag:s24] =	ssyncset.done $0x0  }
0x4b: {  	s9 =	simm.s32 $0x400;
	s16 =	simm.s32 $0x180;
	[sflag:s24] =	ssyncadd.s32 $0xFFFFC000  }
.LBB2_10:
0x4c: {  	[tilespmem:s29], [sflag:$0x1] =	stream.indirect.gather [hbm4b:s6+s26], $0x80, s16, s26, $0xb8;
	[tilespmem:$0x1E400] =	vst v63  }
0x4d: {  	s16 =	smov.u32 s9  }
0x4e: {  	p1 =	sne.s32 s9, $0x4800;
	s9 =	sadd.s32 $0x400, s9;
	_ =	swait.ge [sflag:s30], $0x4000  }
0x4f: {  	s16 =	sshra.s32 s16, $0x2;
	[sflag:s30] =	ssyncset.done $0x0  }
0x50: {  	s17 =	sadd.s32 $0x1400, s16;
	[sflag:s30] =	ssyncadd.s32 $0xFFFFC000  }
0x51: {  	[spmem:s2] =	stream.indirect.scatter.add.f32 [tilespmem:s28], [sflag:$0x2], $0x80, s17, s26, $0xb8;
	[tilespmem:$0x1E400] =	vst v63  }
0x52: {  	_ =	swait.ge [sflag:s24], $0x4000  }
0x53: {  	[sflag:s24] =	ssyncset.done $0x0  }
0x54: {  	s17 =	sadd.s32 $0x100, s16;
	[sflag:s24] =	ssyncadd.s32 $0xFFFFC000  }
0x55: {  	[tilespmem:s28], [sflag:$0x1] =	stream.indirect.gather [hbm4b:s6+s26], $0x80, s17, s26, $0xb8;
	[tilespmem:$0x1E400] =	vst v63  }
0x56: {  	_ =	swait.ge [sflag:s30], $0x4000  }
0x57: {  	[sflag:s30] =	ssyncset.done $0x0  }
.Ltmp3:
0x58: {  	s17 =	sadd.s32 $0x1480, s16;
	[sflag:s30] =	ssyncadd.s32 $0xFFFFC000;
	(pc) =	sbr.rel @p1 .LBB2_10-.Ltmp3, $4  }
0x59: {  	[spmem:s2] =	stream.indirect.scatter.add.f32 [tilespmem:s29], [sflag:$0x2], $0x80, s17, s26, $0xb8;
	[tilespmem:$0x1E400] =	vst v63  }
0x5a: {  	_ =	swait.ge [sflag:s24], $0x4000  }
0x5b: {  	[sflag:s24] =	ssyncset.done $0x0  }
0x5c: {  	s16 =	sadd.s32 $0x180, s16;
	[sflag:s24] =	ssyncadd.s32 $0xFFFFC000  }
0x5d: {  	[tilespmem:s29], [sflag:$0x1] =	stream.indirect.gather [hbm4b:s6+s26], $0x80, s16, s26, $0xb8;
	[tilespmem:$0x1E400] =	vst v63  }
0x5e: {  	_ =	swait.ge [sflag:s30], $0x4000  }
0x5f: {  	[sflag:s30] =	ssyncset.done $0x0  }
0x60: {  	[sflag:s30] =	ssyncadd.s32 $0xFFFFC000  }
0x61: {  	[spmem:s2] =	stream.indirect.scatter.add.f32 [tilespmem:s28], [sflag:$0x2], $0x80, s31, s26, $0xb8;
	[tilespmem:$0x1E400] =	vst v63  }
0x62: {  	_ =	swait.ge [sflag:s24], $0x4000  }
0x63: {  	[sflag:s24] =	ssyncset.done $0x0  }
0x64: {  	[sflag:s24] =	ssyncadd.s32 $0xFFFFC000  }
0x65: {  	_ =	swait.ge [sflag:s30], $0x4000  }
0x66: {  	[sflag:s30] =	ssyncset.done $0x0  }
0x67: {  	[sflag:s30] =	ssyncadd.s32 $0xFFFFC000  }
0x68: {  	[spmem:s2] =	stream.indirect.scatter.add.f32 [tilespmem:s29], [sflag:$0x2], $0x80, s0, s26, $0xb8;
	[tilespmem:$0x1E400] =	vst v63  }
0x69: {  	_ =	swait.ge [sflag:s24], $0x4000  }
0x6a: {  	[sflag:s24] =	ssyncset.done $0x0  }
0x6b: {  	s9 =	simm.s32 $0x0;
	[sflag:s24] =	ssyncadd.s32 $0xFFFFC000  }
0x6c: {  	[tilespmem:s9], [sflag:$0x2] =	stream.linear.gather [hbm4b:s14+s9], $0x1400, $0x38;
	[tilespmem:$0x1E400] =	vst v63  }
0x6d: {  	_ =	swait.ge [sflag:s24], $0x1400  }
0x6e: {  	[sflag:s24] =	ssyncset.done $0x0  }
0x6f: {  	[sflag:s24] =	ssyncadd.s32 $0xFFFFEC00  }
0x70: {  	[tilespmem:s25], [sflag:$0x2] =	stream.linear.gather [hbm4b:s15+s9], $0x1400, $0x38;
	[tilespmem:$0x1E400] =	vst v63  }
0x71: {  	_ =	swait.ge [sflag:s24], $0x1400  }
0x72: {  	[sflag:s24] =	ssyncset.done $0x0  }
0x73: {  	[sflag:s24] =	ssyncadd.s32 $0xFFFFEC00  }
0x74: {  	[tilespmem:s28], [sflag:$0x1] =	stream.indirect.gather [hbm4b:s6+s26], $0x80, s9, s26, $0xb8;
	[tilespmem:$0x1E400] =	vst v63  }
0x75: {  	_ = 	snop  }
0x76: {  	[tilespmem:s29], [sflag:$0x1] =	stream.indirect.gather [hbm4b:s6+s26], $0x80, s26, s26, $0xb8;
	[tilespmem:$0x1E400] =	vst v63  }
0x77: {  	_ =	swait.ge [sflag:s30], $0x4000  }
0x78: {  	[sflag:s30] =	ssyncset.done $0x0  }
0x79: {  	s17 =	simm.s32 $0x1400;
	[sflag:s30] =	ssyncadd.s32 $0xFFFFC000  }
0x7a: {  	[spmem:s2] =	stream.indirect.scatter.add.f32 [tilespmem:s28], [sflag:$0x2], $0x80, s17, s26, $0xb8;
	[tilespmem:$0x1E400] =	vst v63  }
0x7b: {  	_ =	swait.ge [sflag:s24], $0x4000  }
0x7c: {  	[sflag:s24] =	ssyncset.done $0x0  }
0x7d: {  	s16 =	simm.s32 $0x100;
	[sflag:s24] =	ssyncadd.s32 $0xFFFFC000  }
0x7e: {  	[tilespmem:s28], [sflag:$0x1] =	stream.indirect.gather [hbm4b:s6+s26], $0x80, s16, s26, $0xb8;
	[tilespmem:$0x1E400] =	vst v63  }
0x7f: {  	_ =	swait.ge [sflag:s30], $0x4000  }
0x80: {  	[sflag:s30] =	ssyncset.done $0x0  }
0x81: {  	s17 =	simm.s32 $0x1480;
	[sflag:s30] =	ssyncadd.s32 $0xFFFFC000  }
0x82: {  	[spmem:s2] =	stream.indirect.scatter.add.f32 [tilespmem:s29], [sflag:$0x2], $0x80, s17, s26, $0xb8;
	[tilespmem:$0x1E400] =	vst v63  }
0x83: {  	_ =	swait.ge [sflag:s24], $0x4000  }
0x84: {  	[sflag:s24] =	ssyncset.done $0x0  }
0x85: {  	s9 =	simm.s32 $0x400;
	s16 =	simm.s32 $0x180;
	[sflag:s24] =	ssyncadd.s32 $0xFFFFC000  }
.LBB2_12:
0x86: {  	[tilespmem:s29], [sflag:$0x1] =	stream.indirect.gather [hbm4b:s6+s26], $0x80, s16, s26, $0xb8;
	[tilespmem:$0x1E400] =	vst v63  }
0x87: {  	s16 =	smov.u32 s9  }
0x88: {  	p1 =	sne.s32 s9, $0x4800;
	s9 =	sadd.s32 $0x400, s9;
	_ =	swait.ge [sflag:s30], $0x4000  }
0x89: {  	s16 =	sshra.s32 s16, $0x2;
	[sflag:s30] =	ssyncset.done $0x0  }
0x8a: {  	s17 =	sadd.s32 $0x1400, s16;
	[sflag:s30] =	ssyncadd.s32 $0xFFFFC000  }
0x8b: {  	[spmem:s2] =	stream.indirect.scatter.add.f32 [tilespmem:s28], [sflag:$0x2], $0x80, s17, s26, $0xb8;
	[tilespmem:$0x1E400] =	vst v63  }
0x8c: {  	_ =	swait.ge [sflag:s24], $0x4000  }
0x8d: {  	[sflag:s24] =	ssyncset.done $0x0  }
0x8e: {  	s17 =	sadd.s32 $0x100, s16;
	[sflag:s24] =	ssyncadd.s32 $0xFFFFC000  }
0x8f: {  	[tilespmem:s28], [sflag:$0x1] =	stream.indirect.gather [hbm4b:s6+s26], $0x80, s17, s26, $0xb8;
	[tilespmem:$0x1E400] =	vst v63  }
0x90: {  	_ =	swait.ge [sflag:s30], $0x4000  }
0x91: {  	[sflag:s30] =	ssyncset.done $0x0  }
.Ltmp4:
0x92: {  	s17 =	sadd.s32 $0x1480, s16;
	[sflag:s30] =	ssyncadd.s32 $0xFFFFC000;
	(pc) =	sbr.rel @p1 .LBB2_12-.Ltmp4, $4  }
0x93: {  	[spmem:s2] =	stream.indirect.scatter.add.f32 [tilespmem:s29], [sflag:$0x2], $0x80, s17, s26, $0xb8;
	[tilespmem:$0x1E400] =	vst v63  }
0x94: {  	_ =	swait.ge [sflag:s24], $0x4000  }
0x95: {  	[sflag:s24] =	ssyncset.done $0x0  }
0x96: {  	s16 =	sadd.s32 $0x180, s16;
	[sflag:s24] =	ssyncadd.s32 $0xFFFFC000  }
0x97: {  	[tilespmem:s29], [sflag:$0x1] =	stream.indirect.gather [hbm4b:s6+s26], $0x80, s16, s26, $0xb8;
	[tilespmem:$0x1E400] =	vst v63  }
0x98: {  	_ =	swait.ge [sflag:s30], $0x4000  }
0x99: {  	[sflag:s30] =	ssyncset.done $0x0  }
0x9a: {  	[sflag:s30] =	ssyncadd.s32 $0xFFFFC000  }
0x9b: {  	[spmem:s2] =	stream.indirect.scatter.add.f32 [tilespmem:s28], [sflag:$0x2], $0x80, s31, s26, $0xb8;
	[tilespmem:$0x1E400] =	vst v63  }
0x9c: {  	_ =	swait.ge [sflag:s24], $0x4000  }
0x9d: {  	[sflag:s24] =	ssyncset.done $0x0  }
0x9e: {  	[sflag:s24] =	ssyncadd.s32 $0xFFFFC000  }
0x9f: {  	_ =	swait.ge [sflag:s30], $0x4000  }
0xa0: {  	[sflag:s30] =	ssyncset.done $0x0  }
0xa1: {  	[sflag:s30] =	ssyncadd.s32 $0xFFFFC000  }
0xa2: {  	[spmem:s2] =	stream.indirect.scatter.add.f32 [tilespmem:s29], [sflag:$0x2], $0x80, s0, s26, $0xb8;
	[tilespmem:$0x1E400] =	vst v63  }
0xa3: {  	_ =	swait.ge [sflag:s24], $0x4000  }
0xa4: {  	[sflag:s24] =	ssyncset.done $0x0  }
0xa5: {  	[sflag:s24] =	ssyncadd.s32 $0xFFFFC000  }
0xa6: {  	[bflag:$0x0] =	sbarrier.arrive $0xFFFF  }
0xa7: {  	[hbm:s19], [sflag:s23] =	dma.local [spmem:s1], $0x2780  }
0xa8: {  	_ =	swait.ge [sflag:s24], $0x2780  }
0xa9: {  	[sflag:s24] =	ssyncset.done $0x0  }
0xaa: {  	[sflag:s24] =	ssyncadd.s32 $0xFFFFD880  }
0xab: {  	[bflag:$0x0] =	sbarrier.arrive $0xFFFF  }
0xac: {  	[spmem:s1], [sflag:s23] =	dma.local [hbm:s11], $0x2780  }
0xad: {  	_ =	swait.ge [sflag:s24], $0x2780  }
0xae: {  	[sflag:s24] =	ssyncset.done $0x0  }
0xaf: {  	s9 =	simm.s32 $0x0;
	[sflag:s24] =	ssyncadd.s32 $0xFFFFD880  }
0xb0: {  	[tilespmem:s9], [sflag:$0x2] =	stream.linear.gather [hbm4b:s20+s9], $0x1400, $0x38;
	[tilespmem:$0x1E400] =	vst v63  }
0xb1: {  	_ =	swait.ge [sflag:s24], $0x1400  }
0xb2: {  	[sflag:s24] =	ssyncset.done $0x0  }
0xb3: {  	[sflag:s24] =	ssyncadd.s32 $0xFFFFEC00  }
0xb4: {  	[tilespmem:s25], [sflag:$0x2] =	stream.linear.gather [hbm4b:s21+s9], $0x1400, $0x38;
	[tilespmem:$0x1E400] =	vst v63  }
0xb5: {  	_ =	swait.ge [sflag:s24], $0x1400  }
0xb6: {  	[sflag:s24] =	ssyncset.done $0x0  }
0xb7: {  	[sflag:s24] =	ssyncadd.s32 $0xFFFFEC00  }
0xb8: {  	[bflag:$0x0] =	sbarrier.arrive $0xFFFF  }
0xb9: {  	[tilespmem:s28], [sflag:$0x1] =	stream.indirect.gather [hbm4b:s7+s26], $0x80, s9, s26, $0xb8;
	[tilespmem:$0x1E400] =	vst v63  }
0xba: {  	_ = 	snop  }
0xbb: {  	[tilespmem:s29], [sflag:$0x1] =	stream.indirect.gather [hbm4b:s7+s26], $0x80, s26, s26, $0xb8;
	[tilespmem:$0x1E400] =	vst v63  }
0xbc: {  	_ =	swait.ge [sflag:s30], $0x4000  }
0xbd: {  	[sflag:s30] =	ssyncset.done $0x0  }
0xbe: {  	s17 =	simm.s32 $0x1400;
	[sflag:s30] =	ssyncadd.s32 $0xFFFFC000  }
0xbf: {  	[spmem:s2] =	stream.indirect.scatter.add.f32 [tilespmem:s28], [sflag:$0x2], $0x80, s17, s26, $0xb8;
	[tilespmem:$0x1E400] =	vst v63  }
0xc0: {  	_ =	swait.ge [sflag:s24], $0x4000  }
0xc1: {  	[sflag:s24] =	ssyncset.done $0x0  }
0xc2: {  	s16 =	simm.s32 $0x100;
	[sflag:s24] =	ssyncadd.s32 $0xFFFFC000  }
0xc3: {  	[tilespmem:s28], [sflag:$0x1] =	stream.indirect.gather [hbm4b:s7+s26], $0x80, s16, s26, $0xb8;
	[tilespmem:$0x1E400] =	vst v63  }
0xc4: {  	_ =	swait.ge [sflag:s30], $0x4000  }
0xc5: {  	[sflag:s30] =	ssyncset.done $0x0  }
0xc6: {  	s17 =	simm.s32 $0x1480;
	[sflag:s30] =	ssyncadd.s32 $0xFFFFC000  }
0xc7: {  	[spmem:s2] =	stream.indirect.scatter.add.f32 [tilespmem:s29], [sflag:$0x2], $0x80, s17, s26, $0xb8;
	[tilespmem:$0x1E400] =	vst v63  }
0xc8: {  	_ =	swait.ge [sflag:s24], $0x4000  }
0xc9: {  	[sflag:s24] =	ssyncset.done $0x0  }
0xca: {  	s9 =	simm.s32 $0x400;
	s16 =	simm.s32 $0x180;
	[sflag:s24] =	ssyncadd.s32 $0xFFFFC000  }
.LBB2_14:
0xcb: {  	[tilespmem:s29], [sflag:$0x1] =	stream.indirect.gather [hbm4b:s7+s26], $0x80, s16, s26, $0xb8;
	[tilespmem:$0x1E400] =	vst v63  }
0xcc: {  	s16 =	smov.u32 s9  }
0xcd: {  	p1 =	sne.s32 s9, $0x4800;
	s9 =	sadd.s32 $0x400, s9;
	_ =	swait.ge [sflag:s30], $0x4000  }
0xce: {  	s16 =	sshra.s32 s16, $0x2;
	[sflag:s30] =	ssyncset.done $0x0  }
0xcf: {  	s17 =	sadd.s32 $0x1400, s16;
	[sflag:s30] =	ssyncadd.s32 $0xFFFFC000  }
0xd0: {  	[spmem:s2] =	stream.indirect.scatter.add.f32 [tilespmem:s28], [sflag:$0x2], $0x80, s17, s26, $0xb8;
	[tilespmem:$0x1E400] =	vst v63  }
0xd1: {  	_ =	swait.ge [sflag:s24], $0x4000  }
0xd2: {  	[sflag:s24] =	ssyncset.done $0x0  }
0xd3: {  	s17 =	sadd.s32 $0x100, s16;
	[sflag:s24] =	ssyncadd.s32 $0xFFFFC000  }
0xd4: {  	[tilespmem:s28], [sflag:$0x1] =	stream.indirect.gather [hbm4b:s7+s26], $0x80, s17, s26, $0xb8;
	[tilespmem:$0x1E400] =	vst v63  }
0xd5: {  	_ =	swait.ge [sflag:s30], $0x4000  }
0xd6: {  	[sflag:s30] =	ssyncset.done $0x0  }
.Ltmp5:
0xd7: {  	s17 =	sadd.s32 $0x1480, s16;
	[sflag:s30] =	ssyncadd.s32 $0xFFFFC000;
	(pc) =	sbr.rel @p1 .LBB2_14-.Ltmp5, $4  }
0xd8: {  	[spmem:s2] =	stream.indirect.scatter.add.f32 [tilespmem:s29], [sflag:$0x2], $0x80, s17, s26, $0xb8;
	[tilespmem:$0x1E400] =	vst v63  }
0xd9: {  	_ =	swait.ge [sflag:s24], $0x4000  }
0xda: {  	[sflag:s24] =	ssyncset.done $0x0  }
0xdb: {  	s16 =	sadd.s32 $0x180, s16;
	[sflag:s24] =	ssyncadd.s32 $0xFFFFC000  }
.Ltmp6:
0xdc: {  	_ = 	snop;
	(pc) =	sbr.rel .LBB2_15-.Ltmp6, $1  }
0xdd: {  	_ =	sdelay $0x3  }
.LBB2_2:
0xde: {  	[tilespmem:s28], [sflag:$0x1] =	stream.indirect.gather [hbm4b:s5+s26], $0x80, s9, s26, $0xb8;
	[tilespmem:$0x1E400] =	vst v63  }
0xdf: {  	_ = 	snop  }
0xe0: {  	[tilespmem:s29], [sflag:$0x1] =	stream.indirect.gather [hbm4b:s5+s26], $0x80, s26, s26, $0xb8;
	[tilespmem:$0x1E400] =	vst v63  }
0xe1: {  	_ =	swait.ge [sflag:s30], $0x4000  }
0xe2: {  	[sflag:s30] =	ssyncset.done $0x0  }
0xe3: {  	s17 =	simm.s32 $0x1400;
	[sflag:s30] =	ssyncadd.s32 $0xFFFFC000  }
0xe4: {  	[spmem:s2] =	stream.indirect.scatter.add.f32 [tilespmem:s28], [sflag:$0x2], $0x80, s17, s26, $0xb8;
	[tilespmem:$0x1E400] =	vst v63  }
0xe5: {  	_ =	swait.ge [sflag:s24], $0x4000  }
0xe6: {  	[sflag:s24] =	ssyncset.done $0x0  }
0xe7: {  	s16 =	simm.s32 $0x100;
	[sflag:s24] =	ssyncadd.s32 $0xFFFFC000  }
0xe8: {  	[tilespmem:s28], [sflag:$0x1] =	stream.indirect.gather [hbm4b:s5+s26], $0x80, s16, s26, $0xb8;
	[tilespmem:$0x1E400] =	vst v63  }
0xe9: {  	_ =	swait.ge [sflag:s30], $0x4000  }
0xea: {  	[sflag:s30] =	ssyncset.done $0x0  }
0xeb: {  	s17 =	simm.s32 $0x1480;
	[sflag:s30] =	ssyncadd.s32 $0xFFFFC000  }
0xec: {  	[spmem:s2] =	stream.indirect.scatter.add.f32 [tilespmem:s29], [sflag:$0x2], $0x80, s17, s26, $0xb8;
	[tilespmem:$0x1E400] =	vst v63  }
0xed: {  	_ =	swait.ge [sflag:s24], $0x4000  }
0xee: {  	[sflag:s24] =	ssyncset.done $0x0  }
0xef: {  	s9 =	simm.s32 $0x400;
	s16 =	simm.s32 $0x180;
	[sflag:s24] =	ssyncadd.s32 $0xFFFFC000  }
.LBB2_3:
0xf0: {  	[tilespmem:s29], [sflag:$0x1] =	stream.indirect.gather [hbm4b:s5+s26], $0x80, s16, s26, $0xb8;
	[tilespmem:$0x1E400] =	vst v63  }
0xf1: {  	s16 =	smov.u32 s9  }
0xf2: {  	p1 =	sne.s32 s9, $0x4800;
	s9 =	sadd.s32 $0x400, s9;
	_ =	swait.ge [sflag:s30], $0x4000  }
0xf3: {  	s16 =	sshra.s32 s16, $0x2;
	[sflag:s30] =	ssyncset.done $0x0  }
0xf4: {  	s17 =	sadd.s32 $0x1400, s16;
	[sflag:s30] =	ssyncadd.s32 $0xFFFFC000  }
0xf5: {  	[spmem:s2] =	stream.indirect.scatter.add.f32 [tilespmem:s28], [sflag:$0x2], $0x80, s17, s26, $0xb8;
	[tilespmem:$0x1E400] =	vst v63  }
0xf6: {  	_ =	swait.ge [sflag:s24], $0x4000  }
0xf7: {  	[sflag:s24] =	ssyncset.done $0x0  }
0xf8: {  	s17 =	sadd.s32 $0x100, s16;
	[sflag:s24] =	ssyncadd.s32 $0xFFFFC000  }
0xf9: {  	[tilespmem:s28], [sflag:$0x1] =	stream.indirect.gather [hbm4b:s5+s26], $0x80, s17, s26, $0xb8;
	[tilespmem:$0x1E400] =	vst v63  }
0xfa: {  	_ =	swait.ge [sflag:s30], $0x4000  }
0xfb: {  	[sflag:s30] =	ssyncset.done $0x0  }
.Ltmp7:
0xfc: {  	s17 =	sadd.s32 $0x1480, s16;
	[sflag:s30] =	ssyncadd.s32 $0xFFFFC000;
	(pc) =	sbr.rel @p1 .LBB2_3-.Ltmp7, $4  }
0xfd: {  	[spmem:s2] =	stream.indirect.scatter.add.f32 [tilespmem:s29], [sflag:$0x2], $0x80, s17, s26, $0xb8;
	[tilespmem:$0x1E400] =	vst v63  }
0xfe: {  	_ =	swait.ge [sflag:s24], $0x4000  }
0xff: {  	[sflag:s24] =	ssyncset.done $0x0  }
0x100: {  	s16 =	sadd.s32 $0x180, s16;
	[sflag:s24] =	ssyncadd.s32 $0xFFFFC000  }
0x101: {  	[tilespmem:s29], [sflag:$0x1] =	stream.indirect.gather [hbm4b:s5+s26], $0x80, s16, s26, $0xb8;
	[tilespmem:$0x1E400] =	vst v63  }
0x102: {  	_ =	swait.ge [sflag:s30], $0x4000  }
0x103: {  	[sflag:s30] =	ssyncset.done $0x0  }
0x104: {  	[sflag:s30] =	ssyncadd.s32 $0xFFFFC000  }
0x105: {  	[spmem:s2] =	stream.indirect.scatter.add.f32 [tilespmem:s28], [sflag:$0x2], $0x80, s31, s26, $0xb8;
	[tilespmem:$0x1E400] =	vst v63  }
0x106: {  	_ =	swait.ge [sflag:s24], $0x4000  }
0x107: {  	[sflag:s24] =	ssyncset.done $0x0  }
0x108: {  	[sflag:s24] =	ssyncadd.s32 $0xFFFFC000  }
0x109: {  	_ =	swait.ge [sflag:s30], $0x4000  }
0x10a: {  	[sflag:s30] =	ssyncset.done $0x0  }
0x10b: {  	[sflag:s30] =	ssyncadd.s32 $0xFFFFC000  }
0x10c: {  	[spmem:s2] =	stream.indirect.scatter.add.f32 [tilespmem:s29], [sflag:$0x2], $0x80, s0, s26, $0xb8;
	[tilespmem:$0x1E400] =	vst v63  }
0x10d: {  	_ =	swait.ge [sflag:s24], $0x4000  }
0x10e: {  	[sflag:s24] =	ssyncset.done $0x0  }
0x10f: {  	s9 =	simm.s32 $0x0;
	[sflag:s24] =	ssyncadd.s32 $0xFFFFC000  }
0x110: {  	[tilespmem:s9], [sflag:$0x2] =	stream.linear.gather [hbm4b:s14+s9], $0x1400, $0x38;
	[tilespmem:$0x1E400] =	vst v63  }
0x111: {  	_ =	swait.ge [sflag:s24], $0x1400  }
0x112: {  	[sflag:s24] =	ssyncset.done $0x0  }
0x113: {  	[sflag:s24] =	ssyncadd.s32 $0xFFFFEC00  }
0x114: {  	[tilespmem:s25], [sflag:$0x2] =	stream.linear.gather [hbm4b:s15+s9], $0x1400, $0x38;
	[tilespmem:$0x1E400] =	vst v63  }
0x115: {  	_ =	swait.ge [sflag:s24], $0x1400  }
0x116: {  	[sflag:s24] =	ssyncset.done $0x0  }
0x117: {  	[sflag:s24] =	ssyncadd.s32 $0xFFFFEC00  }
0x118: {  	[tilespmem:s28], [sflag:$0x1] =	stream.indirect.gather [hbm4b:s5+s26], $0x80, s9, s26, $0xb8;
	[tilespmem:$0x1E400] =	vst v63  }
0x119: {  	_ = 	snop  }
0x11a: {  	[tilespmem:s29], [sflag:$0x1] =	stream.indirect.gather [hbm4b:s5+s26], $0x80, s26, s26, $0xb8;
	[tilespmem:$0x1E400] =	vst v63  }
0x11b: {  	_ =	swait.ge [sflag:s30], $0x4000  }
0x11c: {  	[sflag:s30] =	ssyncset.done $0x0  }
0x11d: {  	s17 =	simm.s32 $0x1400;
	[sflag:s30] =	ssyncadd.s32 $0xFFFFC000  }
0x11e: {  	[spmem:s2] =	stream.indirect.scatter.add.f32 [tilespmem:s28], [sflag:$0x2], $0x80, s17, s26, $0xb8;
	[tilespmem:$0x1E400] =	vst v63  }
0x11f: {  	_ =	swait.ge [sflag:s24], $0x4000  }
0x120: {  	[sflag:s24] =	ssyncset.done $0x0  }
0x121: {  	s16 =	simm.s32 $0x100;
	[sflag:s24] =	ssyncadd.s32 $0xFFFFC000  }
0x122: {  	[tilespmem:s28], [sflag:$0x1] =	stream.indirect.gather [hbm4b:s5+s26], $0x80, s16, s26, $0xb8;
	[tilespmem:$0x1E400] =	vst v63  }
0x123: {  	_ =	swait.ge [sflag:s30], $0x4000  }
0x124: {  	[sflag:s30] =	ssyncset.done $0x0  }
0x125: {  	s17 =	simm.s32 $0x1480;
	[sflag:s30] =	ssyncadd.s32 $0xFFFFC000  }
0x126: {  	[spmem:s2] =	stream.indirect.scatter.add.f32 [tilespmem:s29], [sflag:$0x2], $0x80, s17, s26, $0xb8;
	[tilespmem:$0x1E400] =	vst v63  }
0x127: {  	_ =	swait.ge [sflag:s24], $0x4000  }
0x128: {  	[sflag:s24] =	ssyncset.done $0x0  }
0x129: {  	s9 =	simm.s32 $0x400;
	s16 =	simm.s32 $0x180;
	[sflag:s24] =	ssyncadd.s32 $0xFFFFC000  }
.LBB2_5:
0x12a: {  	[tilespmem:s29], [sflag:$0x1] =	stream.indirect.gather [hbm4b:s5+s26], $0x80, s16, s26, $0xb8;
	[tilespmem:$0x1E400] =	vst v63  }
0x12b: {  	s16 =	smov.u32 s9  }
0x12c: {  	p1 =	sne.s32 s9, $0x4800;
	s9 =	sadd.s32 $0x400, s9;
	_ =	swait.ge [sflag:s30], $0x4000  }
0x12d: {  	s16 =	sshra.s32 s16, $0x2;
	[sflag:s30] =	ssyncset.done $0x0  }
0x12e: {  	s17 =	sadd.s32 $0x1400, s16;
	[sflag:s30] =	ssyncadd.s32 $0xFFFFC000  }
0x12f: {  	[spmem:s2] =	stream.indirect.scatter.add.f32 [tilespmem:s28], [sflag:$0x2], $0x80, s17, s26, $0xb8;
	[tilespmem:$0x1E400] =	vst v63  }
0x130: {  	_ =	swait.ge [sflag:s24], $0x4000  }
0x131: {  	[sflag:s24] =	ssyncset.done $0x0  }
0x132: {  	s17 =	sadd.s32 $0x100, s16;
	[sflag:s24] =	ssyncadd.s32 $0xFFFFC000  }
0x133: {  	[tilespmem:s28], [sflag:$0x1] =	stream.indirect.gather [hbm4b:s5+s26], $0x80, s17, s26, $0xb8;
	[tilespmem:$0x1E400] =	vst v63  }
0x134: {  	_ =	swait.ge [sflag:s30], $0x4000  }
0x135: {  	[sflag:s30] =	ssyncset.done $0x0  }
.Ltmp8:
0x136: {  	s17 =	sadd.s32 $0x1480, s16;
	[sflag:s30] =	ssyncadd.s32 $0xFFFFC000;
	(pc) =	sbr.rel @p1 .LBB2_5-.Ltmp8, $4  }
0x137: {  	[spmem:s2] =	stream.indirect.scatter.add.f32 [tilespmem:s29], [sflag:$0x2], $0x80, s17, s26, $0xb8;
	[tilespmem:$0x1E400] =	vst v63  }
0x138: {  	_ =	swait.ge [sflag:s24], $0x4000  }
0x139: {  	[sflag:s24] =	ssyncset.done $0x0  }
0x13a: {  	s16 =	sadd.s32 $0x180, s16;
	[sflag:s24] =	ssyncadd.s32 $0xFFFFC000  }
0x13b: {  	[tilespmem:s29], [sflag:$0x1] =	stream.indirect.gather [hbm4b:s5+s26], $0x80, s16, s26, $0xb8;
	[tilespmem:$0x1E400] =	vst v63  }
0x13c: {  	_ =	swait.ge [sflag:s30], $0x4000  }
0x13d: {  	[sflag:s30] =	ssyncset.done $0x0  }
0x13e: {  	[sflag:s30] =	ssyncadd.s32 $0xFFFFC000  }
0x13f: {  	[spmem:s2] =	stream.indirect.scatter.add.f32 [tilespmem:s28], [sflag:$0x2], $0x80, s31, s26, $0xb8;
	[tilespmem:$0x1E400] =	vst v63  }
0x140: {  	_ =	swait.ge [sflag:s24], $0x4000  }
0x141: {  	[sflag:s24] =	ssyncset.done $0x0  }
0x142: {  	[sflag:s24] =	ssyncadd.s32 $0xFFFFC000  }
0x143: {  	_ =	swait.ge [sflag:s30], $0x4000  }
0x144: {  	[sflag:s30] =	ssyncset.done $0x0  }
0x145: {  	[sflag:s30] =	ssyncadd.s32 $0xFFFFC000  }
0x146: {  	[spmem:s2] =	stream.indirect.scatter.add.f32 [tilespmem:s29], [sflag:$0x2], $0x80, s0, s26, $0xb8;
	[tilespmem:$0x1E400] =	vst v63  }
0x147: {  	_ =	swait.ge [sflag:s24], $0x4000  }
0x148: {  	[sflag:s24] =	ssyncset.done $0x0  }
0x149: {  	[sflag:s24] =	ssyncadd.s32 $0xFFFFC000  }
0x14a: {  	[bflag:$0x0] =	sbarrier.arrive $0xFFFF  }
0x14b: {  	s9 =	rddreg [dreg:$0x5]  }
0x14c: {  	[hbm:s9], [sflag:s23] =	dma.local [spmem:s1], $0x2780  }
0x14d: {  	_ =	swait.ge [sflag:s24], $0x2780  }
0x14e: {  	[sflag:s24] =	ssyncset.done $0x0  }
0x14f: {  	[sflag:s24] =	ssyncadd.s32 $0xFFFFD880  }
0x150: {  	[bflag:$0x0] =	sbarrier.arrive $0xFFFF  }
0x151: {  	[spmem:s1], [sflag:s23] =	dma.local [hbm:s11], $0x2780  }
0x152: {  	_ =	swait.ge [sflag:s24], $0x2780  }
0x153: {  	[sflag:s24] =	ssyncset.done $0x0  }
0x154: {  	s9 =	simm.s32 $0x0;
	s17 =	rddreg [dreg:$0x6];
	[sflag:s24] =	ssyncadd.s32 $0xFFFFD880  }
0x155: {  	[tilespmem:s9], [sflag:$0x2] =	stream.linear.gather [hbm4b:s17+s9], $0x1400, $0x38;
	[tilespmem:$0x1E400] =	vst v63  }
0x156: {  	_ =	swait.ge [sflag:s24], $0x1400  }
0x157: {  	[sflag:s24] =	ssyncset.done $0x0  }
0x158: {  	[sflag:s24] =	ssyncadd.s32 $0xFFFFEC00  }
0x159: {  	[tilespmem:s25], [sflag:$0x2] =	stream.linear.gather [hbm4b:s18+s9], $0x1400, $0x38;
	[tilespmem:$0x1E400] =	vst v63  }
0x15a: {  	_ =	swait.ge [sflag:s24], $0x1400  }
0x15b: {  	[sflag:s24] =	ssyncset.done $0x0  }
0x15c: {  	[sflag:s24] =	ssyncadd.s32 $0xFFFFEC00  }
0x15d: {  	[bflag:$0x0] =	sbarrier.arrive $0xFFFF  }
0x15e: {  	[tilespmem:s28], [sflag:$0x1] =	stream.indirect.gather [hbm4b:s7+s26], $0x80, s9, s26, $0xb8;
	[tilespmem:$0x1E400] =	vst v63  }
0x15f: {  	_ = 	snop  }
0x160: {  	[tilespmem:s29], [sflag:$0x1] =	stream.indirect.gather [hbm4b:s7+s26], $0x80, s26, s26, $0xb8;
	[tilespmem:$0x1E400] =	vst v63  }
0x161: {  	_ =	swait.ge [sflag:s30], $0x4000  }
0x162: {  	[sflag:s30] =	ssyncset.done $0x0  }
0x163: {  	s17 =	simm.s32 $0x1400;
	[sflag:s30] =	ssyncadd.s32 $0xFFFFC000  }
0x164: {  	[spmem:s2] =	stream.indirect.scatter.add.f32 [tilespmem:s28], [sflag:$0x2], $0x80, s17, s26, $0xb8;
	[tilespmem:$0x1E400] =	vst v63  }
0x165: {  	_ =	swait.ge [sflag:s24], $0x4000  }
0x166: {  	[sflag:s24] =	ssyncset.done $0x0  }
0x167: {  	s16 =	simm.s32 $0x100;
	[sflag:s24] =	ssyncadd.s32 $0xFFFFC000  }
0x168: {  	[tilespmem:s28], [sflag:$0x1] =	stream.indirect.gather [hbm4b:s7+s26], $0x80, s16, s26, $0xb8;
	[tilespmem:$0x1E400] =	vst v63  }
0x169: {  	_ =	swait.ge [sflag:s30], $0x4000  }
0x16a: {  	[sflag:s30] =	ssyncset.done $0x0  }
0x16b: {  	s17 =	simm.s32 $0x1480;
	[sflag:s30] =	ssyncadd.s32 $0xFFFFC000  }
0x16c: {  	[spmem:s2] =	stream.indirect.scatter.add.f32 [tilespmem:s29], [sflag:$0x2], $0x80, s17, s26, $0xb8;
	[tilespmem:$0x1E400] =	vst v63  }
0x16d: {  	_ =	swait.ge [sflag:s24], $0x4000  }
0x16e: {  	[sflag:s24] =	ssyncset.done $0x0  }
0x16f: {  	s9 =	simm.s32 $0x400;
	s16 =	simm.s32 $0x180;
	[sflag:s24] =	ssyncadd.s32 $0xFFFFC000  }
.LBB2_7:
0x170: {  	[tilespmem:s29], [sflag:$0x1] =	stream.indirect.gather [hbm4b:s7+s26], $0x80, s16, s26, $0xb8;
	[tilespmem:$0x1E400] =	vst v63  }
0x171: {  	s16 =	smov.u32 s9  }
0x172: {  	p1 =	seq.s32 s9, $0x4800;
	s9 =	sadd.s32 $0x400, s9;
	_ =	swait.ge [sflag:s30], $0x4000  }
0x173: {  	s16 =	sshra.s32 s16, $0x2;
	[sflag:s30] =	ssyncset.done $0x0  }
0x174: {  	s17 =	sadd.s32 $0x1400, s16;
	[sflag:s30] =	ssyncadd.s32 $0xFFFFC000  }
0x175: {  	[spmem:s2] =	stream.indirect.scatter.add.f32 [tilespmem:s28], [sflag:$0x2], $0x80, s17, s26, $0xb8;
	[tilespmem:$0x1E400] =	vst v63  }
0x176: {  	_ =	swait.ge [sflag:s24], $0x4000  }
0x177: {  	[sflag:s24] =	ssyncset.done $0x0  }
0x178: {  	s17 =	sadd.s32 $0x100, s16;
	[sflag:s24] =	ssyncadd.s32 $0xFFFFC000  }
0x179: {  	[tilespmem:s28], [sflag:$0x1] =	stream.indirect.gather [hbm4b:s7+s26], $0x80, s17, s26, $0xb8;
	[tilespmem:$0x1E400] =	vst v63  }
0x17a: {  	_ =	swait.ge [sflag:s30], $0x4000  }
0x17b: {  	[sflag:s30] =	ssyncset.done $0x0  }
.Ltmp9:
0x17c: {  	s17 =	sadd.s32 $0x1480, s16;
	[sflag:s30] =	ssyncadd.s32 $0xFFFFC000;
	(pc) =	sbr.rel @!p1 .LBB2_7-.Ltmp9, $4  }
0x17d: {  	[spmem:s2] =	stream.indirect.scatter.add.f32 [tilespmem:s29], [sflag:$0x2], $0x80, s17, s26, $0xb8;
	[tilespmem:$0x1E400] =	vst v63  }
0x17e: {  	_ =	swait.ge [sflag:s24], $0x4000  }
0x17f: {  	[sflag:s24] =	ssyncset.done $0x0  }
0x180: {  	s16 =	sadd.s32 $0x180, s16;
	[sflag:s24] =	ssyncadd.s32 $0xFFFFC000  }
.Ltmp10:
0x181: {  	(pc) =	sbr.rel .LBB2_16-.Ltmp10, $3  }
0x182: {  	_ =	sdelay $0x1  }
0x183: {  	[tilespmem:s29], [sflag:$0x1] =	stream.indirect.gather [hbm4b:s7+s26], $0x80, s16, s26, $0xb8;
	[tilespmem:$0x1E400] =	vst v63  }
0x184: {  	s9 =	rddreg [dreg:$0x1]  }
.LBB2_17:
0x185: {  	_ =	sfence.sel $0x180000  }
0x186: {  	[bflag:$0x0] =	sbarrier.arrive $0xFFFF  }
0x187: {  	_ =	strace $0x90000047  }
0x188: {  	s0 =	stileid.u32;
	[bflag:$0x2] =	sbarrier.arrive $0xFFFF  }
0x189: {  	p0 =	sne.s32 s0, $0x0;
	s0 =	rddreg [dreg:$0x3]  }
0x18a: {  	s0 =	sadd.s32 @!p0 $0x100000, s0  }
0x18b: {  	[sflag:s0] =	ssyncadd.tile.s32 @!p0 $0x1;
	_ =	shalt  }
.Lfunc_end2:
_tile_overlayer_lowered:
.L_overlay_start_2:
0x18c: {  	(tag) =	ssettag $0x2  }
0x18d: {  	s0 =	rddreg [dreg:$0x0];
	s2 =	stileid.u32  }
0x18e: {  	s1 =	rddreg [dreg:$0x1];
	p0 =	sne.s32 s2, $0x0  }
0x18f: {  	s3 =	rddreg [dreg:$0x2];
	[bflag:$0x3] =	sbarrier.arrive $0xFFFF;
	s2 =	simm.s32 @!p0 $0x1C02  }
0x190: {  	[timem:s3], [sflag:s2] =	dma.local @!p0 [hbm:s0], s1  }
0x191: {  	s0 =	simm.s32 @!p0 $0x2  }
0x192: {  	_ =	swait.ge @!p0 [sflag:s0], s1  }
0x193: {  	s1 =	ssub.s32 @!p0 $0x0, s1;
	[sflag:s0] =	ssyncset.done @!p0 $0x0  }
0x194: {  	[sflag:s0] =	ssyncadd.s32 @!p0 s1  }
0x195: {  	[bflag:$0x3] =	sbarrier.arrive $0xFFFF  }
0x196: {  	_ =	shalt  }

</sc_bundles>
